<compile_context>
chip_gen: v7x
topology: tpu7x:2x2x1
jax: 0.10.2.dev20260603
libtpu: 0.0.44.dev20260713+nightly
codegen_flags: <defaults>
</compile_context>

<pallas_src>
import functools

import jax
import jax.numpy as jnp
from jax.experimental import pallas as pl
from jax.experimental.pallas import tpu as pltpu
from jax.experimental.pallas import tpu_sc as plsc

NND = 10000
IN_DIM = 128
HID = 128
MAXN = 32

NPAD = 10240
RBLK = 128

SC_NC, SC_NS = 2, 16
SC_NW = SC_NC * SC_NS
EPAD = 327680
PW = EPAD // SC_NW
CHUNK = 128
NCHUNK = PW // CHUNK


def _silu(v):
    return v * jax.nn.sigmoid(v)


def _matmul_bias_kernel(x_ref, w_ref, b_ref, o_ref):
    o_ref[...] = (
        jnp.dot(x_ref[...], w_ref[...], preferred_element_type=jnp.float32)
        + b_ref[...]
    )


def _input_proj(x, W, b):
    B = 2000
    return pl.pallas_call(
        _matmul_bias_kernel,
        grid=(NND // B,),
        in_specs=[
            pl.BlockSpec((B, IN_DIM), lambda i: (i, 0)),
            pl.BlockSpec((IN_DIM, HID), lambda i: (0, 0)),
            pl.BlockSpec((1, HID), lambda i: (0, 0)),
        ],
        out_specs=pl.BlockSpec((B, HID), lambda i: (i, 0)),
        out_shape=jax.ShapeDtypeStruct((NND, HID), jnp.float32),
    )(x, W, b.reshape(1, HID))


NG = NPAD // 128
_T = 6
_BIGC = 3e38


def _lex_next(x, gio, pv, pg):
    keep = (x > pv[:, None, :]) | ((x == pv[:, None, :]) &
                                   (gio > pg[:, None, :]))
    xm = jnp.where(keep, x, _BIGC)
    bv = jnp.min(xm, axis=1)
    bg = jnp.min(jnp.where(xm == bv[:, None, :], gio,
                           jnp.int32(NG)), axis=1)
    return bv, bg


def _graph_kernel(md_ref, cols_ref, valid_ref):
    i = pl.program_id(0)
    x = md_ref[...]
    gio = jax.lax.broadcasted_iota(jnp.int32, (1, NG, 1), 1)
    lio = jax.lax.broadcasted_iota(jnp.int32, (RBLK, 128), 1)
    kio = jax.lax.broadcasted_iota(jnp.int32, (1, MAXN), 1)
    rowi = i * RBLK + jax.lax.broadcasted_iota(jnp.int32, (RBLK, MAXN), 0)

    bs, gs = [], []
    pv = jnp.full((RBLK, 128), -1.0, jnp.float32)
    pg = jnp.full((RBLK, 128), -1, jnp.int32)
    for _ in range(_T):
        pv, pg = _lex_next(x, gio, pv, pg)
        bs.append(pv)
        gs.append(pg)

    def body(k, carry):
        vals, idxs, c = carry
        hv = jnp.full((RBLK, 128), _BIGC, jnp.float32)
        hg = jnp.full((RBLK, 128), NG, jnp.int32)
        for t in range(_T - 1, -1, -1):
            sel = c == t
            hv = jnp.where(sel, bs[t], hv)
            hg = jnp.where(sel, gs[t], hg)
        m = jnp.min(hv, axis=1, keepdims=True)
        hcol = (hg * 128 + lio).astype(jnp.float32)
        a = jnp.min(jnp.where(hv == m, hcol, _BIGC),
                    axis=1, keepdims=True)
        sel = kio == k
        vals = jnp.where(sel, m, vals)
        idxs = jnp.where(sel, a, idxs)
        ai = jnp.clip(a, 0.0, float(NPAD)).astype(jnp.int32)
        lpop = jnp.bitwise_and(ai, 127)
        c = c + (lio == lpop).astype(jnp.int32)
        return vals, idxs, c

    init = (jnp.full((RBLK, MAXN), jnp.inf, jnp.float32),
            jnp.zeros((RBLK, MAXN), jnp.float32),
            jnp.zeros((RBLK, 128), jnp.int32))
    vals, idxs, c = jax.lax.fori_loop(0, MAXN, body, init)
    validb = vals < jnp.float32(1e37)
    cols_ref[...] = jnp.where(validb, idxs.astype(jnp.int32), rowi)
    valid_ref[...] = validb.astype(jnp.float32)

    deep = jnp.max(c) >= _T

    @pl.when(deep)
    def _slow():
        lio3 = jax.lax.broadcasted_iota(jnp.int32, (1, 1, 128), 2)
        colf3 = (gio * 128 + lio3).astype(jnp.float32)

        def sbody(k, carry):
            svals, sidxs, lv, la = carry
            xx = md_ref[...]
            keep = (xx > lv[:, None, :]) | ((xx == lv[:, None, :]) &
                                            (colf3 > la[:, None, :]))
            xm = jnp.where(keep, xx, _BIGC)
            m1 = jnp.min(xm, axis=1)
            m = jnp.min(m1, axis=1, keepdims=True)
            a1 = jnp.min(jnp.where(xm == m[:, None, :], colf3, _BIGC),
                         axis=1)
            a = jnp.min(a1, axis=1, keepdims=True)
            sel = kio == k
            svals = jnp.where(sel, m, svals)
            sidxs = jnp.where(sel, a, sidxs)
            return svals, sidxs, m, a

        sinit = (jnp.full((RBLK, MAXN), jnp.inf, jnp.float32),
                 jnp.zeros((RBLK, MAXN), jnp.float32),
                 jnp.full((RBLK, 1), -1.0, jnp.float32),
                 jnp.full((RBLK, 1), -1.0, jnp.float32))
        svals, sidxs, _, _ = jax.lax.fori_loop(0, MAXN, sbody, sinit)
        svalidb = svals < jnp.float32(1e37)
        cols_ref[...] = jnp.where(svalidb, sidxs.astype(jnp.int32), rowi)
        valid_ref[...] = svalidb.astype(jnp.float32)


def _build_graph(masked3):
    return pl.pallas_call(
        _graph_kernel,
        grid=(NPAD // RBLK,),
        in_specs=[
            pl.BlockSpec((RBLK, NG, 128), lambda i: (i, 0, 0)),
        ],
        out_specs=[
            pl.BlockSpec((RBLK, MAXN), lambda i: (i, 0)),
            pl.BlockSpec((RBLK, MAXN), lambda i: (i, 0)),
        ],
        out_shape=[
            jax.ShapeDtypeStruct((NPAD, MAXN), jnp.int32),
            jax.ShapeDtypeStruct((NPAD, MAXN), jnp.float32),
        ],
    )(masked3)


def _pack_bf16(lo, hi):
    lo16 = jax.lax.bitcast_convert_type(lo.astype(jnp.bfloat16), jnp.uint16)
    hi16 = jax.lax.bitcast_convert_type(hi.astype(jnp.bfloat16), jnp.uint16)
    u = lo16.astype(jnp.uint32) | (hi16.astype(jnp.uint32) << 16)
    return jax.lax.bitcast_convert_type(u, jnp.float32)


def _unpack_bf16(packed):
    u = jax.lax.bitcast_convert_type(packed, jnp.uint32)
    lo = jax.lax.bitcast_convert_type(
        (u & 0xFFFF).astype(jnp.uint16), jnp.bfloat16).astype(jnp.float32)
    hi = jax.lax.bitcast_convert_type(
        (u >> 16).astype(jnp.uint16), jnp.bfloat16).astype(jnp.float32)
    return lo, hi


def _prep_kernel(h_ref, w_ref, b1_ref, pos_ref, ha_ref, t_ref):
    h = h_ref[...]
    ha_ref[...] = (
        jnp.dot(h, w_ref[0], preferred_element_type=jnp.float32) + b1_ref[...]
    )
    hb = jnp.dot(h, w_ref[1], preferred_element_type=jnp.float32)
    t_ref[:, 0:64] = _pack_bf16(hb[:, 0:64], hb[:, 64:HID])
    pos = pos_ref[...]
    t_ref[:, 64:HID] = jnp.concatenate(
        [pos, jnp.zeros((pos.shape[0], HID - 64 - 3), jnp.float32)], axis=1)


def _prep(h, Wab, b1, pos):
    B = 2000
    return pl.pallas_call(
        _prep_kernel,
        grid=(NND // B,),
        in_specs=[
            pl.BlockSpec((B, HID), lambda i: (i, 0)),
            pl.BlockSpec((2, HID, HID), lambda i: (0, 0, 0)),
            pl.BlockSpec((1, HID), lambda i: (0, 0)),
            pl.BlockSpec((B, 3), lambda i: (i, 0)),
        ],
        out_specs=[
            pl.BlockSpec((B, HID), lambda i: (i, 0)),
            pl.BlockSpec((B, HID), lambda i: (i, 0)),
        ],
        out_shape=[
            jax.ShapeDtypeStruct((NND, HID), jnp.float32),
            jax.ShapeDtypeStruct((NND, HID), jnp.float32),
        ],
    )(h, Wab, b1, pos)


@functools.lru_cache(maxsize=None)
def _sc_gather_fn():
    mesh = plsc.VectorSubcoreMesh(
        core_axis_name="c", subcore_axis_name="s",
        num_cores=SC_NC, num_subcores=SC_NS)

    @functools.partial(
        pl.kernel,
        mesh=mesh,
        out_type=jax.ShapeDtypeStruct((EPAD, HID), jnp.float32),
        scratch_types=[
            pltpu.VMEM((NCHUNK, CHUNK), jnp.int32),
            pltpu.VMEM((CHUNK, HID), jnp.float32),
            pltpu.VMEM((CHUNK, HID), jnp.float32),
            pltpu.VMEM((CHUNK, HID), jnp.float32),
            pltpu.VMEM((CHUNK, HID), jnp.float32),
            pltpu.VMEM((CHUNK, HID), jnp.float32),
            pltpu.SemaphoreType.DMA,
            pltpu.SemaphoreType.DMA,
            pltpu.SemaphoreType.DMA,
            pltpu.SemaphoreType.DMA,
            pltpu.SemaphoreType.DMA,
            pltpu.SemaphoreType.DMA,
            pltpu.SemaphoreType.DMA,
            pltpu.SemaphoreType.DMA,
            pltpu.SemaphoreType.DMA,
            pltpu.SemaphoreType.DMA,
        ],
    )
    def body_fn(table_hbm, idx_hbm, g_hbm,
                idx_m, b0, b1, b2, b3, b4,
                g0, g1, g2, g3, g4, o0, o1, o2, o3, o4):
        bufs = (b0, b1, b2, b3, b4)
        gsem = (g0, g1, g2, g3, g4)
        osem = (o0, o1, o2, o3, o4)
        nb = 5
        wid = jax.lax.axis_index("s") * SC_NC + jax.lax.axis_index("c")
        base = wid * PW
        pltpu.sync_copy(idx_hbm.at[wid], idx_m)

        def ring(j, _):
            descs = []
            for s in range(nb):
                cc = j * nb + s

                @pl.when(j > 0)
                def _drain(s=s):
                    pltpu.make_async_copy(
                        bufs[s], g_hbm.at[pl.ds(0, CHUNK)], osem[s]).wait()

                descs.append(pltpu.async_copy(
                    table_hbm.at[idx_m.at[cc]], bufs[s], gsem[s]))
            for s in range(nb):
                cc = j * nb + s
                descs[s].wait()
                pltpu.async_copy(
                    bufs[s], g_hbm.at[pl.ds(base + cc * CHUNK, CHUNK)],
                    osem[s])
            return 0

        jax.lax.fori_loop(0, NCHUNK // nb, ring, 0)
        for s in range(nb):
            pltpu.make_async_copy(
                bufs[s], g_hbm.at[pl.ds(0, CHUNK)], osem[s]).wait()

    return body_fn


def _sc_gather(table, idx):
    return _sc_gather_fn()(table, idx)


_LB = 200
_LE = _LB * MAXN


def _layer_kernel(ha_ref, g_ref, h_ref, pos_ref, ve_ref,
                  w_ref, b_ref, ho_ref, po_ref):
    ha = ha_ref[...]
    glo, ghi = _unpack_bf16(g_ref[:, 0:64])
    g = jnp.concatenate([glo, ghi], axis=1)
    pc = g_ref[:, 64:67]
    h = h_ref[...]
    pos = pos_ref[...]
    ve = ve_ref[...]
    b2 = b_ref[0:1]
    bc1 = b_ref[1:2]
    bn1 = b_ref[2:3]
    bn2 = b_ref[3:4]
    w1d = b_ref[4:5]
    wc2 = b_ref[5:6]

    e_ha = jnp.broadcast_to(ha[:, None, :], (_LB, MAXN, HID)).reshape(_LE, HID)
    e_pos = jnp.broadcast_to(pos[:, None, :], (_LB, MAXN, 3)).reshape(_LE, 3)
    diff = e_pos - pc
    dist = jnp.sqrt(jnp.maximum(jnp.sum(diff * diff, axis=-1, keepdims=True),
                                1e-12))
    dist = jnp.maximum(dist, 1e-6)
    t1 = _silu(e_ha + g + dist * w1d)
    msg = _silu(jnp.dot(t1, w_ref[0], preferred_element_type=jnp.float32) + b2)
    msg = msg * ve
    c1 = _silu(jnp.dot(msg, w_ref[1], preferred_element_type=jnp.float32) + bc1)
    cw = jnp.sum(c1 * wc2, axis=-1, keepdims=True)
    cw = jnp.clip(cw, -1.0, 1.0)
    cd = diff / dist * cw * ve
    po_ref[...] = pos + jnp.sum(cd.reshape(_LB, MAXN, 3), axis=1)
    agg = jnp.sum(msg.reshape(_LB, MAXN, HID), axis=1)
    n1 = _silu(jnp.dot(h, w_ref[2], preferred_element_type=jnp.float32)
               + jnp.dot(agg, w_ref[3], preferred_element_type=jnp.float32)
               + bn1)
    ho_ref[...] = h + jnp.dot(n1, w_ref[4], preferred_element_type=jnp.float32) + bn2


def _layer(ha, g, h, pos, valid_e, Wstack, bstack):
    return pl.pallas_call(
        _layer_kernel,
        grid=(NND // _LB,),
        in_specs=[
            pl.BlockSpec((_LB, HID), lambda i: (i, 0)),
            pl.BlockSpec((_LE, HID), lambda i: (i, 0)),
            pl.BlockSpec((_LB, HID), lambda i: (i, 0)),
            pl.BlockSpec((_LB, 3), lambda i: (i, 0)),
            pl.BlockSpec((_LE, 1), lambda i: (i, 0)),
            pl.BlockSpec((5, HID, HID), lambda i: (0, 0, 0)),
            pl.BlockSpec((6, HID), lambda i: (0, 0)),
        ],
        out_specs=[
            pl.BlockSpec((_LB, HID), lambda i: (i, 0)),
            pl.BlockSpec((_LB, 3), lambda i: (i, 0)),
        ],
        out_shape=[
            jax.ShapeDtypeStruct((NND, HID), jnp.float32),
            jax.ShapeDtypeStruct((NND, 3), jnp.float32),
        ],
    )(ha, g, h, pos, valid_e, Wstack, bstack)


def kernel(x, pos, params):
    h = _input_proj(x, params["input_proj"]["W"], params["input_proj"]["b"])

    posq = jnp.concatenate(
        [pos, jnp.full((NPAD - NND, 3), 1e9, jnp.float32)], axis=0)
    sq = jnp.sum(posq * posq, axis=-1)
    d2 = sq[:, None] + sq[None, :] - 2.0 * (posq @ posq.T)
    distm = jnp.sqrt(jnp.maximum(d2, 0.0))
    gmask = (distm < 8.0) & (distm > 0.0)
    masked = jnp.where(gmask, distm, jnp.inf)
    cols2d, valid2d = _build_graph(masked.reshape(NPAD, NG, 128))
    cols = cols2d[:NND].reshape(-1)
    cols3d = jnp.concatenate(
        [cols, jnp.zeros((EPAD - NND * MAXN,), jnp.int32)]
    ).reshape(SC_NW, NCHUNK, CHUNK)
    valid_e = valid2d[:NND].reshape(-1, 1)

    for lp in params["layers"]:
        W1 = lp["edge1"]["W"]
        Wab = jnp.stack([W1[:HID], W1[HID:2 * HID]])
        ha, T = _prep(h, Wab, lp["edge1"]["b"].reshape(1, HID), pos)
        g = _sc_gather(T, cols3d)
        Wn1 = lp["node1"]["W"]
        Wstack = jnp.stack([
            lp["edge2"]["W"], lp["coord1"]["W"],
            Wn1[:HID], Wn1[HID:], lp["node2"]["W"],
        ])
        bstack = jnp.stack([
            lp["edge2"]["b"], lp["coord1"]["b"],
            lp["node1"]["b"], lp["node2"]["b"],
            W1[2 * HID], lp["coord2"]["W"][:, 0],
        ])
        h, pos = _layer(ha, g, h, pos, valid_e, Wstack, bstack)
    return (h, pos)

# --- scband reference (transcript-rebuilt; emitter-appended) ---
"""Pipeline reference for scband-egnnencoder-11261404250494 (READ-ONLY COPY).

The authoritative reference and input builder live on the scoring server;
editing this copy changes nothing except your own understanding.
"""

import jax, jax.numpy as jnp
import numpy as np

N = 10000
IN_DIM = 128
HID = 128
NUM_LAYERS = 4
CUTOFF = 8.0
MAXN = 32


def _linear_params(key, din, dout, bias=True, scale=None):
    k1, k2 = jax.random.split(key)
    s = scale if scale is not None else 1.0 / np.sqrt(din)
    W = jax.random.uniform(k1, (din, dout), minval=-s, maxval=s, dtype=jnp.float32)
    if bias:
        b = jax.random.uniform(k2, (dout,), minval=-s, maxval=s, dtype=jnp.float32)
        return {"W": W, "b": b}
    return {"W": W}


def make_params(key):
    keys = jax.random.split(key, 1 + NUM_LAYERS)
    params = {"input_proj": _linear_params(keys[0], IN_DIM, HID)}
    layers = []
    for i in range(NUM_LAYERS):
        ks = jax.random.split(keys[1 + i], 6)
        layers.append({
            "edge1": _linear_params(ks[0], 2 * HID + 1, HID),
            "edge2": _linear_params(ks[1], HID, HID),
            "node1": _linear_params(ks[2], 2 * HID, HID),
            "node2": _linear_params(ks[3], HID, HID),
            "coord1": _linear_params(ks[4], HID, HID),
            "coord2": _linear_params(ks[5], HID, 1, bias=False, scale=0.01),
        })
    params["layers"] = layers
    return params


def setup_inputs(seed: int = 0):
    key = jax.random.key(seed)
    k1, k2, k3 = jax.random.split(key, 3)
    x = jax.random.normal(k1, (N, IN_DIM), dtype=jnp.float32)
    pos = jax.random.normal(k2, (N, 3), dtype=jnp.float32) * 4.0
    params = make_params(k3)
    return {"x": x, "pos": pos, "params": params}


def silu(v):
    return v * jax.nn.sigmoid(v)


def lin(p, v):
    y = v @ p["W"]
    if "b" in p:
        y = y + p["b"]
    return y


def build_radius_graph(pos):
    # torch version builds graph on detached CPU tensor -> non-differentiable
    pos = jax.lax.stop_gradient(pos)
    sq = jnp.sum(pos * pos, axis=-1)
    d2 = sq[:, None] + sq[None, :] - 2.0 * (pos @ pos.T)
    dist = jnp.sqrt(jnp.maximum(d2, 0.0))
    mask = (dist < CUTOFF) & (dist > 0.0)
    masked = jnp.where(mask, dist, jnp.inf)
    neg_vals, idx = jax.lax.top_k(-masked, MAXN)  # up to MAXN nearest within cutoff
    valid = jnp.isfinite(neg_vals)
    rows = jnp.repeat(jnp.arange(N), MAXN)
    cols = idx.reshape(-1)
    validf = valid.reshape(-1)
    cols = jnp.where(validf, cols, rows)  # pad invalid slots with self-edges (masked out later)
    return rows, cols, validf.astype(jnp.float32)


def egnn_layer(lp, h, pos, rows, cols, valid):
    diff = pos[rows] - pos[cols]
    dist = jnp.sqrt(jnp.maximum(jnp.sum(diff * diff, axis=-1, keepdims=True), 1e-12))
    dist = jnp.maximum(dist, 1e-6)
    edge_in = jnp.concatenate([h[rows], h[cols], dist], axis=-1)
    msg = silu(lin(lp["edge2"], silu(lin(lp["edge1"], edge_in))))
    msg = msg * valid[:, None]  # zero out padded edges (matches variable-E torch graph)
    cw = lin(lp["coord2"], silu(lin(lp["coord1"], msg)))
    cw = jnp.clip(cw, -1.0, 1.0)
    coord_delta = diff / dist * cw * valid[:, None]
    pos_out = pos.at[rows].add(coord_delta)
    agg = jnp.zeros_like(h).at[rows].add(msg)
    h_out = h + lin(lp["node2"], silu(lin(lp["node1"], jnp.concatenate([h, agg], axis=-1))))
    return h_out, pos_out


def reference(x, pos, params):
    h = lin(params["input_proj"], x)
    rows, cols, valid = build_radius_graph(pos)
    for lp in params["layers"]:
        h, pos = egnn_layer(lp, h, pos, rows, cols, valid)
    return (h, pos)

if __name__ == "__main__":
    import jax
    _d = setup_inputs()
    print(jax.jit(kernel)(*tuple(_d.values())))

</pallas_src>

<mosaic_0001>
#map = affine_map<(d0, d1) -> (0, 0)>
#map1 = affine_map<(d0, d1) -> (0, 0, 0)>
module attributes {stable_mosaic.version = 14 : i64} {
  func.func @body_fn(%arg0: i32, %arg1: i32, %arg2: memref<10000x128xf32, #tpu.memory_space<hbm>>, %arg3: memref<32x80x128xi32, #tpu.memory_space<hbm>>, %arg4: memref<327680x128xf32, #tpu.memory_space<hbm>>, %arg5: memref<80x128xi32, #tpu.memory_space<vmem>>, %arg6: memref<128x128xf32, #tpu.memory_space<vmem>>, %arg7: memref<128x128xf32, #tpu.memory_space<vmem>>, %arg8: memref<128x128xf32, #tpu.memory_space<vmem>>, %arg9: memref<128x128xf32, #tpu.memory_space<vmem>>, %arg10: memref<128x128xf32, #tpu.memory_space<vmem>>, %arg11: memref<!tpu.dma_semaphore, #tpu.memory_space<semaphore_mem>>, %arg12: memref<!tpu.dma_semaphore, #tpu.memory_space<semaphore_mem>>, %arg13: memref<!tpu.dma_semaphore, #tpu.memory_space<semaphore_mem>>, %arg14: memref<!tpu.dma_semaphore, #tpu.memory_space<semaphore_mem>>, %arg15: memref<!tpu.dma_semaphore, #tpu.memory_space<semaphore_mem>>, %arg16: memref<!tpu.dma_semaphore, #tpu.memory_space<semaphore_mem>>, %arg17: memref<!tpu.dma_semaphore, #tpu.memory_space<semaphore_mem>>, %arg18: memref<!tpu.dma_semaphore, #tpu.memory_space<semaphore_mem>>, %arg19: memref<!tpu.dma_semaphore, #tpu.memory_space<semaphore_mem>>, %arg20: memref<!tpu.dma_semaphore, #tpu.memory_space<semaphore_mem>>) attributes {dimension_semantics = [#tpu.dimension_semantics<core_parallel>, #tpu.dimension_semantics<subcore_parallel>], iteration_bounds = array<i64: 2, 16>, scalar_prefetch = 0 : i64, scratch_operands = 16 : i64, tpu.core_type = #tpu.core_type<sc_vector_subcore>, window_params = [{transform_indices = #map}, {transform_indices = #map1}, {transform_indices = #map}]} {
    %mul3A = arith.constant 2 : i32
    %mul3A_0 = arith.muli %arg1, %mul3A : i32
    %add3A = arith.addi %mul3A_0, %arg0 : i32
    %mul3A_1 = arith.constant 10240 : i32
    %mul3A_2 = arith.muli %add3A, %mul3A_1 : i32
    "tpu.region"() ({
      %run_scoped3A = tpu.sem_alloc : memref<!tpu.dma_semaphore, #tpu.memory_space<semaphore_mem>>
      %dma_start3A = arith.constant 0 : i32
      %dma_start3A_38 = arith.constant 0 : i32
      %dma_start3A_39 = tpu.memref_slice %arg3[%add3A, %dma_start3A, %dma_start3A_38] : memref<32x80x128xi32, #tpu.memory_space<hbm>> -> memref<1x80x128xi32, #tpu.memory_space<hbm>>
      %dma_start3A_40 = tpu.memref_squeeze %dma_start3A_39 : memref<1x80x128xi32, #tpu.memory_space<hbm>> -> memref<80x128xi32, #tpu.memory_space<hbm>>
      %dma_start3A_41 = arith.constant 0 : i32
      %dma_start3A_42 = arith.constant 0 : i32
      %dma_start3A_43 = tpu.memref_slice %arg3[%add3A, %dma_start3A_41, %dma_start3A_42] : memref<32x80x128xi32, #tpu.memory_space<hbm>> -> memref<1x80x128xi32, #tpu.memory_space<hbm>>
      %dma_start3A_44 = tpu.memref_squeeze %dma_start3A_43 : memref<1x80x128xi32, #tpu.memory_space<hbm>> -> memref<80x128xi32, #tpu.memory_space<hbm>>
      tpu.enqueue_dma source(%dma_start3A_44 : memref<80x128xi32, #tpu.memory_space<hbm>>) target(%arg5 : memref<80x128xi32, #tpu.memory_space<vmem>>) target_semaphore(%run_scoped3A : memref<!tpu.dma_semaphore, #tpu.memory_space<semaphore_mem>>)
      %dma_wait3A_45 = arith.constant 0 : i32
      %dma_wait3A_46 = arith.constant 0 : i32
      %dma_wait3A_47 = tpu.memref_slice %arg3[%add3A, %dma_wait3A_45, %dma_wait3A_46] : memref<32x80x128xi32, #tpu.memory_space<hbm>> -> memref<1x80x128xi32, #tpu.memory_space<hbm>>
      %dma_wait3A_48 = tpu.memref_squeeze %dma_wait3A_47 : memref<1x80x128xi32, #tpu.memory_space<hbm>> -> memref<80x128xi32, #tpu.memory_space<hbm>>
      %dma_wait3A_49 = arith.constant 0 : i32
      %dma_wait3A_50 = arith.constant 0 : i32
      %dma_wait3A_51 = tpu.memref_slice %arg3[%add3A, %dma_wait3A_49, %dma_wait3A_50] : memref<32x80x128xi32, #tpu.memory_space<hbm>> -> memref<1x80x128xi32, #tpu.memory_space<hbm>>
      %dma_wait3A_52 = tpu.memref_squeeze %dma_wait3A_51 : memref<1x80x128xi32, #tpu.memory_space<hbm>> -> memref<80x128xi32, #tpu.memory_space<hbm>>
      tpu.wait_dma2 semaphore(%run_scoped3A : memref<!tpu.dma_semaphore, #tpu.memory_space<semaphore_mem>>) src(%dma_wait3A_52 : memref<80x128xi32, #tpu.memory_space<hbm>>) dst(%arg5 : memref<80x128xi32, #tpu.memory_space<vmem>>)
      tpu.yield
    }) : () -> ()
    %scan3A = arith.constant 0 : i32
    %scan3A_3 = arith.constant 0 : i32
    %scan3A_4 = arith.constant 16 : i32
    %scan3A_5 = arith.addi %scan3A_3, %scan3A_4 : i32
    %scan3A_6 = arith.constant 1 : i32
    %scan3A_7 = scf.for %scan3A_38 = %scan3A_3 to %scan3A_5 step %scan3A_6 iter_args(%scan3A_39 = %scan3A) -> (i32)  : i32 {
      %mul3A_40 = arith.constant 5 : i32
      %mul3A_41 = arith.muli %scan3A_38, %mul3A_40 : i32
      %add3A_42 = arith.constant 0 : i32
      %add3A_43 = arith.addi %mul3A_41, %add3A_42 : i32
      %gt3A = arith.constant 0 : i32
      %gt3A_44 = arith.cmpi sgt, %scan3A_38, %gt3A : i32
      %convert_element_type3A = arith.extui %gt3A_44 : i1 to i32
      %cond3A = arith.constant 0 : i32
      %cond3A_45 = arith.cmpi ne, %convert_element_type3A, %cond3A : i32
      scf.if %cond3A_45 {
        %dma_wait3A_197 = arith.constant 0 : i32
        %dma_wait3A_198 = arith.constant 0 : i32
        %dma_wait3A_199 = tpu.memref_slice %arg4[%dma_wait3A_197, %dma_wait3A_198] : memref<327680x128xf32, #tpu.memory_space<hbm>> -> memref<128x128xf32, #tpu.memory_space<hbm>>
        %dma_wait3A_200 = arith.constant 0 : i32
        %dma_wait3A_201 = arith.constant 0 : i32
        %dma_wait3A_202 = tpu.memref_slice %arg4[%dma_wait3A_200, %dma_wait3A_201] : memref<327680x128xf32, #tpu.memory_space<hbm>> -> memref<128x128xf32, #tpu.memory_space<hbm>>
        tpu.wait_dma2 semaphore(%arg16 : memref<!tpu.dma_semaphore, #tpu.memory_space<semaphore_mem>>) src(%arg6 : memref<128x128xf32, #tpu.memory_space<vmem>>) dst(%dma_wait3A_202 : memref<128x128xf32, #tpu.memory_space<hbm>>)
      } else {
      }
      %dma_start3A = arith.constant 0 : i32
      %dma_start3A_46 = tpu.memref_slice %arg5[%add3A_43, %dma_start3A] : memref<80x128xi32, #tpu.memory_space<vmem>> -> memref<1x128xi32, #tpu.memory_space<vmem>>
      %dma_start3A_47 = tpu.memref_squeeze %dma_start3A_46 : memref<1x128xi32, #tpu.memory_space<vmem>> -> memref<128xi32, #tpu.memory_space<vmem>>
      %dma_start3A_48 = arith.constant 0 : i32
      %dma_start3A_49 = arith.constant 0 : i32
      %dma_start3A_50 = tpu.memref_slice %arg2[%dma_start3A_48, %dma_start3A_49] : memref<10000x128xf32, #tpu.memory_space<hbm>> -> memref<10000x128xf32, #tpu.memory_space<hbm>>
      tpu.enqueue_indirect_dma source(%dma_start3A_50 : memref<10000x128xf32, #tpu.memory_space<hbm>>) target(%arg6 : memref<128x128xf32, #tpu.memory_space<vmem>>) offsets(%dma_start3A_47 : memref<128xi32, #tpu.memory_space<vmem>>) semaphore(%arg11 : memref<!tpu.dma_semaphore, #tpu.memory_space<semaphore_mem>>)
      %mul3A_51 = arith.constant 5 : i32
      %mul3A_52 = arith.muli %scan3A_38, %mul3A_51 : i32
      %add3A_53 = arith.constant 1 : i32
      %add3A_54 = arith.addi %mul3A_52, %add3A_53 : i32
      %gt3A_55 = arith.constant 0 : i32
      %gt3A_56 = arith.cmpi sgt, %scan3A_38, %gt3A_55 : i32
      %convert_element_type3A_57 = arith.extui %gt3A_56 : i1 to i32
      %cond3A_58 = arith.constant 0 : i32
      %cond3A_59 = arith.cmpi ne, %convert_element_type3A_57, %cond3A_58 : i32
      scf.if %cond3A_59 {
        %dma_wait3A_197 = arith.constant 0 : i32
        %dma_wait3A_198 = arith.constant 0 : i32
        %dma_wait3A_199 = tpu.memref_slice %arg4[%dma_wait3A_197, %dma_wait3A_198] : memref<327680x128xf32, #tpu.memory_space<hbm>> -> memref<128x128xf32, #tpu.memory_space<hbm>>
        %dma_wait3A_200 = arith.constant 0 : i32
        %dma_wait3A_201 = arith.constant 0 : i32
        %dma_wait3A_202 = tpu.memref_slice %arg4[%dma_wait3A_200, %dma_wait3A_201] : memref<327680x128xf32, #tpu.memory_space<hbm>> -> memref<128x128xf32, #tpu.memory_space<hbm>>
        tpu.wait_dma2 semaphore(%arg17 : memref<!tpu.dma_semaphore, #tpu.memory_space<semaphore_mem>>) src(%arg7 : memref<128x128xf32, #tpu.memory_space<vmem>>) dst(%dma_wait3A_202 : memref<128x128xf32, #tpu.memory_space<hbm>>)
      } else {
      }
      %dma_start3A_60 = arith.constant 0 : i32
      %dma_start3A_61 = tpu.memref_slice %arg5[%add3A_54, %dma_start3A_60] : memref<80x128xi32, #tpu.memory_space<vmem>> -> memref<1x128xi32, #tpu.memory_space<vmem>>
      %dma_start3A_62 = tpu.memref_squeeze %dma_start3A_61 : memref<1x128xi32, #tpu.memory_space<vmem>> -> memref<128xi32, #tpu.memory_space<vmem>>
      %dma_start3A_63 = arith.constant 0 : i32
      %dma_start3A_64 = arith.constant 0 : i32
      %dma_start3A_65 = tpu.memref_slice %arg2[%dma_start3A_63, %dma_start3A_64] : memref<10000x128xf32, #tpu.memory_space<hbm>> -> memref<10000x128xf32, #tpu.memory_space<hbm>>
      tpu.enqueue_indirect_dma source(%dma_start3A_65 : memref<10000x128xf32, #tpu.memory_space<hbm>>) target(%arg7 : memref<128x128xf32, #tpu.memory_space<vmem>>) offsets(%dma_start3A_62 : memref<128xi32, #tpu.memory_space<vmem>>) semaphore(%arg12 : memref<!tpu.dma_semaphore, #tpu.memory_space<semaphore_mem>>)
      %mul3A_66 = arith.constant 5 : i32
      %mul3A_67 = arith.muli %scan3A_38, %mul3A_66 : i32
      %add3A_68 = arith.constant 2 : i32
      %add3A_69 = arith.addi %mul3A_67, %add3A_68 : i32
      %gt3A_70 = arith.constant 0 : i32
      %gt3A_71 = arith.cmpi sgt, %scan3A_38, %gt3A_70 : i32
      %convert_element_type3A_72 = arith.extui %gt3A_71 : i1 to i32
      %cond3A_73 = arith.constant 0 : i32
      %cond3A_74 = arith.cmpi ne, %convert_element_type3A_72, %cond3A_73 : i32
      scf.if %cond3A_74 {
        %dma_wait3A_197 = arith.constant 0 : i32
        %dma_wait3A_198 = arith.constant 0 : i32
        %dma_wait3A_199 = tpu.memref_slice %arg4[%dma_wait3A_197, %dma_wait3A_198] : memref<327680x128xf32, #tpu.memory_space<hbm>> -> memref<128x128xf32, #tpu.memory_space<hbm>>
        %dma_wait3A_200 = arith.constant 0 : i32
        %dma_wait3A_201 = arith.constant 0 : i32
        %dma_wait3A_202 = tpu.memref_slice %arg4[%dma_wait3A_200, %dma_wait3A_201] : memref<327680x128xf32, #tpu.memory_space<hbm>> -> memref<128x128xf32, #tpu.memory_space<hbm>>
        tpu.wait_dma2 semaphore(%arg18 : memref<!tpu.dma_semaphore, #tpu.memory_space<semaphore_mem>>) src(%arg8 : memref<128x128xf32, #tpu.memory_space<vmem>>) dst(%dma_wait3A_202 : memref<128x128xf32, #tpu.memory_space<hbm>>)
      } else {
      }
      %dma_start3A_75 = arith.constant 0 : i32
      %dma_start3A_76 = tpu.memref_slice %arg5[%add3A_69, %dma_start3A_75] : memref<80x128xi32, #tpu.memory_space<vmem>> -> memref<1x128xi32, #tpu.memory_space<vmem>>
      %dma_start3A_77 = tpu.memref_squeeze %dma_start3A_76 : memref<1x128xi32, #tpu.memory_space<vmem>> -> memref<128xi32, #tpu.memory_space<vmem>>
      %dma_start3A_78 = arith.constant 0 : i32
      %dma_start3A_79 = arith.constant 0 : i32
      %dma_start3A_80 = tpu.memref_slice %arg2[%dma_start3A_78, %dma_start3A_79] : memref<10000x128xf32, #tpu.memory_space<hbm>> -> memref<10000x128xf32, #tpu.memory_space<hbm>>
      tpu.enqueue_indirect_dma source(%dma_start3A_80 : memref<10000x128xf32, #tpu.memory_space<hbm>>) target(%arg8 : memref<128x128xf32, #tpu.memory_space<vmem>>) offsets(%dma_start3A_77 : memref<128xi32, #tpu.memory_space<vmem>>) semaphore(%arg13 : memref<!tpu.dma_semaphore, #tpu.memory_space<semaphore_mem>>)
      %mul3A_81 = arith.constant 5 : i32
      %mul3A_82 = arith.muli %scan3A_38, %mul3A_81 : i32
      %add3A_83 = arith.constant 3 : i32
      %add3A_84 = arith.addi %mul3A_82, %add3A_83 : i32
      %gt3A_85 = arith.constant 0 : i32
      %gt3A_86 = arith.cmpi sgt, %scan3A_38, %gt3A_85 : i32
      %convert_element_type3A_87 = arith.extui %gt3A_86 : i1 to i32
      %cond3A_88 = arith.constant 0 : i32
      %cond3A_89 = arith.cmpi ne, %convert_element_type3A_87, %cond3A_88 : i32
      scf.if %cond3A_89 {
        %dma_wait3A_197 = arith.constant 0 : i32
        %dma_wait3A_198 = arith.constant 0 : i32
        %dma_wait3A_199 = tpu.memref_slice %arg4[%dma_wait3A_197, %dma_wait3A_198] : memref<327680x128xf32, #tpu.memory_space<hbm>> -> memref<128x128xf32, #tpu.memory_space<hbm>>
        %dma_wait3A_200 = arith.constant 0 : i32
        %dma_wait3A_201 = arith.constant 0 : i32
        %dma_wait3A_202 = tpu.memref_slice %arg4[%dma_wait3A_200, %dma_wait3A_201] : memref<327680x128xf32, #tpu.memory_space<hbm>> -> memref<128x128xf32, #tpu.memory_space<hbm>>
        tpu.wait_dma2 semaphore(%arg19 : memref<!tpu.dma_semaphore, #tpu.memory_space<semaphore_mem>>) src(%arg9 : memref<128x128xf32, #tpu.memory_space<vmem>>) dst(%dma_wait3A_202 : memref<128x128xf32, #tpu.memory_space<hbm>>)
      } else {
      }
      %dma_start3A_90 = arith.constant 0 : i32
      %dma_start3A_91 = tpu.memref_slice %arg5[%add3A_84, %dma_start3A_90] : memref<80x128xi32, #tpu.memory_space<vmem>> -> memref<1x128xi32, #tpu.memory_space<vmem>>
      %dma_start3A_92 = tpu.memref_squeeze %dma_start3A_91 : memref<1x128xi32, #tpu.memory_space<vmem>> -> memref<128xi32, #tpu.memory_space<vmem>>
      %dma_start3A_93 = arith.constant 0 : i32
      %dma_start3A_94 = arith.constant 0 : i32
      %dma_start3A_95 = tpu.memref_slice %arg2[%dma_start3A_93, %dma_start3A_94] : memref<10000x128xf32, #tpu.memory_space<hbm>> -> memref<10000x128xf32, #tpu.memory_space<hbm>>
      tpu.enqueue_indirect_dma source(%dma_start3A_95 : memref<10000x128xf32, #tpu.memory_space<hbm>>) target(%arg9 : memref<128x128xf32, #tpu.memory_space<vmem>>) offsets(%dma_start3A_92 : memref<128xi32, #tpu.memory_space<vmem>>) semaphore(%arg14 : memref<!tpu.dma_semaphore, #tpu.memory_space<semaphore_mem>>)
      %mul3A_96 = arith.constant 5 : i32
      %mul3A_97 = arith.muli %scan3A_38, %mul3A_96 : i32
      %add3A_98 = arith.constant 4 : i32
      %add3A_99 = arith.addi %mul3A_97, %add3A_98 : i32
      %gt3A_100 = arith.constant 0 : i32
      %gt3A_101 = arith.cmpi sgt, %scan3A_38, %gt3A_100 : i32
      %convert_element_type3A_102 = arith.extui %gt3A_101 : i1 to i32
      %cond3A_103 = arith.constant 0 : i32
      %cond3A_104 = arith.cmpi ne, %convert_element_type3A_102, %cond3A_103 : i32
      scf.if %cond3A_104 {
        %dma_wait3A_197 = arith.constant 0 : i32
        %dma_wait3A_198 = arith.constant 0 : i32
        %dma_wait3A_199 = tpu.memref_slice %arg4[%dma_wait3A_197, %dma_wait3A_198] : memref<327680x128xf32, #tpu.memory_space<hbm>> -> memref<128x128xf32, #tpu.memory_space<hbm>>
        %dma_wait3A_200 = arith.constant 0 : i32
        %dma_wait3A_201 = arith.constant 0 : i32
        %dma_wait3A_202 = tpu.memref_slice %arg4[%dma_wait3A_200, %dma_wait3A_201] : memref<327680x128xf32, #tpu.memory_space<hbm>> -> memref<128x128xf32, #tpu.memory_space<hbm>>
        tpu.wait_dma2 semaphore(%arg20 : memref<!tpu.dma_semaphore, #tpu.memory_space<semaphore_mem>>) src(%arg10 : memref<128x128xf32, #tpu.memory_space<vmem>>) dst(%dma_wait3A_202 : memref<128x128xf32, #tpu.memory_space<hbm>>)
      } else {
      }
      %dma_start3A_105 = arith.constant 0 : i32
      %dma_start3A_106 = tpu.memref_slice %arg5[%add3A_99, %dma_start3A_105] : memref<80x128xi32, #tpu.memory_space<vmem>> -> memref<1x128xi32, #tpu.memory_space<vmem>>
      %dma_start3A_107 = tpu.memref_squeeze %dma_start3A_106 : memref<1x128xi32, #tpu.memory_space<vmem>> -> memref<128xi32, #tpu.memory_space<vmem>>
      %dma_start3A_108 = arith.constant 0 : i32
      %dma_start3A_109 = arith.constant 0 : i32
      %dma_start3A_110 = tpu.memref_slice %arg2[%dma_start3A_108, %dma_start3A_109] : memref<10000x128xf32, #tpu.memory_space<hbm>> -> memref<10000x128xf32, #tpu.memory_space<hbm>>
      tpu.enqueue_indirect_dma source(%dma_start3A_110 : memref<10000x128xf32, #tpu.memory_space<hbm>>) target(%arg10 : memref<128x128xf32, #tpu.memory_space<vmem>>) offsets(%dma_start3A_107 : memref<128xi32, #tpu.memory_space<vmem>>) semaphore(%arg15 : memref<!tpu.dma_semaphore, #tpu.memory_space<semaphore_mem>>)
      %mul3A_111 = arith.constant 5 : i32
      %mul3A_112 = arith.muli %scan3A_38, %mul3A_111 : i32
      %add3A_113 = arith.constant 0 : i32
      %add3A_114 = arith.addi %mul3A_112, %add3A_113 : i32
      %dma_wait3A_115 = arith.constant 0 : i32
      %dma_wait3A_116 = tpu.memref_slice %arg5[%add3A_43, %dma_wait3A_115] : memref<80x128xi32, #tpu.memory_space<vmem>> -> memref<1x128xi32, #tpu.memory_space<vmem>>
      %dma_wait3A_117 = tpu.memref_squeeze %dma_wait3A_116 : memref<1x128xi32, #tpu.memory_space<vmem>> -> memref<128xi32, #tpu.memory_space<vmem>>
      %dma_wait3A_118 = arith.constant 0 : i32
      %dma_wait3A_119 = arith.constant 0 : i32
      %dma_wait3A_120 = tpu.memref_slice %arg2[%dma_wait3A_118, %dma_wait3A_119] : memref<10000x128xf32, #tpu.memory_space<hbm>> -> memref<10000x128xf32, #tpu.memory_space<hbm>>
      tpu.wait_indirect_dma semaphore(%arg11 : memref<!tpu.dma_semaphore, #tpu.memory_space<semaphore_mem>>) src(%dma_wait3A_120 : memref<10000x128xf32, #tpu.memory_space<hbm>>) dst(%arg6 : memref<128x128xf32, #tpu.memory_space<vmem>>)
      %mul3A_121 = arith.constant 128 : i32
      %mul3A_122 = arith.muli %add3A_114, %mul3A_121 : i32
      %add3A_123 = arith.addi %mul3A_2, %mul3A_122 : i32
      %dma_start3A_124 = arith.constant 0 : i32
      %dma_start3A_125 = tpu.memref_slice %arg4[%add3A_123, %dma_start3A_124] : memref<327680x128xf32, #tpu.memory_space<hbm>> -> memref<128x128xf32, #tpu.memory_space<hbm>>
      %dma_start3A_126 = arith.constant 0 : i32
      %dma_start3A_127 = tpu.memref_slice %arg4[%add3A_123, %dma_start3A_126] : memref<327680x128xf32, #tpu.memory_space<hbm>> -> memref<128x128xf32, #tpu.memory_space<hbm>>
      tpu.enqueue_dma source(%arg6 : memref<128x128xf32, #tpu.memory_space<vmem>>) target(%dma_start3A_127 : memref<128x128xf32, #tpu.memory_space<hbm>>) target_semaphore(%arg16 : memref<!tpu.dma_semaphore, #tpu.memory_space<semaphore_mem>>)
      %mul3A_128 = arith.constant 5 : i32
      %mul3A_129 = arith.muli %scan3A_38, %mul3A_128 : i32
      %add3A_130 = arith.constant 1 : i32
      %add3A_131 = arith.addi %mul3A_129, %add3A_130 : i32
      %dma_wait3A_132 = arith.constant 0 : i32
      %dma_wait3A_133 = tpu.memref_slice %arg5[%add3A_54, %dma_wait3A_132] : memref<80x128xi32, #tpu.memory_space<vmem>> -> memref<1x128xi32, #tpu.memory_space<vmem>>
      %dma_wait3A_134 = tpu.memref_squeeze %dma_wait3A_133 : memref<1x128xi32, #tpu.memory_space<vmem>> -> memref<128xi32, #tpu.memory_space<vmem>>
      %dma_wait3A_135 = arith.constant 0 : i32
      %dma_wait3A_136 = arith.constant 0 : i32
      %dma_wait3A_137 = tpu.memref_slice %arg2[%dma_wait3A_135, %dma_wait3A_136] : memref<10000x128xf32, #tpu.memory_space<hbm>> -> memref<10000x128xf32, #tpu.memory_space<hbm>>
      tpu.wait_indirect_dma semaphore(%arg12 : memref<!tpu.dma_semaphore, #tpu.memory_space<semaphore_mem>>) src(%dma_wait3A_137 : memref<10000x128xf32, #tpu.memory_space<hbm>>) dst(%arg7 : memref<128x128xf32, #tpu.memory_space<vmem>>)
      %mul3A_138 = arith.constant 128 : i32
      %mul3A_139 = arith.muli %add3A_131, %mul3A_138 : i32
      %add3A_140 = arith.addi %mul3A_2, %mul3A_139 : i32
      %dma_start3A_141 = arith.constant 0 : i32
      %dma_start3A_142 = tpu.memref_slice %arg4[%add3A_140, %dma_start3A_141] : memref<327680x128xf32, #tpu.memory_space<hbm>> -> memref<128x128xf32, #tpu.memory_space<hbm>>
      %dma_start3A_143 = arith.constant 0 : i32
      %dma_start3A_144 = tpu.memref_slice %arg4[%add3A_140, %dma_start3A_143] : memref<327680x128xf32, #tpu.memory_space<hbm>> -> memref<128x128xf32, #tpu.memory_space<hbm>>
      tpu.enqueue_dma source(%arg7 : memref<128x128xf32, #tpu.memory_space<vmem>>) target(%dma_start3A_144 : memref<128x128xf32, #tpu.memory_space<hbm>>) target_semaphore(%arg17 : memref<!tpu.dma_semaphore, #tpu.memory_space<semaphore_mem>>)
      %mul3A_145 = arith.constant 5 : i32
      %mul3A_146 = arith.muli %scan3A_38, %mul3A_145 : i32
      %add3A_147 = arith.constant 2 : i32
      %add3A_148 = arith.addi %mul3A_146, %add3A_147 : i32
      %dma_wait3A_149 = arith.constant 0 : i32
      %dma_wait3A_150 = tpu.memref_slice %arg5[%add3A_69, %dma_wait3A_149] : memref<80x128xi32, #tpu.memory_space<vmem>> -> memref<1x128xi32, #tpu.memory_space<vmem>>
      %dma_wait3A_151 = tpu.memref_squeeze %dma_wait3A_150 : memref<1x128xi32, #tpu.memory_space<vmem>> -> memref<128xi32, #tpu.memory_space<vmem>>
      %dma_wait3A_152 = arith.constant 0 : i32
      %dma_wait3A_153 = arith.constant 0 : i32
      %dma_wait3A_154 = tpu.memref_slice %arg2[%dma_wait3A_152, %dma_wait3A_153] : memref<10000x128xf32, #tpu.memory_space<hbm>> -> memref<10000x128xf32, #tpu.memory_space<hbm>>
      tpu.wait_indirect_dma semaphore(%arg13 : memref<!tpu.dma_semaphore, #tpu.memory_space<semaphore_mem>>) src(%dma_wait3A_154 : memref<10000x128xf32, #tpu.memory_space<hbm>>) dst(%arg8 : memref<128x128xf32, #tpu.memory_space<vmem>>)
      %mul3A_155 = arith.constant 128 : i32
      %mul3A_156 = arith.muli %add3A_148, %mul3A_155 : i32
      %add3A_157 = arith.addi %mul3A_2, %mul3A_156 : i32
      %dma_start3A_158 = arith.constant 0 : i32
      %dma_start3A_159 = tpu.memref_slice %arg4[%add3A_157, %dma_start3A_158] : memref<327680x128xf32, #tpu.memory_space<hbm>> -> memref<128x128xf32, #tpu.memory_space<hbm>>
      %dma_start3A_160 = arith.constant 0 : i32
      %dma_start3A_161 = tpu.memref_slice %arg4[%add3A_157, %dma_start3A_160] : memref<327680x128xf32, #tpu.memory_space<hbm>> -> memref<128x128xf32, #tpu.memory_space<hbm>>
      tpu.enqueue_dma source(%arg8 : memref<128x128xf32, #tpu.memory_space<vmem>>) target(%dma_start3A_161 : memref<128x128xf32, #tpu.memory_space<hbm>>) target_semaphore(%arg18 : memref<!tpu.dma_semaphore, #tpu.memory_space<semaphore_mem>>)
      %mul3A_162 = arith.constant 5 : i32
      %mul3A_163 = arith.muli %scan3A_38, %mul3A_162 : i32
      %add3A_164 = arith.constant 3 : i32
      %add3A_165 = arith.addi %mul3A_163, %add3A_164 : i32
      %dma_wait3A_166 = arith.constant 0 : i32
      %dma_wait3A_167 = tpu.memref_slice %arg5[%add3A_84, %dma_wait3A_166] : memref<80x128xi32, #tpu.memory_space<vmem>> -> memref<1x128xi32, #tpu.memory_space<vmem>>
      %dma_wait3A_168 = tpu.memref_squeeze %dma_wait3A_167 : memref<1x128xi32, #tpu.memory_space<vmem>> -> memref<128xi32, #tpu.memory_space<vmem>>
      %dma_wait3A_169 = arith.constant 0 : i32
      %dma_wait3A_170 = arith.constant 0 : i32
      %dma_wait3A_171 = tpu.memref_slice %arg2[%dma_wait3A_169, %dma_wait3A_170] : memref<10000x128xf32, #tpu.memory_space<hbm>> -> memref<10000x128xf32, #tpu.memory_space<hbm>>
      tpu.wait_indirect_dma semaphore(%arg14 : memref<!tpu.dma_semaphore, #tpu.memory_space<semaphore_mem>>) src(%dma_wait3A_171 : memref<10000x128xf32, #tpu.memory_space<hbm>>) dst(%arg9 : memref<128x128xf32, #tpu.memory_space<vmem>>)
      %mul3A_172 = arith.constant 128 : i32
      %mul3A_173 = arith.muli %add3A_165, %mul3A_172 : i32
      %add3A_174 = arith.addi %mul3A_2, %mul3A_173 : i32
      %dma_start3A_175 = arith.constant 0 : i32
      %dma_start3A_176 = tpu.memref_slice %arg4[%add3A_174, %dma_start3A_175] : memref<327680x128xf32, #tpu.memory_space<hbm>> -> memref<128x128xf32, #tpu.memory_space<hbm>>
      %dma_start3A_177 = arith.constant 0 : i32
      %dma_start3A_178 = tpu.memref_slice %arg4[%add3A_174, %dma_start3A_177] : memref<327680x128xf32, #tpu.memory_space<hbm>> -> memref<128x128xf32, #tpu.memory_space<hbm>>
      tpu.enqueue_dma source(%arg9 : memref<128x128xf32, #tpu.memory_space<vmem>>) target(%dma_start3A_178 : memref<128x128xf32, #tpu.memory_space<hbm>>) target_semaphore(%arg19 : memref<!tpu.dma_semaphore, #tpu.memory_space<semaphore_mem>>)
      %mul3A_179 = arith.constant 5 : i32
      %mul3A_180 = arith.muli %scan3A_38, %mul3A_179 : i32
      %add3A_181 = arith.constant 4 : i32
      %add3A_182 = arith.addi %mul3A_180, %add3A_181 : i32
      %dma_wait3A_183 = arith.constant 0 : i32
      %dma_wait3A_184 = tpu.memref_slice %arg5[%add3A_99, %dma_wait3A_183] : memref<80x128xi32, #tpu.memory_space<vmem>> -> memref<1x128xi32, #tpu.memory_space<vmem>>
      %dma_wait3A_185 = tpu.memref_squeeze %dma_wait3A_184 : memref<1x128xi32, #tpu.memory_space<vmem>> -> memref<128xi32, #tpu.memory_space<vmem>>
      %dma_wait3A_186 = arith.constant 0 : i32
      %dma_wait3A_187 = arith.constant 0 : i32
      %dma_wait3A_188 = tpu.memref_slice %arg2[%dma_wait3A_186, %dma_wait3A_187] : memref<10000x128xf32, #tpu.memory_space<hbm>> -> memref<10000x128xf32, #tpu.memory_space<hbm>>
      tpu.wait_indirect_dma semaphore(%arg15 : memref<!tpu.dma_semaphore, #tpu.memory_space<semaphore_mem>>) src(%dma_wait3A_188 : memref<10000x128xf32, #tpu.memory_space<hbm>>) dst(%arg10 : memref<128x128xf32, #tpu.memory_space<vmem>>)
      %mul3A_189 = arith.constant 128 : i32
      %mul3A_190 = arith.muli %add3A_182, %mul3A_189 : i32
      %add3A_191 = arith.addi %mul3A_2, %mul3A_190 : i32
      %dma_start3A_192 = arith.constant 0 : i32
      %dma_start3A_193 = tpu.memref_slice %arg4[%add3A_191, %dma_start3A_192] : memref<327680x128xf32, #tpu.memory_space<hbm>> -> memref<128x128xf32, #tpu.memory_space<hbm>>
      %dma_start3A_194 = arith.constant 0 : i32
      %dma_start3A_195 = tpu.memref_slice %arg4[%add3A_191, %dma_start3A_194] : memref<327680x128xf32, #tpu.memory_space<hbm>> -> memref<128x128xf32, #tpu.memory_space<hbm>>
      tpu.enqueue_dma source(%arg10 : memref<128x128xf32, #tpu.memory_space<vmem>>) target(%dma_start3A_195 : memref<128x128xf32, #tpu.memory_space<hbm>>) target_semaphore(%arg20 : memref<!tpu.dma_semaphore, #tpu.memory_space<semaphore_mem>>)
      %scan3A_196 = arith.constant 0 : i32
      scf.yield %scan3A_196 : i32
    }
    %scan3A_8 = arith.constant 16 : i32
    %dma_wait3A = arith.constant 0 : i32
    %dma_wait3A_9 = arith.constant 0 : i32
    %dma_wait3A_10 = tpu.memref_slice %arg4[%dma_wait3A, %dma_wait3A_9] : memref<327680x128xf32, #tpu.memory_space<hbm>> -> memref<128x128xf32, #tpu.memory_space<hbm>>
    %dma_wait3A_11 = arith.constant 0 : i32
    %dma_wait3A_12 = arith.constant 0 : i32
    %dma_wait3A_13 = tpu.memref_slice %arg4[%dma_wait3A_11, %dma_wait3A_12] : memref<327680x128xf32, #tpu.memory_space<hbm>> -> memref<128x128xf32, #tpu.memory_space<hbm>>
    tpu.wait_dma2 semaphore(%arg16 : memref<!tpu.dma_semaphore, #tpu.memory_space<semaphore_mem>>) src(%arg6 : memref<128x128xf32, #tpu.memory_space<vmem>>) dst(%dma_wait3A_13 : memref<128x128xf32, #tpu.memory_space<hbm>>)
    %dma_wait3A_14 = arith.constant 0 : i32
    %dma_wait3A_15 = arith.constant 0 : i32
    %dma_wait3A_16 = tpu.memref_slice %arg4[%dma_wait3A_14, %dma_wait3A_15] : memref<327680x128xf32, #tpu.memory_space<hbm>> -> memref<128x128xf32, #tpu.memory_space<hbm>>
    %dma_wait3A_17 = arith.constant 0 : i32
    %dma_wait3A_18 = arith.constant 0 : i32
    %dma_wait3A_19 = tpu.memref_slice %arg4[%dma_wait3A_17, %dma_wait3A_18] : memref<327680x128xf32, #tpu.memory_space<hbm>> -> memref<128x128xf32, #tpu.memory_space<hbm>>
    tpu.wait_dma2 semaphore(%arg17 : memref<!tpu.dma_semaphore, #tpu.memory_space<semaphore_mem>>) src(%arg7 : memref<128x128xf32, #tpu.memory_space<vmem>>) dst(%dma_wait3A_19 : memref<128x128xf32, #tpu.memory_space<hbm>>)
    %dma_wait3A_20 = arith.constant 0 : i32
    %dma_wait3A_21 = arith.constant 0 : i32
    %dma_wait3A_22 = tpu.memref_slice %arg4[%dma_wait3A_20, %dma_wait3A_21] : memref<327680x128xf32, #tpu.memory_space<hbm>> -> memref<128x128xf32, #tpu.memory_space<hbm>>
    %dma_wait3A_23 = arith.constant 0 : i32
    %dma_wait3A_24 = arith.constant 0 : i32
    %dma_wait3A_25 = tpu.memref_slice %arg4[%dma_wait3A_23, %dma_wait3A_24] : memref<327680x128xf32, #tpu.memory_space<hbm>> -> memref<128x128xf32, #tpu.memory_space<hbm>>
    tpu.wait_dma2 semaphore(%arg18 : memref<!tpu.dma_semaphore, #tpu.memory_space<semaphore_mem>>) src(%arg8 : memref<128x128xf32, #tpu.memory_space<vmem>>) dst(%dma_wait3A_25 : memref<128x128xf32, #tpu.memory_space<hbm>>)
    %dma_wait3A_26 = arith.constant 0 : i32
    %dma_wait3A_27 = arith.constant 0 : i32
    %dma_wait3A_28 = tpu.memref_slice %arg4[%dma_wait3A_26, %dma_wait3A_27] : memref<327680x128xf32, #tpu.memory_space<hbm>> -> memref<128x128xf32, #tpu.memory_space<hbm>>
    %dma_wait3A_29 = arith.constant 0 : i32
    %dma_wait3A_30 = arith.constant 0 : i32
    %dma_wait3A_31 = tpu.memref_slice %arg4[%dma_wait3A_29, %dma_wait3A_30] : memref<327680x128xf32, #tpu.memory_space<hbm>> -> memref<128x128xf32, #tpu.memory_space<hbm>>
    tpu.wait_dma2 semaphore(%arg19 : memref<!tpu.dma_semaphore, #tpu.memory_space<semaphore_mem>>) src(%arg9 : memref<128x128xf32, #tpu.memory_space<vmem>>) dst(%dma_wait3A_31 : memref<128x128xf32, #tpu.memory_space<hbm>>)
    %dma_wait3A_32 = arith.constant 0 : i32
    %dma_wait3A_33 = arith.constant 0 : i32
    %dma_wait3A_34 = tpu.memref_slice %arg4[%dma_wait3A_32, %dma_wait3A_33] : memref<327680x128xf32, #tpu.memory_space<hbm>> -> memref<128x128xf32, #tpu.memory_space<hbm>>
    %dma_wait3A_35 = arith.constant 0 : i32
    %dma_wait3A_36 = arith.constant 0 : i32
    %dma_wait3A_37 = tpu.memref_slice %arg4[%dma_wait3A_35, %dma_wait3A_36] : memref<327680x128xf32, #tpu.memory_space<hbm>> -> memref<128x128xf32, #tpu.memory_space<hbm>>
    tpu.wait_dma2 semaphore(%arg20 : memref<!tpu.dma_semaphore, #tpu.memory_space<semaphore_mem>>) src(%arg10 : memref<128x128xf32, #tpu.memory_space<vmem>>) dst(%dma_wait3A_37 : memref<128x128xf32, #tpu.memory_space<hbm>>)
    return
  }
}

#map = affine_map<(d0, d1) -> (0, 0)>
#map1 = affine_map<(d0, d1) -> (0, 0, 0)>
module attributes {stable_mosaic.version = 14 : i64} {
  func.func @body_fn(%arg0: i32, %arg1: i32, %arg2: memref<10000x128xf32, #tpu.memory_space<hbm>>, %arg3: memref<32x80x128xi32, #tpu.memory_space<hbm>>, %arg4: memref<327680x128xf32, #tpu.memory_space<hbm>>, %arg5: memref<80x128xi32, #tpu.memory_space<vmem>>, %arg6: memref<128x128xf32, #tpu.memory_space<vmem>>, %arg7: memref<128x128xf32, #tpu.memory_space<vmem>>, %arg8: memref<128x128xf32, #tpu.memory_space<vmem>>, %arg9: memref<128x128xf32, #tpu.memory_space<vmem>>, %arg10: memref<128x128xf32, #tpu.memory_space<vmem>>, %arg11: memref<!tpu.dma_semaphore, #tpu.memory_space<semaphore_mem>>, %arg12: memref<!tpu.dma_semaphore, #tpu.memory_space<semaphore_mem>>, %arg13: memref<!tpu.dma_semaphore, #tpu.memory_space<semaphore_mem>>, %arg14: memref<!tpu.dma_semaphore, #tpu.memory_space<semaphore_mem>>, %arg15: memref<!tpu.dma_semaphore, #tpu.memory_space<semaphore_mem>>, %arg16: memref<!tpu.dma_semaphore, #tpu.memory_space<semaphore_mem>>, %arg17: memref<!tpu.dma_semaphore, #tpu.memory_space<semaphore_mem>>, %arg18: memref<!tpu.dma_semaphore, #tpu.memory_space<semaphore_mem>>, %arg19: memref<!tpu.dma_semaphore, #tpu.memory_space<semaphore_mem>>, %arg20: memref<!tpu.dma_semaphore, #tpu.memory_space<semaphore_mem>>) attributes {dimension_semantics = [#tpu.dimension_semantics<core_parallel>, #tpu.dimension_semantics<subcore_parallel>], iteration_bounds = array<i64: 2, 16>, scalar_prefetch = 0 : i64, scratch_operands = 16 : i64, tpu.core_type = #tpu.core_type<sc_vector_subcore>, window_params = [{transform_indices = #map}, {transform_indices = #map1}, {transform_indices = #map}]} {
    %mul3A = arith.constant 2 : i32
    %mul3A_0 = arith.muli %arg1, %mul3A : i32
    %add3A = arith.addi %mul3A_0, %arg0 : i32
    %mul3A_1 = arith.constant 10240 : i32
    %mul3A_2 = arith.muli %add3A, %mul3A_1 : i32
    "tpu.region"() ({
      %run_scoped3A = tpu.sem_alloc : memref<!tpu.dma_semaphore, #tpu.memory_space<semaphore_mem>>
      %dma_start3A = arith.constant 0 : i32
      %dma_start3A_38 = arith.constant 0 : i32
      %dma_start3A_39 = tpu.memref_slice %arg3[%add3A, %dma_start3A, %dma_start3A_38] : memref<32x80x128xi32, #tpu.memory_space<hbm>> -> memref<1x80x128xi32, #tpu.memory_space<hbm>>
      %dma_start3A_40 = tpu.memref_squeeze %dma_start3A_39 : memref<1x80x128xi32, #tpu.memory_space<hbm>> -> memref<80x128xi32, #tpu.memory_space<hbm>>
      %dma_start3A_41 = arith.constant 0 : i32
      %dma_start3A_42 = arith.constant 0 : i32
      %dma_start3A_43 = tpu.memref_slice %arg3[%add3A, %dma_start3A_41, %dma_start3A_42] : memref<32x80x128xi32, #tpu.memory_space<hbm>> -> memref<1x80x128xi32, #tpu.memory_space<hbm>>
      %dma_start3A_44 = tpu.memref_squeeze %dma_start3A_43 : memref<1x80x128xi32, #tpu.memory_space<hbm>> -> memref<80x128xi32, #tpu.memory_space<hbm>>
      tpu.enqueue_dma source(%dma_start3A_44 : memref<80x128xi32, #tpu.memory_space<hbm>>) target(%arg5 : memref<80x128xi32, #tpu.memory_space<vmem>>) target_semaphore(%run_scoped3A : memref<!tpu.dma_semaphore, #tpu.memory_space<semaphore_mem>>)
      %dma_wait3A_45 = arith.constant 0 : i32
      %dma_wait3A_46 = arith.constant 0 : i32
      %dma_wait3A_47 = tpu.memref_slice %arg3[%add3A, %dma_wait3A_45, %dma_wait3A_46] : memref<32x80x128xi32, #tpu.memory_space<hbm>> -> memref<1x80x128xi32, #tpu.memory_space<hbm>>
      %dma_wait3A_48 = tpu.memref_squeeze %dma_wait3A_47 : memref<1x80x128xi32, #tpu.memory_space<hbm>> -> memref<80x128xi32, #tpu.memory_space<hbm>>
      %dma_wait3A_49 = arith.constant 0 : i32
      %dma_wait3A_50 = arith.constant 0 : i32
      %dma_wait3A_51 = tpu.memref_slice %arg3[%add3A, %dma_wait3A_49, %dma_wait3A_50] : memref<32x80x128xi32, #tpu.memory_space<hbm>> -> memref<1x80x128xi32, #tpu.memory_space<hbm>>
      %dma_wait3A_52 = tpu.memref_squeeze %dma_wait3A_51 : memref<1x80x128xi32, #tpu.memory_space<hbm>> -> memref<80x128xi32, #tpu.memory_space<hbm>>
      tpu.wait_dma2 semaphore(%run_scoped3A : memref<!tpu.dma_semaphore, #tpu.memory_space<semaphore_mem>>) src(%dma_wait3A_52 : memref<80x128xi32, #tpu.memory_space<hbm>>) dst(%arg5 : memref<80x128xi32, #tpu.memory_space<vmem>>)
      tpu.yield
    }) : () -> ()
    %scan3A = arith.constant 0 : i32
    %scan3A_3 = arith.constant 0 : i32
    %scan3A_4 = arith.constant 16 : i32
    %scan3A_5 = arith.addi %scan3A_3, %scan3A_4 : i32
    %scan3A_6 = arith.constant 1 : i32
    %scan3A_7 = scf.for %scan3A_38 = %scan3A_3 to %scan3A_5 step %scan3A_6 iter_args(%scan3A_39 = %scan3A) -> (i32)  : i32 {
      %mul3A_40 = arith.constant 5 : i32
      %mul3A_41 = arith.muli %scan3A_38, %mul3A_40 : i32
      %add3A_42 = arith.constant 0 : i32
      %add3A_43 = arith.addi %mul3A_41, %add3A_42 : i32
      %gt3A = arith.constant 0 : i32
      %gt3A_44 = arith.cmpi sgt, %scan3A_38, %gt3A : i32
      %convert_element_type3A = arith.extui %gt3A_44 : i1 to i32
      %cond3A = arith.constant 0 : i32
      %cond3A_45 = arith.cmpi ne, %convert_element_type3A, %cond3A : i32
      scf.if %cond3A_45 {
        %dma_wait3A_197 = arith.constant 0 : i32
        %dma_wait3A_198 = arith.constant 0 : i32
        %dma_wait3A_199 = tpu.memref_slice %arg4[%dma_wait3A_197, %dma_wait3A_198] : memref<327680x128xf32, #tpu.memory_space<hbm>> -> memref<128x128xf32, #tpu.memory_space<hbm>>
        %dma_wait3A_200 = arith.constant 0 : i32
        %dma_wait3A_201 = arith.constant 0 : i32
        %dma_wait3A_202 = tpu.memref_slice %arg4[%dma_wait3A_200, %dma_wait3A_201] : memref<327680x128xf32, #tpu.memory_space<hbm>> -> memref<128x128xf32, #tpu.memory_space<hbm>>
        tpu.wait_dma2 semaphore(%arg16 : memref<!tpu.dma_semaphore, #tpu.memory_space<semaphore_mem>>) src(%arg6 : memref<128x128xf32, #tpu.memory_space<vmem>>) dst(%dma_wait3A_202 : memref<128x128xf32, #tpu.memory_space<hbm>>)
      } else {
      }
      %dma_start3A = arith.constant 0 : i32
      %dma_start3A_46 = tpu.memref_slice %arg5[%add3A_43, %dma_start3A] : memref<80x128xi32, #tpu.memory_space<vmem>> -> memref<1x128xi32, #tpu.memory_space<vmem>>
      %dma_start3A_47 = tpu.memref_squeeze %dma_start3A_46 : memref<1x128xi32, #tpu.memory_space<vmem>> -> memref<128xi32, #tpu.memory_space<vmem>>
      %dma_start3A_48 = arith.constant 0 : i32
      %dma_start3A_49 = arith.constant 0 : i32
      %dma_start3A_50 = tpu.memref_slice %arg2[%dma_start3A_48, %dma_start3A_49] : memref<10000x128xf32, #tpu.memory_space<hbm>> -> memref<10000x128xf32, #tpu.memory_space<hbm>>
      tpu.enqueue_indirect_dma source(%dma_start3A_50 : memref<10000x128xf32, #tpu.memory_space<hbm>>) target(%arg6 : memref<128x128xf32, #tpu.memory_space<vmem>>) offsets(%dma_start3A_47 : memref<128xi32, #tpu.memory_space<vmem>>) semaphore(%arg11 : memref<!tpu.dma_semaphore, #tpu.memory_space<semaphore_mem>>)
      %mul3A_51 = arith.constant 5 : i32
      %mul3A_52 = arith.muli %scan3A_38, %mul3A_51 : i32
      %add3A_53 = arith.constant 1 : i32
      %add3A_54 = arith.addi %mul3A_52, %add3A_53 : i32
      %gt3A_55 = arith.constant 0 : i32
      %gt3A_56 = arith.cmpi sgt, %scan3A_38, %gt3A_55 : i32
      %convert_element_type3A_57 = arith.extui %gt3A_56 : i1 to i32
      %cond3A_58 = arith.constant 0 : i32
      %cond3A_59 = arith.cmpi ne, %convert_element_type3A_57, %cond3A_58 : i32
      scf.if %cond3A_59 {
        %dma_wait3A_197 = arith.constant 0 : i32
        %dma_wait3A_198 = arith.constant 0 : i32
        %dma_wait3A_199 = tpu.memref_slice %arg4[%dma_wait3A_197, %dma_wait3A_198] : memref<327680x128xf32, #tpu.memory_space<hbm>> -> memref<128x128xf32, #tpu.memory_space<hbm>>
        %dma_wait3A_200 = arith.constant 0 : i32
        %dma_wait3A_201 = arith.constant 0 : i32
        %dma_wait3A_202 = tpu.memref_slice %arg4[%dma_wait3A_200, %dma_wait3A_201] : memref<327680x128xf32, #tpu.memory_space<hbm>> -> memref<128x128xf32, #tpu.memory_space<hbm>>
        tpu.wait_dma2 semaphore(%arg17 : memref<!tpu.dma_semaphore, #tpu.memory_space<semaphore_mem>>) src(%arg7 : memref<128x128xf32, #tpu.memory_space<vmem>>) dst(%dma_wait3A_202 : memref<128x128xf32, #tpu.memory_space<hbm>>)
      } else {
      }
      %dma_start3A_60 = arith.constant 0 : i32
      %dma_start3A_61 = tpu.memref_slice %arg5[%add3A_54, %dma_start3A_60] : memref<80x128xi32, #tpu.memory_space<vmem>> -> memref<1x128xi32, #tpu.memory_space<vmem>>
      %dma_start3A_62 = tpu.memref_squeeze %dma_start3A_61 : memref<1x128xi32, #tpu.memory_space<vmem>> -> memref<128xi32, #tpu.memory_space<vmem>>
      %dma_start3A_63 = arith.constant 0 : i32
      %dma_start3A_64 = arith.constant 0 : i32
      %dma_start3A_65 = tpu.memref_slice %arg2[%dma_start3A_63, %dma_start3A_64] : memref<10000x128xf32, #tpu.memory_space<hbm>> -> memref<10000x128xf32, #tpu.memory_space<hbm>>
      tpu.enqueue_indirect_dma source(%dma_start3A_65 : memref<10000x128xf32, #tpu.memory_space<hbm>>) target(%arg7 : memref<128x128xf32, #tpu.memory_space<vmem>>) offsets(%dma_start3A_62 : memref<128xi32, #tpu.memory_space<vmem>>) semaphore(%arg12 : memref<!tpu.dma_semaphore, #tpu.memory_space<semaphore_mem>>)
      %mul3A_66 = arith.constant 5 : i32
      %mul3A_67 = arith.muli %scan3A_38, %mul3A_66 : i32
      %add3A_68 = arith.constant 2 : i32
      %add3A_69 = arith.addi %mul3A_67, %add3A_68 : i32
      %gt3A_70 = arith.constant 0 : i32
      %gt3A_71 = arith.cmpi sgt, %scan3A_38, %gt3A_70 : i32
      %convert_element_type3A_72 = arith.extui %gt3A_71 : i1 to i32
      %cond3A_73 = arith.constant 0 : i32
      %cond3A_74 = arith.cmpi ne, %convert_element_type3A_72, %cond3A_73 : i32
      scf.if %cond3A_74 {
        %dma_wait3A_197 = arith.constant 0 : i32
        %dma_wait3A_198 = arith.constant 0 : i32
        %dma_wait3A_199 = tpu.memref_slice %arg4[%dma_wait3A_197, %dma_wait3A_198] : memref<327680x128xf32, #tpu.memory_space<hbm>> -> memref<128x128xf32, #tpu.memory_space<hbm>>
        %dma_wait3A_200 = arith.constant 0 : i32
        %dma_wait3A_201 = arith.constant 0 : i32
        %dma_wait3A_202 = tpu.memref_slice %arg4[%dma_wait3A_200, %dma_wait3A_201] : memref<327680x128xf32, #tpu.memory_space<hbm>> -> memref<128x128xf32, #tpu.memory_space<hbm>>
        tpu.wait_dma2 semaphore(%arg18 : memref<!tpu.dma_semaphore, #tpu.memory_space<semaphore_mem>>) src(%arg8 : memref<128x128xf32, #tpu.memory_space<vmem>>) dst(%dma_wait3A_202 : memref<128x128xf32, #tpu.memory_space<hbm>>)
      } else {
      }
      %dma_start3A_75 = arith.constant 0 : i32
      %dma_start3A_76 = tpu.memref_slice %arg5[%add3A_69, %dma_start3A_75] : memref<80x128xi32, #tpu.memory_space<vmem>> -> memref<1x128xi32, #tpu.memory_space<vmem>>
      %dma_start3A_77 = tpu.memref_squeeze %dma_start3A_76 : memref<1x128xi32, #tpu.memory_space<vmem>> -> memref<128xi32, #tpu.memory_space<vmem>>
      %dma_start3A_78 = arith.constant 0 : i32
      %dma_start3A_79 = arith.constant 0 : i32
      %dma_start3A_80 = tpu.memref_slice %arg2[%dma_start3A_78, %dma_start3A_79] : memref<10000x128xf32, #tpu.memory_space<hbm>> -> memref<10000x128xf32, #tpu.memory_space<hbm>>
      tpu.enqueue_indirect_dma source(%dma_start3A_80 : memref<10000x128xf32, #tpu.memory_space<hbm>>) target(%arg8 : memref<128x128xf32, #tpu.memory_space<vmem>>) offsets(%dma_start3A_77 : memref<128xi32, #tpu.memory_space<vmem>>) semaphore(%arg13 : memref<!tpu.dma_semaphore, #tpu.memory_space<semaphore_mem>>)
      %mul3A_81 = arith.constant 5 : i32
      %mul3A_82 = arith.muli %scan3A_38, %mul3A_81 : i32
      %add3A_83 = arith.constant 3 : i32
      %add3A_84 = arith.addi %mul3A_82, %add3A_83 : i32
      %gt3A_85 = arith.constant 0 : i32
      %gt3A_86 = arith.cmpi sgt, %scan3A_38, %gt3A_85 : i32
      %convert_element_type3A_87 = arith.extui %gt3A_86 : i1 to i32
      %cond3A_88 = arith.constant 0 : i32
      %cond3A_89 = arith.cmpi ne, %convert_element_type3A_87, %cond3A_88 : i32
      scf.if %cond3A_89 {
        %dma_wait3A_197 = arith.constant 0 : i32
        %dma_wait3A_198 = arith.constant 0 : i32
        %dma_wait3A_199 = tpu.memref_slice %arg4[%dma_wait3A_197, %dma_wait3A_198] : memref<327680x128xf32, #tpu.memory_space<hbm>> -> memref<128x128xf32, #tpu.memory_space<hbm>>
        %dma_wait3A_200 = arith.constant 0 : i32
        %dma_wait3A_201 = arith.constant 0 : i32
        %dma_wait3A_202 = tpu.memref_slice %arg4[%dma_wait3A_200, %dma_wait3A_201] : memref<327680x128xf32, #tpu.memory_space<hbm>> -> memref<128x128xf32, #tpu.memory_space<hbm>>
        tpu.wait_dma2 semaphore(%arg19 : memref<!tpu.dma_semaphore, #tpu.memory_space<semaphore_mem>>) src(%arg9 : memref<128x128xf32, #tpu.memory_space<vmem>>) dst(%dma_wait3A_202 : memref<128x128xf32, #tpu.memory_space<hbm>>)
      } else {
      }
      %dma_start3A_90 = arith.constant 0 : i32
      %dma_start3A_91 = tpu.memref_slice %arg5[%add3A_84, %dma_start3A_90] : memref<80x128xi32, #tpu.memory_space<vmem>> -> memref<1x128xi32, #tpu.memory_space<vmem>>
      %dma_start3A_92 = tpu.memref_squeeze %dma_start3A_91 : memref<1x128xi32, #tpu.memory_space<vmem>> -> memref<128xi32, #tpu.memory_space<vmem>>
      %dma_start3A_93 = arith.constant 0 : i32
      %dma_start3A_94 = arith.constant 0 : i32
      %dma_start3A_95 = tpu.memref_slice %arg2[%dma_start3A_93, %dma_start3A_94] : memref<10000x128xf32, #tpu.memory_space<hbm>> -> memref<10000x128xf32, #tpu.memory_space<hbm>>
      tpu.enqueue_indirect_dma source(%dma_start3A_95 : memref<10000x128xf32, #tpu.memory_space<hbm>>) target(%arg9 : memref<128x128xf32, #tpu.memory_space<vmem>>) offsets(%dma_start3A_92 : memref<128xi32, #tpu.memory_space<vmem>>) semaphore(%arg14 : memref<!tpu.dma_semaphore, #tpu.memory_space<semaphore_mem>>)
      %mul3A_96 = arith.constant 5 : i32
      %mul3A_97 = arith.muli %scan3A_38, %mul3A_96 : i32
      %add3A_98 = arith.constant 4 : i32
      %add3A_99 = arith.addi %mul3A_97, %add3A_98 : i32
      %gt3A_100 = arith.constant 0 : i32
      %gt3A_101 = arith.cmpi sgt, %scan3A_38, %gt3A_100 : i32
      %convert_element_type3A_102 = arith.extui %gt3A_101 : i1 to i32
      %cond3A_103 = arith.constant 0 : i32
      %cond3A_104 = arith.cmpi ne, %convert_element_type3A_102, %cond3A_103 : i32
      scf.if %cond3A_104 {
        %dma_wait3A_197 = arith.constant 0 : i32
        %dma_wait3A_198 = arith.constant 0 : i32
        %dma_wait3A_199 = tpu.memref_slice %arg4[%dma_wait3A_197, %dma_wait3A_198] : memref<327680x128xf32, #tpu.memory_space<hbm>> -> memref<128x128xf32, #tpu.memory_space<hbm>>
        %dma_wait3A_200 = arith.constant 0 : i32
        %dma_wait3A_201 = arith.constant 0 : i32
        %dma_wait3A_202 = tpu.memref_slice %arg4[%dma_wait3A_200, %dma_wait3A_201] : memref<327680x128xf32, #tpu.memory_space<hbm>> -> memref<128x128xf32, #tpu.memory_space<hbm>>
        tpu.wait_dma2 semaphore(%arg20 : memref<!tpu.dma_semaphore, #tpu.memory_space<semaphore_mem>>) src(%arg10 : memref<128x128xf32, #tpu.memory_space<vmem>>) dst(%dma_wait3A_202 : memref<128x128xf32, #tpu.memory_space<hbm>>)
      } else {
      }
      %dma_start3A_105 = arith.constant 0 : i32
      %dma_start3A_106 = tpu.memref_slice %arg5[%add3A_99, %dma_start3A_105] : memref<80x128xi32, #tpu.memory_space<vmem>> -> memref<1x128xi32, #tpu.memory_space<vmem>>
      %dma_start3A_107 = tpu.memref_squeeze %dma_start3A_106 : memref<1x128xi32, #tpu.memory_space<vmem>> -> memref<128xi32, #tpu.memory_space<vmem>>
      %dma_start3A_108 = arith.constant 0 : i32
      %dma_start3A_109 = arith.constant 0 : i32
      %dma_start3A_110 = tpu.memref_slice %arg2[%dma_start3A_108, %dma_start3A_109] : memref<10000x128xf32, #tpu.memory_space<hbm>> -> memref<10000x128xf32, #tpu.memory_space<hbm>>
      tpu.enqueue_indirect_dma source(%dma_start3A_110 : memref<10000x128xf32, #tpu.memory_space<hbm>>) target(%arg10 : memref<128x128xf32, #tpu.memory_space<vmem>>) offsets(%dma_start3A_107 : memref<128xi32, #tpu.memory_space<vmem>>) semaphore(%arg15 : memref<!tpu.dma_semaphore, #tpu.memory_space<semaphore_mem>>)
      %mul3A_111 = arith.constant 5 : i32
      %mul3A_112 = arith.muli %scan3A_38, %mul3A_111 : i32
      %add3A_113 = arith.constant 0 : i32
      %add3A_114 = arith.addi %mul3A_112, %add3A_113 : i32
      %dma_wait3A_115 = arith.constant 0 : i32
      %dma_wait3A_116 = tpu.memref_slice %arg5[%add3A_43, %dma_wait3A_115] : memref<80x128xi32, #tpu.memory_space<vmem>> -> memref<1x128xi32, #tpu.memory_space<vmem>>
      %dma_wait3A_117 = tpu.memref_squeeze %dma_wait3A_116 : memref<1x128xi32, #tpu.memory_space<vmem>> -> memref<128xi32, #tpu.memory_space<vmem>>
      %dma_wait3A_118 = arith.constant 0 : i32
      %dma_wait3A_119 = arith.constant 0 : i32
      %dma_wait3A_120 = tpu.memref_slice %arg2[%dma_wait3A_118, %dma_wait3A_119] : memref<10000x128xf32, #tpu.memory_space<hbm>> -> memref<10000x128xf32, #tpu.memory_space<hbm>>
      tpu.wait_indirect_dma semaphore(%arg11 : memref<!tpu.dma_semaphore, #tpu.memory_space<semaphore_mem>>) src(%dma_wait3A_120 : memref<10000x128xf32, #tpu.memory_space<hbm>>) dst(%arg6 : memref<128x128xf32, #tpu.memory_space<vmem>>)
      %mul3A_121 = arith.constant 128 : i32
      %mul3A_122 = arith.muli %add3A_114, %mul3A_121 : i32
      %add3A_123 = arith.addi %mul3A_2, %mul3A_122 : i32
      %dma_start3A_124 = arith.constant 0 : i32
      %dma_start3A_125 = tpu.memref_slice %arg4[%add3A_123, %dma_start3A_124] : memref<327680x128xf32, #tpu.memory_space<hbm>> -> memref<128x128xf32, #tpu.memory_space<hbm>>
      %dma_start3A_126 = arith.constant 0 : i32
      %dma_start3A_127 = tpu.memref_slice %arg4[%add3A_123, %dma_start3A_126] : memref<327680x128xf32, #tpu.memory_space<hbm>> -> memref<128x128xf32, #tpu.memory_space<hbm>>
      tpu.enqueue_dma source(%arg6 : memref<128x128xf32, #tpu.memory_space<vmem>>) target(%dma_start3A_127 : memref<128x128xf32, #tpu.memory_space<hbm>>) target_semaphore(%arg16 : memref<!tpu.dma_semaphore, #tpu.memory_space<semaphore_mem>>)
      %mul3A_128 = arith.constant 5 : i32
      %mul3A_129 = arith.muli %scan3A_38, %mul3A_128 : i32
      %add3A_130 = arith.constant 1 : i32
      %add3A_131 = arith.addi %mul3A_129, %add3A_130 : i32
      %dma_wait3A_132 = arith.constant 0 : i32
      %dma_wait3A_133 = tpu.memref_slice %arg5[%add3A_54, %dma_wait3A_132] : memref<80x128xi32, #tpu.memory_space<vmem>> -> memref<1x128xi32, #tpu.memory_space<vmem>>
      %dma_wait3A_134 = tpu.memref_squeeze %dma_wait3A_133 : memref<1x128xi32, #tpu.memory_space<vmem>> -> memref<128xi32, #tpu.memory_space<vmem>>
      %dma_wait3A_135 = arith.constant 0 : i32
      %dma_wait3A_136 = arith.constant 0 : i32
      %dma_wait3A_137 = tpu.memref_slice %arg2[%dma_wait3A_135, %dma_wait3A_136] : memref<10000x128xf32, #tpu.memory_space<hbm>> -> memref<10000x128xf32, #tpu.memory_space<hbm>>
      tpu.wait_indirect_dma semaphore(%arg12 : memref<!tpu.dma_semaphore, #tpu.memory_space<semaphore_mem>>) src(%dma_wait3A_137 : memref<10000x128xf32, #tpu.memory_space<hbm>>) dst(%arg7 : memref<128x128xf32, #tpu.memory_space<vmem>>)
      %mul3A_138 = arith.constant 128 : i32
      %mul3A_139 = arith.muli %add3A_131, %mul3A_138 : i32
      %add3A_140 = arith.addi %mul3A_2, %mul3A_139 : i32
      %dma_start3A_141 = arith.constant 0 : i32
      %dma_start3A_142 = tpu.memref_slice %arg4[%add3A_140, %dma_start3A_141] : memref<327680x128xf32, #tpu.memory_space<hbm>> -> memref<128x128xf32, #tpu.memory_space<hbm>>
      %dma_start3A_143 = arith.constant 0 : i32
      %dma_start3A_144 = tpu.memref_slice %arg4[%add3A_140, %dma_start3A_143] : memref<327680x128xf32, #tpu.memory_space<hbm>> -> memref<128x128xf32, #tpu.memory_space<hbm>>
      tpu.enqueue_dma source(%arg7 : memref<128x128xf32, #tpu.memory_space<vmem>>) target(%dma_start3A_144 : memref<128x128xf32, #tpu.memory_space<hbm>>) target_semaphore(%arg17 : memref<!tpu.dma_semaphore, #tpu.memory_space<semaphore_mem>>)
      %mul3A_145 = arith.constant 5 : i32
      %mul3A_146 = arith.muli %scan3A_38, %mul3A_145 : i32
      %add3A_147 = arith.constant 2 : i32
      %add3A_148 = arith.addi %mul3A_146, %add3A_147 : i32
      %dma_wait3A_149 = arith.constant 0 : i32
      %dma_wait3A_150 = tpu.memref_slice %arg5[%add3A_69, %dma_wait3A_149] : memref<80x128xi32, #tpu.memory_space<vmem>> -> memref<1x128xi32, #tpu.memory_space<vmem>>
      %dma_wait3A_151 = tpu.memref_squeeze %dma_wait3A_150 : memref<1x128xi32, #tpu.memory_space<vmem>> -> memref<128xi32, #tpu.memory_space<vmem>>
      %dma_wait3A_152 = arith.constant 0 : i32
      %dma_wait3A_153 = arith.constant 0 : i32
      %dma_wait3A_154 = tpu.memref_slice %arg2[%dma_wait3A_152, %dma_wait3A_153] : memref<10000x128xf32, #tpu.memory_space<hbm>> -> memref<10000x128xf32, #tpu.memory_space<hbm>>
      tpu.wait_indirect_dma semaphore(%arg13 : memref<!tpu.dma_semaphore, #tpu.memory_space<semaphore_mem>>) src(%dma_wait3A_154 : memref<10000x128xf32, #tpu.memory_space<hbm>>) dst(%arg8 : memref<128x128xf32, #tpu.memory_space<vmem>>)
      %mul3A_155 = arith.constant 128 : i32
      %mul3A_156 = arith.muli %add3A_148, %mul3A_155 : i32
      %add3A_157 = arith.addi %mul3A_2, %mul3A_156 : i32
      %dma_start3A_158 = arith.constant 0 : i32
      %dma_start3A_159 = tpu.memref_slice %arg4[%add3A_157, %dma_start3A_158] : memref<327680x128xf32, #tpu.memory_space<hbm>> -> memref<128x128xf32, #tpu.memory_space<hbm>>
      %dma_start3A_160 = arith.constant 0 : i32
      %dma_start3A_161 = tpu.memref_slice %arg4[%add3A_157, %dma_start3A_160] : memref<327680x128xf32, #tpu.memory_space<hbm>> -> memref<128x128xf32, #tpu.memory_space<hbm>>
      tpu.enqueue_dma source(%arg8 : memref<128x128xf32, #tpu.memory_space<vmem>>) target(%dma_start3A_161 : memref<128x128xf32, #tpu.memory_space<hbm>>) target_semaphore(%arg18 : memref<!tpu.dma_semaphore, #tpu.memory_space<semaphore_mem>>)
      %mul3A_162 = arith.constant 5 : i32
      %mul3A_163 = arith.muli %scan3A_38, %mul3A_162 : i32
      %add3A_164 = arith.constant 3 : i32
      %add3A_165 = arith.addi %mul3A_163, %add3A_164 : i32
      %dma_wait3A_166 = arith.constant 0 : i32
      %dma_wait3A_167 = tpu.memref_slice %arg5[%add3A_84, %dma_wait3A_166] : memref<80x128xi32, #tpu.memory_space<vmem>> -> memref<1x128xi32, #tpu.memory_space<vmem>>
      %dma_wait3A_168 = tpu.memref_squeeze %dma_wait3A_167 : memref<1x128xi32, #tpu.memory_space<vmem>> -> memref<128xi32, #tpu.memory_space<vmem>>
      %dma_wait3A_169 = arith.constant 0 : i32
      %dma_wait3A_170 = arith.constant 0 : i32
      %dma_wait3A_171 = tpu.memref_slice %arg2[%dma_wait3A_169, %dma_wait3A_170] : memref<10000x128xf32, #tpu.memory_space<hbm>> -> memref<10000x128xf32, #tpu.memory_space<hbm>>
      tpu.wait_indirect_dma semaphore(%arg14 : memref<!tpu.dma_semaphore, #tpu.memory_space<semaphore_mem>>) src(%dma_wait3A_171 : memref<10000x128xf32, #tpu.memory_space<hbm>>) dst(%arg9 : memref<128x128xf32, #tpu.memory_space<vmem>>)
      %mul3A_172 = arith.constant 128 : i32
      %mul3A_173 = arith.muli %add3A_165, %mul3A_172 : i32
      %add3A_174 = arith.addi %mul3A_2, %mul3A_173 : i32
      %dma_start3A_175 = arith.constant 0 : i32
      %dma_start3A_176 = tpu.memref_slice %arg4[%add3A_174, %dma_start3A_175] : memref<327680x128xf32, #tpu.memory_space<hbm>> -> memref<128x128xf32, #tpu.memory_space<hbm>>
      %dma_start3A_177 = arith.constant 0 : i32
      %dma_start3A_178 = tpu.memref_slice %arg4[%add3A_174, %dma_start3A_177] : memref<327680x128xf32, #tpu.memory_space<hbm>> -> memref<128x128xf32, #tpu.memory_space<hbm>>
      tpu.enqueue_dma source(%arg9 : memref<128x128xf32, #tpu.memory_space<vmem>>) target(%dma_start3A_178 : memref<128x128xf32, #tpu.memory_space<hbm>>) target_semaphore(%arg19 : memref<!tpu.dma_semaphore, #tpu.memory_space<semaphore_mem>>)
      %mul3A_179 = arith.constant 5 : i32
      %mul3A_180 = arith.muli %scan3A_38, %mul3A_179 : i32
      %add3A_181 = arith.constant 4 : i32
      %add3A_182 = arith.addi %mul3A_180, %add3A_181 : i32
      %dma_wait3A_183 = arith.constant 0 : i32
      %dma_wait3A_184 = tpu.memref_slice %arg5[%add3A_99, %dma_wait3A_183] : memref<80x128xi32, #tpu.memory_space<vmem>> -> memref<1x128xi32, #tpu.memory_space<vmem>>
      %dma_wait3A_185 = tpu.memref_squeeze %dma_wait3A_184 : memref<1x128xi32, #tpu.memory_space<vmem>> -> memref<128xi32, #tpu.memory_space<vmem>>
      %dma_wait3A_186 = arith.constant 0 : i32
      %dma_wait3A_187 = arith.constant 0 : i32
      %dma_wait3A_188 = tpu.memref_slice %arg2[%dma_wait3A_186, %dma_wait3A_187] : memref<10000x128xf32, #tpu.memory_space<hbm>> -> memref<10000x128xf32, #tpu.memory_space<hbm>>
      tpu.wait_indirect_dma semaphore(%arg15 : memref<!tpu.dma_semaphore, #tpu.memory_space<semaphore_mem>>) src(%dma_wait3A_188 : memref<10000x128xf32, #tpu.memory_space<hbm>>) dst(%arg10 : memref<128x128xf32, #tpu.memory_space<vmem>>)
      %mul3A_189 = arith.constant 128 : i32
      %mul3A_190 = arith.muli %add3A_182, %mul3A_189 : i32
      %add3A_191 = arith.addi %mul3A_2, %mul3A_190 : i32
      %dma_start3A_192 = arith.constant 0 : i32
      %dma_start3A_193 = tpu.memref_slice %arg4[%add3A_191, %dma_start3A_192] : memref<327680x128xf32, #tpu.memory_space<hbm>> -> memref<128x128xf32, #tpu.memory_space<hbm>>
      %dma_start3A_194 = arith.constant 0 : i32
      %dma_start3A_195 = tpu.memref_slice %arg4[%add3A_191, %dma_start3A_194] : memref<327680x128xf32, #tpu.memory_space<hbm>> -> memref<128x128xf32, #tpu.memory_space<hbm>>
      tpu.enqueue_dma source(%arg10 : memref<128x128xf32, #tpu.memory_space<vmem>>) target(%dma_start3A_195 : memref<128x128xf32, #tpu.memory_space<hbm>>) target_semaphore(%arg20 : memref<!tpu.dma_semaphore, #tpu.memory_space<semaphore_mem>>)
      %scan3A_196 = arith.constant 0 : i32
      scf.yield %scan3A_196 : i32
    }
    %scan3A_8 = arith.constant 16 : i32
    %dma_wait3A = arith.constant 0 : i32
    %dma_wait3A_9 = arith.constant 0 : i32
    %dma_wait3A_10 = tpu.memref_slice %arg4[%dma_wait3A, %dma_wait3A_9] : memref<327680x128xf32, #tpu.memory_space<hbm>> -> memref<128x128xf32, #tpu.memory_space<hbm>>
    %dma_wait3A_11 = arith.constant 0 : i32
    %dma_wait3A_12 = arith.constant 0 : i32
    %dma_wait3A_13 = tpu.memref_slice %arg4[%dma_wait3A_11, %dma_wait3A_12] : memref<327680x128xf32, #tpu.memory_space<hbm>> -> memref<128x128xf32, #tpu.memory_space<hbm>>
    tpu.wait_dma2 semaphore(%arg16 : memref<!tpu.dma_semaphore, #tpu.memory_space<semaphore_mem>>) src(%arg6 : memref<128x128xf32, #tpu.memory_space<vmem>>) dst(%dma_wait3A_13 : memref<128x128xf32, #tpu.memory_space<hbm>>)
    %dma_wait3A_14 = arith.constant 0 : i32
    %dma_wait3A_15 = arith.constant 0 : i32
    %dma_wait3A_16 = tpu.memref_slice %arg4[%dma_wait3A_14, %dma_wait3A_15] : memref<327680x128xf32, #tpu.memory_space<hbm>> -> memref<128x128xf32, #tpu.memory_space<hbm>>
    %dma_wait3A_17 = arith.constant 0 : i32
    %dma_wait3A_18 = arith.constant 0 : i32
    %dma_wait3A_19 = tpu.memref_slice %arg4[%dma_wait3A_17, %dma_wait3A_18] : memref<327680x128xf32, #tpu.memory_space<hbm>> -> memref<128x128xf32, #tpu.memory_space<hbm>>
    tpu.wait_dma2 semaphore(%arg17 : memref<!tpu.dma_semaphore, #tpu.memory_space<semaphore_mem>>) src(%arg7 : memref<128x128xf32, #tpu.memory_space<vmem>>) dst(%dma_wait3A_19 : memref<128x128xf32, #tpu.memory_space<hbm>>)
    %dma_wait3A_20 = arith.constant 0 : i32
    %dma_wait3A_21 = arith.constant 0 : i32
    %dma_wait3A_22 = tpu.memref_slice %arg4[%dma_wait3A_20, %dma_wait3A_21] : memref<327680x128xf32, #tpu.memory_space<hbm>> -> memref<128x128xf32, #tpu.memory_space<hbm>>
    %dma_wait3A_23 = arith.constant 0 : i32
    %dma_wait3A_24 = arith.constant 0 : i32
    %dma_wait3A_25 = tpu.memref_slice %arg4[%dma_wait3A_23, %dma_wait3A_24] : memref<327680x128xf32, #tpu.memory_space<hbm>> -> memref<128x128xf32, #tpu.memory_space<hbm>>
    tpu.wait_dma2 semaphore(%arg18 : memref<!tpu.dma_semaphore, #tpu.memory_space<semaphore_mem>>) src(%arg8 : memref<128x128xf32, #tpu.memory_space<vmem>>) dst(%dma_wait3A_25 : memref<128x128xf32, #tpu.memory_space<hbm>>)
    %dma_wait3A_26 = arith.constant 0 : i32
    %dma_wait3A_27 = arith.constant 0 : i32
    %dma_wait3A_28 = tpu.memref_slice %arg4[%dma_wait3A_26, %dma_wait3A_27] : memref<327680x128xf32, #tpu.memory_space<hbm>> -> memref<128x128xf32, #tpu.memory_space<hbm>>
    %dma_wait3A_29 = arith.constant 0 : i32
    %dma_wait3A_30 = arith.constant 0 : i32
    %dma_wait3A_31 = tpu.memref_slice %arg4[%dma_wait3A_29, %dma_wait3A_30] : memref<327680x128xf32, #tpu.memory_space<hbm>> -> memref<128x128xf32, #tpu.memory_space<hbm>>
    tpu.wait_dma2 semaphore(%arg19 : memref<!tpu.dma_semaphore, #tpu.memory_space<semaphore_mem>>) src(%arg9 : memref<128x128xf32, #tpu.memory_space<vmem>>) dst(%dma_wait3A_31 : memref<128x128xf32, #tpu.memory_space<hbm>>)
    %dma_wait3A_32 = arith.constant 0 : i32
    %dma_wait3A_33 = arith.constant 0 : i32
    %dma_wait3A_34 = tpu.memref_slice %arg4[%dma_wait3A_32, %dma_wait3A_33] : memref<327680x128xf32, #tpu.memory_space<hbm>> -> memref<128x128xf32, #tpu.memory_space<hbm>>
    %dma_wait3A_35 = arith.constant 0 : i32
    %dma_wait3A_36 = arith.constant 0 : i32
    %dma_wait3A_37 = tpu.memref_slice %arg4[%dma_wait3A_35, %dma_wait3A_36] : memref<327680x128xf32, #tpu.memory_space<hbm>> -> memref<128x128xf32, #tpu.memory_space<hbm>>
    tpu.wait_dma2 semaphore(%arg20 : memref<!tpu.dma_semaphore, #tpu.memory_space<semaphore_mem>>) src(%arg10 : memref<128x128xf32, #tpu.memory_space<vmem>>) dst(%dma_wait3A_37 : memref<128x128xf32, #tpu.memory_space<hbm>>)
    return
  }
}

#map = affine_map<(d0, d1) -> (0, 0)>
#map1 = affine_map<(d0, d1) -> (0, 0, 0)>
module attributes {stable_mosaic.version = 14 : i64} {
  func.func @body_fn(%arg0: i32, %arg1: i32, %arg2: memref<10000x128xf32, #tpu.memory_space<hbm>>, %arg3: memref<32x80x128xi32, #tpu.memory_space<hbm>>, %arg4: memref<327680x128xf32, #tpu.memory_space<hbm>>, %arg5: memref<80x128xi32, #tpu.memory_space<vmem>>, %arg6: memref<128x128xf32, #tpu.memory_space<vmem>>, %arg7: memref<128x128xf32, #tpu.memory_space<vmem>>, %arg8: memref<128x128xf32, #tpu.memory_space<vmem>>, %arg9: memref<128x128xf32, #tpu.memory_space<vmem>>, %arg10: memref<128x128xf32, #tpu.memory_space<vmem>>, %arg11: memref<!tpu.dma_semaphore, #tpu.memory_space<semaphore_mem>>, %arg12: memref<!tpu.dma_semaphore, #tpu.memory_space<semaphore_mem>>, %arg13: memref<!tpu.dma_semaphore, #tpu.memory_space<semaphore_mem>>, %arg14: memref<!tpu.dma_semaphore, #tpu.memory_space<semaphore_mem>>, %arg15: memref<!tpu.dma_semaphore, #tpu.memory_space<semaphore_mem>>, %arg16: memref<!tpu.dma_semaphore, #tpu.memory_space<semaphore_mem>>, %arg17: memref<!tpu.dma_semaphore, #tpu.memory_space<semaphore_mem>>, %arg18: memref<!tpu.dma_semaphore, #tpu.memory_space<semaphore_mem>>, %arg19: memref<!tpu.dma_semaphore, #tpu.memory_space<semaphore_mem>>, %arg20: memref<!tpu.dma_semaphore, #tpu.memory_space<semaphore_mem>>) attributes {dimension_semantics = [#tpu.dimension_semantics<core_parallel>, #tpu.dimension_semantics<subcore_parallel>], iteration_bounds = array<i64: 2, 16>, scalar_prefetch = 0 : i64, scratch_operands = 16 : i64, tpu.core_type = #tpu.core_type<sc_vector_subcore>, window_params = [{transform_indices = #map}, {transform_indices = #map1}, {transform_indices = #map}]} {
    %mul3A = arith.constant 2 : i32
    %mul3A_0 = arith.muli %arg1, %mul3A : i32
    %add3A = arith.addi %mul3A_0, %arg0 : i32
    %mul3A_1 = arith.constant 10240 : i32
    %mul3A_2 = arith.muli %add3A, %mul3A_1 : i32
    "tpu.region"() ({
      %run_scoped3A = tpu.sem_alloc : memref<!tpu.dma_semaphore, #tpu.memory_space<semaphore_mem>>
      %dma_start3A = arith.constant 0 : i32
      %dma_start3A_38 = arith.constant 0 : i32
      %dma_start3A_39 = tpu.memref_slice %arg3[%add3A, %dma_start3A, %dma_start3A_38] : memref<32x80x128xi32, #tpu.memory_space<hbm>> -> memref<1x80x128xi32, #tpu.memory_space<hbm>>
      %dma_start3A_40 = tpu.memref_squeeze %dma_start3A_39 : memref<1x80x128xi32, #tpu.memory_space<hbm>> -> memref<80x128xi32, #tpu.memory_space<hbm>>
      %dma_start3A_41 = arith.constant 0 : i32
      %dma_start3A_42 = arith.constant 0 : i32
      %dma_start3A_43 = tpu.memref_slice %arg3[%add3A, %dma_start3A_41, %dma_start3A_42] : memref<32x80x128xi32, #tpu.memory_space<hbm>> -> memref<1x80x128xi32, #tpu.memory_space<hbm>>
      %dma_start3A_44 = tpu.memref_squeeze %dma_start3A_43 : memref<1x80x128xi32, #tpu.memory_space<hbm>> -> memref<80x128xi32, #tpu.memory_space<hbm>>
      tpu.enqueue_dma source(%dma_start3A_44 : memref<80x128xi32, #tpu.memory_space<hbm>>) target(%arg5 : memref<80x128xi32, #tpu.memory_space<vmem>>) target_semaphore(%run_scoped3A : memref<!tpu.dma_semaphore, #tpu.memory_space<semaphore_mem>>)
      %dma_wait3A_45 = arith.constant 0 : i32
      %dma_wait3A_46 = arith.constant 0 : i32
      %dma_wait3A_47 = tpu.memref_slice %arg3[%add3A, %dma_wait3A_45, %dma_wait3A_46] : memref<32x80x128xi32, #tpu.memory_space<hbm>> -> memref<1x80x128xi32, #tpu.memory_space<hbm>>
      %dma_wait3A_48 = tpu.memref_squeeze %dma_wait3A_47 : memref<1x80x128xi32, #tpu.memory_space<hbm>> -> memref<80x128xi32, #tpu.memory_space<hbm>>
      %dma_wait3A_49 = arith.constant 0 : i32
      %dma_wait3A_50 = arith.constant 0 : i32
      %dma_wait3A_51 = tpu.memref_slice %arg3[%add3A, %dma_wait3A_49, %dma_wait3A_50] : memref<32x80x128xi32, #tpu.memory_space<hbm>> -> memref<1x80x128xi32, #tpu.memory_space<hbm>>
      %dma_wait3A_52 = tpu.memref_squeeze %dma_wait3A_51 : memref<1x80x128xi32, #tpu.memory_space<hbm>> -> memref<80x128xi32, #tpu.memory_space<hbm>>
      tpu.wait_dma2 semaphore(%run_scoped3A : memref<!tpu.dma_semaphore, #tpu.memory_space<semaphore_mem>>) src(%dma_wait3A_52 : memref<80x128xi32, #tpu.memory_space<hbm>>) dst(%arg5 : memref<80x128xi32, #tpu.memory_space<vmem>>)
      tpu.yield
    }) : () -> ()
    %scan3A = arith.constant 0 : i32
    %scan3A_3 = arith.constant 0 : i32
    %scan3A_4 = arith.constant 16 : i32
    %scan3A_5 = arith.addi %scan3A_3, %scan3A_4 : i32
    %scan3A_6 = arith.constant 1 : i32
    %scan3A_7 = scf.for %scan3A_38 = %scan3A_3 to %scan3A_5 step %scan3A_6 iter_args(%scan3A_39 = %scan3A) -> (i32)  : i32 {
      %mul3A_40 = arith.constant 5 : i32
      %mul3A_41 = arith.muli %scan3A_38, %mul3A_40 : i32
      %add3A_42 = arith.constant 0 : i32
      %add3A_43 = arith.addi %mul3A_41, %add3A_42 : i32
      %gt3A = arith.constant 0 : i32
      %gt3A_44 = arith.cmpi sgt, %scan3A_38, %gt3A : i32
      %convert_element_type3A = arith.extui %gt3A_44 : i1 to i32
      %cond3A = arith.constant 0 : i32
      %cond3A_45 = arith.cmpi ne, %convert_element_type3A, %cond3A : i32
      scf.if %cond3A_45 {
        %dma_wait3A_197 = arith.constant 0 : i32
        %dma_wait3A_198 = arith.constant 0 : i32
        %dma_wait3A_199 = tpu.memref_slice %arg4[%dma_wait3A_197, %dma_wait3A_198] : memref<327680x128xf32, #tpu.memory_space<hbm>> -> memref<128x128xf32, #tpu.memory_space<hbm>>
        %dma_wait3A_200 = arith.constant 0 : i32
        %dma_wait3A_201 = arith.constant 0 : i32
        %dma_wait3A_202 = tpu.memref_slice %arg4[%dma_wait3A_200, %dma_wait3A_201] : memref<327680x128xf32, #tpu.memory_space<hbm>> -> memref<128x128xf32, #tpu.memory_space<hbm>>
        tpu.wait_dma2 semaphore(%arg16 : memref<!tpu.dma_semaphore, #tpu.memory_space<semaphore_mem>>) src(%arg6 : memref<128x128xf32, #tpu.memory_space<vmem>>) dst(%dma_wait3A_202 : memref<128x128xf32, #tpu.memory_space<hbm>>)
      } else {
      }
      %dma_start3A = arith.constant 0 : i32
      %dma_start3A_46 = tpu.memref_slice %arg5[%add3A_43, %dma_start3A] : memref<80x128xi32, #tpu.memory_space<vmem>> -> memref<1x128xi32, #tpu.memory_space<vmem>>
      %dma_start3A_47 = tpu.memref_squeeze %dma_start3A_46 : memref<1x128xi32, #tpu.memory_space<vmem>> -> memref<128xi32, #tpu.memory_space<vmem>>
      %dma_start3A_48 = arith.constant 0 : i32
      %dma_start3A_49 = arith.constant 0 : i32
      %dma_start3A_50 = tpu.memref_slice %arg2[%dma_start3A_48, %dma_start3A_49] : memref<10000x128xf32, #tpu.memory_space<hbm>> -> memref<10000x128xf32, #tpu.memory_space<hbm>>
      tpu.enqueue_indirect_dma source(%dma_start3A_50 : memref<10000x128xf32, #tpu.memory_space<hbm>>) target(%arg6 : memref<128x128xf32, #tpu.memory_space<vmem>>) offsets(%dma_start3A_47 : memref<128xi32, #tpu.memory_space<vmem>>) semaphore(%arg11 : memref<!tpu.dma_semaphore, #tpu.memory_space<semaphore_mem>>)
      %mul3A_51 = arith.constant 5 : i32
      %mul3A_52 = arith.muli %scan3A_38, %mul3A_51 : i32
      %add3A_53 = arith.constant 1 : i32
      %add3A_54 = arith.addi %mul3A_52, %add3A_53 : i32
      %gt3A_55 = arith.constant 0 : i32
      %gt3A_56 = arith.cmpi sgt, %scan3A_38, %gt3A_55 : i32
      %convert_element_type3A_57 = arith.extui %gt3A_56 : i1 to i32
      %cond3A_58 = arith.constant 0 : i32
      %cond3A_59 = arith.cmpi ne, %convert_element_type3A_57, %cond3A_58 : i32
      scf.if %cond3A_59 {
        %dma_wait3A_197 = arith.constant 0 : i32
        %dma_wait3A_198 = arith.constant 0 : i32
        %dma_wait3A_199 = tpu.memref_slice %arg4[%dma_wait3A_197, %dma_wait3A_198] : memref<327680x128xf32, #tpu.memory_space<hbm>> -> memref<128x128xf32, #tpu.memory_space<hbm>>
        %dma_wait3A_200 = arith.constant 0 : i32
        %dma_wait3A_201 = arith.constant 0 : i32
        %dma_wait3A_202 = tpu.memref_slice %arg4[%dma_wait3A_200, %dma_wait3A_201] : memref<327680x128xf32, #tpu.memory_space<hbm>> -> memref<128x128xf32, #tpu.memory_space<hbm>>
        tpu.wait_dma2 semaphore(%arg17 : memref<!tpu.dma_semaphore, #tpu.memory_space<semaphore_mem>>) src(%arg7 : memref<128x128xf32, #tpu.memory_space<vmem>>) dst(%dma_wait3A_202 : memref<128x128xf32, #tpu.memory_space<hbm>>)
      } else {
      }
      %dma_start3A_60 = arith.constant 0 : i32
      %dma_start3A_61 = tpu.memref_slice %arg5[%add3A_54, %dma_start3A_60] : memref<80x128xi32, #tpu.memory_space<vmem>> -> memref<1x128xi32, #tpu.memory_space<vmem>>
      %dma_start3A_62 = tpu.memref_squeeze %dma_start3A_61 : memref<1x128xi32, #tpu.memory_space<vmem>> -> memref<128xi32, #tpu.memory_space<vmem>>
      %dma_start3A_63 = arith.constant 0 : i32
      %dma_start3A_64 = arith.constant 0 : i32
      %dma_start3A_65 = tpu.memref_slice %arg2[%dma_start3A_63, %dma_start3A_64] : memref<10000x128xf32, #tpu.memory_space<hbm>> -> memref<10000x128xf32, #tpu.memory_space<hbm>>
      tpu.enqueue_indirect_dma source(%dma_start3A_65 : memref<10000x128xf32, #tpu.memory_space<hbm>>) target(%arg7 : memref<128x128xf32, #tpu.memory_space<vmem>>) offsets(%dma_start3A_62 : memref<128xi32, #tpu.memory_space<vmem>>) semaphore(%arg12 : memref<!tpu.dma_semaphore, #tpu.memory_space<semaphore_mem>>)
      %mul3A_66 = arith.constant 5 : i32
      %mul3A_67 = arith.muli %scan3A_38, %mul3A_66 : i32
      %add3A_68 = arith.constant 2 : i32
      %add3A_69 = arith.addi %mul3A_67, %add3A_68 : i32
      %gt3A_70 = arith.constant 0 : i32
      %gt3A_71 = arith.cmpi sgt, %scan3A_38, %gt3A_70 : i32
      %convert_element_type3A_72 = arith.extui %gt3A_71 : i1 to i32
      %cond3A_73 = arith.constant 0 : i32
      %cond3A_74 = arith.cmpi ne, %convert_element_type3A_72, %cond3A_73 : i32
      scf.if %cond3A_74 {
        %dma_wait3A_197 = arith.constant 0 : i32
        %dma_wait3A_198 = arith.constant 0 : i32
        %dma_wait3A_199 = tpu.memref_slice %arg4[%dma_wait3A_197, %dma_wait3A_198] : memref<327680x128xf32, #tpu.memory_space<hbm>> -> memref<128x128xf32, #tpu.memory_space<hbm>>
        %dma_wait3A_200 = arith.constant 0 : i32
        %dma_wait3A_201 = arith.constant 0 : i32
        %dma_wait3A_202 = tpu.memref_slice %arg4[%dma_wait3A_200, %dma_wait3A_201] : memref<327680x128xf32, #tpu.memory_space<hbm>> -> memref<128x128xf32, #tpu.memory_space<hbm>>
        tpu.wait_dma2 semaphore(%arg18 : memref<!tpu.dma_semaphore, #tpu.memory_space<semaphore_mem>>) src(%arg8 : memref<128x128xf32, #tpu.memory_space<vmem>>) dst(%dma_wait3A_202 : memref<128x128xf32, #tpu.memory_space<hbm>>)
      } else {
      }
      %dma_start3A_75 = arith.constant 0 : i32
      %dma_start3A_76 = tpu.memref_slice %arg5[%add3A_69, %dma_start3A_75] : memref<80x128xi32, #tpu.memory_space<vmem>> -> memref<1x128xi32, #tpu.memory_space<vmem>>
      %dma_start3A_77 = tpu.memref_squeeze %dma_start3A_76 : memref<1x128xi32, #tpu.memory_space<vmem>> -> memref<128xi32, #tpu.memory_space<vmem>>
      %dma_start3A_78 = arith.constant 0 : i32
      %dma_start3A_79 = arith.constant 0 : i32
      %dma_start3A_80 = tpu.memref_slice %arg2[%dma_start3A_78, %dma_start3A_79] : memref<10000x128xf32, #tpu.memory_space<hbm>> -> memref<10000x128xf32, #tpu.memory_space<hbm>>
      tpu.enqueue_indirect_dma source(%dma_start3A_80 : memref<10000x128xf32, #tpu.memory_space<hbm>>) target(%arg8 : memref<128x128xf32, #tpu.memory_space<vmem>>) offsets(%dma_start3A_77 : memref<128xi32, #tpu.memory_space<vmem>>) semaphore(%arg13 : memref<!tpu.dma_semaphore, #tpu.memory_space<semaphore_mem>>)
      %mul3A_81 = arith.constant 5 : i32
      %mul3A_82 = arith.muli %scan3A_38, %mul3A_81 : i32
      %add3A_83 = arith.constant 3 : i32
      %add3A_84 = arith.addi %mul3A_82, %add3A_83 : i32
      %gt3A_85 = arith.constant 0 : i32
      %gt3A_86 = arith.cmpi sgt, %scan3A_38, %gt3A_85 : i32
      %convert_element_type3A_87 = arith.extui %gt3A_86 : i1 to i32
      %cond3A_88 = arith.constant 0 : i32
      %cond3A_89 = arith.cmpi ne, %convert_element_type3A_87, %cond3A_88 : i32
      scf.if %cond3A_89 {
        %dma_wait3A_197 = arith.constant 0 : i32
        %dma_wait3A_198 = arith.constant 0 : i32
        %dma_wait3A_199 = tpu.memref_slice %arg4[%dma_wait3A_197, %dma_wait3A_198] : memref<327680x128xf32, #tpu.memory_space<hbm>> -> memref<128x128xf32, #tpu.memory_space<hbm>>
        %dma_wait3A_200 = arith.constant 0 : i32
        %dma_wait3A_201 = arith.constant 0 : i32
        %dma_wait3A_202 = tpu.memref_slice %arg4[%dma_wait3A_200, %dma_wait3A_201] : memref<327680x128xf32, #tpu.memory_space<hbm>> -> memref<128x128xf32, #tpu.memory_space<hbm>>
        tpu.wait_dma2 semaphore(%arg19 : memref<!tpu.dma_semaphore, #tpu.memory_space<semaphore_mem>>) src(%arg9 : memref<128x128xf32, #tpu.memory_space<vmem>>) dst(%dma_wait3A_202 : memref<128x128xf32, #tpu.memory_space<hbm>>)
      } else {
      }
      %dma_start3A_90 = arith.constant 0 : i32
      %dma_start3A_91 = tpu.memref_slice %arg5[%add3A_84, %dma_start3A_90] : memref<80x128xi32, #tpu.memory_space<vmem>> -> memref<1x128xi32, #tpu.memory_space<vmem>>
      %dma_start3A_92 = tpu.memref_squeeze %dma_start3A_91 : memref<1x128xi32, #tpu.memory_space<vmem>> -> memref<128xi32, #tpu.memory_space<vmem>>
      %dma_start3A_93 = arith.constant 0 : i32
      %dma_start3A_94 = arith.constant 0 : i32
      %dma_start3A_95 = tpu.memref_slice %arg2[%dma_start3A_93, %dma_start3A_94] : memref<10000x128xf32, #tpu.memory_space<hbm>> -> memref<10000x128xf32, #tpu.memory_space<hbm>>
      tpu.enqueue_indirect_dma source(%dma_start3A_95 : memref<10000x128xf32, #tpu.memory_space<hbm>>) target(%arg9 : memref<128x128xf32, #tpu.memory_space<vmem>>) offsets(%dma_start3A_92 : memref<128xi32, #tpu.memory_space<vmem>>) semaphore(%arg14 : memref<!tpu.dma_semaphore, #tpu.memory_space<semaphore_mem>>)
      %mul3A_96 = arith.constant 5 : i32
      %mul3A_97 = arith.muli %scan3A_38, %mul3A_96 : i32
      %add3A_98 = arith.constant 4 : i32
      %add3A_99 = arith.addi %mul3A_97, %add3A_98 : i32
      %gt3A_100 = arith.constant 0 : i32
      %gt3A_101 = arith.cmpi sgt, %scan3A_38, %gt3A_100 : i32
      %convert_element_type3A_102 = arith.extui %gt3A_101 : i1 to i32
      %cond3A_103 = arith.constant 0 : i32
      %cond3A_104 = arith.cmpi ne, %convert_element_type3A_102, %cond3A_103 : i32
      scf.if %cond3A_104 {
        %dma_wait3A_197 = arith.constant 0 : i32
        %dma_wait3A_198 = arith.constant 0 : i32
        %dma_wait3A_199 = tpu.memref_slice %arg4[%dma_wait3A_197, %dma_wait3A_198] : memref<327680x128xf32, #tpu.memory_space<hbm>> -> memref<128x128xf32, #tpu.memory_space<hbm>>
        %dma_wait3A_200 = arith.constant 0 : i32
        %dma_wait3A_201 = arith.constant 0 : i32
        %dma_wait3A_202 = tpu.memref_slice %arg4[%dma_wait3A_200, %dma_wait3A_201] : memref<327680x128xf32, #tpu.memory_space<hbm>> -> memref<128x128xf32, #tpu.memory_space<hbm>>
        tpu.wait_dma2 semaphore(%arg20 : memref<!tpu.dma_semaphore, #tpu.memory_space<semaphore_mem>>) src(%arg10 : memref<128x128xf32, #tpu.memory_space<vmem>>) dst(%dma_wait3A_202 : memref<128x128xf32, #tpu.memory_space<hbm>>)
      } else {
      }
      %dma_start3A_105 = arith.constant 0 : i32
      %dma_start3A_106 = tpu.memref_slice %arg5[%add3A_99, %dma_start3A_105] : memref<80x128xi32, #tpu.memory_space<vmem>> -> memref<1x128xi32, #tpu.memory_space<vmem>>
      %dma_start3A_107 = tpu.memref_squeeze %dma_start3A_106 : memref<1x128xi32, #tpu.memory_space<vmem>> -> memref<128xi32, #tpu.memory_space<vmem>>
      %dma_start3A_108 = arith.constant 0 : i32
      %dma_start3A_109 = arith.constant 0 : i32
      %dma_start3A_110 = tpu.memref_slice %arg2[%dma_start3A_108, %dma_start3A_109] : memref<10000x128xf32, #tpu.memory_space<hbm>> -> memref<10000x128xf32, #tpu.memory_space<hbm>>
      tpu.enqueue_indirect_dma source(%dma_start3A_110 : memref<10000x128xf32, #tpu.memory_space<hbm>>) target(%arg10 : memref<128x128xf32, #tpu.memory_space<vmem>>) offsets(%dma_start3A_107 : memref<128xi32, #tpu.memory_space<vmem>>) semaphore(%arg15 : memref<!tpu.dma_semaphore, #tpu.memory_space<semaphore_mem>>)
      %mul3A_111 = arith.constant 5 : i32
      %mul3A_112 = arith.muli %scan3A_38, %mul3A_111 : i32
      %add3A_113 = arith.constant 0 : i32
      %add3A_114 = arith.addi %mul3A_112, %add3A_113 : i32
      %dma_wait3A_115 = arith.constant 0 : i32
      %dma_wait3A_116 = tpu.memref_slice %arg5[%add3A_43, %dma_wait3A_115] : memref<80x128xi32, #tpu.memory_space<vmem>> -> memref<1x128xi32, #tpu.memory_space<vmem>>
      %dma_wait3A_117 = tpu.memref_squeeze %dma_wait3A_116 : memref<1x128xi32, #tpu.memory_space<vmem>> -> memref<128xi32, #tpu.memory_space<vmem>>
      %dma_wait3A_118 = arith.constant 0 : i32
      %dma_wait3A_119 = arith.constant 0 : i32
      %dma_wait3A_120 = tpu.memref_slice %arg2[%dma_wait3A_118, %dma_wait3A_119] : memref<10000x128xf32, #tpu.memory_space<hbm>> -> memref<10000x128xf32, #tpu.memory_space<hbm>>
      tpu.wait_indirect_dma semaphore(%arg11 : memref<!tpu.dma_semaphore, #tpu.memory_space<semaphore_mem>>) src(%dma_wait3A_120 : memref<10000x128xf32, #tpu.memory_space<hbm>>) dst(%arg6 : memref<128x128xf32, #tpu.memory_space<vmem>>)
      %mul3A_121 = arith.constant 128 : i32
      %mul3A_122 = arith.muli %add3A_114, %mul3A_121 : i32
      %add3A_123 = arith.addi %mul3A_2, %mul3A_122 : i32
      %dma_start3A_124 = arith.constant 0 : i32
      %dma_start3A_125 = tpu.memref_slice %arg4[%add3A_123, %dma_start3A_124] : memref<327680x128xf32, #tpu.memory_space<hbm>> -> memref<128x128xf32, #tpu.memory_space<hbm>>
      %dma_start3A_126 = arith.constant 0 : i32
      %dma_start3A_127 = tpu.memref_slice %arg4[%add3A_123, %dma_start3A_126] : memref<327680x128xf32, #tpu.memory_space<hbm>> -> memref<128x128xf32, #tpu.memory_space<hbm>>
      tpu.enqueue_dma source(%arg6 : memref<128x128xf32, #tpu.memory_space<vmem>>) target(%dma_start3A_127 : memref<128x128xf32, #tpu.memory_space<hbm>>) target_semaphore(%arg16 : memref<!tpu.dma_semaphore, #tpu.memory_space<semaphore_mem>>)
      %mul3A_128 = arith.constant 5 : i32
      %mul3A_129 = arith.muli %scan3A_38, %mul3A_128 : i32
      %add3A_130 = arith.constant 1 : i32
      %add3A_131 = arith.addi %mul3A_129, %add3A_130 : i32
      %dma_wait3A_132 = arith.constant 0 : i32
      %dma_wait3A_133 = tpu.memref_slice %arg5[%add3A_54, %dma_wait3A_132] : memref<80x128xi32, #tpu.memory_space<vmem>> -> memref<1x128xi32, #tpu.memory_space<vmem>>
      %dma_wait3A_134 = tpu.memref_squeeze %dma_wait3A_133 : memref<1x128xi32, #tpu.memory_space<vmem>> -> memref<128xi32, #tpu.memory_space<vmem>>
      %dma_wait3A_135 = arith.constant 0 : i32
      %dma_wait3A_136 = arith.constant 0 : i32
      %dma_wait3A_137 = tpu.memref_slice %arg2[%dma_wait3A_135, %dma_wait3A_136] : memref<10000x128xf32, #tpu.memory_space<hbm>> -> memref<10000x128xf32, #tpu.memory_space<hbm>>
      tpu.wait_indirect_dma semaphore(%arg12 : memref<!tpu.dma_semaphore, #tpu.memory_space<semaphore_mem>>) src(%dma_wait3A_137 : memref<10000x128xf32, #tpu.memory_space<hbm>>) dst(%arg7 : memref<128x128xf32, #tpu.memory_space<vmem>>)
      %mul3A_138 = arith.constant 128 : i32
      %mul3A_139 = arith.muli %add3A_131, %mul3A_138 : i32
      %add3A_140 = arith.addi %mul3A_2, %mul3A_139 : i32
      %dma_start3A_141 = arith.constant 0 : i32
      %dma_start3A_142 = tpu.memref_slice %arg4[%add3A_140, %dma_start3A_141] : memref<327680x128xf32, #tpu.memory_space<hbm>> -> memref<128x128xf32, #tpu.memory_space<hbm>>
      %dma_start3A_143 = arith.constant 0 : i32
      %dma_start3A_144 = tpu.memref_slice %arg4[%add3A_140, %dma_start3A_143] : memref<327680x128xf32, #tpu.memory_space<hbm>> -> memref<128x128xf32, #tpu.memory_space<hbm>>
      tpu.enqueue_dma source(%arg7 : memref<128x128xf32, #tpu.memory_space<vmem>>) target(%dma_start3A_144 : memref<128x128xf32, #tpu.memory_space<hbm>>) target_semaphore(%arg17 : memref<!tpu.dma_semaphore, #tpu.memory_space<semaphore_mem>>)
      %mul3A_145 = arith.constant 5 : i32
      %mul3A_146 = arith.muli %scan3A_38, %mul3A_145 : i32
      %add3A_147 = arith.constant 2 : i32
      %add3A_148 = arith.addi %mul3A_146, %add3A_147 : i32
      %dma_wait3A_149 = arith.constant 0 : i32
      %dma_wait3A_150 = tpu.memref_slice %arg5[%add3A_69, %dma_wait3A_149] : memref<80x128xi32, #tpu.memory_space<vmem>> -> memref<1x128xi32, #tpu.memory_space<vmem>>
      %dma_wait3A_151 = tpu.memref_squeeze %dma_wait3A_150 : memref<1x128xi32, #tpu.memory_space<vmem>> -> memref<128xi32, #tpu.memory_space<vmem>>
      %dma_wait3A_152 = arith.constant 0 : i32
      %dma_wait3A_153 = arith.constant 0 : i32
      %dma_wait3A_154 = tpu.memref_slice %arg2[%dma_wait3A_152, %dma_wait3A_153] : memref<10000x128xf32, #tpu.memory_space<hbm>> -> memref<10000x128xf32, #tpu.memory_space<hbm>>
      tpu.wait_indirect_dma semaphore(%arg13 : memref<!tpu.dma_semaphore, #tpu.memory_space<semaphore_mem>>) src(%dma_wait3A_154 : memref<10000x128xf32, #tpu.memory_space<hbm>>) dst(%arg8 : memref<128x128xf32, #tpu.memory_space<vmem>>)
      %mul3A_155 = arith.constant 128 : i32
      %mul3A_156 = arith.muli %add3A_148, %mul3A_155 : i32
      %add3A_157 = arith.addi %mul3A_2, %mul3A_156 : i32
      %dma_start3A_158 = arith.constant 0 : i32
      %dma_start3A_159 = tpu.memref_slice %arg4[%add3A_157, %dma_start3A_158] : memref<327680x128xf32, #tpu.memory_space<hbm>> -> memref<128x128xf32, #tpu.memory_space<hbm>>
      %dma_start3A_160 = arith.constant 0 : i32
      %dma_start3A_161 = tpu.memref_slice %arg4[%add3A_157, %dma_start3A_160] : memref<327680x128xf32, #tpu.memory_space<hbm>> -> memref<128x128xf32, #tpu.memory_space<hbm>>
      tpu.enqueue_dma source(%arg8 : memref<128x128xf32, #tpu.memory_space<vmem>>) target(%dma_start3A_161 : memref<128x128xf32, #tpu.memory_space<hbm>>) target_semaphore(%arg18 : memref<!tpu.dma_semaphore, #tpu.memory_space<semaphore_mem>>)
      %mul3A_162 = arith.constant 5 : i32
      %mul3A_163 = arith.muli %scan3A_38, %mul3A_162 : i32
      %add3A_164 = arith.constant 3 : i32
      %add3A_165 = arith.addi %mul3A_163, %add3A_164 : i32
      %dma_wait3A_166 = arith.constant 0 : i32
      %dma_wait3A_167 = tpu.memref_slice %arg5[%add3A_84, %dma_wait3A_166] : memref<80x128xi32, #tpu.memory_space<vmem>> -> memref<1x128xi32, #tpu.memory_space<vmem>>
      %dma_wait3A_168 = tpu.memref_squeeze %dma_wait3A_167 : memref<1x128xi32, #tpu.memory_space<vmem>> -> memref<128xi32, #tpu.memory_space<vmem>>
      %dma_wait3A_169 = arith.constant 0 : i32
      %dma_wait3A_170 = arith.constant 0 : i32
      %dma_wait3A_171 = tpu.memref_slice %arg2[%dma_wait3A_169, %dma_wait3A_170] : memref<10000x128xf32, #tpu.memory_space<hbm>> -> memref<10000x128xf32, #tpu.memory_space<hbm>>
      tpu.wait_indirect_dma semaphore(%arg14 : memref<!tpu.dma_semaphore, #tpu.memory_space<semaphore_mem>>) src(%dma_wait3A_171 : memref<10000x128xf32, #tpu.memory_space<hbm>>) dst(%arg9 : memref<128x128xf32, #tpu.memory_space<vmem>>)
      %mul3A_172 = arith.constant 128 : i32
      %mul3A_173 = arith.muli %add3A_165, %mul3A_172 : i32
      %add3A_174 = arith.addi %mul3A_2, %mul3A_173 : i32
      %dma_start3A_175 = arith.constant 0 : i32
      %dma_start3A_176 = tpu.memref_slice %arg4[%add3A_174, %dma_start3A_175] : memref<327680x128xf32, #tpu.memory_space<hbm>> -> memref<128x128xf32, #tpu.memory_space<hbm>>
      %dma_start3A_177 = arith.constant 0 : i32
      %dma_start3A_178 = tpu.memref_slice %arg4[%add3A_174, %dma_start3A_177] : memref<327680x128xf32, #tpu.memory_space<hbm>> -> memref<128x128xf32, #tpu.memory_space<hbm>>
      tpu.enqueue_dma source(%arg9 : memref<128x128xf32, #tpu.memory_space<vmem>>) target(%dma_start3A_178 : memref<128x128xf32, #tpu.memory_space<hbm>>) target_semaphore(%arg19 : memref<!tpu.dma_semaphore, #tpu.memory_space<semaphore_mem>>)
      %mul3A_179 = arith.constant 5 : i32
      %mul3A_180 = arith.muli %scan3A_38, %mul3A_179 : i32
      %add3A_181 = arith.constant 4 : i32
      %add3A_182 = arith.addi %mul3A_180, %add3A_181 : i32
      %dma_wait3A_183 = arith.constant 0 : i32
      %dma_wait3A_184 = tpu.memref_slice %arg5[%add3A_99, %dma_wait3A_183] : memref<80x128xi32, #tpu.memory_space<vmem>> -> memref<1x128xi32, #tpu.memory_space<vmem>>
      %dma_wait3A_185 = tpu.memref_squeeze %dma_wait3A_184 : memref<1x128xi32, #tpu.memory_space<vmem>> -> memref<128xi32, #tpu.memory_space<vmem>>
      %dma_wait3A_186 = arith.constant 0 : i32
      %dma_wait3A_187 = arith.constant 0 : i32
      %dma_wait3A_188 = tpu.memref_slice %arg2[%dma_wait3A_186, %dma_wait3A_187] : memref<10000x128xf32, #tpu.memory_space<hbm>> -> memref<10000x128xf32, #tpu.memory_space<hbm>>
      tpu.wait_indirect_dma semaphore(%arg15 : memref<!tpu.dma_semaphore, #tpu.memory_space<semaphore_mem>>) src(%dma_wait3A_188 : memref<10000x128xf32, #tpu.memory_space<hbm>>) dst(%arg10 : memref<128x128xf32, #tpu.memory_space<vmem>>)
      %mul3A_189 = arith.constant 128 : i32
      %mul3A_190 = arith.muli %add3A_182, %mul3A_189 : i32
      %add3A_191 = arith.addi %mul3A_2, %mul3A_190 : i32
      %dma_start3A_192 = arith.constant 0 : i32
      %dma_start3A_193 = tpu.memref_slice %arg4[%add3A_191, %dma_start3A_192] : memref<327680x128xf32, #tpu.memory_space<hbm>> -> memref<128x128xf32, #tpu.memory_space<hbm>>
      %dma_start3A_194 = arith.constant 0 : i32
      %dma_start3A_195 = tpu.memref_slice %arg4[%add3A_191, %dma_start3A_194] : memref<327680x128xf32, #tpu.memory_space<hbm>> -> memref<128x128xf32, #tpu.memory_space<hbm>>
      tpu.enqueue_dma source(%arg10 : memref<128x128xf32, #tpu.memory_space<vmem>>) target(%dma_start3A_195 : memref<128x128xf32, #tpu.memory_space<hbm>>) target_semaphore(%arg20 : memref<!tpu.dma_semaphore, #tpu.memory_space<semaphore_mem>>)
      %scan3A_196 = arith.constant 0 : i32
      scf.yield %scan3A_196 : i32
    }
    %scan3A_8 = arith.constant 16 : i32
    %dma_wait3A = arith.constant 0 : i32
    %dma_wait3A_9 = arith.constant 0 : i32
    %dma_wait3A_10 = tpu.memref_slice %arg4[%dma_wait3A, %dma_wait3A_9] : memref<327680x128xf32, #tpu.memory_space<hbm>> -> memref<128x128xf32, #tpu.memory_space<hbm>>
    %dma_wait3A_11 = arith.constant 0 : i32
    %dma_wait3A_12 = arith.constant 0 : i32
    %dma_wait3A_13 = tpu.memref_slice %arg4[%dma_wait3A_11, %dma_wait3A_12] : memref<327680x128xf32, #tpu.memory_space<hbm>> -> memref<128x128xf32, #tpu.memory_space<hbm>>
    tpu.wait_dma2 semaphore(%arg16 : memref<!tpu.dma_semaphore, #tpu.memory_space<semaphore_mem>>) src(%arg6 : memref<128x128xf32, #tpu.memory_space<vmem>>) dst(%dma_wait3A_13 : memref<128x128xf32, #tpu.memory_space<hbm>>)
    %dma_wait3A_14 = arith.constant 0 : i32
    %dma_wait3A_15 = arith.constant 0 : i32
    %dma_wait3A_16 = tpu.memref_slice %arg4[%dma_wait3A_14, %dma_wait3A_15] : memref<327680x128xf32, #tpu.memory_space<hbm>> -> memref<128x128xf32, #tpu.memory_space<hbm>>
    %dma_wait3A_17 = arith.constant 0 : i32
    %dma_wait3A_18 = arith.constant 0 : i32
    %dma_wait3A_19 = tpu.memref_slice %arg4[%dma_wait3A_17, %dma_wait3A_18] : memref<327680x128xf32, #tpu.memory_space<hbm>> -> memref<128x128xf32, #tpu.memory_space<hbm>>
    tpu.wait_dma2 semaphore(%arg17 : memref<!tpu.dma_semaphore, #tpu.memory_space<semaphore_mem>>) src(%arg7 : memref<128x128xf32, #tpu.memory_space<vmem>>) dst(%dma_wait3A_19 : memref<128x128xf32, #tpu.memory_space<hbm>>)
    %dma_wait3A_20 = arith.constant 0 : i32
    %dma_wait3A_21 = arith.constant 0 : i32
    %dma_wait3A_22 = tpu.memref_slice %arg4[%dma_wait3A_20, %dma_wait3A_21] : memref<327680x128xf32, #tpu.memory_space<hbm>> -> memref<128x128xf32, #tpu.memory_space<hbm>>
    %dma_wait3A_23 = arith.constant 0 : i32
    %dma_wait3A_24 = arith.constant 0 : i32
    %dma_wait3A_25 = tpu.memref_slice %arg4[%dma_wait3A_23, %dma_wait3A_24] : memref<327680x128xf32, #tpu.memory_space<hbm>> -> memref<128x128xf32, #tpu.memory_space<hbm>>
    tpu.wait_dma2 semaphore(%arg18 : memref<!tpu.dma_semaphore, #tpu.memory_space<semaphore_mem>>) src(%arg8 : memref<128x128xf32, #tpu.memory_space<vmem>>) dst(%dma_wait3A_25 : memref<128x128xf32, #tpu.memory_space<hbm>>)
    %dma_wait3A_26 = arith.constant 0 : i32
    %dma_wait3A_27 = arith.constant 0 : i32
    %dma_wait3A_28 = tpu.memref_slice %arg4[%dma_wait3A_26, %dma_wait3A_27] : memref<327680x128xf32, #tpu.memory_space<hbm>> -> memref<128x128xf32, #tpu.memory_space<hbm>>
    %dma_wait3A_29 = arith.constant 0 : i32
    %dma_wait3A_30 = arith.constant 0 : i32
    %dma_wait3A_31 = tpu.memref_slice %arg4[%dma_wait3A_29, %dma_wait3A_30] : memref<327680x128xf32, #tpu.memory_space<hbm>> -> memref<128x128xf32, #tpu.memory_space<hbm>>
    tpu.wait_dma2 semaphore(%arg19 : memref<!tpu.dma_semaphore, #tpu.memory_space<semaphore_mem>>) src(%arg9 : memref<128x128xf32, #tpu.memory_space<vmem>>) dst(%dma_wait3A_31 : memref<128x128xf32, #tpu.memory_space<hbm>>)
    %dma_wait3A_32 = arith.constant 0 : i32
    %dma_wait3A_33 = arith.constant 0 : i32
    %dma_wait3A_34 = tpu.memref_slice %arg4[%dma_wait3A_32, %dma_wait3A_33] : memref<327680x128xf32, #tpu.memory_space<hbm>> -> memref<128x128xf32, #tpu.memory_space<hbm>>
    %dma_wait3A_35 = arith.constant 0 : i32
    %dma_wait3A_36 = arith.constant 0 : i32
    %dma_wait3A_37 = tpu.memref_slice %arg4[%dma_wait3A_35, %dma_wait3A_36] : memref<327680x128xf32, #tpu.memory_space<hbm>> -> memref<128x128xf32, #tpu.memory_space<hbm>>
    tpu.wait_dma2 semaphore(%arg20 : memref<!tpu.dma_semaphore, #tpu.memory_space<semaphore_mem>>) src(%arg10 : memref<128x128xf32, #tpu.memory_space<vmem>>) dst(%dma_wait3A_37 : memref<128x128xf32, #tpu.memory_space<hbm>>)
    return
  }
}

#map = affine_map<(d0, d1) -> (0, 0)>
#map1 = affine_map<(d0, d1) -> (0, 0, 0)>
module attributes {stable_mosaic.version = 14 : i64} {
  func.func @body_fn(%arg0: i32, %arg1: i32, %arg2: memref<10000x128xf32, #tpu.memory_space<hbm>>, %arg3: memref<32x80x128xi32, #tpu.memory_space<hbm>>, %arg4: memref<327680x128xf32, #tpu.memory_space<hbm>>, %arg5: memref<80x128xi32, #tpu.memory_space<vmem>>, %arg6: memref<128x128xf32, #tpu.memory_space<vmem>>, %arg7: memref<128x128xf32, #tpu.memory_space<vmem>>, %arg8: memref<128x128xf32, #tpu.memory_space<vmem>>, %arg9: memref<128x128xf32, #tpu.memory_space<vmem>>, %arg10: memref<128x128xf32, #tpu.memory_space<vmem>>, %arg11: memref<!tpu.dma_semaphore, #tpu.memory_space<semaphore_mem>>, %arg12: memref<!tpu.dma_semaphore, #tpu.memory_space<semaphore_mem>>, %arg13: memref<!tpu.dma_semaphore, #tpu.memory_space<semaphore_mem>>, %arg14: memref<!tpu.dma_semaphore, #tpu.memory_space<semaphore_mem>>, %arg15: memref<!tpu.dma_semaphore, #tpu.memory_space<semaphore_mem>>, %arg16: memref<!tpu.dma_semaphore, #tpu.memory_space<semaphore_mem>>, %arg17: memref<!tpu.dma_semaphore, #tpu.memory_space<semaphore_mem>>, %arg18: memref<!tpu.dma_semaphore, #tpu.memory_space<semaphore_mem>>, %arg19: memref<!tpu.dma_semaphore, #tpu.memory_space<semaphore_mem>>, %arg20: memref<!tpu.dma_semaphore, #tpu.memory_space<semaphore_mem>>) attributes {dimension_semantics = [#tpu.dimension_semantics<core_parallel>, #tpu.dimension_semantics<subcore_parallel>], iteration_bounds = array<i64: 2, 16>, scalar_prefetch = 0 : i64, scratch_operands = 16 : i64, tpu.core_type = #tpu.core_type<sc_vector_subcore>, window_params = [{transform_indices = #map}, {transform_indices = #map1}, {transform_indices = #map}]} {
    %mul3A = arith.constant 2 : i32
    %mul3A_0 = arith.muli %arg1, %mul3A : i32
    %add3A = arith.addi %mul3A_0, %arg0 : i32
    %mul3A_1 = arith.constant 10240 : i32
    %mul3A_2 = arith.muli %add3A, %mul3A_1 : i32
    "tpu.region"() ({
      %run_scoped3A = tpu.sem_alloc : memref<!tpu.dma_semaphore, #tpu.memory_space<semaphore_mem>>
      %dma_start3A = arith.constant 0 : i32
      %dma_start3A_38 = arith.constant 0 : i32
      %dma_start3A_39 = tpu.memref_slice %arg3[%add3A, %dma_start3A, %dma_start3A_38] : memref<32x80x128xi32, #tpu.memory_space<hbm>> -> memref<1x80x128xi32, #tpu.memory_space<hbm>>
      %dma_start3A_40 = tpu.memref_squeeze %dma_start3A_39 : memref<1x80x128xi32, #tpu.memory_space<hbm>> -> memref<80x128xi32, #tpu.memory_space<hbm>>
      %dma_start3A_41 = arith.constant 0 : i32
      %dma_start3A_42 = arith.constant 0 : i32
      %dma_start3A_43 = tpu.memref_slice %arg3[%add3A, %dma_start3A_41, %dma_start3A_42] : memref<32x80x128xi32, #tpu.memory_space<hbm>> -> memref<1x80x128xi32, #tpu.memory_space<hbm>>
      %dma_start3A_44 = tpu.memref_squeeze %dma_start3A_43 : memref<1x80x128xi32, #tpu.memory_space<hbm>> -> memref<80x128xi32, #tpu.memory_space<hbm>>
      tpu.enqueue_dma source(%dma_start3A_44 : memref<80x128xi32, #tpu.memory_space<hbm>>) target(%arg5 : memref<80x128xi32, #tpu.memory_space<vmem>>) target_semaphore(%run_scoped3A : memref<!tpu.dma_semaphore, #tpu.memory_space<semaphore_mem>>)
      %dma_wait3A_45 = arith.constant 0 : i32
      %dma_wait3A_46 = arith.constant 0 : i32
      %dma_wait3A_47 = tpu.memref_slice %arg3[%add3A, %dma_wait3A_45, %dma_wait3A_46] : memref<32x80x128xi32, #tpu.memory_space<hbm>> -> memref<1x80x128xi32, #tpu.memory_space<hbm>>
      %dma_wait3A_48 = tpu.memref_squeeze %dma_wait3A_47 : memref<1x80x128xi32, #tpu.memory_space<hbm>> -> memref<80x128xi32, #tpu.memory_space<hbm>>
      %dma_wait3A_49 = arith.constant 0 : i32
      %dma_wait3A_50 = arith.constant 0 : i32
      %dma_wait3A_51 = tpu.memref_slice %arg3[%add3A, %dma_wait3A_49, %dma_wait3A_50] : memref<32x80x128xi32, #tpu.memory_space<hbm>> -> memref<1x80x128xi32, #tpu.memory_space<hbm>>
      %dma_wait3A_52 = tpu.memref_squeeze %dma_wait3A_51 : memref<1x80x128xi32, #tpu.memory_space<hbm>> -> memref<80x128xi32, #tpu.memory_space<hbm>>
      tpu.wait_dma2 semaphore(%run_scoped3A : memref<!tpu.dma_semaphore, #tpu.memory_space<semaphore_mem>>) src(%dma_wait3A_52 : memref<80x128xi32, #tpu.memory_space<hbm>>) dst(%arg5 : memref<80x128xi32, #tpu.memory_space<vmem>>)
      tpu.yield
    }) : () -> ()
    %scan3A = arith.constant 0 : i32
    %scan3A_3 = arith.constant 0 : i32
    %scan3A_4 = arith.constant 16 : i32
    %scan3A_5 = arith.addi %scan3A_3, %scan3A_4 : i32
    %scan3A_6 = arith.constant 1 : i32
    %scan3A_7 = scf.for %scan3A_38 = %scan3A_3 to %scan3A_5 step %scan3A_6 iter_args(%scan3A_39 = %scan3A) -> (i32)  : i32 {
      %mul3A_40 = arith.constant 5 : i32
      %mul3A_41 = arith.muli %scan3A_38, %mul3A_40 : i32
      %add3A_42 = arith.constant 0 : i32
      %add3A_43 = arith.addi %mul3A_41, %add3A_42 : i32
      %gt3A = arith.constant 0 : i32
      %gt3A_44 = arith.cmpi sgt, %scan3A_38, %gt3A : i32
      %convert_element_type3A = arith.extui %gt3A_44 : i1 to i32
      %cond3A = arith.constant 0 : i32
      %cond3A_45 = arith.cmpi ne, %convert_element_type3A, %cond3A : i32
      scf.if %cond3A_45 {
        %dma_wait3A_197 = arith.constant 0 : i32
        %dma_wait3A_198 = arith.constant 0 : i32
        %dma_wait3A_199 = tpu.memref_slice %arg4[%dma_wait3A_197, %dma_wait3A_198] : memref<327680x128xf32, #tpu.memory_space<hbm>> -> memref<128x128xf32, #tpu.memory_space<hbm>>
        %dma_wait3A_200 = arith.constant 0 : i32
        %dma_wait3A_201 = arith.constant 0 : i32
        %dma_wait3A_202 = tpu.memref_slice %arg4[%dma_wait3A_200, %dma_wait3A_201] : memref<327680x128xf32, #tpu.memory_space<hbm>> -> memref<128x128xf32, #tpu.memory_space<hbm>>
        tpu.wait_dma2 semaphore(%arg16 : memref<!tpu.dma_semaphore, #tpu.memory_space<semaphore_mem>>) src(%arg6 : memref<128x128xf32, #tpu.memory_space<vmem>>) dst(%dma_wait3A_202 : memref<128x128xf32, #tpu.memory_space<hbm>>)
      } else {
      }
      %dma_start3A = arith.constant 0 : i32
      %dma_start3A_46 = tpu.memref_slice %arg5[%add3A_43, %dma_start3A] : memref<80x128xi32, #tpu.memory_space<vmem>> -> memref<1x128xi32, #tpu.memory_space<vmem>>
      %dma_start3A_47 = tpu.memref_squeeze %dma_start3A_46 : memref<1x128xi32, #tpu.memory_space<vmem>> -> memref<128xi32, #tpu.memory_space<vmem>>
      %dma_start3A_48 = arith.constant 0 : i32
      %dma_start3A_49 = arith.constant 0 : i32
      %dma_start3A_50 = tpu.memref_slice %arg2[%dma_start3A_48, %dma_start3A_49] : memref<10000x128xf32, #tpu.memory_space<hbm>> -> memref<10000x128xf32, #tpu.memory_space<hbm>>
      tpu.enqueue_indirect_dma source(%dma_start3A_50 : memref<10000x128xf32, #tpu.memory_space<hbm>>) target(%arg6 : memref<128x128xf32, #tpu.memory_space<vmem>>) offsets(%dma_start3A_47 : memref<128xi32, #tpu.memory_space<vmem>>) semaphore(%arg11 : memref<!tpu.dma_semaphore, #tpu.memory_space<semaphore_mem>>)
      %mul3A_51 = arith.constant 5 : i32
      %mul3A_52 = arith.muli %scan3A_38, %mul3A_51 : i32
      %add3A_53 = arith.constant 1 : i32
      %add3A_54 = arith.addi %mul3A_52, %add3A_53 : i32
      %gt3A_55 = arith.constant 0 : i32
      %gt3A_56 = arith.cmpi sgt, %scan3A_38, %gt3A_55 : i32
      %convert_element_type3A_57 = arith.extui %gt3A_56 : i1 to i32
      %cond3A_58 = arith.constant 0 : i32
      %cond3A_59 = arith.cmpi ne, %convert_element_type3A_57, %cond3A_58 : i32
      scf.if %cond3A_59 {
        %dma_wait3A_197 = arith.constant 0 : i32
        %dma_wait3A_198 = arith.constant 0 : i32
        %dma_wait3A_199 = tpu.memref_slice %arg4[%dma_wait3A_197, %dma_wait3A_198] : memref<327680x128xf32, #tpu.memory_space<hbm>> -> memref<128x128xf32, #tpu.memory_space<hbm>>
        %dma_wait3A_200 = arith.constant 0 : i32
        %dma_wait3A_201 = arith.constant 0 : i32
        %dma_wait3A_202 = tpu.memref_slice %arg4[%dma_wait3A_200, %dma_wait3A_201] : memref<327680x128xf32, #tpu.memory_space<hbm>> -> memref<128x128xf32, #tpu.memory_space<hbm>>
        tpu.wait_dma2 semaphore(%arg17 : memref<!tpu.dma_semaphore, #tpu.memory_space<semaphore_mem>>) src(%arg7 : memref<128x128xf32, #tpu.memory_space<vmem>>) dst(%dma_wait3A_202 : memref<128x128xf32, #tpu.memory_space<hbm>>)
      } else {
      }
      %dma_start3A_60 = arith.constant 0 : i32
      %dma_start3A_61 = tpu.memref_slice %arg5[%add3A_54, %dma_start3A_60] : memref<80x128xi32, #tpu.memory_space<vmem>> -> memref<1x128xi32, #tpu.memory_space<vmem>>
      %dma_start3A_62 = tpu.memref_squeeze %dma_start3A_61 : memref<1x128xi32, #tpu.memory_space<vmem>> -> memref<128xi32, #tpu.memory_space<vmem>>
      %dma_start3A_63 = arith.constant 0 : i32
      %dma_start3A_64 = arith.constant 0 : i32
      %dma_start3A_65 = tpu.memref_slice %arg2[%dma_start3A_63, %dma_start3A_64] : memref<10000x128xf32, #tpu.memory_space<hbm>> -> memref<10000x128xf32, #tpu.memory_space<hbm>>
      tpu.enqueue_indirect_dma source(%dma_start3A_65 : memref<10000x128xf32, #tpu.memory_space<hbm>>) target(%arg7 : memref<128x128xf32, #tpu.memory_space<vmem>>) offsets(%dma_start3A_62 : memref<128xi32, #tpu.memory_space<vmem>>) semaphore(%arg12 : memref<!tpu.dma_semaphore, #tpu.memory_space<semaphore_mem>>)
      %mul3A_66 = arith.constant 5 : i32
      %mul3A_67 = arith.muli %scan3A_38, %mul3A_66 : i32
      %add3A_68 = arith.constant 2 : i32
      %add3A_69 = arith.addi %mul3A_67, %add3A_68 : i32
      %gt3A_70 = arith.constant 0 : i32
      %gt3A_71 = arith.cmpi sgt, %scan3A_38, %gt3A_70 : i32
      %convert_element_type3A_72 = arith.extui %gt3A_71 : i1 to i32
      %cond3A_73 = arith.constant 0 : i32
      %cond3A_74 = arith.cmpi ne, %convert_element_type3A_72, %cond3A_73 : i32
      scf.if %cond3A_74 {
        %dma_wait3A_197 = arith.constant 0 : i32
        %dma_wait3A_198 = arith.constant 0 : i32
        %dma_wait3A_199 = tpu.memref_slice %arg4[%dma_wait3A_197, %dma_wait3A_198] : memref<327680x128xf32, #tpu.memory_space<hbm>> -> memref<128x128xf32, #tpu.memory_space<hbm>>
        %dma_wait3A_200 = arith.constant 0 : i32
        %dma_wait3A_201 = arith.constant 0 : i32
        %dma_wait3A_202 = tpu.memref_slice %arg4[%dma_wait3A_200, %dma_wait3A_201] : memref<327680x128xf32, #tpu.memory_space<hbm>> -> memref<128x128xf32, #tpu.memory_space<hbm>>
        tpu.wait_dma2 semaphore(%arg18 : memref<!tpu.dma_semaphore, #tpu.memory_space<semaphore_mem>>) src(%arg8 : memref<128x128xf32, #tpu.memory_space<vmem>>) dst(%dma_wait3A_202 : memref<128x128xf32, #tpu.memory_space<hbm>>)
      } else {
      }
      %dma_start3A_75 = arith.constant 0 : i32
      %dma_start3A_76 = tpu.memref_slice %arg5[%add3A_69, %dma_start3A_75] : memref<80x128xi32, #tpu.memory_space<vmem>> -> memref<1x128xi32, #tpu.memory_space<vmem>>
      %dma_start3A_77 = tpu.memref_squeeze %dma_start3A_76 : memref<1x128xi32, #tpu.memory_space<vmem>> -> memref<128xi32, #tpu.memory_space<vmem>>
      %dma_start3A_78 = arith.constant 0 : i32
      %dma_start3A_79 = arith.constant 0 : i32
      %dma_start3A_80 = tpu.memref_slice %arg2[%dma_start3A_78, %dma_start3A_79] : memref<10000x128xf32, #tpu.memory_space<hbm>> -> memref<10000x128xf32, #tpu.memory_space<hbm>>
      tpu.enqueue_indirect_dma source(%dma_start3A_80 : memref<10000x128xf32, #tpu.memory_space<hbm>>) target(%arg8 : memref<128x128xf32, #tpu.memory_space<vmem>>) offsets(%dma_start3A_77 : memref<128xi32, #tpu.memory_space<vmem>>) semaphore(%arg13 : memref<!tpu.dma_semaphore, #tpu.memory_space<semaphore_mem>>)
      %mul3A_81 = arith.constant 5 : i32
      %mul3A_82 = arith.muli %scan3A_38, %mul3A_81 : i32
      %add3A_83 = arith.constant 3 : i32
      %add3A_84 = arith.addi %mul3A_82, %add3A_83 : i32
      %gt3A_85 = arith.constant 0 : i32
      %gt3A_86 = arith.cmpi sgt, %scan3A_38, %gt3A_85 : i32
      %convert_element_type3A_87 = arith.extui %gt3A_86 : i1 to i32
      %cond3A_88 = arith.constant 0 : i32
      %cond3A_89 = arith.cmpi ne, %convert_element_type3A_87, %cond3A_88 : i32
      scf.if %cond3A_89 {
        %dma_wait3A_197 = arith.constant 0 : i32
        %dma_wait3A_198 = arith.constant 0 : i32
        %dma_wait3A_199 = tpu.memref_slice %arg4[%dma_wait3A_197, %dma_wait3A_198] : memref<327680x128xf32, #tpu.memory_space<hbm>> -> memref<128x128xf32, #tpu.memory_space<hbm>>
        %dma_wait3A_200 = arith.constant 0 : i32
        %dma_wait3A_201 = arith.constant 0 : i32
        %dma_wait3A_202 = tpu.memref_slice %arg4[%dma_wait3A_200, %dma_wait3A_201] : memref<327680x128xf32, #tpu.memory_space<hbm>> -> memref<128x128xf32, #tpu.memory_space<hbm>>
        tpu.wait_dma2 semaphore(%arg19 : memref<!tpu.dma_semaphore, #tpu.memory_space<semaphore_mem>>) src(%arg9 : memref<128x128xf32, #tpu.memory_space<vmem>>) dst(%dma_wait3A_202 : memref<128x128xf32, #tpu.memory_space<hbm>>)
      } else {
      }
      %dma_start3A_90 = arith.constant 0 : i32
      %dma_start3A_91 = tpu.memref_slice %arg5[%add3A_84, %dma_start3A_90] : memref<80x128xi32, #tpu.memory_space<vmem>> -> memref<1x128xi32, #tpu.memory_space<vmem>>
      %dma_start3A_92 = tpu.memref_squeeze %dma_start3A_91 : memref<1x128xi32, #tpu.memory_space<vmem>> -> memref<128xi32, #tpu.memory_space<vmem>>
      %dma_start3A_93 = arith.constant 0 : i32
      %dma_start3A_94 = arith.constant 0 : i32
      %dma_start3A_95 = tpu.memref_slice %arg2[%dma_start3A_93, %dma_start3A_94] : memref<10000x128xf32, #tpu.memory_space<hbm>> -> memref<10000x128xf32, #tpu.memory_space<hbm>>
      tpu.enqueue_indirect_dma source(%dma_start3A_95 : memref<10000x128xf32, #tpu.memory_space<hbm>>) target(%arg9 : memref<128x128xf32, #tpu.memory_space<vmem>>) offsets(%dma_start3A_92 : memref<128xi32, #tpu.memory_space<vmem>>) semaphore(%arg14 : memref<!tpu.dma_semaphore, #tpu.memory_space<semaphore_mem>>)
      %mul3A_96 = arith.constant 5 : i32
      %mul3A_97 = arith.muli %scan3A_38, %mul3A_96 : i32
      %add3A_98 = arith.constant 4 : i32
      %add3A_99 = arith.addi %mul3A_97, %add3A_98 : i32
      %gt3A_100 = arith.constant 0 : i32
      %gt3A_101 = arith.cmpi sgt, %scan3A_38, %gt3A_100 : i32
      %convert_element_type3A_102 = arith.extui %gt3A_101 : i1 to i32
      %cond3A_103 = arith.constant 0 : i32
      %cond3A_104 = arith.cmpi ne, %convert_element_type3A_102, %cond3A_103 : i32
      scf.if %cond3A_104 {
        %dma_wait3A_197 = arith.constant 0 : i32
        %dma_wait3A_198 = arith.constant 0 : i32
        %dma_wait3A_199 = tpu.memref_slice %arg4[%dma_wait3A_197, %dma_wait3A_198] : memref<327680x128xf32, #tpu.memory_space<hbm>> -> memref<128x128xf32, #tpu.memory_space<hbm>>
        %dma_wait3A_200 = arith.constant 0 : i32
        %dma_wait3A_201 = arith.constant 0 : i32
        %dma_wait3A_202 = tpu.memref_slice %arg4[%dma_wait3A_200, %dma_wait3A_201] : memref<327680x128xf32, #tpu.memory_space<hbm>> -> memref<128x128xf32, #tpu.memory_space<hbm>>
        tpu.wait_dma2 semaphore(%arg20 : memref<!tpu.dma_semaphore, #tpu.memory_space<semaphore_mem>>) src(%arg10 : memref<128x128xf32, #tpu.memory_space<vmem>>) dst(%dma_wait3A_202 : memref<128x128xf32, #tpu.memory_space<hbm>>)
      } else {
      }
      %dma_start3A_105 = arith.constant 0 : i32
      %dma_start3A_106 = tpu.memref_slice %arg5[%add3A_99, %dma_start3A_105] : memref<80x128xi32, #tpu.memory_space<vmem>> -> memref<1x128xi32, #tpu.memory_space<vmem>>
      %dma_start3A_107 = tpu.memref_squeeze %dma_start3A_106 : memref<1x128xi32, #tpu.memory_space<vmem>> -> memref<128xi32, #tpu.memory_space<vmem>>
      %dma_start3A_108 = arith.constant 0 : i32
      %dma_start3A_109 = arith.constant 0 : i32
      %dma_start3A_110 = tpu.memref_slice %arg2[%dma_start3A_108, %dma_start3A_109] : memref<10000x128xf32, #tpu.memory_space<hbm>> -> memref<10000x128xf32, #tpu.memory_space<hbm>>
      tpu.enqueue_indirect_dma source(%dma_start3A_110 : memref<10000x128xf32, #tpu.memory_space<hbm>>) target(%arg10 : memref<128x128xf32, #tpu.memory_space<vmem>>) offsets(%dma_start3A_107 : memref<128xi32, #tpu.memory_space<vmem>>) semaphore(%arg15 : memref<!tpu.dma_semaphore, #tpu.memory_space<semaphore_mem>>)
      %mul3A_111 = arith.constant 5 : i32
      %mul3A_112 = arith.muli %scan3A_38, %mul3A_111 : i32
      %add3A_113 = arith.constant 0 : i32
      %add3A_114 = arith.addi %mul3A_112, %add3A_113 : i32
      %dma_wait3A_115 = arith.constant 0 : i32
      %dma_wait3A_116 = tpu.memref_slice %arg5[%add3A_43, %dma_wait3A_115] : memref<80x128xi32, #tpu.memory_space<vmem>> -> memref<1x128xi32, #tpu.memory_space<vmem>>
      %dma_wait3A_117 = tpu.memref_squeeze %dma_wait3A_116 : memref<1x128xi32, #tpu.memory_space<vmem>> -> memref<128xi32, #tpu.memory_space<vmem>>
      %dma_wait3A_118 = arith.constant 0 : i32
      %dma_wait3A_119 = arith.constant 0 : i32
      %dma_wait3A_120 = tpu.memref_slice %arg2[%dma_wait3A_118, %dma_wait3A_119] : memref<10000x128xf32, #tpu.memory_space<hbm>> -> memref<10000x128xf32, #tpu.memory_space<hbm>>
      tpu.wait_indirect_dma semaphore(%arg11 : memref<!tpu.dma_semaphore, #tpu.memory_space<semaphore_mem>>) src(%dma_wait3A_120 : memref<10000x128xf32, #tpu.memory_space<hbm>>) dst(%arg6 : memref<128x128xf32, #tpu.memory_space<vmem>>)
      %mul3A_121 = arith.constant 128 : i32
      %mul3A_122 = arith.muli %add3A_114, %mul3A_121 : i32
      %add3A_123 = arith.addi %mul3A_2, %mul3A_122 : i32
      %dma_start3A_124 = arith.constant 0 : i32
      %dma_start3A_125 = tpu.memref_slice %arg4[%add3A_123, %dma_start3A_124] : memref<327680x128xf32, #tpu.memory_space<hbm>> -> memref<128x128xf32, #tpu.memory_space<hbm>>
      %dma_start3A_126 = arith.constant 0 : i32
      %dma_start3A_127 = tpu.memref_slice %arg4[%add3A_123, %dma_start3A_126] : memref<327680x128xf32, #tpu.memory_space<hbm>> -> memref<128x128xf32, #tpu.memory_space<hbm>>
      tpu.enqueue_dma source(%arg6 : memref<128x128xf32, #tpu.memory_space<vmem>>) target(%dma_start3A_127 : memref<128x128xf32, #tpu.memory_space<hbm>>) target_semaphore(%arg16 : memref<!tpu.dma_semaphore, #tpu.memory_space<semaphore_mem>>)
      %mul3A_128 = arith.constant 5 : i32
      %mul3A_129 = arith.muli %scan3A_38, %mul3A_128 : i32
      %add3A_130 = arith.constant 1 : i32
      %add3A_131 = arith.addi %mul3A_129, %add3A_130 : i32
      %dma_wait3A_132 = arith.constant 0 : i32
      %dma_wait3A_133 = tpu.memref_slice %arg5[%add3A_54, %dma_wait3A_132] : memref<80x128xi32, #tpu.memory_space<vmem>> -> memref<1x128xi32, #tpu.memory_space<vmem>>
      %dma_wait3A_134 = tpu.memref_squeeze %dma_wait3A_133 : memref<1x128xi32, #tpu.memory_space<vmem>> -> memref<128xi32, #tpu.memory_space<vmem>>
      %dma_wait3A_135 = arith.constant 0 : i32
      %dma_wait3A_136 = arith.constant 0 : i32
      %dma_wait3A_137 = tpu.memref_slice %arg2[%dma_wait3A_135, %dma_wait3A_136] : memref<10000x128xf32, #tpu.memory_space<hbm>> -> memref<10000x128xf32, #tpu.memory_space<hbm>>
      tpu.wait_indirect_dma semaphore(%arg12 : memref<!tpu.dma_semaphore, #tpu.memory_space<semaphore_mem>>) src(%dma_wait3A_137 : memref<10000x128xf32, #tpu.memory_space<hbm>>) dst(%arg7 : memref<128x128xf32, #tpu.memory_space<vmem>>)
      %mul3A_138 = arith.constant 128 : i32
      %mul3A_139 = arith.muli %add3A_131, %mul3A_138 : i32
      %add3A_140 = arith.addi %mul3A_2, %mul3A_139 : i32
      %dma_start3A_141 = arith.constant 0 : i32
      %dma_start3A_142 = tpu.memref_slice %arg4[%add3A_140, %dma_start3A_141] : memref<327680x128xf32, #tpu.memory_space<hbm>> -> memref<128x128xf32, #tpu.memory_space<hbm>>
      %dma_start3A_143 = arith.constant 0 : i32
      %dma_start3A_144 = tpu.memref_slice %arg4[%add3A_140, %dma_start3A_143] : memref<327680x128xf32, #tpu.memory_space<hbm>> -> memref<128x128xf32, #tpu.memory_space<hbm>>
      tpu.enqueue_dma source(%arg7 : memref<128x128xf32, #tpu.memory_space<vmem>>) target(%dma_start3A_144 : memref<128x128xf32, #tpu.memory_space<hbm>>) target_semaphore(%arg17 : memref<!tpu.dma_semaphore, #tpu.memory_space<semaphore_mem>>)
      %mul3A_145 = arith.constant 5 : i32
      %mul3A_146 = arith.muli %scan3A_38, %mul3A_145 : i32
      %add3A_147 = arith.constant 2 : i32
      %add3A_148 = arith.addi %mul3A_146, %add3A_147 : i32
      %dma_wait3A_149 = arith.constant 0 : i32
      %dma_wait3A_150 = tpu.memref_slice %arg5[%add3A_69, %dma_wait3A_149] : memref<80x128xi32, #tpu.memory_space<vmem>> -> memref<1x128xi32, #tpu.memory_space<vmem>>
      %dma_wait3A_151 = tpu.memref_squeeze %dma_wait3A_150 : memref<1x128xi32, #tpu.memory_space<vmem>> -> memref<128xi32, #tpu.memory_space<vmem>>
      %dma_wait3A_152 = arith.constant 0 : i32
      %dma_wait3A_153 = arith.constant 0 : i32
      %dma_wait3A_154 = tpu.memref_slice %arg2[%dma_wait3A_152, %dma_wait3A_153] : memref<10000x128xf32, #tpu.memory_space<hbm>> -> memref<10000x128xf32, #tpu.memory_space<hbm>>
      tpu.wait_indirect_dma semaphore(%arg13 : memref<!tpu.dma_semaphore, #tpu.memory_space<semaphore_mem>>) src(%dma_wait3A_154 : memref<10000x128xf32, #tpu.memory_space<hbm>>) dst(%arg8 : memref<128x128xf32, #tpu.memory_space<vmem>>)
      %mul3A_155 = arith.constant 128 : i32
      %mul3A_156 = arith.muli %add3A_148, %mul3A_155 : i32
      %add3A_157 = arith.addi %mul3A_2, %mul3A_156 : i32
      %dma_start3A_158 = arith.constant 0 : i32
      %dma_start3A_159 = tpu.memref_slice %arg4[%add3A_157, %dma_start3A_158] : memref<327680x128xf32, #tpu.memory_space<hbm>> -> memref<128x128xf32, #tpu.memory_space<hbm>>
      %dma_start3A_160 = arith.constant 0 : i32
      %dma_start3A_161 = tpu.memref_slice %arg4[%add3A_157, %dma_start3A_160] : memref<327680x128xf32, #tpu.memory_space<hbm>> -> memref<128x128xf32, #tpu.memory_space<hbm>>
      tpu.enqueue_dma source(%arg8 : memref<128x128xf32, #tpu.memory_space<vmem>>) target(%dma_start3A_161 : memref<128x128xf32, #tpu.memory_space<hbm>>) target_semaphore(%arg18 : memref<!tpu.dma_semaphore, #tpu.memory_space<semaphore_mem>>)
      %mul3A_162 = arith.constant 5 : i32
      %mul3A_163 = arith.muli %scan3A_38, %mul3A_162 : i32
      %add3A_164 = arith.constant 3 : i32
      %add3A_165 = arith.addi %mul3A_163, %add3A_164 : i32
      %dma_wait3A_166 = arith.constant 0 : i32
      %dma_wait3A_167 = tpu.memref_slice %arg5[%add3A_84, %dma_wait3A_166] : memref<80x128xi32, #tpu.memory_space<vmem>> -> memref<1x128xi32, #tpu.memory_space<vmem>>
      %dma_wait3A_168 = tpu.memref_squeeze %dma_wait3A_167 : memref<1x128xi32, #tpu.memory_space<vmem>> -> memref<128xi32, #tpu.memory_space<vmem>>
      %dma_wait3A_169 = arith.constant 0 : i32
      %dma_wait3A_170 = arith.constant 0 : i32
      %dma_wait3A_171 = tpu.memref_slice %arg2[%dma_wait3A_169, %dma_wait3A_170] : memref<10000x128xf32, #tpu.memory_space<hbm>> -> memref<10000x128xf32, #tpu.memory_space<hbm>>
      tpu.wait_indirect_dma semaphore(%arg14 : memref<!tpu.dma_semaphore, #tpu.memory_space<semaphore_mem>>) src(%dma_wait3A_171 : memref<10000x128xf32, #tpu.memory_space<hbm>>) dst(%arg9 : memref<128x128xf32, #tpu.memory_space<vmem>>)
      %mul3A_172 = arith.constant 128 : i32
      %mul3A_173 = arith.muli %add3A_165, %mul3A_172 : i32
      %add3A_174 = arith.addi %mul3A_2, %mul3A_173 : i32
      %dma_start3A_175 = arith.constant 0 : i32
      %dma_start3A_176 = tpu.memref_slice %arg4[%add3A_174, %dma_start3A_175] : memref<327680x128xf32, #tpu.memory_space<hbm>> -> memref<128x128xf32, #tpu.memory_space<hbm>>
      %dma_start3A_177 = arith.constant 0 : i32
      %dma_start3A_178 = tpu.memref_slice %arg4[%add3A_174, %dma_start3A_177] : memref<327680x128xf32, #tpu.memory_space<hbm>> -> memref<128x128xf32, #tpu.memory_space<hbm>>
      tpu.enqueue_dma source(%arg9 : memref<128x128xf32, #tpu.memory_space<vmem>>) target(%dma_start3A_178 : memref<128x128xf32, #tpu.memory_space<hbm>>) target_semaphore(%arg19 : memref<!tpu.dma_semaphore, #tpu.memory_space<semaphore_mem>>)
      %mul3A_179 = arith.constant 5 : i32
      %mul3A_180 = arith.muli %scan3A_38, %mul3A_179 : i32
      %add3A_181 = arith.constant 4 : i32
      %add3A_182 = arith.addi %mul3A_180, %add3A_181 : i32
      %dma_wait3A_183 = arith.constant 0 : i32
      %dma_wait3A_184 = tpu.memref_slice %arg5[%add3A_99, %dma_wait3A_183] : memref<80x128xi32, #tpu.memory_space<vmem>> -> memref<1x128xi32, #tpu.memory_space<vmem>>
      %dma_wait3A_185 = tpu.memref_squeeze %dma_wait3A_184 : memref<1x128xi32, #tpu.memory_space<vmem>> -> memref<128xi32, #tpu.memory_space<vmem>>
      %dma_wait3A_186 = arith.constant 0 : i32
      %dma_wait3A_187 = arith.constant 0 : i32
      %dma_wait3A_188 = tpu.memref_slice %arg2[%dma_wait3A_186, %dma_wait3A_187] : memref<10000x128xf32, #tpu.memory_space<hbm>> -> memref<10000x128xf32, #tpu.memory_space<hbm>>
      tpu.wait_indirect_dma semaphore(%arg15 : memref<!tpu.dma_semaphore, #tpu.memory_space<semaphore_mem>>) src(%dma_wait3A_188 : memref<10000x128xf32, #tpu.memory_space<hbm>>) dst(%arg10 : memref<128x128xf32, #tpu.memory_space<vmem>>)
      %mul3A_189 = arith.constant 128 : i32
      %mul3A_190 = arith.muli %add3A_182, %mul3A_189 : i32
      %add3A_191 = arith.addi %mul3A_2, %mul3A_190 : i32
      %dma_start3A_192 = arith.constant 0 : i32
      %dma_start3A_193 = tpu.memref_slice %arg4[%add3A_191, %dma_start3A_192] : memref<327680x128xf32, #tpu.memory_space<hbm>> -> memref<128x128xf32, #tpu.memory_space<hbm>>
      %dma_start3A_194 = arith.constant 0 : i32
      %dma_start3A_195 = tpu.memref_slice %arg4[%add3A_191, %dma_start3A_194] : memref<327680x128xf32, #tpu.memory_space<hbm>> -> memref<128x128xf32, #tpu.memory_space<hbm>>
      tpu.enqueue_dma source(%arg10 : memref<128x128xf32, #tpu.memory_space<vmem>>) target(%dma_start3A_195 : memref<128x128xf32, #tpu.memory_space<hbm>>) target_semaphore(%arg20 : memref<!tpu.dma_semaphore, #tpu.memory_space<semaphore_mem>>)
      %scan3A_196 = arith.constant 0 : i32
      scf.yield %scan3A_196 : i32
    }
    %scan3A_8 = arith.constant 16 : i32
    %dma_wait3A = arith.constant 0 : i32
    %dma_wait3A_9 = arith.constant 0 : i32
    %dma_wait3A_10 = tpu.memref_slice %arg4[%dma_wait3A, %dma_wait3A_9] : memref<327680x128xf32, #tpu.memory_space<hbm>> -> memref<128x128xf32, #tpu.memory_space<hbm>>
    %dma_wait3A_11 = arith.constant 0 : i32
    %dma_wait3A_12 = arith.constant 0 : i32
    %dma_wait3A_13 = tpu.memref_slice %arg4[%dma_wait3A_11, %dma_wait3A_12] : memref<327680x128xf32, #tpu.memory_space<hbm>> -> memref<128x128xf32, #tpu.memory_space<hbm>>
    tpu.wait_dma2 semaphore(%arg16 : memref<!tpu.dma_semaphore, #tpu.memory_space<semaphore_mem>>) src(%arg6 : memref<128x128xf32, #tpu.memory_space<vmem>>) dst(%dma_wait3A_13 : memref<128x128xf32, #tpu.memory_space<hbm>>)
    %dma_wait3A_14 = arith.constant 0 : i32
    %dma_wait3A_15 = arith.constant 0 : i32
    %dma_wait3A_16 = tpu.memref_slice %arg4[%dma_wait3A_14, %dma_wait3A_15] : memref<327680x128xf32, #tpu.memory_space<hbm>> -> memref<128x128xf32, #tpu.memory_space<hbm>>
    %dma_wait3A_17 = arith.constant 0 : i32
    %dma_wait3A_18 = arith.constant 0 : i32
    %dma_wait3A_19 = tpu.memref_slice %arg4[%dma_wait3A_17, %dma_wait3A_18] : memref<327680x128xf32, #tpu.memory_space<hbm>> -> memref<128x128xf32, #tpu.memory_space<hbm>>
    tpu.wait_dma2 semaphore(%arg17 : memref<!tpu.dma_semaphore, #tpu.memory_space<semaphore_mem>>) src(%arg7 : memref<128x128xf32, #tpu.memory_space<vmem>>) dst(%dma_wait3A_19 : memref<128x128xf32, #tpu.memory_space<hbm>>)
    %dma_wait3A_20 = arith.constant 0 : i32
    %dma_wait3A_21 = arith.constant 0 : i32
    %dma_wait3A_22 = tpu.memref_slice %arg4[%dma_wait3A_20, %dma_wait3A_21] : memref<327680x128xf32, #tpu.memory_space<hbm>> -> memref<128x128xf32, #tpu.memory_space<hbm>>
    %dma_wait3A_23 = arith.constant 0 : i32
    %dma_wait3A_24 = arith.constant 0 : i32
    %dma_wait3A_25 = tpu.memref_slice %arg4[%dma_wait3A_23, %dma_wait3A_24] : memref<327680x128xf32, #tpu.memory_space<hbm>> -> memref<128x128xf32, #tpu.memory_space<hbm>>
    tpu.wait_dma2 semaphore(%arg18 : memref<!tpu.dma_semaphore, #tpu.memory_space<semaphore_mem>>) src(%arg8 : memref<128x128xf32, #tpu.memory_space<vmem>>) dst(%dma_wait3A_25 : memref<128x128xf32, #tpu.memory_space<hbm>>)
    %dma_wait3A_26 = arith.constant 0 : i32
    %dma_wait3A_27 = arith.constant 0 : i32
    %dma_wait3A_28 = tpu.memref_slice %arg4[%dma_wait3A_26, %dma_wait3A_27] : memref<327680x128xf32, #tpu.memory_space<hbm>> -> memref<128x128xf32, #tpu.memory_space<hbm>>
    %dma_wait3A_29 = arith.constant 0 : i32
    %dma_wait3A_30 = arith.constant 0 : i32
    %dma_wait3A_31 = tpu.memref_slice %arg4[%dma_wait3A_29, %dma_wait3A_30] : memref<327680x128xf32, #tpu.memory_space<hbm>> -> memref<128x128xf32, #tpu.memory_space<hbm>>
    tpu.wait_dma2 semaphore(%arg19 : memref<!tpu.dma_semaphore, #tpu.memory_space<semaphore_mem>>) src(%arg9 : memref<128x128xf32, #tpu.memory_space<vmem>>) dst(%dma_wait3A_31 : memref<128x128xf32, #tpu.memory_space<hbm>>)
    %dma_wait3A_32 = arith.constant 0 : i32
    %dma_wait3A_33 = arith.constant 0 : i32
    %dma_wait3A_34 = tpu.memref_slice %arg4[%dma_wait3A_32, %dma_wait3A_33] : memref<327680x128xf32, #tpu.memory_space<hbm>> -> memref<128x128xf32, #tpu.memory_space<hbm>>
    %dma_wait3A_35 = arith.constant 0 : i32
    %dma_wait3A_36 = arith.constant 0 : i32
    %dma_wait3A_37 = tpu.memref_slice %arg4[%dma_wait3A_35, %dma_wait3A_36] : memref<327680x128xf32, #tpu.memory_space<hbm>> -> memref<128x128xf32, #tpu.memory_space<hbm>>
    tpu.wait_dma2 semaphore(%arg20 : memref<!tpu.dma_semaphore, #tpu.memory_space<semaphore_mem>>) src(%arg10 : memref<128x128xf32, #tpu.memory_space<vmem>>) dst(%dma_wait3A_37 : memref<128x128xf32, #tpu.memory_space<hbm>>)
    return
  }
}

module attributes {stable_mosaic.version = 14 : i64} {
  func.func @_graph_kernel(%arg0: i32, %arg1: memref<128x80x128xf32, #tpu.memory_space<vmem>>, %arg2: memref<128x32xi32, #tpu.memory_space<vmem>>, %arg3: memref<128x32xf32, #tpu.memory_space<vmem>>) attributes {dimension_semantics = [#tpu.dimension_semantics<arbitrary>], iteration_bounds = array<i64: 80>, scalar_prefetch = 0 : i64, scratch_operands = 0 : i64, tpu.core_type = #tpu.core_type<tc>, window_params = [{transform_indices = @transform_0, window_bounds = array<i64: 128, 80, 128>}, {transform_indices = @transform_1, window_bounds = array<i64: 128, 32>}, {transform_indices = @transform_2, window_bounds = array<i64: 128, 32>}]} {
    %get3A = arith.constant 0 : index
    %get3A_0 = arith.constant 0 : index
    %get3A_1 = arith.constant 0 : index
    %get3A_2 = vector.load %arg1[%get3A, %get3A_0, %get3A_1] : memref<128x80x128xf32, #tpu.memory_space<vmem>>, vector<128x80x128xf32>
    %iota3A = tpu.iota {dimensions = array<i32: 1>} : vector<1x80x1xi32>
    %iota3A_3 = tpu.iota {dimensions = array<i32: 1>} : vector<128x128xi32>
    %iota3A_4 = tpu.iota {dimensions = array<i32: 1>} : vector<1x32xi32>
    %mul3A = arith.constant 128 : i32
    %mul3A_5 = arith.muli %arg0, %mul3A : i32
    %iota3A_6 = tpu.iota {dimensions = array<i32: 0>} : vector<128x32xi32>
    %add3A = vector.broadcast %mul3A_5 : i32 to vector<128x32xi32>
    %add3A_7 = arith.addi %add3A, %iota3A_6 : vector<128x32xi32>
    %broadcast_in_dim3A = arith.constant -1.000000e+00 : f32
    %broadcast_in_dim3A_8 = vector.broadcast %broadcast_in_dim3A : f32 to vector<128x128xf32>
    %broadcast_in_dim3A_9 = arith.constant -1 : i32
    %broadcast_in_dim3A_10 = vector.broadcast %broadcast_in_dim3A_9 : i32 to vector<128x128xi32>
    %broadcast_in_dim3A_11 = vector.shape_cast %broadcast_in_dim3A_8 : vector<128x128xf32> to vector<128x1x128xf32>
    %gt3A = vector.broadcast %broadcast_in_dim3A_11 : vector<128x1x128xf32> to vector<128x80x128xf32>
    %gt3A_12 = arith.cmpf ogt, %get3A_2, %gt3A : vector<128x80x128xf32>
    %broadcast_in_dim3A_13 = vector.shape_cast %broadcast_in_dim3A_8 : vector<128x128xf32> to vector<128x1x128xf32>
    %eq3A = vector.broadcast %broadcast_in_dim3A_13 : vector<128x1x128xf32> to vector<128x80x128xf32>
    %eq3A_14 = arith.cmpf oeq, %get3A_2, %eq3A : vector<128x80x128xf32>
    %broadcast_in_dim3A_15 = vector.shape_cast %broadcast_in_dim3A_10 : vector<128x128xi32> to vector<128x1x128xi32>
    %gt3A_16 = vector.broadcast %iota3A : vector<1x80x1xi32> to vector<128x80x128xi32>
    %gt3A_17 = vector.broadcast %broadcast_in_dim3A_15 : vector<128x1x128xi32> to vector<128x80x128xi32>
    %gt3A_18 = arith.cmpi sgt, %gt3A_16, %gt3A_17 : vector<128x80x128xi32>
    %and3A = arith.andi %eq3A_14, %gt3A_18 : vector<128x80x128xi1>
    %or3A = arith.ori %gt3A_12, %and3A : vector<128x80x128xi1>
    %jit3A = arith.constant 3.000000e+38 : f32
    %broadcast_in_dim3A_19 = vector.broadcast %jit3A : f32 to vector<128x80x128xf32>
    %select_n3A = arith.select %or3A, %get3A_2, %broadcast_in_dim3A_19 : vector<128x80x128xi1>, vector<128x80x128xf32>
    %reduce_min3A = arith.constant dense<0x7F800000> : vector<128x128xf32>
    %reduce_min3A_20 = vector.multi_reduction <minimumf>, %select_n3A, %reduce_min3A [1] : vector<128x80x128xf32> to vector<128x128xf32>
    %broadcast_in_dim3A_21 = vector.shape_cast %reduce_min3A_20 : vector<128x128xf32> to vector<128x1x128xf32>
    %eq3A_22 = vector.broadcast %broadcast_in_dim3A_21 : vector<128x1x128xf32> to vector<128x80x128xf32>
    %eq3A_23 = arith.cmpf oeq, %select_n3A, %eq3A_22 : vector<128x80x128xf32>
    %jit3A_24 = arith.constant 80 : i32
    %broadcast_in_dim3A_25 = vector.shape_cast %iota3A : vector<1x80x1xi32> to vector<1x80x1xi32>
    %broadcast_in_dim3A_26 = vector.broadcast %broadcast_in_dim3A_25 : vector<1x80x1xi32> to vector<128x80x128xi32>
    %broadcast_in_dim3A_27 = vector.broadcast %jit3A_24 : i32 to vector<128x80x128xi32>
    %select_n3A_28 = arith.select %eq3A_23, %broadcast_in_dim3A_26, %broadcast_in_dim3A_27 : vector<128x80x128xi1>, vector<128x80x128xi32>
    %reduce_min3A_29 = arith.constant dense<2147483647> : vector<128x128xi32>
    %reduce_min3A_30 = vector.multi_reduction <minsi>, %select_n3A_28, %reduce_min3A_29 [1] : vector<128x80x128xi32> to vector<128x128xi32>
    %broadcast_in_dim3A_31 = vector.shape_cast %reduce_min3A_20 : vector<128x128xf32> to vector<128x1x128xf32>
    %gt3A_32 = vector.broadcast %broadcast_in_dim3A_31 : vector<128x1x128xf32> to vector<128x80x128xf32>
    %gt3A_33 = arith.cmpf ogt, %get3A_2, %gt3A_32 : vector<128x80x128xf32>
    %broadcast_in_dim3A_34 = vector.shape_cast %reduce_min3A_20 : vector<128x128xf32> to vector<128x1x128xf32>
    %eq3A_35 = vector.broadcast %broadcast_in_dim3A_34 : vector<128x1x128xf32> to vector<128x80x128xf32>
    %eq3A_36 = arith.cmpf oeq, %get3A_2, %eq3A_35 : vector<128x80x128xf32>
    %broadcast_in_dim3A_37 = vector.shape_cast %reduce_min3A_30 : vector<128x128xi32> to vector<128x1x128xi32>
    %gt3A_38 = vector.broadcast %iota3A : vector<1x80x1xi32> to vector<128x80x128xi32>
    %gt3A_39 = vector.broadcast %broadcast_in_dim3A_37 : vector<128x1x128xi32> to vector<128x80x128xi32>
    %gt3A_40 = arith.cmpi sgt, %gt3A_38, %gt3A_39 : vector<128x80x128xi32>
    %and3A_41 = arith.andi %eq3A_36, %gt3A_40 : vector<128x80x128xi1>
    %or3A_42 = arith.ori %gt3A_33, %and3A_41 : vector<128x80x128xi1>
    %jit3A_43 = arith.constant 3.000000e+38 : f32
    %broadcast_in_dim3A_44 = vector.broadcast %jit3A_43 : f32 to vector<128x80x128xf32>
    %select_n3A_45 = arith.select %or3A_42, %get3A_2, %broadcast_in_dim3A_44 : vector<128x80x128xi1>, vector<128x80x128xf32>
    %reduce_min3A_46 = arith.constant dense<0x7F800000> : vector<128x128xf32>
    %reduce_min3A_47 = vector.multi_reduction <minimumf>, %select_n3A_45, %reduce_min3A_46 [1] : vector<128x80x128xf32> to vector<128x128xf32>
    %broadcast_in_dim3A_48 = vector.shape_cast %reduce_min3A_47 : vector<128x128xf32> to vector<128x1x128xf32>
    %eq3A_49 = vector.broadcast %broadcast_in_dim3A_48 : vector<128x1x128xf32> to vector<128x80x128xf32>
    %eq3A_50 = arith.cmpf oeq, %select_n3A_45, %eq3A_49 : vector<128x80x128xf32>
    %jit3A_51 = arith.constant 80 : i32
    %broadcast_in_dim3A_52 = vector.shape_cast %iota3A : vector<1x80x1xi32> to vector<1x80x1xi32>
    %broadcast_in_dim3A_53 = vector.broadcast %broadcast_in_dim3A_52 : vector<1x80x1xi32> to vector<128x80x128xi32>
    %broadcast_in_dim3A_54 = vector.broadcast %jit3A_51 : i32 to vector<128x80x128xi32>
    %select_n3A_55 = arith.select %eq3A_50, %broadcast_in_dim3A_53, %broadcast_in_dim3A_54 : vector<128x80x128xi1>, vector<128x80x128xi32>
    %reduce_min3A_56 = arith.constant dense<2147483647> : vector<128x128xi32>
    %reduce_min3A_57 = vector.multi_reduction <minsi>, %select_n3A_55, %reduce_min3A_56 [1] : vector<128x80x128xi32> to vector<128x128xi32>
    %broadcast_in_dim3A_58 = vector.shape_cast %reduce_min3A_47 : vector<128x128xf32> to vector<128x1x128xf32>
    %gt3A_59 = vector.broadcast %broadcast_in_dim3A_58 : vector<128x1x128xf32> to vector<128x80x128xf32>
    %gt3A_60 = arith.cmpf ogt, %get3A_2, %gt3A_59 : vector<128x80x128xf32>
    %broadcast_in_dim3A_61 = vector.shape_cast %reduce_min3A_47 : vector<128x128xf32> to vector<128x1x128xf32>
    %eq3A_62 = vector.broadcast %broadcast_in_dim3A_61 : vector<128x1x128xf32> to vector<128x80x128xf32>
    %eq3A_63 = arith.cmpf oeq, %get3A_2, %eq3A_62 : vector<128x80x128xf32>
    %broadcast_in_dim3A_64 = vector.shape_cast %reduce_min3A_57 : vector<128x128xi32> to vector<128x1x128xi32>
    %gt3A_65 = vector.broadcast %iota3A : vector<1x80x1xi32> to vector<128x80x128xi32>
    %gt3A_66 = vector.broadcast %broadcast_in_dim3A_64 : vector<128x1x128xi32> to vector<128x80x128xi32>
    %gt3A_67 = arith.cmpi sgt, %gt3A_65, %gt3A_66 : vector<128x80x128xi32>
    %and3A_68 = arith.andi %eq3A_63, %gt3A_67 : vector<128x80x128xi1>
    %or3A_69 = arith.ori %gt3A_60, %and3A_68 : vector<128x80x128xi1>
    %jit3A_70 = arith.constant 3.000000e+38 : f32
    %broadcast_in_dim3A_71 = vector.broadcast %jit3A_70 : f32 to vector<128x80x128xf32>
    %select_n3A_72 = arith.select %or3A_69, %get3A_2, %broadcast_in_dim3A_71 : vector<128x80x128xi1>, vector<128x80x128xf32>
    %reduce_min3A_73 = arith.constant dense<0x7F800000> : vector<128x128xf32>
    %reduce_min3A_74 = vector.multi_reduction <minimumf>, %select_n3A_72, %reduce_min3A_73 [1] : vector<128x80x128xf32> to vector<128x128xf32>
    %broadcast_in_dim3A_75 = vector.shape_cast %reduce_min3A_74 : vector<128x128xf32> to vector<128x1x128xf32>
    %eq3A_76 = vector.broadcast %broadcast_in_dim3A_75 : vector<128x1x128xf32> to vector<128x80x128xf32>
    %eq3A_77 = arith.cmpf oeq, %select_n3A_72, %eq3A_76 : vector<128x80x128xf32>
    %jit3A_78 = arith.constant 80 : i32
    %broadcast_in_dim3A_79 = vector.shape_cast %iota3A : vector<1x80x1xi32> to vector<1x80x1xi32>
    %broadcast_in_dim3A_80 = vector.broadcast %broadcast_in_dim3A_79 : vector<1x80x1xi32> to vector<128x80x128xi32>
    %broadcast_in_dim3A_81 = vector.broadcast %jit3A_78 : i32 to vector<128x80x128xi32>
    %select_n3A_82 = arith.select %eq3A_77, %broadcast_in_dim3A_80, %broadcast_in_dim3A_81 : vector<128x80x128xi1>, vector<128x80x128xi32>
    %reduce_min3A_83 = arith.constant dense<2147483647> : vector<128x128xi32>
    %reduce_min3A_84 = vector.multi_reduction <minsi>, %select_n3A_82, %reduce_min3A_83 [1] : vector<128x80x128xi32> to vector<128x128xi32>
    %broadcast_in_dim3A_85 = vector.shape_cast %reduce_min3A_74 : vector<128x128xf32> to vector<128x1x128xf32>
    %gt3A_86 = vector.broadcast %broadcast_in_dim3A_85 : vector<128x1x128xf32> to vector<128x80x128xf32>
    %gt3A_87 = arith.cmpf ogt, %get3A_2, %gt3A_86 : vector<128x80x128xf32>
    %broadcast_in_dim3A_88 = vector.shape_cast %reduce_min3A_74 : vector<128x128xf32> to vector<128x1x128xf32>
    %eq3A_89 = vector.broadcast %broadcast_in_dim3A_88 : vector<128x1x128xf32> to vector<128x80x128xf32>
    %eq3A_90 = arith.cmpf oeq, %get3A_2, %eq3A_89 : vector<128x80x128xf32>
    %broadcast_in_dim3A_91 = vector.shape_cast %reduce_min3A_84 : vector<128x128xi32> to vector<128x1x128xi32>
    %gt3A_92 = vector.broadcast %iota3A : vector<1x80x1xi32> to vector<128x80x128xi32>
    %gt3A_93 = vector.broadcast %broadcast_in_dim3A_91 : vector<128x1x128xi32> to vector<128x80x128xi32>
    %gt3A_94 = arith.cmpi sgt, %gt3A_92, %gt3A_93 : vector<128x80x128xi32>
    %and3A_95 = arith.andi %eq3A_90, %gt3A_94 : vector<128x80x128xi1>
    %or3A_96 = arith.ori %gt3A_87, %and3A_95 : vector<128x80x128xi1>
    %jit3A_97 = arith.constant 3.000000e+38 : f32
    %broadcast_in_dim3A_98 = vector.broadcast %jit3A_97 : f32 to vector<128x80x128xf32>
    %select_n3A_99 = arith.select %or3A_96, %get3A_2, %broadcast_in_dim3A_98 : vector<128x80x128xi1>, vector<128x80x128xf32>
    %reduce_min3A_100 = arith.constant dense<0x7F800000> : vector<128x128xf32>
    %reduce_min3A_101 = vector.multi_reduction <minimumf>, %select_n3A_99, %reduce_min3A_100 [1] : vector<128x80x128xf32> to vector<128x128xf32>
    %broadcast_in_dim3A_102 = vector.shape_cast %reduce_min3A_101 : vector<128x128xf32> to vector<128x1x128xf32>
    %eq3A_103 = vector.broadcast %broadcast_in_dim3A_102 : vector<128x1x128xf32> to vector<128x80x128xf32>
    %eq3A_104 = arith.cmpf oeq, %select_n3A_99, %eq3A_103 : vector<128x80x128xf32>
    %jit3A_105 = arith.constant 80 : i32
    %broadcast_in_dim3A_106 = vector.shape_cast %iota3A : vector<1x80x1xi32> to vector<1x80x1xi32>
    %broadcast_in_dim3A_107 = vector.broadcast %broadcast_in_dim3A_106 : vector<1x80x1xi32> to vector<128x80x128xi32>
    %broadcast_in_dim3A_108 = vector.broadcast %jit3A_105 : i32 to vector<128x80x128xi32>
    %select_n3A_109 = arith.select %eq3A_104, %broadcast_in_dim3A_107, %broadcast_in_dim3A_108 : vector<128x80x128xi1>, vector<128x80x128xi32>
    %reduce_min3A_110 = arith.constant dense<2147483647> : vector<128x128xi32>
    %reduce_min3A_111 = vector.multi_reduction <minsi>, %select_n3A_109, %reduce_min3A_110 [1] : vector<128x80x128xi32> to vector<128x128xi32>
    %broadcast_in_dim3A_112 = vector.shape_cast %reduce_min3A_101 : vector<128x128xf32> to vector<128x1x128xf32>
    %gt3A_113 = vector.broadcast %broadcast_in_dim3A_112 : vector<128x1x128xf32> to vector<128x80x128xf32>
    %gt3A_114 = arith.cmpf ogt, %get3A_2, %gt3A_113 : vector<128x80x128xf32>
    %broadcast_in_dim3A_115 = vector.shape_cast %reduce_min3A_101 : vector<128x128xf32> to vector<128x1x128xf32>
    %eq3A_116 = vector.broadcast %broadcast_in_dim3A_115 : vector<128x1x128xf32> to vector<128x80x128xf32>
    %eq3A_117 = arith.cmpf oeq, %get3A_2, %eq3A_116 : vector<128x80x128xf32>
    %broadcast_in_dim3A_118 = vector.shape_cast %reduce_min3A_111 : vector<128x128xi32> to vector<128x1x128xi32>
    %gt3A_119 = vector.broadcast %iota3A : vector<1x80x1xi32> to vector<128x80x128xi32>
    %gt3A_120 = vector.broadcast %broadcast_in_dim3A_118 : vector<128x1x128xi32> to vector<128x80x128xi32>
    %gt3A_121 = arith.cmpi sgt, %gt3A_119, %gt3A_120 : vector<128x80x128xi32>
    %and3A_122 = arith.andi %eq3A_117, %gt3A_121 : vector<128x80x128xi1>
    %or3A_123 = arith.ori %gt3A_114, %and3A_122 : vector<128x80x128xi1>
    %jit3A_124 = arith.constant 3.000000e+38 : f32
    %broadcast_in_dim3A_125 = vector.broadcast %jit3A_124 : f32 to vector<128x80x128xf32>
    %select_n3A_126 = arith.select %or3A_123, %get3A_2, %broadcast_in_dim3A_125 : vector<128x80x128xi1>, vector<128x80x128xf32>
    %reduce_min3A_127 = arith.constant dense<0x7F800000> : vector<128x128xf32>
    %reduce_min3A_128 = vector.multi_reduction <minimumf>, %select_n3A_126, %reduce_min3A_127 [1] : vector<128x80x128xf32> to vector<128x128xf32>
    %broadcast_in_dim3A_129 = vector.shape_cast %reduce_min3A_128 : vector<128x128xf32> to vector<128x1x128xf32>
    %eq3A_130 = vector.broadcast %broadcast_in_dim3A_129 : vector<128x1x128xf32> to vector<128x80x128xf32>
    %eq3A_131 = arith.cmpf oeq, %select_n3A_126, %eq3A_130 : vector<128x80x128xf32>
    %jit3A_132 = arith.constant 80 : i32
    %broadcast_in_dim3A_133 = vector.shape_cast %iota3A : vector<1x80x1xi32> to vector<1x80x1xi32>
    %broadcast_in_dim3A_134 = vector.broadcast %broadcast_in_dim3A_133 : vector<1x80x1xi32> to vector<128x80x128xi32>
    %broadcast_in_dim3A_135 = vector.broadcast %jit3A_132 : i32 to vector<128x80x128xi32>
    %select_n3A_136 = arith.select %eq3A_131, %broadcast_in_dim3A_134, %broadcast_in_dim3A_135 : vector<128x80x128xi1>, vector<128x80x128xi32>
    %reduce_min3A_137 = arith.constant dense<2147483647> : vector<128x128xi32>
    %reduce_min3A_138 = vector.multi_reduction <minsi>, %select_n3A_136, %reduce_min3A_137 [1] : vector<128x80x128xi32> to vector<128x128xi32>
    %broadcast_in_dim3A_139 = vector.shape_cast %reduce_min3A_128 : vector<128x128xf32> to vector<128x1x128xf32>
    %gt3A_140 = vector.broadcast %broadcast_in_dim3A_139 : vector<128x1x128xf32> to vector<128x80x128xf32>
    %gt3A_141 = arith.cmpf ogt, %get3A_2, %gt3A_140 : vector<128x80x128xf32>
    %broadcast_in_dim3A_142 = vector.shape_cast %reduce_min3A_128 : vector<128x128xf32> to vector<128x1x128xf32>
    %eq3A_143 = vector.broadcast %broadcast_in_dim3A_142 : vector<128x1x128xf32> to vector<128x80x128xf32>
    %eq3A_144 = arith.cmpf oeq, %get3A_2, %eq3A_143 : vector<128x80x128xf32>
    %broadcast_in_dim3A_145 = vector.shape_cast %reduce_min3A_138 : vector<128x128xi32> to vector<128x1x128xi32>
    %gt3A_146 = vector.broadcast %iota3A : vector<1x80x1xi32> to vector<128x80x128xi32>
    %gt3A_147 = vector.broadcast %broadcast_in_dim3A_145 : vector<128x1x128xi32> to vector<128x80x128xi32>
    %gt3A_148 = arith.cmpi sgt, %gt3A_146, %gt3A_147 : vector<128x80x128xi32>
    %and3A_149 = arith.andi %eq3A_144, %gt3A_148 : vector<128x80x128xi1>
    %or3A_150 = arith.ori %gt3A_141, %and3A_149 : vector<128x80x128xi1>
    %jit3A_151 = arith.constant 3.000000e+38 : f32
    %broadcast_in_dim3A_152 = vector.broadcast %jit3A_151 : f32 to vector<128x80x128xf32>
    %select_n3A_153 = arith.select %or3A_150, %get3A_2, %broadcast_in_dim3A_152 : vector<128x80x128xi1>, vector<128x80x128xf32>
    %reduce_min3A_154 = arith.constant dense<0x7F800000> : vector<128x128xf32>
    %reduce_min3A_155 = vector.multi_reduction <minimumf>, %select_n3A_153, %reduce_min3A_154 [1] : vector<128x80x128xf32> to vector<128x128xf32>
    %broadcast_in_dim3A_156 = vector.shape_cast %reduce_min3A_155 : vector<128x128xf32> to vector<128x1x128xf32>
    %eq3A_157 = vector.broadcast %broadcast_in_dim3A_156 : vector<128x1x128xf32> to vector<128x80x128xf32>
    %eq3A_158 = arith.cmpf oeq, %select_n3A_153, %eq3A_157 : vector<128x80x128xf32>
    %jit3A_159 = arith.constant 80 : i32
    %broadcast_in_dim3A_160 = vector.shape_cast %iota3A : vector<1x80x1xi32> to vector<1x80x1xi32>
    %broadcast_in_dim3A_161 = vector.broadcast %broadcast_in_dim3A_160 : vector<1x80x1xi32> to vector<128x80x128xi32>
    %broadcast_in_dim3A_162 = vector.broadcast %jit3A_159 : i32 to vector<128x80x128xi32>
    %select_n3A_163 = arith.select %eq3A_158, %broadcast_in_dim3A_161, %broadcast_in_dim3A_162 : vector<128x80x128xi1>, vector<128x80x128xi32>
    %reduce_min3A_164 = arith.constant dense<2147483647> : vector<128x128xi32>
    %reduce_min3A_165 = vector.multi_reduction <minsi>, %select_n3A_163, %reduce_min3A_164 [1] : vector<128x80x128xi32> to vector<128x128xi32>
    %broadcast_in_dim3A_166 = arith.constant 0x7F800000 : f32
    %broadcast_in_dim3A_167 = vector.broadcast %broadcast_in_dim3A_166 : f32 to vector<128x32xf32>
    %broadcast_in_dim3A_168 = arith.constant 0.000000e+00 : f32
    %broadcast_in_dim3A_169 = vector.broadcast %broadcast_in_dim3A_168 : f32 to vector<128x32xf32>
    %broadcast_in_dim3A_170 = arith.constant 0 : i32
    %broadcast_in_dim3A_171 = vector.broadcast %broadcast_in_dim3A_170 : i32 to vector<128x128xi32>
    %scan3A = arith.constant 0 : i32
    %scan3A_172 = arith.constant 32 : i32
    %scan3A_173 = arith.addi %scan3A, %scan3A_172 : i32
    %scan3A_174 = arith.constant 1 : i32
    %scan3A_175:3 = scf.for %scan3A_194 = %scan3A to %scan3A_173 step %scan3A_174 iter_args(%scan3A_195 = %broadcast_in_dim3A_167, %scan3A_196 = %broadcast_in_dim3A_169, %scan3A_197 = %broadcast_in_dim3A_171) -> (vector<128x32xf32>, vector<128x32xf32>, vector<128x128xi32>)  : i32 {
      %broadcast_in_dim3A_198 = arith.constant 3.000000e+38 : f32
      %broadcast_in_dim3A_199 = vector.broadcast %broadcast_in_dim3A_198 : f32 to vector<128x128xf32>
      %broadcast_in_dim3A_200 = arith.constant 80 : i32
      %broadcast_in_dim3A_201 = vector.broadcast %broadcast_in_dim3A_200 : i32 to vector<128x128xi32>
      %eq3A_202 = arith.constant 5 : i32
      %eq3A_203 = vector.broadcast %eq3A_202 : i32 to vector<128x128xi32>
      %eq3A_204 = arith.cmpi eq, %scan3A_197, %eq3A_203 : vector<128x128xi32>
      %select_n3A_205 = arith.select %eq3A_204, %reduce_min3A_155, %broadcast_in_dim3A_199 : vector<128x128xi1>, vector<128x128xf32>
      %select_n3A_206 = arith.select %eq3A_204, %reduce_min3A_165, %broadcast_in_dim3A_201 : vector<128x128xi1>, vector<128x128xi32>
      %eq3A_207 = arith.constant 4 : i32
      %eq3A_208 = vector.broadcast %eq3A_207 : i32 to vector<128x128xi32>
      %eq3A_209 = arith.cmpi eq, %scan3A_197, %eq3A_208 : vector<128x128xi32>
      %select_n3A_210 = arith.select %eq3A_209, %reduce_min3A_128, %select_n3A_205 : vector<128x128xi1>, vector<128x128xf32>
      %select_n3A_211 = arith.select %eq3A_209, %reduce_min3A_138, %select_n3A_206 : vector<128x128xi1>, vector<128x128xi32>
      %eq3A_212 = arith.constant 3 : i32
      %eq3A_213 = vector.broadcast %eq3A_212 : i32 to vector<128x128xi32>
      %eq3A_214 = arith.cmpi eq, %scan3A_197, %eq3A_213 : vector<128x128xi32>
      %select_n3A_215 = arith.select %eq3A_214, %reduce_min3A_101, %select_n3A_210 : vector<128x128xi1>, vector<128x128xf32>
      %select_n3A_216 = arith.select %eq3A_214, %reduce_min3A_111, %select_n3A_211 : vector<128x128xi1>, vector<128x128xi32>
      %eq3A_217 = arith.constant 2 : i32
      %eq3A_218 = vector.broadcast %eq3A_217 : i32 to vector<128x128xi32>
      %eq3A_219 = arith.cmpi eq, %scan3A_197, %eq3A_218 : vector<128x128xi32>
      %select_n3A_220 = arith.select %eq3A_219, %reduce_min3A_74, %select_n3A_215 : vector<128x128xi1>, vector<128x128xf32>
      %select_n3A_221 = arith.select %eq3A_219, %reduce_min3A_84, %select_n3A_216 : vector<128x128xi1>, vector<128x128xi32>
      %eq3A_222 = arith.constant 1 : i32
      %eq3A_223 = vector.broadcast %eq3A_222 : i32 to vector<128x128xi32>
      %eq3A_224 = arith.cmpi eq, %scan3A_197, %eq3A_223 : vector<128x128xi32>
      %select_n3A_225 = arith.select %eq3A_224, %reduce_min3A_47, %select_n3A_220 : vector<128x128xi1>, vector<128x128xf32>
      %select_n3A_226 = arith.select %eq3A_224, %reduce_min3A_57, %select_n3A_221 : vector<128x128xi1>, vector<128x128xi32>
      %eq3A_227 = arith.constant 0 : i32
      %eq3A_228 = vector.broadcast %eq3A_227 : i32 to vector<128x128xi32>
      %eq3A_229 = arith.cmpi eq, %scan3A_197, %eq3A_228 : vector<128x128xi32>
      %select_n3A_230 = arith.select %eq3A_229, %reduce_min3A_20, %select_n3A_225 : vector<128x128xi1>, vector<128x128xf32>
      %select_n3A_231 = arith.select %eq3A_229, %reduce_min3A_30, %select_n3A_226 : vector<128x128xi1>, vector<128x128xi32>
      %reduce_min3A_232 = arith.constant dense<0x7F800000> : vector<128xf32>
      %reduce_min3A_233 = vector.multi_reduction <minimumf>, %select_n3A_230, %reduce_min3A_232 [1] : vector<128x128xf32> to vector<128xf32>
      %broadcast_in_dim3A_234 = vector.shape_cast %reduce_min3A_233 : vector<128xf32> to vector<128x1xf32>
      %mul3A_235 = arith.constant 128 : i32
      %mul3A_236 = vector.broadcast %mul3A_235 : i32 to vector<128x128xi32>
      %mul3A_237 = arith.muli %select_n3A_231, %mul3A_236 : vector<128x128xi32>
      %add3A_238 = arith.addi %mul3A_237, %iota3A_3 : vector<128x128xi32>
      %convert_element_type3A_239 = arith.sitofp %add3A_238 : vector<128x128xi32> to vector<128x128xf32>
      %eq3A_240 = vector.broadcast %broadcast_in_dim3A_234 : vector<128x1xf32> to vector<128x128xf32>
      %eq3A_241 = arith.cmpf oeq, %select_n3A_230, %eq3A_240 : vector<128x128xf32>
      %jit3A_242 = arith.constant 3.000000e+38 : f32
      %broadcast_in_dim3A_243 = vector.broadcast %jit3A_242 : f32 to vector<128x128xf32>
      %select_n3A_244 = arith.select %eq3A_241, %convert_element_type3A_239, %broadcast_in_dim3A_243 : vector<128x128xi1>, vector<128x128xf32>
      %reduce_min3A_245 = arith.constant dense<0x7F800000> : vector<128xf32>
      %reduce_min3A_246 = vector.multi_reduction <minimumf>, %select_n3A_244, %reduce_min3A_245 [1] : vector<128x128xf32> to vector<128xf32>
      %broadcast_in_dim3A_247 = vector.shape_cast %reduce_min3A_246 : vector<128xf32> to vector<128x1xf32>
      %eq3A_248 = vector.broadcast %scan3A_194 : i32 to vector<1x32xi32>
      %eq3A_249 = arith.cmpi eq, %iota3A_4, %eq3A_248 : vector<1x32xi32>
      %broadcast_in_dim3A_250 = vector.shape_cast %eq3A_249 : vector<1x32xi1> to vector<1x32xi1>
      %broadcast_in_dim3A_251 = vector.broadcast %broadcast_in_dim3A_250 : vector<1x32xi1> to vector<128x32xi1>
      %broadcast_in_dim3A_252 = vector.shape_cast %broadcast_in_dim3A_234 : vector<128x1xf32> to vector<128x1xf32>
      %broadcast_in_dim3A_253 = vector.broadcast %broadcast_in_dim3A_252 : vector<128x1xf32> to vector<128x32xf32>
      %select_n3A_254 = arith.select %broadcast_in_dim3A_251, %broadcast_in_dim3A_253, %scan3A_195 : vector<128x32xi1>, vector<128x32xf32>
      %broadcast_in_dim3A_255 = vector.shape_cast %eq3A_249 : vector<1x32xi1> to vector<1x32xi1>
      %broadcast_in_dim3A_256 = vector.broadcast %broadcast_in_dim3A_255 : vector<1x32xi1> to vector<128x32xi1>
      %broadcast_in_dim3A_257 = vector.shape_cast %broadcast_in_dim3A_247 : vector<128x1xf32> to vector<128x1xf32>
      %broadcast_in_dim3A_258 = vector.broadcast %broadcast_in_dim3A_257 : vector<128x1xf32> to vector<128x32xf32>
      %select_n3A_259 = arith.select %broadcast_in_dim3A_256, %broadcast_in_dim3A_258, %scan3A_196 : vector<128x32xi1>, vector<128x32xf32>
      %jit3A_260 = arith.constant 0.000000e+00 : f32
      %jit3A_261 = arith.constant 1.024000e+04 : f32
      %max3A = vector.broadcast %jit3A_260 : f32 to vector<128x1xf32>
      %max3A_262 = arith.maximumf %max3A, %broadcast_in_dim3A_247 : vector<128x1xf32>
      %min3A = vector.broadcast %jit3A_261 : f32 to vector<128x1xf32>
      %min3A_263 = arith.minimumf %min3A, %max3A_262 : vector<128x1xf32>
      %convert_element_type3A_264 = arith.fptosi %min3A_263 : vector<128x1xf32> to vector<128x1xi32>
      %and3A_265 = arith.constant 127 : i32
      %and3A_266 = vector.broadcast %and3A_265 : i32 to vector<128x1xi32>
      %and3A_267 = arith.andi %convert_element_type3A_264, %and3A_266 : vector<128x1xi32>
      %eq3A_268 = vector.broadcast %and3A_267 : vector<128x1xi32> to vector<128x128xi32>
      %eq3A_269 = arith.cmpi eq, %iota3A_3, %eq3A_268 : vector<128x128xi32>
      %convert_element_type3A_270 = arith.extui %eq3A_269 : vector<128x128xi1> to vector<128x128xi32>
      %add3A_271 = arith.addi %scan3A_197, %convert_element_type3A_270 : vector<128x128xi32>
      scf.yield %select_n3A_254, %select_n3A_259, %add3A_271 : vector<128x32xf32>, vector<128x32xf32>, vector<128x128xi32>
    }
    %scan3A_176 = arith.constant 32 : i32
    %lt3A = arith.constant 9.99999993E+36 : f32
    %lt3A_177 = vector.broadcast %lt3A : f32 to vector<128x32xf32>
    %lt3A_178 = arith.cmpf olt, %scan3A_175#0, %lt3A_177 : vector<128x32xf32>
    %convert_element_type3A = arith.fptosi %scan3A_175#1 : vector<128x32xf32> to vector<128x32xi32>
    %select_n3A_179 = arith.select %lt3A_178, %convert_element_type3A, %add3A_7 : vector<128x32xi1>, vector<128x32xi32>
    %swap3A = arith.constant 0 : index
    %swap3A_180 = arith.constant 0 : index
    %swap3A_181 = vector.load %arg2[%swap3A, %swap3A_180] : memref<128x32xi32, #tpu.memory_space<vmem>>, vector<128x32xi32>
    tpu.vector_store %arg2[%swap3A, %swap3A_180], %select_n3A_179 {strides = array<i32>} : memref<128x32xi32, #tpu.memory_space<vmem>>, vector<128x32xi32>,
    %convert_element_type3A_182 = arith.extui %lt3A_178 : vector<128x32xi1> to vector<128x32xi32>
    %convert_element_type3A_183 = arith.sitofp %convert_element_type3A_182 : vector<128x32xi32> to vector<128x32xf32>
    %swap3A_184 = arith.constant 0 : index
    %swap3A_185 = arith.constant 0 : index
    %swap3A_186 = vector.load %arg3[%swap3A_184, %swap3A_185] : memref<128x32xf32, #tpu.memory_space<vmem>>, vector<128x32xf32>
    tpu.vector_store %arg3[%swap3A_184, %swap3A_185], %convert_element_type3A_183 {strides = array<i32>} : memref<128x32xf32, #tpu.memory_space<vmem>>, vector<128x32xf32>,
    %reduce_max3A = vector.shape_cast %scan3A_175#2 : vector<128x128xi32> to vector<1x128x128xi32>
    %reduce_max3A_187 = arith.constant dense<-2147483648> : vector<1xi32>
    %reduce_max3A_188 = vector.multi_reduction <maxsi>, %reduce_max3A, %reduce_max3A_187 [1, 2] : vector<1x128x128xi32> to vector<1xi32>
    %reduce_max3A_189 = vector.shape_cast %reduce_max3A_188 : vector<1xi32> to vector<1x1x1xi32>
    %reduce_max3A_190 = vector.extract %reduce_max3A_189[0, 0, 0] : i32 from vector<1x1x1xi32>
    %ge3A = arith.constant 6 : i32
    %ge3A_191 = arith.cmpi sge, %reduce_max3A_190, %ge3A : i32
    %convert_element_type3A_192 = arith.extui %ge3A_191 : i1 to i32
    %cond3A = arith.constant 0 : i32
    %cond3A_193 = arith.cmpi ne, %convert_element_type3A_192, %cond3A : i32
    scf.if %cond3A_193 {
      %iota3A_194 = tpu.iota {dimensions = array<i32: 2>} : vector<1x1x128xi32>
      %mul3A_195 = arith.constant 128 : i32
      %mul3A_196 = vector.broadcast %mul3A_195 : i32 to vector<1x80x1xi32>
      %mul3A_197 = arith.muli %iota3A, %mul3A_196 : vector<1x80x1xi32>
      %add3A_198 = vector.broadcast %mul3A_197 : vector<1x80x1xi32> to vector<1x80x128xi32>
      %add3A_199 = vector.broadcast %iota3A_194 : vector<1x1x128xi32> to vector<1x80x128xi32>
      %add3A_200 = arith.addi %add3A_198, %add3A_199 : vector<1x80x128xi32>
      %convert_element_type3A_201 = arith.sitofp %add3A_200 : vector<1x80x128xi32> to vector<1x80x128xf32>
      %broadcast_in_dim3A_202 = arith.constant 0x7F800000 : f32
      %broadcast_in_dim3A_203 = vector.broadcast %broadcast_in_dim3A_202 : f32 to vector<128x32xf32>
      %broadcast_in_dim3A_204 = arith.constant 0.000000e+00 : f32
      %broadcast_in_dim3A_205 = vector.broadcast %broadcast_in_dim3A_204 : f32 to vector<128x32xf32>
      %broadcast_in_dim3A_206 = arith.constant -1.000000e+00 : f32
      %broadcast_in_dim3A_207 = vector.broadcast %broadcast_in_dim3A_206 : f32 to vector<128x1xf32>
      %broadcast_in_dim3A_208 = arith.constant -1.000000e+00 : f32
      %broadcast_in_dim3A_209 = vector.broadcast %broadcast_in_dim3A_208 : f32 to vector<128x1xf32>
      %scan3A_210 = arith.constant 0 : i32
      %scan3A_211 = arith.constant 32 : i32
      %scan3A_212 = arith.addi %scan3A_210, %scan3A_211 : i32
      %scan3A_213 = arith.constant 1 : i32
      %scan3A_214:4 = scf.for %scan3A_229 = %scan3A_210 to %scan3A_212 step %scan3A_213 iter_args(%scan3A_230 = %broadcast_in_dim3A_203, %scan3A_231 = %broadcast_in_dim3A_205, %scan3A_232 = %broadcast_in_dim3A_207, %scan3A_233 = %broadcast_in_dim3A_209) -> (vector<128x32xf32>, vector<128x32xf32>, vector<128x1xf32>, vector<128x1xf32>)  : i32 {
        %get3A_234 = arith.constant 0 : index
        %get3A_235 = arith.constant 0 : index
        %get3A_236 = arith.constant 0 : index
        %get3A_237 = vector.load %arg1[%get3A_234, %get3A_235, %get3A_236] : memref<128x80x128xf32, #tpu.memory_space<vmem>>, vector<128x80x128xf32>
        %broadcast_in_dim3A_238 = vector.shape_cast %scan3A_232 : vector<128x1xf32> to vector<128x1x1xf32>
        %gt3A_239 = vector.broadcast %broadcast_in_dim3A_238 : vector<128x1x1xf32> to vector<128x80x128xf32>
        %gt3A_240 = arith.cmpf ogt, %get3A_237, %gt3A_239 : vector<128x80x128xf32>
        %broadcast_in_dim3A_241 = vector.shape_cast %scan3A_232 : vector<128x1xf32> to vector<128x1x1xf32>
        %eq3A_242 = vector.broadcast %broadcast_in_dim3A_241 : vector<128x1x1xf32> to vector<128x80x128xf32>
        %eq3A_243 = arith.cmpf oeq, %get3A_237, %eq3A_242 : vector<128x80x128xf32>
        %broadcast_in_dim3A_244 = vector.shape_cast %scan3A_233 : vector<128x1xf32> to vector<128x1x1xf32>
        %gt3A_245 = vector.broadcast %convert_element_type3A_201 : vector<1x80x128xf32> to vector<128x80x128xf32>
        %gt3A_246 = vector.broadcast %broadcast_in_dim3A_244 : vector<128x1x1xf32> to vector<128x80x128xf32>
        %gt3A_247 = arith.cmpf ogt, %gt3A_245, %gt3A_246 : vector<128x80x128xf32>
        %and3A_248 = arith.andi %eq3A_243, %gt3A_247 : vector<128x80x128xi1>
        %or3A_249 = arith.ori %gt3A_240, %and3A_248 : vector<128x80x128xi1>
        %jit3A_250 = arith.constant 3.000000e+38 : f32
        %broadcast_in_dim3A_251 = vector.broadcast %jit3A_250 : f32 to vector<128x80x128xf32>
        %select_n3A_252 = arith.select %or3A_249, %get3A_237, %broadcast_in_dim3A_251 : vector<128x80x128xi1>, vector<128x80x128xf32>
        %reduce_min3A_253 = arith.constant dense<0x7F800000> : vector<128x128xf32>
        %reduce_min3A_254 = vector.multi_reduction <minimumf>, %select_n3A_252, %reduce_min3A_253 [1] : vector<128x80x128xf32> to vector<128x128xf32>
        %reduce_min3A_255 = arith.constant dense<0x7F800000> : vector<128xf32>
        %reduce_min3A_256 = vector.multi_reduction <minimumf>, %reduce_min3A_254, %reduce_min3A_255 [1] : vector<128x128xf32> to vector<128xf32>
        %broadcast_in_dim3A_257 = vector.shape_cast %reduce_min3A_256 : vector<128xf32> to vector<128x1xf32>
        %broadcast_in_dim3A_258 = vector.shape_cast %broadcast_in_dim3A_257 : vector<128x1xf32> to vector<128x1x1xf32>
        %eq3A_259 = vector.broadcast %broadcast_in_dim3A_258 : vector<128x1x1xf32> to vector<128x80x128xf32>
        %eq3A_260 = arith.cmpf oeq, %select_n3A_252, %eq3A_259 : vector<128x80x128xf32>
        %jit3A_261 = arith.constant 3.000000e+38 : f32
        %broadcast_in_dim3A_262 = vector.shape_cast %convert_element_type3A_201 : vector<1x80x128xf32> to vector<1x80x128xf32>
        %broadcast_in_dim3A_263 = vector.broadcast %broadcast_in_dim3A_262 : vector<1x80x128xf32> to vector<128x80x128xf32>
        %broadcast_in_dim3A_264 = vector.broadcast %jit3A_261 : f32 to vector<128x80x128xf32>
        %select_n3A_265 = arith.select %eq3A_260, %broadcast_in_dim3A_263, %broadcast_in_dim3A_264 : vector<128x80x128xi1>, vector<128x80x128xf32>
        %reduce_min3A_266 = arith.constant dense<0x7F800000> : vector<128x128xf32>
        %reduce_min3A_267 = vector.multi_reduction <minimumf>, %select_n3A_265, %reduce_min3A_266 [1] : vector<128x80x128xf32> to vector<128x128xf32>
        %reduce_min3A_268 = arith.constant dense<0x7F800000> : vector<128xf32>
        %reduce_min3A_269 = vector.multi_reduction <minimumf>, %reduce_min3A_267, %reduce_min3A_268 [1] : vector<128x128xf32> to vector<128xf32>
        %broadcast_in_dim3A_270 = vector.shape_cast %reduce_min3A_269 : vector<128xf32> to vector<128x1xf32>
        %eq3A_271 = vector.broadcast %scan3A_229 : i32 to vector<1x32xi32>
        %eq3A_272 = arith.cmpi eq, %iota3A_4, %eq3A_271 : vector<1x32xi32>
        %broadcast_in_dim3A_273 = vector.shape_cast %eq3A_272 : vector<1x32xi1> to vector<1x32xi1>
        %broadcast_in_dim3A_274 = vector.broadcast %broadcast_in_dim3A_273 : vector<1x32xi1> to vector<128x32xi1>
        %broadcast_in_dim3A_275 = vector.shape_cast %broadcast_in_dim3A_257 : vector<128x1xf32> to vector<128x1xf32>
        %broadcast_in_dim3A_276 = vector.broadcast %broadcast_in_dim3A_275 : vector<128x1xf32> to vector<128x32xf32>
        %select_n3A_277 = arith.select %broadcast_in_dim3A_274, %broadcast_in_dim3A_276, %scan3A_230 : vector<128x32xi1>, vector<128x32xf32>
        %broadcast_in_dim3A_278 = vector.shape_cast %eq3A_272 : vector<1x32xi1> to vector<1x32xi1>
        %broadcast_in_dim3A_279 = vector.broadcast %broadcast_in_dim3A_278 : vector<1x32xi1> to vector<128x32xi1>
        %broadcast_in_dim3A_280 = vector.shape_cast %broadcast_in_dim3A_270 : vector<128x1xf32> to vector<128x1xf32>
        %broadcast_in_dim3A_281 = vector.broadcast %broadcast_in_dim3A_280 : vector<128x1xf32> to vector<128x32xf32>
        %select_n3A_282 = arith.select %broadcast_in_dim3A_279, %broadcast_in_dim3A_281, %scan3A_231 : vector<128x32xi1>, vector<128x32xf32>
        scf.yield %select_n3A_277, %select_n3A_282, %broadcast_in_dim3A_257, %broadcast_in_dim3A_270 : vector<128x32xf32>, vector<128x32xf32>, vector<128x1xf32>, vector<128x1xf32>
      }
      %scan3A_215 = arith.constant 32 : i32
      %lt3A_216 = arith.constant 9.99999993E+36 : f32
      %lt3A_217 = vector.broadcast %lt3A_216 : f32 to vector<128x32xf32>
      %lt3A_218 = arith.cmpf olt, %scan3A_214#0, %lt3A_217 : vector<128x32xf32>
      %convert_element_type3A_219 = arith.fptosi %scan3A_214#1 : vector<128x32xf32> to vector<128x32xi32>
      %select_n3A_220 = arith.select %lt3A_218, %convert_element_type3A_219, %add3A_7 : vector<128x32xi1>, vector<128x32xi32>
      %swap3A_221 = arith.constant 0 : index
      %swap3A_222 = arith.constant 0 : index
      %swap3A_223 = vector.load %arg2[%swap3A_221, %swap3A_222] : memref<128x32xi32, #tpu.memory_space<vmem>>, vector<128x32xi32>
      tpu.vector_store %arg2[%swap3A_221, %swap3A_222], %select_n3A_220 {strides = array<i32>} : memref<128x32xi32, #tpu.memory_space<vmem>>, vector<128x32xi32>,
      %convert_element_type3A_224 = arith.extui %lt3A_218 : vector<128x32xi1> to vector<128x32xi32>
      %convert_element_type3A_225 = arith.sitofp %convert_element_type3A_224 : vector<128x32xi32> to vector<128x32xf32>
      %swap3A_226 = arith.constant 0 : index
      %swap3A_227 = arith.constant 0 : index
      %swap3A_228 = vector.load %arg3[%swap3A_226, %swap3A_227] : memref<128x32xf32, #tpu.memory_space<vmem>>, vector<128x32xf32>
      tpu.vector_store %arg3[%swap3A_226, %swap3A_227], %convert_element_type3A_225 {strides = array<i32>} : memref<128x32xf32, #tpu.memory_space<vmem>>, vector<128x32xf32>,
    } else {
    }
    return
  }
  func.func @transform_0(%arg0: i32) -> (i32, i32, i32) {
    %c0_i32 = arith.constant 0 : i32
    %c0_i32_0 = arith.constant 0 : i32
    %c0_i32_1 = arith.constant 0 : i32
    return %arg0, %c0_i32, %c0_i32_0 : i32, i32, i32
  }
  func.func @transform_1(%arg0: i32) -> (i32, i32) {
    %c0_i32 = arith.constant 0 : i32
    %c0_i32_0 = arith.constant 0 : i32
    return %arg0, %c0_i32 : i32, i32
  }
  func.func @transform_2(%arg0: i32) -> (i32, i32) {
    %c0_i32 = arith.constant 0 : i32
    %c0_i32_0 = arith.constant 0 : i32
    return %arg0, %c0_i32 : i32, i32
  }
}

module attributes {stable_mosaic.version = 14 : i64} {
  func.func @_matmul_bias_kernel(%arg0: i32, %arg1: memref<2000x128xf32, #tpu.memory_space<vmem>>, %arg2: memref<128x128xf32, #tpu.memory_space<vmem>>, %arg3: memref<1x128xf32, #tpu.memory_space<vmem>>, %arg4: memref<2000x128xf32, #tpu.memory_space<vmem>>) attributes {dimension_semantics = [#tpu.dimension_semantics<arbitrary>], iteration_bounds = array<i64: 5>, scalar_prefetch = 0 : i64, scratch_operands = 0 : i64, tpu.core_type = #tpu.core_type<tc>, window_params = [{transform_indices = @transform_0, window_bounds = array<i64: 2000, 128>}, {pipeline_mode = #tpu.pipeline_mode<synchronous>, transform_indices = @transform_1, window_bounds = array<i64: 128, 128>}, {pipeline_mode = #tpu.pipeline_mode<synchronous>, transform_indices = @transform_2, window_bounds = array<i64: 1, 128>}, {transform_indices = @transform_3, window_bounds = array<i64: 2000, 128>}]} {
    %get3A = arith.constant 0 : index
    %get3A_0 = arith.constant 0 : index
    %get3A_1 = vector.load %arg1[%get3A, %get3A_0] : memref<2000x128xf32, #tpu.memory_space<vmem>>, vector<2000x128xf32>
    %get3A_2 = arith.constant 0 : index
    %get3A_3 = arith.constant 0 : index
    %get3A_4 = vector.load %arg2[%get3A_2, %get3A_3] : memref<128x128xf32, #tpu.memory_space<vmem>>, vector<128x128xf32>
    %dot_general3A = arith.constant dense<0.000000e+00> : vector<2000x128xf32>
    %dot_general3A_5 = tpu.matmul %get3A_1, %get3A_4, %dot_general3A {dimension_numbers = #tpu.dot_dimension_numbers<[1], [0], [0], [1], [0, 0, 1, 1], [], []>, transpose_lhs_hint = false} : vector<2000x128xf32>, vector<128x128xf32>, vector<2000x128xf32> -> vector<2000x128xf32>
    %get3A_6 = arith.constant 0 : index
    %get3A_7 = arith.constant 0 : index
    %get3A_8 = vector.load %arg3[%get3A_6, %get3A_7] : memref<1x128xf32, #tpu.memory_space<vmem>>, vector<1x128xf32>
    %add3A = vector.broadcast %get3A_8 : vector<1x128xf32> to vector<2000x128xf32>
    %add3A_9 = arith.addf %dot_general3A_5, %add3A : vector<2000x128xf32>
    %swap3A = arith.constant 0 : index
    %swap3A_10 = arith.constant 0 : index
    %swap3A_11 = vector.load %arg4[%swap3A, %swap3A_10] : memref<2000x128xf32, #tpu.memory_space<vmem>>, vector<2000x128xf32>
    tpu.vector_store %arg4[%swap3A, %swap3A_10], %add3A_9 {strides = array<i32>} : memref<2000x128xf32, #tpu.memory_space<vmem>>, vector<2000x128xf32>,
    return
  }
  func.func @transform_0(%arg0: i32) -> (i32, i32) {
    %c0_i32 = arith.constant 0 : i32
    %c0_i32_0 = arith.constant 0 : i32
    return %arg0, %c0_i32 : i32, i32
  }
  func.func @transform_1(%arg0: i32) -> (i32, i32) {
    %c0_i32 = arith.constant 0 : i32
    %c0_i32_0 = arith.constant 0 : i32
    %c0_i32_1 = arith.constant 0 : i32
    return %c0_i32, %c0_i32_0 : i32, i32
  }
  func.func @transform_2(%arg0: i32) -> (i32, i32) {
    %c0_i32 = arith.constant 0 : i32
    %c0_i32_0 = arith.constant 0 : i32
    %c0_i32_1 = arith.constant 0 : i32
    return %c0_i32, %c0_i32_0 : i32, i32
  }
  func.func @transform_3(%arg0: i32) -> (i32, i32) {
    %c0_i32 = arith.constant 0 : i32
    %c0_i32_0 = arith.constant 0 : i32
    return %arg0, %c0_i32 : i32, i32
  }
}

module attributes {stable_mosaic.version = 14 : i64} {
  func.func @_prep_kernel(%arg0: i32, %arg1: memref<2000x128xf32, #tpu.memory_space<vmem>>, %arg2: memref<2x128x128xf32, #tpu.memory_space<vmem>>, %arg3: memref<1x128xf32, #tpu.memory_space<vmem>>, %arg4: memref<2000x3xf32, #tpu.memory_space<vmem>>, %arg5: memref<2000x128xf32, #tpu.memory_space<vmem>>, %arg6: memref<2000x128xf32, #tpu.memory_space<vmem>>) attributes {dimension_semantics = [#tpu.dimension_semantics<arbitrary>], iteration_bounds = array<i64: 5>, scalar_prefetch = 0 : i64, scratch_operands = 0 : i64, tpu.core_type = #tpu.core_type<tc>, window_params = [{transform_indices = @transform_0, window_bounds = array<i64: 2000, 128>}, {pipeline_mode = #tpu.pipeline_mode<synchronous>, transform_indices = @transform_1, window_bounds = array<i64: 2, 128, 128>}, {pipeline_mode = #tpu.pipeline_mode<synchronous>, transform_indices = @transform_2, window_bounds = array<i64: 1, 128>}, {transform_indices = @transform_3, window_bounds = array<i64: 2000, 3>}, {transform_indices = @transform_4, window_bounds = array<i64: 2000, 128>}, {transform_indices = @transform_5, window_bounds = array<i64: 2000, 128>}]} {
    %get3A = arith.constant 0 : index
    %get3A_0 = arith.constant 0 : index
    %get3A_1 = vector.load %arg1[%get3A, %get3A_0] : memref<2000x128xf32, #tpu.memory_space<vmem>>, vector<2000x128xf32>
    %get3A_2 = arith.constant 0 : index
    %get3A_3 = arith.constant 0 : index
    %get3A_4 = arith.constant 0 : index
    %get3A_5 = vector.load %arg2[%get3A_2, %get3A_3, %get3A_4] : memref<2x128x128xf32, #tpu.memory_space<vmem>>, vector<1x128x128xf32>
    %get3A_6 = vector.shape_cast %get3A_5 : vector<1x128x128xf32> to vector<128x128xf32>
    %dot_general3A = arith.constant dense<0.000000e+00> : vector<2000x128xf32>
    %dot_general3A_7 = tpu.matmul %get3A_1, %get3A_6, %dot_general3A {dimension_numbers = #tpu.dot_dimension_numbers<[1], [0], [0], [1], [0, 0, 1, 1], [], []>, transpose_lhs_hint = false} : vector<2000x128xf32>, vector<128x128xf32>, vector<2000x128xf32> -> vector<2000x128xf32>
    %get3A_8 = arith.constant 0 : index
    %get3A_9 = arith.constant 0 : index
    %get3A_10 = vector.load %arg3[%get3A_8, %get3A_9] : memref<1x128xf32, #tpu.memory_space<vmem>>, vector<1x128xf32>
    %add3A = vector.broadcast %get3A_10 : vector<1x128xf32> to vector<2000x128xf32>
    %add3A_11 = arith.addf %dot_general3A_7, %add3A : vector<2000x128xf32>
    %swap3A = arith.constant 0 : index
    %swap3A_12 = arith.constant 0 : index
    %swap3A_13 = vector.load %arg5[%swap3A, %swap3A_12] : memref<2000x128xf32, #tpu.memory_space<vmem>>, vector<2000x128xf32>
    tpu.vector_store %arg5[%swap3A, %swap3A_12], %add3A_11 {strides = array<i32>} : memref<2000x128xf32, #tpu.memory_space<vmem>>, vector<2000x128xf32>,
    %get3A_14 = arith.constant 1 : index
    %get3A_15 = arith.constant 0 : index
    %get3A_16 = arith.constant 0 : index
    %get3A_17 = vector.load %arg2[%get3A_14, %get3A_15, %get3A_16] : memref<2x128x128xf32, #tpu.memory_space<vmem>>, vector<1x128x128xf32>
    %get3A_18 = vector.shape_cast %get3A_17 : vector<1x128x128xf32> to vector<128x128xf32>
    %dot_general3A_19 = arith.constant dense<0.000000e+00> : vector<2000x128xf32>
    %dot_general3A_20 = tpu.matmul %get3A_1, %get3A_18, %dot_general3A_19 {dimension_numbers = #tpu.dot_dimension_numbers<[1], [0], [0], [1], [0, 0, 1, 1], [], []>, transpose_lhs_hint = false} : vector<2000x128xf32>, vector<128x128xf32>, vector<2000x128xf32> -> vector<2000x128xf32>
    %slice3A = vector.extract_strided_slice %dot_general3A_20 {offsets = [0, 0], sizes = [2000, 64], strides = [1, 1]} : vector<2000x128xf32> to vector<2000x64xf32>
    %slice3A_21 = vector.extract_strided_slice %dot_general3A_20 {offsets = [0, 64], sizes = [2000, 64], strides = [1, 1]} : vector<2000x128xf32> to vector<2000x64xf32>
    %convert_element_type3A = arith.truncf %slice3A : vector<2000x64xf32> to vector<2000x64xbf16>
    %bitcast_convert_type3A = tpu.bitcast %convert_element_type3A : vector<2000x64xbf16> -> vector<2000x64xi16>
    %convert_element_type3A_22 = arith.truncf %slice3A_21 : vector<2000x64xf32> to vector<2000x64xbf16>
    %bitcast_convert_type3A_23 = tpu.bitcast %convert_element_type3A_22 : vector<2000x64xbf16> -> vector<2000x64xi16>
    %convert_element_type3A_24 = arith.extui %bitcast_convert_type3A : vector<2000x64xi16> to vector<2000x64xi32>
    %convert_element_type3A_25 = arith.extui %bitcast_convert_type3A_23 : vector<2000x64xi16> to vector<2000x64xi32>
    %shift_left3A = arith.constant 16 : i32
    %shift_left3A_26 = vector.broadcast %shift_left3A : i32 to vector<2000x64xi32>
    %shift_left3A_27 = arith.shli %convert_element_type3A_25, %shift_left3A_26 : vector<2000x64xi32>
    %or3A = arith.ori %convert_element_type3A_24, %shift_left3A_27 : vector<2000x64xi32>
    %bitcast_convert_type3A_28 = tpu.bitcast %or3A : vector<2000x64xi32> -> vector<2000x64xf32>
    %swap3A_29 = arith.constant 0 : index
    %swap3A_30 = arith.constant 0 : index
    %swap3A_31 = vector.load %arg6[%swap3A_29, %swap3A_30] : memref<2000x128xf32, #tpu.memory_space<vmem>>, vector<2000x64xf32>
    tpu.vector_store %arg6[%swap3A_29, %swap3A_30], %bitcast_convert_type3A_28 {strides = array<i32>} : memref<2000x128xf32, #tpu.memory_space<vmem>>, vector<2000x64xf32>,
    %get3A_32 = arith.constant 0 : index
    %get3A_33 = arith.constant 0 : index
    %get3A_34 = vector.load %arg4[%get3A_32, %get3A_33] : memref<2000x3xf32, #tpu.memory_space<vmem>>, vector<2000x3xf32>
    %broadcast_in_dim3A = arith.constant 0.000000e+00 : f32
    %broadcast_in_dim3A_35 = vector.broadcast %broadcast_in_dim3A : f32 to vector<2000x61xf32>
    %concatenate3A = tpu.concatenate %get3A_34, %broadcast_in_dim3A_35 in 1 : vector<2000x3xf32>, vector<2000x61xf32> -> vector<2000x64xf32>
    %swap3A_36 = arith.constant 0 : index
    %swap3A_37 = arith.constant 64 : index
    %swap3A_38 = vector.load %arg6[%swap3A_36, %swap3A_37] : memref<2000x128xf32, #tpu.memory_space<vmem>>, vector<2000x64xf32>
    tpu.vector_store %arg6[%swap3A_36, %swap3A_37], %concatenate3A {strides = array<i32>} : memref<2000x128xf32, #tpu.memory_space<vmem>>, vector<2000x64xf32>,
    return
  }
  func.func @transform_0(%arg0: i32) -> (i32, i32) {
    %c0_i32 = arith.constant 0 : i32
    %c0_i32_0 = arith.constant 0 : i32
    return %arg0, %c0_i32 : i32, i32
  }
  func.func @transform_1(%arg0: i32) -> (i32, i32, i32) {
    %c0_i32 = arith.constant 0 : i32
    %c0_i32_0 = arith.constant 0 : i32
    %c0_i32_1 = arith.constant 0 : i32
    %c0_i32_2 = arith.constant 0 : i32
    return %c0_i32, %c0_i32_0, %c0_i32_1 : i32, i32, i32
  }
  func.func @transform_2(%arg0: i32) -> (i32, i32) {
    %c0_i32 = arith.constant 0 : i32
    %c0_i32_0 = arith.constant 0 : i32
    %c0_i32_1 = arith.constant 0 : i32
    return %c0_i32, %c0_i32_0 : i32, i32
  }
  func.func @transform_3(%arg0: i32) -> (i32, i32) {
    %c0_i32 = arith.constant 0 : i32
    %c0_i32_0 = arith.constant 0 : i32
    return %arg0, %c0_i32 : i32, i32
  }
  func.func @transform_4(%arg0: i32) -> (i32, i32) {
    %c0_i32 = arith.constant 0 : i32
    %c0_i32_0 = arith.constant 0 : i32
    return %arg0, %c0_i32 : i32, i32
  }
  func.func @transform_5(%arg0: i32) -> (i32, i32) {
    %c0_i32 = arith.constant 0 : i32
    %c0_i32_0 = arith.constant 0 : i32
    return %arg0, %c0_i32 : i32, i32
  }
}

module attributes {stable_mosaic.version = 14 : i64} {
  func.func @_layer_kernel(%arg0: i32, %arg1: memref<200x128xf32, #tpu.memory_space<vmem>>, %arg2: memref<6400x128xf32, #tpu.memory_space<vmem>>, %arg3: memref<200x128xf32, #tpu.memory_space<vmem>>, %arg4: memref<200x3xf32, #tpu.memory_space<vmem>>, %arg5: memref<6400x1xf32, #tpu.memory_space<vmem>>, %arg6: memref<5x128x128xf32, #tpu.memory_space<vmem>>, %arg7: memref<6x128xf32, #tpu.memory_space<vmem>>, %arg8: memref<200x128xf32, #tpu.memory_space<vmem>>, %arg9: memref<200x3xf32, #tpu.memory_space<vmem>>) attributes {dimension_semantics = [#tpu.dimension_semantics<arbitrary>], iteration_bounds = array<i64: 50>, scalar_prefetch = 0 : i64, scratch_operands = 0 : i64, tpu.core_type = #tpu.core_type<tc>, window_params = [{transform_indices = @transform_0, window_bounds = array<i64: 200, 128>}, {transform_indices = @transform_1, window_bounds = array<i64: 6400, 128>}, {transform_indices = @transform_2, window_bounds = array<i64: 200, 128>}, {transform_indices = @transform_3, window_bounds = array<i64: 200, 3>}, {transform_indices = @transform_4, window_bounds = array<i64: 6400, 1>}, {pipeline_mode = #tpu.pipeline_mode<synchronous>, transform_indices = @transform_5, window_bounds = array<i64: 5, 128, 128>}, {pipeline_mode = #tpu.pipeline_mode<synchronous>, transform_indices = @transform_6, window_bounds = array<i64: 6, 128>}, {transform_indices = @transform_7, window_bounds = array<i64: 200, 128>}, {transform_indices = @transform_8, window_bounds = array<i64: 200, 3>}]} {
    %get3A = arith.constant 0 : index
    %get3A_0 = arith.constant 0 : index
    %get3A_1 = vector.load %arg1[%get3A, %get3A_0] : memref<200x128xf32, #tpu.memory_space<vmem>>, vector<200x128xf32>
    %get3A_2 = arith.constant 0 : index
    %get3A_3 = arith.constant 0 : index
    %get3A_4 = vector.load %arg2[%get3A_2, %get3A_3] : memref<6400x128xf32, #tpu.memory_space<vmem>>, vector<6400x64xf32>
    %bitcast_convert_type3A = tpu.bitcast %get3A_4 : vector<6400x64xf32> -> vector<6400x64xi32>
    %and3A = arith.constant 65535 : i32
    %and3A_5 = vector.broadcast %and3A : i32 to vector<6400x64xi32>
    %and3A_6 = arith.andi %bitcast_convert_type3A, %and3A_5 : vector<6400x64xi32>
    %convert_element_type3A = arith.trunci %and3A_6 : vector<6400x64xi32> to vector<6400x64xi16>
    %bitcast_convert_type3A_7 = tpu.bitcast %convert_element_type3A : vector<6400x64xi16> -> vector<6400x64xbf16>
    %convert_element_type3A_8 = arith.extf %bitcast_convert_type3A_7 : vector<6400x64xbf16> to vector<6400x64xf32>
    %shift_right_logical3A = arith.constant 16 : i32
    %shift_right_logical3A_9 = vector.broadcast %shift_right_logical3A : i32 to vector<6400x64xi32>
    %shift_right_logical3A_10 = arith.shrui %bitcast_convert_type3A, %shift_right_logical3A_9 : vector<6400x64xi32>
    %convert_element_type3A_11 = arith.trunci %shift_right_logical3A_10 : vector<6400x64xi32> to vector<6400x64xi16>
    %bitcast_convert_type3A_12 = tpu.bitcast %convert_element_type3A_11 : vector<6400x64xi16> -> vector<6400x64xbf16>
    %convert_element_type3A_13 = arith.extf %bitcast_convert_type3A_12 : vector<6400x64xbf16> to vector<6400x64xf32>
    %concatenate3A = tpu.concatenate %convert_element_type3A_8, %convert_element_type3A_13 in 1 : vector<6400x64xf32>, vector<6400x64xf32> -> vector<6400x128xf32>
    %get3A_14 = arith.constant 0 : index
    %get3A_15 = arith.constant 64 : index
    %get3A_16 = vector.load %arg2[%get3A_14, %get3A_15] : memref<6400x128xf32, #tpu.memory_space<vmem>>, vector<6400x3xf32>
    %get3A_17 = arith.constant 0 : index
    %get3A_18 = arith.constant 0 : index
    %get3A_19 = vector.load %arg3[%get3A_17, %get3A_18] : memref<200x128xf32, #tpu.memory_space<vmem>>, vector<200x128xf32>
    %get3A_20 = arith.constant 0 : index
    %get3A_21 = arith.constant 0 : index
    %get3A_22 = vector.load %arg4[%get3A_20, %get3A_21] : memref<200x3xf32, #tpu.memory_space<vmem>>, vector<200x3xf32>
    %get3A_23 = arith.constant 0 : index
    %get3A_24 = arith.constant 0 : index
    %get3A_25 = vector.load %arg5[%get3A_23, %get3A_24] : memref<6400x1xf32, #tpu.memory_space<vmem>>, vector<6400x1xf32>
    %get3A_26 = arith.constant 0 : index
    %get3A_27 = arith.constant 0 : index
    %get3A_28 = vector.load %arg7[%get3A_26, %get3A_27] : memref<6x128xf32, #tpu.memory_space<vmem>>, vector<1x128xf32>
    %get3A_29 = arith.constant 1 : index
    %get3A_30 = arith.constant 0 : index
    %get3A_31 = vector.load %arg7[%get3A_29, %get3A_30] : memref<6x128xf32, #tpu.memory_space<vmem>>, vector<1x128xf32>
    %get3A_32 = arith.constant 2 : index
    %get3A_33 = arith.constant 0 : index
    %get3A_34 = vector.load %arg7[%get3A_32, %get3A_33] : memref<6x128xf32, #tpu.memory_space<vmem>>, vector<1x128xf32>
    %get3A_35 = arith.constant 3 : index
    %get3A_36 = arith.constant 0 : index
    %get3A_37 = vector.load %arg7[%get3A_35, %get3A_36] : memref<6x128xf32, #tpu.memory_space<vmem>>, vector<1x128xf32>
    %get3A_38 = arith.constant 4 : index
    %get3A_39 = arith.constant 0 : index
    %get3A_40 = vector.load %arg7[%get3A_38, %get3A_39] : memref<6x128xf32, #tpu.memory_space<vmem>>, vector<1x128xf32>
    %get3A_41 = arith.constant 5 : index
    %get3A_42 = arith.constant 0 : index
    %get3A_43 = vector.load %arg7[%get3A_41, %get3A_42] : memref<6x128xf32, #tpu.memory_space<vmem>>, vector<1x128xf32>
    %broadcast_in_dim3A = vector.shape_cast %get3A_1 : vector<200x128xf32> to vector<200x1x128xf32>
    %broadcast_in_dim3A_44 = vector.shape_cast %broadcast_in_dim3A : vector<200x1x128xf32> to vector<200x1x128xf32>
    %broadcast_in_dim3A_45 = vector.broadcast %broadcast_in_dim3A_44 : vector<200x1x128xf32> to vector<200x32x128xf32>
    %reshape3A = vector.shape_cast %broadcast_in_dim3A_45 : vector<200x32x128xf32> to vector<6400x128xf32>
    %broadcast_in_dim3A_46 = vector.shape_cast %get3A_22 : vector<200x3xf32> to vector<200x1x3xf32>
    %broadcast_in_dim3A_47 = vector.shape_cast %broadcast_in_dim3A_46 : vector<200x1x3xf32> to vector<200x1x3xf32>
    %broadcast_in_dim3A_48 = vector.broadcast %broadcast_in_dim3A_47 : vector<200x1x3xf32> to vector<200x32x3xf32>
    %reshape3A_49 = vector.shape_cast %broadcast_in_dim3A_48 : vector<200x32x3xf32> to vector<6400x3xf32>
    %sub3A = arith.subf %reshape3A_49, %get3A_16 : vector<6400x3xf32>
    %mul3A = arith.mulf %sub3A, %sub3A : vector<6400x3xf32>
    %reduce_sum3A = arith.constant dense<0.000000e+00> : vector<6400xf32>
    %reduce_sum3A_50 = vector.multi_reduction <add>, %mul3A, %reduce_sum3A [1] : vector<6400x3xf32> to vector<6400xf32>
    %broadcast_in_dim3A_51 = vector.shape_cast %reduce_sum3A_50 : vector<6400xf32> to vector<6400x1xf32>
    %max3A = arith.constant 9.99999996E-13 : f32
    %max3A_52 = vector.broadcast %max3A : f32 to vector<6400x1xf32>
    %max3A_53 = arith.maximumf %broadcast_in_dim3A_51, %max3A_52 : vector<6400x1xf32>
    %sqrt3A = math.sqrt %max3A_53 : vector<6400x1xf32>
    %max3A_54 = arith.constant 9.99999997E-7 : f32
    %max3A_55 = vector.broadcast %max3A_54 : f32 to vector<6400x1xf32>
    %max3A_56 = arith.maximumf %sqrt3A, %max3A_55 : vector<6400x1xf32>
    %add3A = arith.addf %reshape3A, %concatenate3A : vector<6400x128xf32>
    %mul3A_57 = vector.broadcast %max3A_56 : vector<6400x1xf32> to vector<6400x128xf32>
    %mul3A_58 = vector.broadcast %get3A_40 : vector<1x128xf32> to vector<6400x128xf32>
    %mul3A_59 = arith.mulf %mul3A_57, %mul3A_58 : vector<6400x128xf32>
    %add3A_60 = arith.addf %add3A, %mul3A_59 : vector<6400x128xf32>
    %logistic3A = arith.negf %add3A_60 : vector<6400x128xf32>
    %logistic3A_61 = math.exp %logistic3A : vector<6400x128xf32>
    %logistic3A_62 = arith.constant 1.000000e+00 : f32
    %logistic3A_63 = vector.broadcast %logistic3A_62 : f32 to vector<6400x128xf32>
    %logistic3A_64 = arith.addf %logistic3A_63, %logistic3A_61 : vector<6400x128xf32>
    %logistic3A_65 = arith.divf %logistic3A_63, %logistic3A_64 : vector<6400x128xf32>
    %mul3A_66 = arith.mulf %add3A_60, %logistic3A_65 : vector<6400x128xf32>
    %get3A_67 = arith.constant 0 : index
    %get3A_68 = arith.constant 0 : index
    %get3A_69 = arith.constant 0 : index
    %get3A_70 = vector.load %arg6[%get3A_67, %get3A_68, %get3A_69] : memref<5x128x128xf32, #tpu.memory_space<vmem>>, vector<1x128x128xf32>
    %get3A_71 = vector.shape_cast %get3A_70 : vector<1x128x128xf32> to vector<128x128xf32>
    %dot_general3A = arith.constant dense<0.000000e+00> : vector<6400x128xf32>
    %dot_general3A_72 = tpu.matmul %mul3A_66, %get3A_71, %dot_general3A {dimension_numbers = #tpu.dot_dimension_numbers<[1], [0], [0], [1], [0, 0, 1, 1], [], []>, transpose_lhs_hint = false} : vector<6400x128xf32>, vector<128x128xf32>, vector<6400x128xf32> -> vector<6400x128xf32>
    %add3A_73 = vector.broadcast %get3A_28 : vector<1x128xf32> to vector<6400x128xf32>
    %add3A_74 = arith.addf %dot_general3A_72, %add3A_73 : vector<6400x128xf32>
    %logistic3A_75 = arith.negf %add3A_74 : vector<6400x128xf32>
    %logistic3A_76 = math.exp %logistic3A_75 : vector<6400x128xf32>
    %logistic3A_77 = arith.constant 1.000000e+00 : f32
    %logistic3A_78 = vector.broadcast %logistic3A_77 : f32 to vector<6400x128xf32>
    %logistic3A_79 = arith.addf %logistic3A_78, %logistic3A_76 : vector<6400x128xf32>
    %logistic3A_80 = arith.divf %logistic3A_78, %logistic3A_79 : vector<6400x128xf32>
    %mul3A_81 = arith.mulf %add3A_74, %logistic3A_80 : vector<6400x128xf32>
    %mul3A_82 = vector.broadcast %get3A_25 : vector<6400x1xf32> to vector<6400x128xf32>
    %mul3A_83 = arith.mulf %mul3A_81, %mul3A_82 : vector<6400x128xf32>
    %get3A_84 = arith.constant 1 : index
    %get3A_85 = arith.constant 0 : index
    %get3A_86 = arith.constant 0 : index
    %get3A_87 = vector.load %arg6[%get3A_84, %get3A_85, %get3A_86] : memref<5x128x128xf32, #tpu.memory_space<vmem>>, vector<1x128x128xf32>
    %get3A_88 = vector.shape_cast %get3A_87 : vector<1x128x128xf32> to vector<128x128xf32>
    %dot_general3A_89 = arith.constant dense<0.000000e+00> : vector<6400x128xf32>
    %dot_general3A_90 = tpu.matmul %mul3A_83, %get3A_88, %dot_general3A_89 {dimension_numbers = #tpu.dot_dimension_numbers<[1], [0], [0], [1], [0, 0, 1, 1], [], []>, transpose_lhs_hint = false} : vector<6400x128xf32>, vector<128x128xf32>, vector<6400x128xf32> -> vector<6400x128xf32>
    %add3A_91 = vector.broadcast %get3A_31 : vector<1x128xf32> to vector<6400x128xf32>
    %add3A_92 = arith.addf %dot_general3A_90, %add3A_91 : vector<6400x128xf32>
    %logistic3A_93 = arith.negf %add3A_92 : vector<6400x128xf32>
    %logistic3A_94 = math.exp %logistic3A_93 : vector<6400x128xf32>
    %logistic3A_95 = arith.constant 1.000000e+00 : f32
    %logistic3A_96 = vector.broadcast %logistic3A_95 : f32 to vector<6400x128xf32>
    %logistic3A_97 = arith.addf %logistic3A_96, %logistic3A_94 : vector<6400x128xf32>
    %logistic3A_98 = arith.divf %logistic3A_96, %logistic3A_97 : vector<6400x128xf32>
    %mul3A_99 = arith.mulf %add3A_92, %logistic3A_98 : vector<6400x128xf32>
    %mul3A_100 = vector.broadcast %get3A_43 : vector<1x128xf32> to vector<6400x128xf32>
    %mul3A_101 = arith.mulf %mul3A_99, %mul3A_100 : vector<6400x128xf32>
    %reduce_sum3A_102 = arith.constant dense<0.000000e+00> : vector<6400xf32>
    %reduce_sum3A_103 = vector.multi_reduction <add>, %mul3A_101, %reduce_sum3A_102 [1] : vector<6400x128xf32> to vector<6400xf32>
    %broadcast_in_dim3A_104 = vector.shape_cast %reduce_sum3A_103 : vector<6400xf32> to vector<6400x1xf32>
    %jit3A = arith.constant -1.000000e+00 : f32
    %jit3A_105 = arith.constant 1.000000e+00 : f32
    %max3A_106 = vector.broadcast %jit3A : f32 to vector<6400x1xf32>
    %max3A_107 = arith.maximumf %max3A_106, %broadcast_in_dim3A_104 : vector<6400x1xf32>
    %min3A = vector.broadcast %jit3A_105 : f32 to vector<6400x1xf32>
    %min3A_108 = arith.minimumf %min3A, %max3A_107 : vector<6400x1xf32>
    %div3A = vector.broadcast %max3A_56 : vector<6400x1xf32> to vector<6400x3xf32>
    %div3A_109 = arith.divf %sub3A, %div3A : vector<6400x3xf32>
    %mul3A_110 = vector.broadcast %min3A_108 : vector<6400x1xf32> to vector<6400x3xf32>
    %mul3A_111 = arith.mulf %div3A_109, %mul3A_110 : vector<6400x3xf32>
    %mul3A_112 = vector.broadcast %get3A_25 : vector<6400x1xf32> to vector<6400x3xf32>
    %mul3A_113 = arith.mulf %mul3A_111, %mul3A_112 : vector<6400x3xf32>
    %reshape3A_114 = vector.shape_cast %mul3A_113 : vector<6400x3xf32> to vector<200x32x3xf32>
    %reduce_sum3A_115 = arith.constant dense<0.000000e+00> : vector<200x3xf32>
    %reduce_sum3A_116 = vector.multi_reduction <add>, %reshape3A_114, %reduce_sum3A_115 [1] : vector<200x32x3xf32> to vector<200x3xf32>
    %add3A_117 = arith.addf %get3A_22, %reduce_sum3A_116 : vector<200x3xf32>
    %swap3A = arith.constant 0 : index
    %swap3A_118 = arith.constant 0 : index
    %swap3A_119 = vector.load %arg9[%swap3A, %swap3A_118] : memref<200x3xf32, #tpu.memory_space<vmem>>, vector<200x3xf32>
    tpu.vector_store %arg9[%swap3A, %swap3A_118], %add3A_117 {strides = array<i32>} : memref<200x3xf32, #tpu.memory_space<vmem>>, vector<200x3xf32>,
    %reshape3A_120 = vector.shape_cast %mul3A_83 : vector<6400x128xf32> to vector<200x32x128xf32>
    %reduce_sum3A_121 = arith.constant dense<0.000000e+00> : vector<200x128xf32>
    %reduce_sum3A_122 = vector.multi_reduction <add>, %reshape3A_120, %reduce_sum3A_121 [1] : vector<200x32x128xf32> to vector<200x128xf32>
    %get3A_123 = arith.constant 2 : index
    %get3A_124 = arith.constant 0 : index
    %get3A_125 = arith.constant 0 : index
    %get3A_126 = vector.load %arg6[%get3A_123, %get3A_124, %get3A_125] : memref<5x128x128xf32, #tpu.memory_space<vmem>>, vector<1x128x128xf32>
    %get3A_127 = vector.shape_cast %get3A_126 : vector<1x128x128xf32> to vector<128x128xf32>
    %dot_general3A_128 = arith.constant dense<0.000000e+00> : vector<200x128xf32>
    %dot_general3A_129 = tpu.matmul %get3A_19, %get3A_127, %dot_general3A_128 {dimension_numbers = #tpu.dot_dimension_numbers<[1], [0], [0], [1], [0, 0, 1, 1], [], []>, transpose_lhs_hint = false} : vector<200x128xf32>, vector<128x128xf32>, vector<200x128xf32> -> vector<200x128xf32>
    %get3A_130 = arith.constant 3 : index
    %get3A_131 = arith.constant 0 : index
    %get3A_132 = arith.constant 0 : index
    %get3A_133 = vector.load %arg6[%get3A_130, %get3A_131, %get3A_132] : memref<5x128x128xf32, #tpu.memory_space<vmem>>, vector<1x128x128xf32>
    %get3A_134 = vector.shape_cast %get3A_133 : vector<1x128x128xf32> to vector<128x128xf32>
    %dot_general3A_135 = arith.constant dense<0.000000e+00> : vector<200x128xf32>
    %dot_general3A_136 = tpu.matmul %reduce_sum3A_122, %get3A_134, %dot_general3A_135 {dimension_numbers = #tpu.dot_dimension_numbers<[1], [0], [0], [1], [0, 0, 1, 1], [], []>, transpose_lhs_hint = false} : vector<200x128xf32>, vector<128x128xf32>, vector<200x128xf32> -> vector<200x128xf32>
    %add3A_137 = arith.addf %dot_general3A_129, %dot_general3A_136 : vector<200x128xf32>
    %add3A_138 = vector.broadcast %get3A_34 : vector<1x128xf32> to vector<200x128xf32>
    %add3A_139 = arith.addf %add3A_137, %add3A_138 : vector<200x128xf32>
    %logistic3A_140 = arith.negf %add3A_139 : vector<200x128xf32>
    %logistic3A_141 = math.exp %logistic3A_140 : vector<200x128xf32>
    %logistic3A_142 = arith.constant 1.000000e+00 : f32
    %logistic3A_143 = vector.broadcast %logistic3A_142 : f32 to vector<200x128xf32>
    %logistic3A_144 = arith.addf %logistic3A_143, %logistic3A_141 : vector<200x128xf32>
    %logistic3A_145 = arith.divf %logistic3A_143, %logistic3A_144 : vector<200x128xf32>
    %mul3A_146 = arith.mulf %add3A_139, %logistic3A_145 : vector<200x128xf32>
    %get3A_147 = arith.constant 4 : index
    %get3A_148 = arith.constant 0 : index
    %get3A_149 = arith.constant 0 : index
    %get3A_150 = vector.load %arg6[%get3A_147, %get3A_148, %get3A_149] : memref<5x128x128xf32, #tpu.memory_space<vmem>>, vector<1x128x128xf32>
    %get3A_151 = vector.shape_cast %get3A_150 : vector<1x128x128xf32> to vector<128x128xf32>
    %dot_general3A_152 = arith.constant dense<0.000000e+00> : vector<200x128xf32>
    %dot_general3A_153 = tpu.matmul %mul3A_146, %get3A_151, %dot_general3A_152 {dimension_numbers = #tpu.dot_dimension_numbers<[1], [0], [0], [1], [0, 0, 1, 1], [], []>, transpose_lhs_hint = false} : vector<200x128xf32>, vector<128x128xf32>, vector<200x128xf32> -> vector<200x128xf32>
    %add3A_154 = arith.addf %get3A_19, %dot_general3A_153 : vector<200x128xf32>
    %add3A_155 = vector.broadcast %get3A_37 : vector<1x128xf32> to vector<200x128xf32>
    %add3A_156 = arith.addf %add3A_154, %add3A_155 : vector<200x128xf32>
    %swap3A_157 = arith.constant 0 : index
    %swap3A_158 = arith.constant 0 : index
    %swap3A_159 = vector.load %arg8[%swap3A_157, %swap3A_158] : memref<200x128xf32, #tpu.memory_space<vmem>>, vector<200x128xf32>
    tpu.vector_store %arg8[%swap3A_157, %swap3A_158], %add3A_156 {strides = array<i32>} : memref<200x128xf32, #tpu.memory_space<vmem>>, vector<200x128xf32>,
    return
  }
  func.func @transform_0(%arg0: i32) -> (i32, i32) {
    %c0_i32 = arith.constant 0 : i32
    %c0_i32_0 = arith.constant 0 : i32
    return %arg0, %c0_i32 : i32, i32
  }
  func.func @transform_1(%arg0: i32) -> (i32, i32) {
    %c0_i32 = arith.constant 0 : i32
    %c0_i32_0 = arith.constant 0 : i32
    return %arg0, %c0_i32 : i32, i32
  }
  func.func @transform_2(%arg0: i32) -> (i32, i32) {
    %c0_i32 = arith.constant 0 : i32
    %c0_i32_0 = arith.constant 0 : i32
    return %arg0, %c0_i32 : i32, i32
  }
  func.func @transform_3(%arg0: i32) -> (i32, i32) {
    %c0_i32 = arith.constant 0 : i32
    %c0_i32_0 = arith.constant 0 : i32
    return %arg0, %c0_i32 : i32, i32
  }
  func.func @transform_4(%arg0: i32) -> (i32, i32) {
    %c0_i32 = arith.constant 0 : i32
    %c0_i32_0 = arith.constant 0 : i32
    return %arg0, %c0_i32 : i32, i32
  }
  func.func @transform_5(%arg0: i32) -> (i32, i32, i32) {
    %c0_i32 = arith.constant 0 : i32
    %c0_i32_0 = arith.constant 0 : i32
    %c0_i32_1 = arith.constant 0 : i32
    %c0_i32_2 = arith.constant 0 : i32
    return %c0_i32, %c0_i32_0, %c0_i32_1 : i32, i32, i32
  }
  func.func @transform_6(%arg0: i32) -> (i32, i32) {
    %c0_i32 = arith.constant 0 : i32
    %c0_i32_0 = arith.constant 0 : i32
    %c0_i32_1 = arith.constant 0 : i32
    return %c0_i32, %c0_i32_0 : i32, i32
  }
  func.func @transform_7(%arg0: i32) -> (i32, i32) {
    %c0_i32 = arith.constant 0 : i32
    %c0_i32_0 = arith.constant 0 : i32
    return %arg0, %c0_i32 : i32, i32
  }
  func.func @transform_8(%arg0: i32) -> (i32, i32) {
    %c0_i32 = arith.constant 0 : i32
    %c0_i32_0 = arith.constant 0 : i32
    return %arg0, %c0_i32 : i32, i32
  }
}

module attributes {stable_mosaic.version = 14 : i64} {
  func.func @_layer_kernel(%arg0: i32, %arg1: memref<200x128xf32, #tpu.memory_space<vmem>>, %arg2: memref<6400x128xf32, #tpu.memory_space<vmem>>, %arg3: memref<200x128xf32, #tpu.memory_space<vmem>>, %arg4: memref<200x3xf32, #tpu.memory_space<vmem>>, %arg5: memref<6400x1xf32, #tpu.memory_space<vmem>>, %arg6: memref<5x128x128xf32, #tpu.memory_space<vmem>>, %arg7: memref<6x128xf32, #tpu.memory_space<vmem>>, %arg8: memref<200x128xf32, #tpu.memory_space<vmem>>, %arg9: memref<200x3xf32, #tpu.memory_space<vmem>>) attributes {dimension_semantics = [#tpu.dimension_semantics<arbitrary>], iteration_bounds = array<i64: 50>, scalar_prefetch = 0 : i64, scratch_operands = 0 : i64, tpu.core_type = #tpu.core_type<tc>, window_params = [{transform_indices = @transform_0, window_bounds = array<i64: 200, 128>}, {transform_indices = @transform_1, window_bounds = array<i64: 6400, 128>}, {transform_indices = @transform_2, window_bounds = array<i64: 200, 128>}, {transform_indices = @transform_3, window_bounds = array<i64: 200, 3>}, {transform_indices = @transform_4, window_bounds = array<i64: 6400, 1>}, {pipeline_mode = #tpu.pipeline_mode<synchronous>, transform_indices = @transform_5, window_bounds = array<i64: 5, 128, 128>}, {pipeline_mode = #tpu.pipeline_mode<synchronous>, transform_indices = @transform_6, window_bounds = array<i64: 6, 128>}, {transform_indices = @transform_7, window_bounds = array<i64: 200, 128>}, {transform_indices = @transform_8, window_bounds = array<i64: 200, 3>}]} {
    %get3A = arith.constant 0 : index
    %get3A_0 = arith.constant 0 : index
    %get3A_1 = vector.load %arg1[%get3A, %get3A_0] : memref<200x128xf32, #tpu.memory_space<vmem>>, vector<200x128xf32>
    %get3A_2 = arith.constant 0 : index
    %get3A_3 = arith.constant 0 : index
    %get3A_4 = vector.load %arg2[%get3A_2, %get3A_3] : memref<6400x128xf32, #tpu.memory_space<vmem>>, vector<6400x64xf32>
    %bitcast_convert_type3A = tpu.bitcast %get3A_4 : vector<6400x64xf32> -> vector<6400x64xi32>
    %and3A = arith.constant 65535 : i32
    %and3A_5 = vector.broadcast %and3A : i32 to vector<6400x64xi32>
    %and3A_6 = arith.andi %bitcast_convert_type3A, %and3A_5 : vector<6400x64xi32>
    %convert_element_type3A = arith.trunci %and3A_6 : vector<6400x64xi32> to vector<6400x64xi16>
    %bitcast_convert_type3A_7 = tpu.bitcast %convert_element_type3A : vector<6400x64xi16> -> vector<6400x64xbf16>
    %convert_element_type3A_8 = arith.extf %bitcast_convert_type3A_7 : vector<6400x64xbf16> to vector<6400x64xf32>
    %shift_right_logical3A = arith.constant 16 : i32
    %shift_right_logical3A_9 = vector.broadcast %shift_right_logical3A : i32 to vector<6400x64xi32>
    %shift_right_logical3A_10 = arith.shrui %bitcast_convert_type3A, %shift_right_logical3A_9 : vector<6400x64xi32>
    %convert_element_type3A_11 = arith.trunci %shift_right_logical3A_10 : vector<6400x64xi32> to vector<6400x64xi16>
    %bitcast_convert_type3A_12 = tpu.bitcast %convert_element_type3A_11 : vector<6400x64xi16> -> vector<6400x64xbf16>
    %convert_element_type3A_13 = arith.extf %bitcast_convert_type3A_12 : vector<6400x64xbf16> to vector<6400x64xf32>
    %concatenate3A = tpu.concatenate %convert_element_type3A_8, %convert_element_type3A_13 in 1 : vector<6400x64xf32>, vector<6400x64xf32> -> vector<6400x128xf32>
    %get3A_14 = arith.constant 0 : index
    %get3A_15 = arith.constant 64 : index
    %get3A_16 = vector.load %arg2[%get3A_14, %get3A_15] : memref<6400x128xf32, #tpu.memory_space<vmem>>, vector<6400x3xf32>
    %get3A_17 = arith.constant 0 : index
    %get3A_18 = arith.constant 0 : index
    %get3A_19 = vector.load %arg3[%get3A_17, %get3A_18] : memref<200x128xf32, #tpu.memory_space<vmem>>, vector<200x128xf32>
    %get3A_20 = arith.constant 0 : index
    %get3A_21 = arith.constant 0 : index
    %get3A_22 = vector.load %arg4[%get3A_20, %get3A_21] : memref<200x3xf32, #tpu.memory_space<vmem>>, vector<200x3xf32>
    %get3A_23 = arith.constant 0 : index
    %get3A_24 = arith.constant 0 : index
    %get3A_25 = vector.load %arg5[%get3A_23, %get3A_24] : memref<6400x1xf32, #tpu.memory_space<vmem>>, vector<6400x1xf32>
    %get3A_26 = arith.constant 0 : index
    %get3A_27 = arith.constant 0 : index
    %get3A_28 = vector.load %arg7[%get3A_26, %get3A_27] : memref<6x128xf32, #tpu.memory_space<vmem>>, vector<1x128xf32>
    %get3A_29 = arith.constant 1 : index
    %get3A_30 = arith.constant 0 : index
    %get3A_31 = vector.load %arg7[%get3A_29, %get3A_30] : memref<6x128xf32, #tpu.memory_space<vmem>>, vector<1x128xf32>
    %get3A_32 = arith.constant 2 : index
    %get3A_33 = arith.constant 0 : index
    %get3A_34 = vector.load %arg7[%get3A_32, %get3A_33] : memref<6x128xf32, #tpu.memory_space<vmem>>, vector<1x128xf32>
    %get3A_35 = arith.constant 3 : index
    %get3A_36 = arith.constant 0 : index
    %get3A_37 = vector.load %arg7[%get3A_35, %get3A_36] : memref<6x128xf32, #tpu.memory_space<vmem>>, vector<1x128xf32>
    %get3A_38 = arith.constant 4 : index
    %get3A_39 = arith.constant 0 : index
    %get3A_40 = vector.load %arg7[%get3A_38, %get3A_39] : memref<6x128xf32, #tpu.memory_space<vmem>>, vector<1x128xf32>
    %get3A_41 = arith.constant 5 : index
    %get3A_42 = arith.constant 0 : index
    %get3A_43 = vector.load %arg7[%get3A_41, %get3A_42] : memref<6x128xf32, #tpu.memory_space<vmem>>, vector<1x128xf32>
    %broadcast_in_dim3A = vector.shape_cast %get3A_1 : vector<200x128xf32> to vector<200x1x128xf32>
    %broadcast_in_dim3A_44 = vector.shape_cast %broadcast_in_dim3A : vector<200x1x128xf32> to vector<200x1x128xf32>
    %broadcast_in_dim3A_45 = vector.broadcast %broadcast_in_dim3A_44 : vector<200x1x128xf32> to vector<200x32x128xf32>
    %reshape3A = vector.shape_cast %broadcast_in_dim3A_45 : vector<200x32x128xf32> to vector<6400x128xf32>
    %broadcast_in_dim3A_46 = vector.shape_cast %get3A_22 : vector<200x3xf32> to vector<200x1x3xf32>
    %broadcast_in_dim3A_47 = vector.shape_cast %broadcast_in_dim3A_46 : vector<200x1x3xf32> to vector<200x1x3xf32>
    %broadcast_in_dim3A_48 = vector.broadcast %broadcast_in_dim3A_47 : vector<200x1x3xf32> to vector<200x32x3xf32>
    %reshape3A_49 = vector.shape_cast %broadcast_in_dim3A_48 : vector<200x32x3xf32> to vector<6400x3xf32>
    %sub3A = arith.subf %reshape3A_49, %get3A_16 : vector<6400x3xf32>
    %mul3A = arith.mulf %sub3A, %sub3A : vector<6400x3xf32>
    %reduce_sum3A = arith.constant dense<0.000000e+00> : vector<6400xf32>
    %reduce_sum3A_50 = vector.multi_reduction <add>, %mul3A, %reduce_sum3A [1] : vector<6400x3xf32> to vector<6400xf32>
    %broadcast_in_dim3A_51 = vector.shape_cast %reduce_sum3A_50 : vector<6400xf32> to vector<6400x1xf32>
    %max3A = arith.constant 9.99999996E-13 : f32
    %max3A_52 = vector.broadcast %max3A : f32 to vector<6400x1xf32>
    %max3A_53 = arith.maximumf %broadcast_in_dim3A_51, %max3A_52 : vector<6400x1xf32>
    %sqrt3A = math.sqrt %max3A_53 : vector<6400x1xf32>
    %max3A_54 = arith.constant 9.99999997E-7 : f32
    %max3A_55 = vector.broadcast %max3A_54 : f32 to vector<6400x1xf32>
    %max3A_56 = arith.maximumf %sqrt3A, %max3A_55 : vector<6400x1xf32>
    %add3A = arith.addf %reshape3A, %concatenate3A : vector<6400x128xf32>
    %mul3A_57 = vector.broadcast %max3A_56 : vector<6400x1xf32> to vector<6400x128xf32>
    %mul3A_58 = vector.broadcast %get3A_40 : vector<1x128xf32> to vector<6400x128xf32>
    %mul3A_59 = arith.mulf %mul3A_57, %mul3A_58 : vector<6400x128xf32>
    %add3A_60 = arith.addf %add3A, %mul3A_59 : vector<6400x128xf32>
    %logistic3A = arith.negf %add3A_60 : vector<6400x128xf32>
    %logistic3A_61 = math.exp %logistic3A : vector<6400x128xf32>
    %logistic3A_62 = arith.constant 1.000000e+00 : f32
    %logistic3A_63 = vector.broadcast %logistic3A_62 : f32 to vector<6400x128xf32>
    %logistic3A_64 = arith.addf %logistic3A_63, %logistic3A_61 : vector<6400x128xf32>
    %logistic3A_65 = arith.divf %logistic3A_63, %logistic3A_64 : vector<6400x128xf32>
    %mul3A_66 = arith.mulf %add3A_60, %logistic3A_65 : vector<6400x128xf32>
    %get3A_67 = arith.constant 0 : index
    %get3A_68 = arith.constant 0 : index
    %get3A_69 = arith.constant 0 : index
    %get3A_70 = vector.load %arg6[%get3A_67, %get3A_68, %get3A_69] : memref<5x128x128xf32, #tpu.memory_space<vmem>>, vector<1x128x128xf32>
    %get3A_71 = vector.shape_cast %get3A_70 : vector<1x128x128xf32> to vector<128x128xf32>
    %dot_general3A = arith.constant dense<0.000000e+00> : vector<6400x128xf32>
    %dot_general3A_72 = tpu.matmul %mul3A_66, %get3A_71, %dot_general3A {dimension_numbers = #tpu.dot_dimension_numbers<[1], [0], [0], [1], [0, 0, 1, 1], [], []>, transpose_lhs_hint = false} : vector<6400x128xf32>, vector<128x128xf32>, vector<6400x128xf32> -> vector<6400x128xf32>
    %add3A_73 = vector.broadcast %get3A_28 : vector<1x128xf32> to vector<6400x128xf32>
    %add3A_74 = arith.addf %dot_general3A_72, %add3A_73 : vector<6400x128xf32>
    %logistic3A_75 = arith.negf %add3A_74 : vector<6400x128xf32>
    %logistic3A_76 = math.exp %logistic3A_75 : vector<6400x128xf32>
    %logistic3A_77 = arith.constant 1.000000e+00 : f32
    %logistic3A_78 = vector.broadcast %logistic3A_77 : f32 to vector<6400x128xf32>
    %logistic3A_79 = arith.addf %logistic3A_78, %logistic3A_76 : vector<6400x128xf32>
    %logistic3A_80 = arith.divf %logistic3A_78, %logistic3A_79 : vector<6400x128xf32>
    %mul3A_81 = arith.mulf %add3A_74, %logistic3A_80 : vector<6400x128xf32>
    %mul3A_82 = vector.broadcast %get3A_25 : vector<6400x1xf32> to vector<6400x128xf32>
    %mul3A_83 = arith.mulf %mul3A_81, %mul3A_82 : vector<6400x128xf32>
    %get3A_84 = arith.constant 1 : index
    %get3A_85 = arith.constant 0 : index
    %get3A_86 = arith.constant 0 : index
    %get3A_87 = vector.load %arg6[%get3A_84, %get3A_85, %get3A_86] : memref<5x128x128xf32, #tpu.memory_space<vmem>>, vector<1x128x128xf32>
    %get3A_88 = vector.shape_cast %get3A_87 : vector<1x128x128xf32> to vector<128x128xf32>
    %dot_general3A_89 = arith.constant dense<0.000000e+00> : vector<6400x128xf32>
    %dot_general3A_90 = tpu.matmul %mul3A_83, %get3A_88, %dot_general3A_89 {dimension_numbers = #tpu.dot_dimension_numbers<[1], [0], [0], [1], [0, 0, 1, 1], [], []>, transpose_lhs_hint = false} : vector<6400x128xf32>, vector<128x128xf32>, vector<6400x128xf32> -> vector<6400x128xf32>
    %add3A_91 = vector.broadcast %get3A_31 : vector<1x128xf32> to vector<6400x128xf32>
    %add3A_92 = arith.addf %dot_general3A_90, %add3A_91 : vector<6400x128xf32>
    %logistic3A_93 = arith.negf %add3A_92 : vector<6400x128xf32>
    %logistic3A_94 = math.exp %logistic3A_93 : vector<6400x128xf32>
    %logistic3A_95 = arith.constant 1.000000e+00 : f32
    %logistic3A_96 = vector.broadcast %logistic3A_95 : f32 to vector<6400x128xf32>
    %logistic3A_97 = arith.addf %logistic3A_96, %logistic3A_94 : vector<6400x128xf32>
    %logistic3A_98 = arith.divf %logistic3A_96, %logistic3A_97 : vector<6400x128xf32>
    %mul3A_99 = arith.mulf %add3A_92, %logistic3A_98 : vector<6400x128xf32>
    %mul3A_100 = vector.broadcast %get3A_43 : vector<1x128xf32> to vector<6400x128xf32>
    %mul3A_101 = arith.mulf %mul3A_99, %mul3A_100 : vector<6400x128xf32>
    %reduce_sum3A_102 = arith.constant dense<0.000000e+00> : vector<6400xf32>
    %reduce_sum3A_103 = vector.multi_reduction <add>, %mul3A_101, %reduce_sum3A_102 [1] : vector<6400x128xf32> to vector<6400xf32>
    %broadcast_in_dim3A_104 = vector.shape_cast %reduce_sum3A_103 : vector<6400xf32> to vector<6400x1xf32>
    %jit3A = arith.constant -1.000000e+00 : f32
    %jit3A_105 = arith.constant 1.000000e+00 : f32
    %max3A_106 = vector.broadcast %jit3A : f32 to vector<6400x1xf32>
    %max3A_107 = arith.maximumf %max3A_106, %broadcast_in_dim3A_104 : vector<6400x1xf32>
    %min3A = vector.broadcast %jit3A_105 : f32 to vector<6400x1xf32>
    %min3A_108 = arith.minimumf %min3A, %max3A_107 : vector<6400x1xf32>
    %div3A = vector.broadcast %max3A_56 : vector<6400x1xf32> to vector<6400x3xf32>
    %div3A_109 = arith.divf %sub3A, %div3A : vector<6400x3xf32>
    %mul3A_110 = vector.broadcast %min3A_108 : vector<6400x1xf32> to vector<6400x3xf32>
    %mul3A_111 = arith.mulf %div3A_109, %mul3A_110 : vector<6400x3xf32>
    %mul3A_112 = vector.broadcast %get3A_25 : vector<6400x1xf32> to vector<6400x3xf32>
    %mul3A_113 = arith.mulf %mul3A_111, %mul3A_112 : vector<6400x3xf32>
    %reshape3A_114 = vector.shape_cast %mul3A_113 : vector<6400x3xf32> to vector<200x32x3xf32>
    %reduce_sum3A_115 = arith.constant dense<0.000000e+00> : vector<200x3xf32>
    %reduce_sum3A_116 = vector.multi_reduction <add>, %reshape3A_114, %reduce_sum3A_115 [1] : vector<200x32x3xf32> to vector<200x3xf32>
    %add3A_117 = arith.addf %get3A_22, %reduce_sum3A_116 : vector<200x3xf32>
    %swap3A = arith.constant 0 : index
    %swap3A_118 = arith.constant 0 : index
    %swap3A_119 = vector.load %arg9[%swap3A, %swap3A_118] : memref<200x3xf32, #tpu.memory_space<vmem>>, vector<200x3xf32>
    tpu.vector_store %arg9[%swap3A, %swap3A_118], %add3A_117 {strides = array<i32>} : memref<200x3xf32, #tpu.memory_space<vmem>>, vector<200x3xf32>,
    %reshape3A_120 = vector.shape_cast %mul3A_83 : vector<6400x128xf32> to vector<200x32x128xf32>
    %reduce_sum3A_121 = arith.constant dense<0.000000e+00> : vector<200x128xf32>
    %reduce_sum3A_122 = vector.multi_reduction <add>, %reshape3A_120, %reduce_sum3A_121 [1] : vector<200x32x128xf32> to vector<200x128xf32>
    %get3A_123 = arith.constant 2 : index
    %get3A_124 = arith.constant 0 : index
    %get3A_125 = arith.constant 0 : index
    %get3A_126 = vector.load %arg6[%get3A_123, %get3A_124, %get3A_125] : memref<5x128x128xf32, #tpu.memory_space<vmem>>, vector<1x128x128xf32>
    %get3A_127 = vector.shape_cast %get3A_126 : vector<1x128x128xf32> to vector<128x128xf32>
    %dot_general3A_128 = arith.constant dense<0.000000e+00> : vector<200x128xf32>
    %dot_general3A_129 = tpu.matmul %get3A_19, %get3A_127, %dot_general3A_128 {dimension_numbers = #tpu.dot_dimension_numbers<[1], [0], [0], [1], [0, 0, 1, 1], [], []>, transpose_lhs_hint = false} : vector<200x128xf32>, vector<128x128xf32>, vector<200x128xf32> -> vector<200x128xf32>
    %get3A_130 = arith.constant 3 : index
    %get3A_131 = arith.constant 0 : index
    %get3A_132 = arith.constant 0 : index
    %get3A_133 = vector.load %arg6[%get3A_130, %get3A_131, %get3A_132] : memref<5x128x128xf32, #tpu.memory_space<vmem>>, vector<1x128x128xf32>
    %get3A_134 = vector.shape_cast %get3A_133 : vector<1x128x128xf32> to vector<128x128xf32>
    %dot_general3A_135 = arith.constant dense<0.000000e+00> : vector<200x128xf32>
    %dot_general3A_136 = tpu.matmul %reduce_sum3A_122, %get3A_134, %dot_general3A_135 {dimension_numbers = #tpu.dot_dimension_numbers<[1], [0], [0], [1], [0, 0, 1, 1], [], []>, transpose_lhs_hint = false} : vector<200x128xf32>, vector<128x128xf32>, vector<200x128xf32> -> vector<200x128xf32>
    %add3A_137 = arith.addf %dot_general3A_129, %dot_general3A_136 : vector<200x128xf32>
    %add3A_138 = vector.broadcast %get3A_34 : vector<1x128xf32> to vector<200x128xf32>
    %add3A_139 = arith.addf %add3A_137, %add3A_138 : vector<200x128xf32>
    %logistic3A_140 = arith.negf %add3A_139 : vector<200x128xf32>
    %logistic3A_141 = math.exp %logistic3A_140 : vector<200x128xf32>
    %logistic3A_142 = arith.constant 1.000000e+00 : f32
    %logistic3A_143 = vector.broadcast %logistic3A_142 : f32 to vector<200x128xf32>
    %logistic3A_144 = arith.addf %logistic3A_143, %logistic3A_141 : vector<200x128xf32>
    %logistic3A_145 = arith.divf %logistic3A_143, %logistic3A_144 : vector<200x128xf32>
    %mul3A_146 = arith.mulf %add3A_139, %logistic3A_145 : vector<200x128xf32>
    %get3A_147 = arith.constant 4 : index
    %get3A_148 = arith.constant 0 : index
    %get3A_149 = arith.constant 0 : index
    %get3A_150 = vector.load %arg6[%get3A_147, %get3A_148, %get3A_149] : memref<5x128x128xf32, #tpu.memory_space<vmem>>, vector<1x128x128xf32>
    %get3A_151 = vector.shape_cast %get3A_150 : vector<1x128x128xf32> to vector<128x128xf32>
    %dot_general3A_152 = arith.constant dense<0.000000e+00> : vector<200x128xf32>
    %dot_general3A_153 = tpu.matmul %mul3A_146, %get3A_151, %dot_general3A_152 {dimension_numbers = #tpu.dot_dimension_numbers<[1], [0], [0], [1], [0, 0, 1, 1], [], []>, transpose_lhs_hint = false} : vector<200x128xf32>, vector<128x128xf32>, vector<200x128xf32> -> vector<200x128xf32>
    %add3A_154 = arith.addf %get3A_19, %dot_general3A_153 : vector<200x128xf32>
    %add3A_155 = vector.broadcast %get3A_37 : vector<1x128xf32> to vector<200x128xf32>
    %add3A_156 = arith.addf %add3A_154, %add3A_155 : vector<200x128xf32>
    %swap3A_157 = arith.constant 0 : index
    %swap3A_158 = arith.constant 0 : index
    %swap3A_159 = vector.load %arg8[%swap3A_157, %swap3A_158] : memref<200x128xf32, #tpu.memory_space<vmem>>, vector<200x128xf32>
    tpu.vector_store %arg8[%swap3A_157, %swap3A_158], %add3A_156 {strides = array<i32>} : memref<200x128xf32, #tpu.memory_space<vmem>>, vector<200x128xf32>,
    return
  }
  func.func @transform_0(%arg0: i32) -> (i32, i32) {
    %c0_i32 = arith.constant 0 : i32
    %c0_i32_0 = arith.constant 0 : i32
    return %arg0, %c0_i32 : i32, i32
  }
  func.func @transform_1(%arg0: i32) -> (i32, i32) {
    %c0_i32 = arith.constant 0 : i32
    %c0_i32_0 = arith.constant 0 : i32
    return %arg0, %c0_i32 : i32, i32
  }
  func.func @transform_2(%arg0: i32) -> (i32, i32) {
    %c0_i32 = arith.constant 0 : i32
    %c0_i32_0 = arith.constant 0 : i32
    return %arg0, %c0_i32 : i32, i32
  }
  func.func @transform_3(%arg0: i32) -> (i32, i32) {
    %c0_i32 = arith.constant 0 : i32
    %c0_i32_0 = arith.constant 0 : i32
    return %arg0, %c0_i32 : i32, i32
  }
  func.func @transform_4(%arg0: i32) -> (i32, i32) {
    %c0_i32 = arith.constant 0 : i32
    %c0_i32_0 = arith.constant 0 : i32
    return %arg0, %c0_i32 : i32, i32
  }
  func.func @transform_5(%arg0: i32) -> (i32, i32, i32) {
    %c0_i32 = arith.constant 0 : i32
    %c0_i32_0 = arith.constant 0 : i32
    %c0_i32_1 = arith.constant 0 : i32
    %c0_i32_2 = arith.constant 0 : i32
    return %c0_i32, %c0_i32_0, %c0_i32_1 : i32, i32, i32
  }
  func.func @transform_6(%arg0: i32) -> (i32, i32) {
    %c0_i32 = arith.constant 0 : i32
    %c0_i32_0 = arith.constant 0 : i32
    %c0_i32_1 = arith.constant 0 : i32
    return %c0_i32, %c0_i32_0 : i32, i32
  }
  func.func @transform_7(%arg0: i32) -> (i32, i32) {
    %c0_i32 = arith.constant 0 : i32
    %c0_i32_0 = arith.constant 0 : i32
    return %arg0, %c0_i32 : i32, i32
  }
  func.func @transform_8(%arg0: i32) -> (i32, i32) {
    %c0_i32 = arith.constant 0 : i32
    %c0_i32_0 = arith.constant 0 : i32
    return %arg0, %c0_i32 : i32, i32
  }
}

</mosaic_0001>

<sc_bundles>
// kernel: kernel.16.cloned.1.call-start
scs
__scs_entry_jumppad:
0x0: {  	(pc) =	sbr.rel $0x88, $3  }
0x1: {  	(tag) =	ssettag $0x0;
	lr =	simm.s32 $0x1  }
0x2: {  	[smem:$0x3F71] =	sst lr;
	_ =	strace $0xD0000000  }
0x3: {  	_ = 	snop  }
0x4: {  	_ = 	snop  }
0x5: {  	_ = 	snop  }
0x6: {  	_ = 	snop  }
0x7: {  	_ = 	snop  }
__scs_overlays_trampoline_lowered:
0x8: {  	[smem:$0x3F80] =	sst s0  }
0x9: {  	[smem:$0x3F81] =	sst s1  }
0xa: {  	[smem:$0x3F82] =	sst s2  }
0xb: {  	[smem:$0x3F83] =	sst s3  }
0xc: {  	[smem:$0x3F84] =	sst s4  }
0xd: {  	[smem:$0x3F85] =	sst s5  }
0xe: {  	[smem:$0x3F86] =	sst s6  }
0xf: {  	[smem:$0x3F87] =	sst s7  }
0x10: {  	[smem:$0x3F88] =	sst s8  }
0x11: {  	[smem:$0x3F89] =	sst s9;
	s0 =	simm.s32 @!p0 $0x0  }
0x12: {  	s1 =	sld [smem:$0x3F6F];
	s0 =	simm.s32 @p0 $0x1  }
0x13: {  	[smem:$0x3F8A] =	sst s0;
	s0 =	simm.s32 @!p1 $0x0  }
0x14: {  	s2 =	sld [smem:$0x3F6E];
	s0 =	simm.s32 @p1 $0x1  }
0x15: {  	[smem:$0x3F8B] =	sst s0;
	s0 =	simm.s32 @!p2 $0x0  }
0x16: {  	s3 =	sld [smem:$0x3FDB];
	s0 =	simm.s32 @p2 $0x1  }
0x17: {  	s4 =	simm.s32 $0x1BF5;
	[smem:$0x3F8D] =	sst s0  }
0x18: {  	s0 =	sld [smem:$0x3F70];
	_ =	swait.ge [sflag:s4], $0x0  }
0x19: {  	s7 =	sld [smem:$0x3F71]  }
0x1a: {  	s8 =	sadd.s32 $0xFFFFE003, lr  }
0x1b: {  	s9 =	sadd.s32 $0xFFFFFEF7, lr;
	s5 =	simm.s32 $0xFFFFFFFF;
	p2 =	slt.u32 s8, $0xFFFFF086  }
0x1c: {  	p1 =	slt.u32 s9, $0xF7A;
	s5 =	simm.s32 @!p2 $0x0  }
0x1d: {  	s5 =	simm.s32 @p1 $0x1;
	p0 =	seq.s32 s7, s2  }
0x1e: {  	s7 =	smul.u32 @!p0 $0xF7A, s2;
	p2 =	seq.s32 @!p0 s5, $0x0  }
0x1f: {  	s9 =	smul.u32 $0xF7A, s1;
	s8 =	simm.s32 @!p0 $0x1BF5;
	p2 =	por !p2, p0  }
0x20: {  	[sflag:s8] =	ssyncset.s32 @!p0 $0xFFFFF086;
	s6 =	sadd.s32 @!p0 s3, s7;
	s7 =	simm.s32 @!p0 $0x108  }
0x21: {  	s3 =	sadd.s32 s3, s9;
	s6 =	sadd.s32 @!p0 $0x88, s6;
	s7 =	simm.s32 @p2 $0x1082  }
0x22: {  	[simem:s7], [sflag:s8] =	dma.local @!p0 [hbm:s6], $0xF7A  }
0x23: {  	s9 =	sor.u32 $0xD0000000, s2;
	s6 =	simm.s32 $0x108;
	_ =	swait.ge @!p0 [sflag:s8], $0x0  }
0x24: {  	s3 =	sadd.s32 $0x88, s3;
	s6 =	simm.s32 @!p1 $0x1082;
	[sflag:s4] =	ssyncset.s32 $0xFFFFF086  }
0x25: {  	[simem:s6], [sflag:s4] =	dma.local [hbm:s3], $0xF7A  }
0x26: {  	[smem:$0x3F71] =	sst s1;
	(tag) =	ssettag s2;
	_ =	strace s9  }
0x27: {  	s1 =	sld [smem:$0x3F81]  }
0x28: {  	s2 =	sld [smem:$0x3F82]  }
0x29: {  	s4 =	sld [smem:$0x3F84]  }
0x2a: {  	p0 =	seq.s32 s5, $0x0;
	s5 =	sld [smem:$0x3F85]  }
0x2b: {  	s6 =	sld [smem:$0x3F86]  }
0x2c: {  	s7 =	sld [smem:$0x3F87]  }
0x2d: {  	s3 =	simm.s32 $0x108;
	s8 =	sld [smem:$0x3F88]  }
0x2e: {  	s3 =	simm.s32 @!p0 $0x1082;
	s9 =	sld [smem:$0x3F89]  }
0x2f: {  	lr =	sadd.s32 s0, s3;
	s0 =	sld [smem:$0x3F80]  }
0x30: {  	s3 =	sld [smem:$0x3F83]  }
0x31: {  	[smem:$0x3F8C] =	sst s10  }
0x32: {  	s10 =	sld [smem:$0x3F8A];
	_ =	sdelay $0x3  }
0x33: {  	p0 =	seq.s32 s10, $0x1;
	s10 =	sld [smem:$0x3F8C];
	_ =	sdelay $0x3  }
0x34: {  	[smem:$0x3F8C] =	sst s10  }
0x35: {  	s10 =	sld [smem:$0x3F8B];
	_ =	sdelay $0x3  }
0x36: {  	p1 =	seq.s32 s10, $0x1;
	s10 =	sld [smem:$0x3F8C];
	_ =	sdelay $0x3  }
0x37: {  	[smem:$0x3F8C] =	sst s10  }
0x38: {  	s10 =	sld [smem:$0x3F8D]  }
0x39: {  	_ = 	snop;
	(pc) =	sbr.ind lr, $3  }
0x3a: {  	_ = 	snop  }
0x3b: {  	_ = 	snop  }
0x3c: {  	p2 =	seq.s32 s10, $0x1;
	s10 =	sld [smem:$0x3F8C]  }
0x3d: {  	_ =	shalt  }
0x3e: {  	_ =	shalt  }
0x3f: {  	_ =	shalt  }
0x40: {  	_ =	shalt  }
0x41: {  	_ =	shalt  }
0x42: {  	_ =	shalt  }
0x43: {  	_ =	shalt  }
0x44: {  	_ =	shalt  }
0x45: {  	_ =	shalt  }
0x46: {  	_ =	shalt  }
0x47: {  	_ =	shalt  }
0x48: {  	_ =	shalt  }
0x49: {  	_ =	shalt  }
0x4a: {  	_ =	shalt  }
0x4b: {  	_ =	shalt  }
0x4c: {  	_ =	shalt  }
0x4d: {  	_ =	shalt  }
0x4e: {  	_ =	shalt  }
0x4f: {  	_ =	shalt  }
0x50: {  	_ =	shalt  }
0x51: {  	_ =	shalt  }
0x52: {  	_ =	shalt  }
0x53: {  	_ =	shalt  }
0x54: {  	_ =	shalt  }
0x55: {  	_ =	shalt  }
0x56: {  	_ =	shalt  }
0x57: {  	_ =	shalt  }
0x58: {  	_ =	shalt  }
0x59: {  	_ =	shalt  }
0x5a: {  	_ =	shalt  }
0x5b: {  	_ =	shalt  }
0x5c: {  	_ =	shalt  }
0x5d: {  	_ =	shalt  }
0x5e: {  	_ =	shalt  }
0x5f: {  	_ =	shalt  }
0x60: {  	_ =	shalt  }
0x61: {  	_ =	shalt  }
0x62: {  	_ =	shalt  }
0x63: {  	_ =	shalt  }
0x64: {  	_ =	shalt  }
0x65: {  	_ =	shalt  }
0x66: {  	_ =	shalt  }
0x67: {  	_ =	shalt  }
0x68: {  	_ =	shalt  }
0x69: {  	_ =	shalt  }
0x6a: {  	_ =	shalt  }
0x6b: {  	_ =	shalt  }
0x6c: {  	_ =	shalt  }
0x6d: {  	_ =	shalt  }
0x6e: {  	_ =	shalt  }
0x6f: {  	_ =	shalt  }
0x70: {  	_ =	shalt  }
0x71: {  	_ =	shalt  }
0x72: {  	_ =	shalt  }
0x73: {  	_ =	shalt  }
0x74: {  	_ =	shalt  }
0x75: {  	_ =	shalt  }
0x76: {  	_ =	shalt  }
0x77: {  	_ =	shalt  }
0x78: {  	_ =	shalt  }
0x79: {  	_ =	shalt  }
0x7a: {  	_ =	shalt  }
0x7b: {  	_ =	shalt  }
0x7c: {  	_ =	shalt  }
0x7d: {  	_ =	shalt  }
0x7e: {  	_ =	shalt  }
0x7f: {  	_ =	shalt  }
0x80: {  	_ =	shalt  }
0x81: {  	_ =	shalt  }
0x82: {  	_ =	shalt  }
0x83: {  	_ =	shalt  }
0x84: {  	_ =	shalt  }
0x85: {  	_ =	shalt  }
0x86: {  	_ =	shalt  }
0x87: {  	_ =	shalt  }
.Lfunc_end0:
.L_simem_size_0:
called_computation_lowered:
.L_overlay_start_0:
0x88: {  	s2 =	sld [smem:$0x3FD9]  }
0x89: {  	s3 =	sld [smem:$0x3FFE];
	_ =	sdelay $0x1  }
0x8a: {  	s1 =	srdreg.scid  }
0x8b: {  	s0 =	sand.u32 $0x1, s1  }
0x8c: {  	s16 =	sshll.u32 s0, $0xA;
	s2 =	sadd.s32 s3, s2  }
0x8d: {  	s2 =	sadd.s32 s2, s16  }
0x8e: {  	[smem:$0x3F98] =	sst s2  }
0x8f: {  	_ = 	snop  }
0x90: {  	(tm) =	ssettm $0x1  }
0x91: {  	s17 =	sld [smem:$0x3FFB];
	_ =	sdelay $0x3  }
0x92: {  	_ =	strace s17  }
0x93: {  	s2 =	sld [smem:$0x3FFC];
	_ =	sdelay $0x3  }
0x94: {  	_ =	strace s2  }
0x95: {  	s2 =	sld [smem:$0x3FFD];
	_ =	sdelay $0x3  }
0x96: {  	_ =	strace s2  }
0x97: {  	_ =	strace $0x8FFFFFFF  }
0x98: {  	s18 =	sld [smem:$0x3FDB];
	_ =	sdelay $0x1  }
0x99: {  	s19 =	simm.s32 $_scs_section_size  }
0x9a: {  	s4 =	simm.s32 $_size__tile_overlayer_lowered;
	s5 =	simm.s32 $_tile_overlayer_lowered  }
0x9b: {  	s22 =	simm.s32 $0x1BFF;
	s21 =	sshll.u32 s5, $0x1;
	s2 =	sadd.s32 s19, s18  }
0x9c: {  	s6 =	simm.s32 $0x0;
	s20 =	sshll.u32 s4, $0x1;
	s4 =	sadd.s32 s21, s2  }
0x9d: {  	[timem:s6], [sflag:s22] =	dma.local [hbm:s4], s20  }
0x9e: {  	_ =	swait.ge [sflag:s22], s20  }
0x9f: {  	s3 =	ssub.s32 $0x0, s20;
	[sflag:s22] =	ssyncset.done $0x0  }
0xa0: {  	[sflag:s22] =	ssyncadd.s32 s3;
	_ =	sdelay $0x1  }
0xa1: {  	s23 =	simm.s32 $0x1B8B  }
0xa2: {  	_ =	swait.ge [sflag:s23], $0x1  }
0xa3: {  	[sflag:s23] =	ssyncset.done $0x0  }
0xa4: {  	s25 =	simm.s32 $0x1B8E;
	s24 =	sld [smem:$0x3FFE];
	[sflag:s23] =	ssyncadd.s32 $0xFFFFFFFF  }
0xa5: {  	s26 =	simm.s32 $execute0_lowered;
	[smem:$0x3FD2] =	sst s25  }
0xa6: {  	s4 =	sshll.u32 s26, $0x1;
	_ =	strace $0x80000046;
	[dreg:$0x1] =	wrdreg $0xFFFFFFFF  }
0xa7: {  	s28 =	simm.s32 $_size_execute0_lowered;
	s2 =	sadd.s32 s2, s4;
	[dreg:$0x0] =	wrdreg $0x0  }
0xa8: {  	s4 =	sshll.u32 s28, $0x1;
	[dreg:$0x2] =	wrdreg s2  }
0xa9: {  	[dreg:$0x3] =	wrdreg s4  }
0xaa: {  	[dreg:$0x4] =	wrdreg $0xC0  }
0xab: {  	_ =	task [dreg:s6], $0x5FFFF  }
0xac: {  	[dreg:$0x1] =	wrdreg $0xFFFFFFFF  }
0xad: {  	[dreg:$0x0] =	wrdreg $0x60  }
0xae: {  	[dreg:$0x2] =	wrdreg s24  }
0xaf: {  	[dreg:$0x3] =	wrdreg $0x9  }
0xb0: {  	_ =	task.clear_ibuf [dreg:s6], $0x4FFFF;
	_ =	strace $0x90000046  }
0xb1: {  	s29 =	simm.s32 $0x9;
	_ =	strace $0x80000048  }
0xb2: {  	_ =	swait.ge [sflag:s29], $0x1  }
0xb3: {  	[sflag:s29] =	ssyncadd.s32 $0xFFFFFFFF  }
0xb4: {  	_ =	strace $0x90000048  }
0xb5: {  	_ =	sfence  }
0xb6: {  	s30 =	sld [smem:$0x0];
	_ =	sdelay $0x2  }
0xb7: {  	s31 =	sshll.u32 s1, $0xD;
	s1 =	sshrl.u32 s1, $0x2  }
0xb8: {  	s3 =	sand.u32 $0x4000, s31;
	s1 =	sadd.s32 s1, s30  }
0xb9: {  	s0 =	sor.u32 s3, s0;
	s1 =	sshll.u32 s1, $0x11  }
0xba: {  	s0 =	sor.u32 s1, s0  }
0xbb: {  	s0 =	sadd.s32 $0x8F2B, s0  }
0xbc: {  	[sflag:s0] =	ssyncadd.remote.s32 $0x1  }
0xbd: {  	_ =	sfence.sel $0xFFFF  }
0xbe: {  	[dreg:$0x0] =	wrdreg $0xFFFFFFFF;
	(pc) =	sbr.abs _section_cstart, $3  }
0xbf: {  	[dreg:$0x1] =	wrdreg $0xFFFFFFFF  }
0xc0: {  	_ =	task.clear_ibuf [dreg:s6], $0x2FFFF;
	_ =	strace $0x9FFFFFFF  }
0xc1: {  	(tm) =	ssettm $0x7FFFFFFF  }
tec
execute0_lowered:
.L_overlay_start_1:
0x0: {  	(tag) =	ssettag $0x1  }
0x1: {  	s1 =	srdreg.scid;
	s0 =	stileid.u32  }
0x2: {  	s5 =	rddreg [dreg:$0x0];
	s2 =	simm.s32 $0x0;
	s9 =	simm.s32 $0x80  }
0x3: {  	s11 =	simm.s32 $0x2800;
	s10 =	simm.s32 $0x1;
	s12 =	simm.s32 $0x6800  }
0x4: {  	s13 =	simm.s32 $0xA800;
	s14 =	simm.s32 $0xE800;
	s15 =	simm.s32 $0x6  }
0x5: {  	s16 =	simm.s32 $0x7;
	s17 =	simm.s32 $0x8;
	s18 =	simm.s32 $0x9  }
0x6: {  	s19 =	simm.s32 $0xA;
	s4 =	sand.u32 $0x1, s1;
	s29 =	sshll.u32 s0, $0x1  }
0x7: {  	s20 =	simm.s32 $0x0;
	[smem:$0x7FF] =	sst s2;
	s3 =	sor.u32 s4, s29  }
0x8: {  	_ =	strace $0x80000047;
	s7 =	ssub.s32 $0x2, s4;
	[dreg:$0x2] =	wrdreg s9  }
0x9: {  	s4 =	sadd.s32 $0x68200, s5;
	s9 =	simm.s32 $0x12800;
	[dreg:$0x3] =	wrdreg s11  }
0xa: {  	s11 =	simm.s32 $0x2;
	[dreg:$0x4] =	wrdreg s12;
	s3 =	smul.u32 $0x2800, s3  }
0xb: {  	s12 =	simm.s32 $0x3;
	[dreg:$0x5] =	wrdreg s13;
	s8 =	sshrl.u32 s7, $0x1  }
0xc: {  	s13 =	simm.s32 $0x4;
	s7 =	ssub.s32 s7, s8;
	s6 =	sshrl.u32 s3, $0x3  }
0xd: {  	[dreg:$0x6] =	wrdreg s14;
	s31 =	smax.u32 s7, $0x1;
	s6 =	sadd.s32 s6, s5  }
0xe: {  	s14 =	simm.s32 $0x5;
	[dreg:$0x8] =	wrdreg s31;
	s30 =	sadd.s32 $0x37000, s6  }
0xf: {  	s8 =	simm.s32 $0xB;
	s5 =	sadd.s32 $0xB6600, s5;
	[dreg:$0x7] =	wrdreg s30  }
.LBB2_1:
0x10: {  	s0 =	rddreg [dreg:$0x7]  }
0x11: {  	[tilespmem:s2], [sflag:$0xB] =	stream.linear.gather [hbm4b:s0+s2], $0x2800, $0x38;
	[tilespmem:$0x16800] =	vst v63  }
0x12: {  	_ =	swait.ge [sflag:s8], $0x2800  }
0x13: {  	p0 =	por $0x0, $0x0;
	[sflag:s8] =	ssyncset.done $0x0  }
0x14: {  	s21 =	simm.s32 @p0 $0x6;
	[sflag:s8] =	ssyncadd.s32 $0xFFFFD800  }
0x15: {  	_ =	swait.ge @p0 [sflag:s21], $0x4000  }
0x16: {  	s22 =	simm.s32 @p0 $0x80;
	[sflag:s21] =	ssyncset.done @p0 $0x0  }
0x17: {  	s23 =	simm.s32 @p0 $0x2800;
	[sflag:s21] =	ssyncadd.s32 @p0 $0xFFFFC000;
	s21 =	simm.s32 @p0 $0x7  }
0x18: {  	[tilespmem:s23], [sflag:$0x1] =	stream.indirect.gather @p0 [hbm4b:s4+s22], $0x80, s2, s22, $0xb8;
	[tilespmem:$0x16800] =	vst v63  }
0x19: {  	_ =	swait.ge @p0 [sflag:s21], $0x4000  }
0x1a: {  	s24 =	simm.s32 @p0 $0x6800;
	[sflag:s21] =	ssyncset.done @p0 $0x0  }
0x1b: {  	s23 =	simm.s32 @p0 $0x80;
	[sflag:s21] =	ssyncadd.s32 @p0 $0xFFFFC000;
	s21 =	simm.s32 @p0 $0x8  }
0x1c: {  	[tilespmem:s24], [sflag:$0x2] =	stream.indirect.gather @p0 [hbm4b:s4+s22], $0x80, s23, s22, $0xb8;
	[tilespmem:$0x16800] =	vst v63  }
0x1d: {  	_ =	swait.ge @p0 [sflag:s21], $0x4000  }
0x1e: {  	s23 =	simm.s32 @p0 $0x100;
	[sflag:s21] =	ssyncset.done @p0 $0x0  }
0x1f: {  	s24 =	simm.s32 @p0 $0xA800;
	[sflag:s21] =	ssyncadd.s32 @p0 $0xFFFFC000;
	s21 =	simm.s32 @p0 $0x9  }
0x20: {  	[tilespmem:s24], [sflag:$0x3] =	stream.indirect.gather @p0 [hbm4b:s4+s22], $0x80, s23, s22, $0xb8;
	[tilespmem:$0x16800] =	vst v63  }
0x21: {  	_ =	swait.ge @p0 [sflag:s21], $0x4000  }
0x22: {  	s23 =	simm.s32 @p0 $0x180;
	[sflag:s21] =	ssyncset.done @p0 $0x0  }
0x23: {  	s24 =	simm.s32 @p0 $0xE800;
	[sflag:s21] =	ssyncadd.s32 @p0 $0xFFFFC000;
	s21 =	simm.s32 @p0 $0xA  }
0x24: {  	[tilespmem:s24], [sflag:$0x4] =	stream.indirect.gather @p0 [hbm4b:s4+s22], $0x80, s23, s22, $0xb8;
	[tilespmem:$0x16800] =	vst v63  }
0x25: {  	_ =	swait.ge @p0 [sflag:s21], $0x4000  }
0x26: {  	s22 =	simm.s32 @!p0 $0x80;
	[sflag:s21] =	ssyncset.done @p0 $0x0  }
0x27: {  	s23 =	simm.s32 @!p0 $0x0;
	[sflag:s21] =	ssyncadd.s32 @p0 $0xFFFFC000;
	s21 =	simm.s32 @!p0 $0x2800  }
0x28: {  	[tilespmem:s21], [sflag:$0x1] =	stream.indirect.gather @!p0 [hbm4b:s4+s22], $0x80, s23, s22, $0xb8;
	[tilespmem:$0x16800] =	vst v63  }
0x29: {  	s23 =	simm.s32 @!p0 $0x6800  }
0x2a: {  	[tilespmem:s23], [sflag:$0x2] =	stream.indirect.gather @!p0 [hbm4b:s4+s22], $0x80, s22, s22, $0xb8;
	[tilespmem:$0x16800] =	vst v63  }
0x2b: {  	s24 =	simm.s32 @!p0 $0xA800;
	s21 =	simm.s32 @p0 $0x0;
	s23 =	simm.s32 @!p0 $0x100  }
0x2c: {  	[tilespmem:s24], [sflag:$0x3] =	stream.indirect.gather @!p0 [hbm4b:s4+s22], $0x80, s23, s22, $0xb8;
	[tilespmem:$0x16800] =	vst v63  }
0x2d: {  	s21 =	simm.s32 @!p0 $0x0;
	s23 =	simm.s32 @!p0 $0x180;
	s24 =	simm.s32 @!p0 $0xE800  }
0x2e: {  	[tilespmem:s24], [sflag:$0x4] =	stream.indirect.gather @!p0 [hbm4b:s4+s22], $0x80, s23, s22, $0xb8;
	[tilespmem:$0x16800] =	vst v63  }
0x2f: {  	s25 =	rddreg [dreg:$0x2];
	s6 =	sadd.s32 $0x200, s21;
	s21 =	sadd.s32 s3, s21  }
0x30: {  	[tilespmem:s9], [sflag:$0x5] =	stream.indirect.gather [hbm4b:s4+s25], $0x80, s6, s25, $0xb8;
	[tilespmem:$0x16800] =	vst v63  }
0x31: {  	s21 =	sshll.u32 s21, $0x4;
	s24 =	simm.s32 @p0 $0x80;
	_ =	swait.ge [sflag:s10], $0x4000  }
0x32: {  	s21 =	sadd.s32 s5, s21;
	s24 =	simm.s32 @!p0 $0x80;
	[sflag:s10] =	ssyncset.done $0x0  }
0x33: {  	s24 =	sadd.s32 s3, s24;
	s7 =	rddreg [dreg:$0x3];
	[sflag:s10] =	ssyncadd.s32 $0xFFFFC000  }
0x34: {  	[hbm4b:s21+s2] =	stream.linear.scatter [tilespmem:s7], [sflag:$0x6], $0x4000, $0x38;
	[tilespmem:$0x16800] =	vst v63  }
0x35: {  	s23 =	simm.s32 $0x680;
	s21 =	sshll.u32 s24, $0x4;
	_ =	swait.ge [sflag:s11], $0x4000  }
0x36: {  	s24 =	simm.s32 @p0 $0x100;
	s21 =	sadd.s32 s5, s21;
	[sflag:s11] =	ssyncset.done $0x0  }
0x37: {  	s24 =	simm.s32 @!p0 $0x100;
	s25 =	rddreg [dreg:$0x4];
	[sflag:s11] =	ssyncadd.s32 $0xFFFFC000  }
0x38: {  	[hbm4b:s21+s2] =	stream.linear.scatter [tilespmem:s25], [sflag:$0x7], $0x4000, $0x38;
	[tilespmem:$0x16800] =	vst v63  }
0x39: {  	s26 =	sadd.s32 s3, s24;
	s24 =	simm.s32 $0x180;
	_ =	swait.ge [sflag:s12], $0x4000  }
0x3a: {  	s24 =	simm.s32 @!p0 $0x180;
	s21 =	sshll.u32 s26, $0x4;
	[sflag:s12] =	ssyncset.done $0x0  }
0x3b: {  	s21 =	sadd.s32 s5, s21;
	s28 =	rddreg [dreg:$0x5];
	[sflag:s12] =	ssyncadd.s32 $0xFFFFC000  }
0x3c: {  	[hbm4b:s21+s2] =	stream.linear.scatter [tilespmem:s28], [sflag:$0x8], $0x4000, $0x38;
	[tilespmem:$0x16800] =	vst v63  }
0x3d: {  	s22 =	sadd.s32 s3, s6;
	s29 =	sadd.s32 s3, s24;
	_ =	swait.ge [sflag:s13], $0x4000  }
0x3e: {  	s31 =	sshll.u32 s22, $0x4;
	s21 =	sshll.u32 s29, $0x4;
	[sflag:s13] =	ssyncset.done $0x0  }
0x3f: {  	s21 =	sadd.s32 s5, s21;
	s30 =	rddreg [dreg:$0x6];
	[sflag:s13] =	ssyncadd.s32 $0xFFFFC000  }
0x40: {  	[hbm4b:s21+s2] =	stream.linear.scatter [tilespmem:s30], [sflag:$0x9], $0x4000, $0x38;
	[tilespmem:$0x16800] =	vst v63  }
0x41: {  	s22 =	simm.s32 $0x280;
	p0 =	por $0x1, $0x1;
	s21 =	simm.s32 $0x400  }
.LBB2_2:
0x42: {  	_ =	swait.ge [sflag:s14], $0x4000  }
0x43: {  	s26 =	simm.s32 @p0 $0x6;
	s24 =	sadd.s32 @p0 $0xFFFFFE80, s21;
	[sflag:s14] =	ssyncset.done $0x0  }
0x44: {  	s25 =	sadd.s32 s5, s31;
	s28 =	sadd.s32 @p0 $0xFFFFFF00, s21;
	[sflag:s14] =	ssyncadd.s32 $0xFFFFC000  }
0x45: {  	[hbm4b:s25+s2] =	stream.linear.scatter [tilespmem:s9], [sflag:$0xA], $0x4000, $0x38;
	[tilespmem:$0x16800] =	vst v63  }
0x46: {  	s31 =	simm.s32 @p0 $0x80;
	s24 =	simm.s32 @!p0 $0x0;
	_ =	swait.ge @p0 [sflag:s26], $0x4000  }
0x47: {  	s1 =	simm.s32 @p0 $0x2800;
	s29 =	sadd.s32 s3, s24;
	[sflag:s26] =	ssyncset.done @p0 $0x0  }
0x48: {  	s25 =	sshll.u32 s29, $0x4;
	s29 =	simm.s32 @p0 $0x7;
	[sflag:s26] =	ssyncadd.s32 @p0 $0xFFFFC000  }
0x49: {  	[tilespmem:s1], [sflag:$0x1] =	stream.indirect.gather @p0 [hbm4b:s4+s31], $0x80, s22, s31, $0xb8;
	[tilespmem:$0x16800] =	vst v63  }
0x4a: {  	s28 =	simm.s32 @!p0 $0x80;
	_ =	swait.ge @p0 [sflag:s29], $0x4000  }
0x4b: {  	s7 =	sadd.s32 s3, s28;
	s28 =	simm.s32 @p0 $0x6800;
	[sflag:s29] =	ssyncset.done @p0 $0x0  }
0x4c: {  	s1 =	sadd.s32 @p0 $0x80, s22;
	[sflag:s29] =	ssyncadd.s32 @p0 $0xFFFFC000;
	s29 =	simm.s32 @p0 $0x8  }
0x4d: {  	[tilespmem:s28], [sflag:$0x2] =	stream.indirect.gather @p0 [hbm4b:s4+s31], $0x80, s1, s31, $0xb8;
	[tilespmem:$0x16800] =	vst v63  }
0x4e: {  	s0 =	sadd.s32 @p0 $0xFFFFFF80, s21;
	_ =	swait.ge @p0 [sflag:s29], $0x4000  }
0x4f: {  	s6 =	simm.s32 @p0 $0xA800;
	s0 =	simm.s32 @!p0 $0x100;
	[sflag:s29] =	ssyncset.done @p0 $0x0  }
0x50: {  	s1 =	sadd.s32 @p0 $0x100, s22;
	[sflag:s29] =	ssyncadd.s32 @p0 $0xFFFFC000;
	s29 =	simm.s32 @p0 $0x9  }
0x51: {  	[tilespmem:s6], [sflag:$0x3] =	stream.indirect.gather @p0 [hbm4b:s4+s31], $0x80, s1, s31, $0xb8;
	[tilespmem:$0x16800] =	vst v63  }
0x52: {  	s0 =	sadd.s32 s3, s0;
	s26 =	sshll.u32 s7, $0x4;
	_ =	swait.ge @p0 [sflag:s29], $0x4000  }
0x53: {  	s7 =	simm.s32 @p0 $0xA;
	s28 =	sshll.u32 s0, $0x4;
	[sflag:s29] =	ssyncset.done @p0 $0x0  }
0x54: {  	s0 =	sadd.s32 @p0 $0x180, s22;
	s1 =	simm.s32 @p0 $0xE800;
	[sflag:s29] =	ssyncadd.s32 @p0 $0xFFFFC000  }
0x55: {  	[tilespmem:s1], [sflag:$0x4] =	stream.indirect.gather @p0 [hbm4b:s4+s31], $0x80, s0, s31, $0xb8;
	[tilespmem:$0x16800] =	vst v63  }
0x56: {  	_ =	swait.ge @p0 [sflag:s7], $0x4000  }
0x57: {  	s6 =	simm.s32 @!p0 $0x2800;
	[sflag:s7] =	ssyncset.done @p0 $0x0  }
0x58: {  	s0 =	simm.s32 @!p0 $0x80;
	s1 =	simm.s32 @!p0 $0x0;
	[sflag:s7] =	ssyncadd.s32 @p0 $0xFFFFC000  }
0x59: {  	[tilespmem:s6], [sflag:$0x1] =	stream.indirect.gather @!p0 [hbm4b:s4+s0], $0x80, s1, s0, $0xb8;
	[tilespmem:$0x16800] =	vst v63  }
0x5a: {  	s30 =	smov.u32 s23;
	s21 =	simm.s32 @!p0 $0x180;
	s1 =	simm.s32 @!p0 $0x6800  }
0x5b: {  	[tilespmem:s1], [sflag:$0x2] =	stream.indirect.gather @!p0 [hbm4b:s4+s0], $0x80, s0, s0, $0xb8;
	[tilespmem:$0x16800] =	vst v63  }
0x5c: {  	s21 =	sadd.s32 s3, s21;
	s6 =	simm.s32 @!p0 $0xA800;
	s1 =	simm.s32 @!p0 $0x100  }
0x5d: {  	[tilespmem:s6], [sflag:$0x3] =	stream.indirect.gather @!p0 [hbm4b:s4+s0], $0x80, s1, s0, $0xb8;
	[tilespmem:$0x16800] =	vst v63  }
0x5e: {  	s24 =	sadd.s32 $0x200, s24;
	s7 =	simm.s32 @!p0 $0x180;
	s1 =	simm.s32 @!p0 $0xE800  }
0x5f: {  	[tilespmem:s1], [sflag:$0x4] =	stream.indirect.gather @!p0 [hbm4b:s4+s0], $0x80, s7, s0, $0xb8;
	[tilespmem:$0x16800] =	vst v63  }
0x60: {  	s29 =	sshll.u32 s21, $0x4;
	s21 =	smov.u32 s30;
	s30 =	rddreg [dreg:$0x2]  }
0x61: {  	[tilespmem:s9], [sflag:$0x5] =	stream.indirect.gather [hbm4b:s4+s30], $0x80, s24, s30, $0xb8;
	[tilespmem:$0x16800] =	vst v63  }
0x62: {  	_ =	swait.ge [sflag:s10], $0x4000  }
0x63: {  	[sflag:s10] =	ssyncset.done $0x0  }
0x64: {  	s6 =	sadd.s32 s5, s25;
	s30 =	rddreg [dreg:$0x3];
	[sflag:s10] =	ssyncadd.s32 $0xFFFFC000  }
0x65: {  	[hbm4b:s6+s2] =	stream.linear.scatter [tilespmem:s30], [sflag:$0x6], $0x4000, $0x38;
	[tilespmem:$0x16800] =	vst v63  }
0x66: {  	_ =	swait.ge [sflag:s11], $0x4000  }
0x67: {  	s0 =	sadd.s32 s3, s24;
	[sflag:s11] =	ssyncset.done $0x0  }
0x68: {  	s24 =	sadd.s32 s5, s26;
	s7 =	rddreg [dreg:$0x4];
	[sflag:s11] =	ssyncadd.s32 $0xFFFFC000  }
0x69: {  	[hbm4b:s24+s2] =	stream.linear.scatter [tilespmem:s7], [sflag:$0x7], $0x4000, $0x38;
	[tilespmem:$0x16800] =	vst v63  }
0x6a: {  	s23 =	sadd.s32 $0x280, s23;
	_ =	swait.ge [sflag:s12], $0x4000  }
0x6b: {  	p1 =	sne.s32 s23, $0x2980;
	[sflag:s12] =	ssyncset.done $0x0  }
0x6c: {  	s26 =	sadd.s32 s5, s28;
	s25 =	rddreg [dreg:$0x5];
	[sflag:s12] =	ssyncadd.s32 $0xFFFFC000  }
0x6d: {  	[hbm4b:s26+s2] =	stream.linear.scatter [tilespmem:s25], [sflag:$0x8], $0x4000, $0x38;
	[tilespmem:$0x16800] =	vst v63  }
.Ltmp0:
0x6e: {  	_ = 	snop;
	(pc) =	sbr.rel @p1 .LBB2_2-.Ltmp0, $4  }
0x6f: {  	s22 =	sadd.s32 $0x280, s22;
	_ =	swait.ge [sflag:s13], $0x4000  }
0x70: {  	p0 =	sne.s32 s21, $0x180;
	s31 =	sshll.u32 s0, $0x4;
	[sflag:s13] =	ssyncset.done $0x0  }
0x71: {  	s30 =	sadd.s32 s5, s29;
	s28 =	rddreg [dreg:$0x6];
	[sflag:s13] =	ssyncadd.s32 $0xFFFFC000  }
0x72: {  	[hbm4b:s30+s2] =	stream.linear.scatter [tilespmem:s28], [sflag:$0x9], $0x4000, $0x38;
	[tilespmem:$0x16800] =	vst v63  }
0x73: {  	_ =	swait.ge [sflag:s14], $0x4000  }
0x74: {  	[sflag:s14] =	ssyncset.done $0x0  }
0x75: {  	s0 =	simm.s32 @p0 $0x6;
	s1 =	sadd.s32 s5, s31;
	[sflag:s14] =	ssyncadd.s32 $0xFFFFC000  }
0x76: {  	[hbm4b:s1+s2] =	stream.linear.scatter [tilespmem:s9], [sflag:$0xA], $0x4000, $0x38;
	[tilespmem:$0x16800] =	vst v63  }
0x77: {  	_ =	swait.ge @p0 [sflag:s0], $0x4000  }
0x78: {  	s6 =	simm.s32 @p0 $0x2800;
	[sflag:s0] =	ssyncset.done @p0 $0x0  }
0x79: {  	s1 =	simm.s32 @p0 $0x80;
	[sflag:s0] =	ssyncadd.s32 @p0 $0xFFFFC000;
	s0 =	simm.s32 @p0 $0x7  }
0x7a: {  	[tilespmem:s6], [sflag:$0x1] =	stream.indirect.gather @p0 [hbm4b:s4+s1], $0x80, s22, s1, $0xb8;
	[tilespmem:$0x16800] =	vst v63  }
0x7b: {  	_ =	swait.ge @p0 [sflag:s0], $0x4000  }
0x7c: {  	[sflag:s0] =	ssyncset.done @p0 $0x0  }
0x7d: {  	s6 =	sadd.s32 @p0 $0x80, s22;
	[sflag:s0] =	ssyncadd.s32 @p0 $0xFFFFC000;
	s0 =	simm.s32 @p0 $0x6800  }
0x7e: {  	[tilespmem:s0], [sflag:$0x2] =	stream.indirect.gather @p0 [hbm4b:s4+s1], $0x80, s6, s1, $0xb8;
	[tilespmem:$0x16800] =	vst v63  }
0x7f: {  	s0 =	simm.s32 @p0 $0x8  }
0x80: {  	_ =	swait.ge @p0 [sflag:s0], $0x4000  }
0x81: {  	[sflag:s0] =	ssyncset.done @p0 $0x0  }
0x82: {  	s6 =	sadd.s32 @p0 $0x100, s22;
	[sflag:s0] =	ssyncadd.s32 @p0 $0xFFFFC000;
	s0 =	simm.s32 @p0 $0xA800  }
0x83: {  	[tilespmem:s0], [sflag:$0x3] =	stream.indirect.gather @p0 [hbm4b:s4+s1], $0x80, s6, s1, $0xb8;
	[tilespmem:$0x16800] =	vst v63  }
0x84: {  	s0 =	simm.s32 @p0 $0x9  }
0x85: {  	_ =	swait.ge @p0 [sflag:s0], $0x4000  }
0x86: {  	[sflag:s0] =	ssyncset.done @p0 $0x0  }
0x87: {  	s6 =	sadd.s32 @p0 $0x180, s22;
	[sflag:s0] =	ssyncadd.s32 @p0 $0xFFFFC000;
	s0 =	simm.s32 @p0 $0xE800  }
0x88: {  	[tilespmem:s0], [sflag:$0x4] =	stream.indirect.gather @p0 [hbm4b:s4+s1], $0x80, s6, s1, $0xb8;
	[tilespmem:$0x16800] =	vst v63  }
0x89: {  	s0 =	simm.s32 @p0 $0xA  }
0x8a: {  	_ =	swait.ge @p0 [sflag:s0], $0x4000  }
0x8b: {  	s1 =	simm.s32 @!p0 $0x80;
	[sflag:s0] =	ssyncset.done @p0 $0x0  }
0x8c: {  	s6 =	simm.s32 @!p0 $0x0;
	[sflag:s0] =	ssyncadd.s32 @p0 $0xFFFFC000;
	s0 =	simm.s32 @!p0 $0x2800  }
0x8d: {  	[tilespmem:s0], [sflag:$0x1] =	stream.indirect.gather @!p0 [hbm4b:s4+s1], $0x80, s6, s1, $0xb8;
	[tilespmem:$0x16800] =	vst v63  }
0x8e: {  	s0 =	simm.s32 @!p0 $0x6800  }
0x8f: {  	[tilespmem:s0], [sflag:$0x2] =	stream.indirect.gather @!p0 [hbm4b:s4+s1], $0x80, s1, s1, $0xb8;
	[tilespmem:$0x16800] =	vst v63  }
0x90: {  	s6 =	simm.s32 @!p0 $0xA800;
	s0 =	simm.s32 @!p0 $0x100  }
0x91: {  	[tilespmem:s6], [sflag:$0x3] =	stream.indirect.gather @!p0 [hbm4b:s4+s1], $0x80, s0, s1, $0xb8;
	[tilespmem:$0x16800] =	vst v63  }
0x92: {  	s0 =	simm.s32 @!p0 $0x180;
	s6 =	simm.s32 @!p0 $0xE800  }
0x93: {  	[tilespmem:s6], [sflag:$0x4] =	stream.indirect.gather @!p0 [hbm4b:s4+s1], $0x80, s0, s1, $0xb8;
	[tilespmem:$0x16800] =	vst v63  }
0x94: {  	s0 =	sadd.s32 @p0 $0xFFFFFE80, s21  }
0x95: {  	s0 =	simm.s32 @!p0 $0x0  }
0x96: {  	s22 =	rddreg [dreg:$0x2];
	s23 =	sadd.s32 $0x200, s0  }
0x97: {  	[tilespmem:s9], [sflag:$0x5] =	stream.indirect.gather [hbm4b:s4+s22], $0x80, s23, s22, $0xb8;
	[tilespmem:$0x16800] =	vst v63  }
0x98: {  	s0 =	sadd.s32 s3, s0;
	_ =	swait.ge [sflag:s10], $0x4000  }
0x99: {  	s0 =	sshll.u32 s0, $0x4;
	[sflag:s10] =	ssyncset.done $0x0  }
0x9a: {  	s0 =	sadd.s32 s5, s0;
	s24 =	rddreg [dreg:$0x3];
	[sflag:s10] =	ssyncadd.s32 $0xFFFFC000  }
0x9b: {  	[hbm4b:s0+s2] =	stream.linear.scatter [tilespmem:s24], [sflag:$0x6], $0x4000, $0x38;
	[tilespmem:$0x16800] =	vst v63  }
0x9c: {  	s0 =	sadd.s32 @p0 $0xFFFFFF00, s21  }
0x9d: {  	s0 =	simm.s32 @!p0 $0x80  }
0x9e: {  	_ =	swait.ge [sflag:s11], $0x4000;
	s0 =	sadd.s32 s3, s0  }
0x9f: {  	[sflag:s11] =	ssyncset.done $0x0;
	s0 =	sshll.u32 s0, $0x4  }
0xa0: {  	s25 =	rddreg [dreg:$0x4];
	[sflag:s11] =	ssyncadd.s32 $0xFFFFC000;
	s0 =	sadd.s32 s5, s0  }
0xa1: {  	[hbm4b:s0+s2] =	stream.linear.scatter [tilespmem:s25], [sflag:$0x7], $0x4000, $0x38;
	[tilespmem:$0x16800] =	vst v63  }
0xa2: {  	s0 =	sadd.s32 @p0 $0xFFFFFF80, s21  }
0xa3: {  	s0 =	simm.s32 @!p0 $0x100  }
0xa4: {  	_ =	swait.ge [sflag:s12], $0x4000;
	s0 =	sadd.s32 s3, s0  }
0xa5: {  	s21 =	simm.s32 @!p0 $0x180;
	[sflag:s12] =	ssyncset.done $0x0;
	s0 =	sshll.u32 s0, $0x4  }
0xa6: {  	s26 =	rddreg [dreg:$0x5];
	[sflag:s12] =	ssyncadd.s32 $0xFFFFC000;
	s0 =	sadd.s32 s5, s0  }
0xa7: {  	[hbm4b:s0+s2] =	stream.linear.scatter [tilespmem:s26], [sflag:$0x8], $0x4000, $0x38;
	[tilespmem:$0x16800] =	vst v63  }
0xa8: {  	s28 =	sadd.s32 s3, s21;
	_ =	swait.ge [sflag:s13], $0x4000  }
0xa9: {  	s0 =	sshll.u32 s28, $0x4;
	[sflag:s13] =	ssyncset.done $0x0  }
0xaa: {  	s0 =	sadd.s32 s5, s0;
	s29 =	rddreg [dreg:$0x6];
	[sflag:s13] =	ssyncadd.s32 $0xFFFFC000  }
0xab: {  	[hbm4b:s0+s2] =	stream.linear.scatter [tilespmem:s29], [sflag:$0x9], $0x4000, $0x38;
	[tilespmem:$0x16800] =	vst v63  }
0xac: {  	s30 =	sadd.s32 s3, s23;
	_ =	swait.ge [sflag:s14], $0x4000  }
0xad: {  	s0 =	sshll.u32 s30, $0x4;
	[sflag:s14] =	ssyncset.done $0x0  }
0xae: {  	s0 =	sadd.s32 s5, s0;
	[sflag:s14] =	ssyncadd.s32 $0xFFFFC000  }
0xaf: {  	[hbm4b:s0+s2] =	stream.linear.scatter [tilespmem:s9], [sflag:$0xA], $0x4000, $0x38;
	[tilespmem:$0x16800] =	vst v63  }
0xb0: {  	_ =	swait.ge [sflag:s15], $0x4000  }
0xb1: {  	[sflag:s15] =	ssyncset.done $0x0  }
0xb2: {  	[sflag:s15] =	ssyncadd.s32 $0xFFFFC000  }
0xb3: {  	_ =	swait.ge [sflag:s16], $0x4000  }
0xb4: {  	[sflag:s16] =	ssyncset.done $0x0  }
0xb5: {  	[sflag:s16] =	ssyncadd.s32 $0xFFFFC000  }
0xb6: {  	_ =	swait.ge [sflag:s17], $0x4000  }
0xb7: {  	[sflag:s17] =	ssyncset.done $0x0  }
0xb8: {  	[sflag:s17] =	ssyncadd.s32 $0xFFFFC000  }
0xb9: {  	_ =	swait.ge [sflag:s18], $0x4000  }
0xba: {  	[sflag:s18] =	ssyncset.done $0x0  }
0xbb: {  	[sflag:s18] =	ssyncadd.s32 $0xFFFFC000  }
0xbc: {  	_ =	swait.ge [sflag:s19], $0x4000  }
0xbd: {  	s20 =	sadd.s32 $0x1, s20;
	s31 =	rddreg [dreg:$0x8]  }
0xbe: {  	p0 =	sne.s32 s20, s31  }
.Ltmp1:
0xbf: {  	_ = 	snop;
	(pc) =	sbr.rel @p0 .LBB2_1-.Ltmp1, $3  }
0xc0: {  	_ =	sdelay $0x1  }
0xc1: {  	[sflag:s19] =	ssyncset.done $0x0  }
0xc2: {  	[sflag:s19] =	ssyncadd.s32 $0xFFFFC000  }
0xc3: {  	_ =	sfence.sel $0x180000  }
0xc4: {  	[bflag:$0x0] =	sbarrier.arrive $0xFFFF  }
0xc5: {  	_ =	strace $0x90000047  }
0xc6: {  	s0 =	stileid.u32;
	[bflag:$0x2] =	sbarrier.arrive $0xFFFF  }
0xc7: {  	p0 =	sne.s32 s0, $0x0;
	s0 =	rddreg [dreg:$0x1]  }
0xc8: {  	s0 =	sadd.s32 @!p0 $0x100000, s0  }
0xc9: {  	[sflag:s0] =	ssyncadd.tile.s32 @!p0 $0x1;
	_ =	shalt  }
.Lfunc_end2:
_tile_overlayer_lowered:
.L_overlay_start_2:
0xca: {  	(tag) =	ssettag $0x2  }
0xcb: {  	s0 =	rddreg [dreg:$0x0];
	s2 =	stileid.u32  }
0xcc: {  	s1 =	rddreg [dreg:$0x1];
	p0 =	sne.s32 s2, $0x0  }
0xcd: {  	s3 =	rddreg [dreg:$0x2];
	[bflag:$0x3] =	sbarrier.arrive $0xFFFF;
	s2 =	simm.s32 @!p0 $0x1C0B  }
0xce: {  	[timem:s3], [sflag:s2] =	dma.local @!p0 [hbm:s0], s1  }
0xcf: {  	s0 =	simm.s32 @!p0 $0xB  }
0xd0: {  	_ =	swait.ge @!p0 [sflag:s0], s1  }
0xd1: {  	s1 =	ssub.s32 @!p0 $0x0, s1;
	[sflag:s0] =	ssyncset.done @!p0 $0x0  }
0xd2: {  	[sflag:s0] =	ssyncadd.s32 @!p0 s1  }
0xd3: {  	[bflag:$0x3] =	sbarrier.arrive $0xFFFF  }
0xd4: {  	_ =	shalt  }

// kernel: kernel.19.cloned.1.call-start
scs
__scs_entry_jumppad:
0x0: {  	(pc) =	sbr.rel $0x88, $3  }
0x1: {  	(tag) =	ssettag $0x0;
	lr =	simm.s32 $0x1  }
0x2: {  	[smem:$0x3F71] =	sst lr;
	_ =	strace $0xD0000000  }
0x3: {  	_ = 	snop  }
0x4: {  	_ = 	snop  }
0x5: {  	_ = 	snop  }
0x6: {  	_ = 	snop  }
0x7: {  	_ = 	snop  }
__scs_overlays_trampoline_lowered:
0x8: {  	[smem:$0x3F80] =	sst s0  }
0x9: {  	[smem:$0x3F81] =	sst s1  }
0xa: {  	[smem:$0x3F82] =	sst s2  }
0xb: {  	[smem:$0x3F83] =	sst s3  }
0xc: {  	[smem:$0x3F84] =	sst s4  }
0xd: {  	[smem:$0x3F85] =	sst s5  }
0xe: {  	[smem:$0x3F86] =	sst s6  }
0xf: {  	[smem:$0x3F87] =	sst s7  }
0x10: {  	[smem:$0x3F88] =	sst s8  }
0x11: {  	[smem:$0x3F89] =	sst s9;
	s0 =	simm.s32 @!p0 $0x0  }
0x12: {  	s1 =	sld [smem:$0x3F6F];
	s0 =	simm.s32 @p0 $0x1  }
0x13: {  	[smem:$0x3F8A] =	sst s0;
	s0 =	simm.s32 @!p1 $0x0  }
0x14: {  	s2 =	sld [smem:$0x3F6E];
	s0 =	simm.s32 @p1 $0x1  }
0x15: {  	[smem:$0x3F8B] =	sst s0;
	s0 =	simm.s32 @!p2 $0x0  }
0x16: {  	s3 =	sld [smem:$0x3FDB];
	s0 =	simm.s32 @p2 $0x1  }
0x17: {  	s4 =	simm.s32 $0x1BF5;
	[smem:$0x3F8D] =	sst s0  }
0x18: {  	s0 =	sld [smem:$0x3F70];
	_ =	swait.ge [sflag:s4], $0x0  }
0x19: {  	s7 =	sld [smem:$0x3F71]  }
0x1a: {  	s8 =	sadd.s32 $0xFFFFE003, lr  }
0x1b: {  	s9 =	sadd.s32 $0xFFFFFEF7, lr;
	s5 =	simm.s32 $0xFFFFFFFF;
	p2 =	slt.u32 s8, $0xFFFFF086  }
0x1c: {  	p1 =	slt.u32 s9, $0xF7A;
	s5 =	simm.s32 @!p2 $0x0  }
0x1d: {  	s5 =	simm.s32 @p1 $0x1;
	p0 =	seq.s32 s7, s2  }
0x1e: {  	s7 =	smul.u32 @!p0 $0xF7A, s2;
	p2 =	seq.s32 @!p0 s5, $0x0  }
0x1f: {  	s9 =	smul.u32 $0xF7A, s1;
	s8 =	simm.s32 @!p0 $0x1BF5;
	p2 =	por !p2, p0  }
0x20: {  	[sflag:s8] =	ssyncset.s32 @!p0 $0xFFFFF086;
	s6 =	sadd.s32 @!p0 s3, s7;
	s7 =	simm.s32 @!p0 $0x108  }
0x21: {  	s3 =	sadd.s32 s3, s9;
	s6 =	sadd.s32 @!p0 $0x88, s6;
	s7 =	simm.s32 @p2 $0x1082  }
0x22: {  	[simem:s7], [sflag:s8] =	dma.local @!p0 [hbm:s6], $0xF7A  }
0x23: {  	s9 =	sor.u32 $0xD0000000, s2;
	s6 =	simm.s32 $0x108;
	_ =	swait.ge @!p0 [sflag:s8], $0x0  }
0x24: {  	s3 =	sadd.s32 $0x88, s3;
	s6 =	simm.s32 @!p1 $0x1082;
	[sflag:s4] =	ssyncset.s32 $0xFFFFF086  }
0x25: {  	[simem:s6], [sflag:s4] =	dma.local [hbm:s3], $0xF7A  }
0x26: {  	[smem:$0x3F71] =	sst s1;
	(tag) =	ssettag s2;
	_ =	strace s9  }
0x27: {  	s1 =	sld [smem:$0x3F81]  }
0x28: {  	s2 =	sld [smem:$0x3F82]  }
0x29: {  	s4 =	sld [smem:$0x3F84]  }
0x2a: {  	p0 =	seq.s32 s5, $0x0;
	s5 =	sld [smem:$0x3F85]  }
0x2b: {  	s6 =	sld [smem:$0x3F86]  }
0x2c: {  	s7 =	sld [smem:$0x3F87]  }
0x2d: {  	s3 =	simm.s32 $0x108;
	s8 =	sld [smem:$0x3F88]  }
0x2e: {  	s3 =	simm.s32 @!p0 $0x1082;
	s9 =	sld [smem:$0x3F89]  }
0x2f: {  	lr =	sadd.s32 s0, s3;
	s0 =	sld [smem:$0x3F80]  }
0x30: {  	s3 =	sld [smem:$0x3F83]  }
0x31: {  	[smem:$0x3F8C] =	sst s10  }
0x32: {  	s10 =	sld [smem:$0x3F8A];
	_ =	sdelay $0x3  }
0x33: {  	p0 =	seq.s32 s10, $0x1;
	s10 =	sld [smem:$0x3F8C];
	_ =	sdelay $0x3  }
0x34: {  	[smem:$0x3F8C] =	sst s10  }
0x35: {  	s10 =	sld [smem:$0x3F8B];
	_ =	sdelay $0x3  }
0x36: {  	p1 =	seq.s32 s10, $0x1;
	s10 =	sld [smem:$0x3F8C];
	_ =	sdelay $0x3  }
0x37: {  	[smem:$0x3F8C] =	sst s10  }
0x38: {  	s10 =	sld [smem:$0x3F8D]  }
0x39: {  	_ = 	snop;
	(pc) =	sbr.ind lr, $3  }
0x3a: {  	_ = 	snop  }
0x3b: {  	_ = 	snop  }
0x3c: {  	p2 =	seq.s32 s10, $0x1;
	s10 =	sld [smem:$0x3F8C]  }
0x3d: {  	_ =	shalt  }
0x3e: {  	_ =	shalt  }
0x3f: {  	_ =	shalt  }
0x40: {  	_ =	shalt  }
0x41: {  	_ =	shalt  }
0x42: {  	_ =	shalt  }
0x43: {  	_ =	shalt  }
0x44: {  	_ =	shalt  }
0x45: {  	_ =	shalt  }
0x46: {  	_ =	shalt  }
0x47: {  	_ =	shalt  }
0x48: {  	_ =	shalt  }
0x49: {  	_ =	shalt  }
0x4a: {  	_ =	shalt  }
0x4b: {  	_ =	shalt  }
0x4c: {  	_ =	shalt  }
0x4d: {  	_ =	shalt  }
0x4e: {  	_ =	shalt  }
0x4f: {  	_ =	shalt  }
0x50: {  	_ =	shalt  }
0x51: {  	_ =	shalt  }
0x52: {  	_ =	shalt  }
0x53: {  	_ =	shalt  }
0x54: {  	_ =	shalt  }
0x55: {  	_ =	shalt  }
0x56: {  	_ =	shalt  }
0x57: {  	_ =	shalt  }
0x58: {  	_ =	shalt  }
0x59: {  	_ =	shalt  }
0x5a: {  	_ =	shalt  }
0x5b: {  	_ =	shalt  }
0x5c: {  	_ =	shalt  }
0x5d: {  	_ =	shalt  }
0x5e: {  	_ =	shalt  }
0x5f: {  	_ =	shalt  }
0x60: {  	_ =	shalt  }
0x61: {  	_ =	shalt  }
0x62: {  	_ =	shalt  }
0x63: {  	_ =	shalt  }
0x64: {  	_ =	shalt  }
0x65: {  	_ =	shalt  }
0x66: {  	_ =	shalt  }
0x67: {  	_ =	shalt  }
0x68: {  	_ =	shalt  }
0x69: {  	_ =	shalt  }
0x6a: {  	_ =	shalt  }
0x6b: {  	_ =	shalt  }
0x6c: {  	_ =	shalt  }
0x6d: {  	_ =	shalt  }
0x6e: {  	_ =	shalt  }
0x6f: {  	_ =	shalt  }
0x70: {  	_ =	shalt  }
0x71: {  	_ =	shalt  }
0x72: {  	_ =	shalt  }
0x73: {  	_ =	shalt  }
0x74: {  	_ =	shalt  }
0x75: {  	_ =	shalt  }
0x76: {  	_ =	shalt  }
0x77: {  	_ =	shalt  }
0x78: {  	_ =	shalt  }
0x79: {  	_ =	shalt  }
0x7a: {  	_ =	shalt  }
0x7b: {  	_ =	shalt  }
0x7c: {  	_ =	shalt  }
0x7d: {  	_ =	shalt  }
0x7e: {  	_ =	shalt  }
0x7f: {  	_ =	shalt  }
0x80: {  	_ =	shalt  }
0x81: {  	_ =	shalt  }
0x82: {  	_ =	shalt  }
0x83: {  	_ =	shalt  }
0x84: {  	_ =	shalt  }
0x85: {  	_ =	shalt  }
0x86: {  	_ =	shalt  }
0x87: {  	_ =	shalt  }
.Lfunc_end0:
.L_simem_size_0:
called_computation.1_lowered:
.L_overlay_start_0:
0x88: {  	s2 =	sld [smem:$0x3FD9]  }
0x89: {  	s3 =	sld [smem:$0x3FFE];
	_ =	sdelay $0x1  }
0x8a: {  	s1 =	srdreg.scid  }
0x8b: {  	s0 =	sand.u32 $0x1, s1  }
0x8c: {  	s16 =	sshll.u32 s0, $0xA;
	s2 =	sadd.s32 s3, s2  }
0x8d: {  	s2 =	sadd.s32 s2, s16  }
0x8e: {  	[smem:$0x3F98] =	sst s2  }
0x8f: {  	_ = 	snop  }
0x90: {  	(tm) =	ssettm $0x1  }
0x91: {  	s17 =	sld [smem:$0x3FFB];
	_ =	sdelay $0x3  }
0x92: {  	_ =	strace s17  }
0x93: {  	s2 =	sld [smem:$0x3FFC];
	_ =	sdelay $0x3  }
0x94: {  	_ =	strace s2  }
0x95: {  	s2 =	sld [smem:$0x3FFD];
	_ =	sdelay $0x3  }
0x96: {  	_ =	strace s2  }
0x97: {  	_ =	strace $0x8FFFFFFF  }
0x98: {  	s18 =	sld [smem:$0x3FDB];
	_ =	sdelay $0x1  }
0x99: {  	s19 =	simm.s32 $_scs_section_size  }
0x9a: {  	s4 =	simm.s32 $_size__tile_overlayer_lowered;
	s5 =	simm.s32 $_tile_overlayer_lowered  }
0x9b: {  	s22 =	simm.s32 $0x1BFF;
	s21 =	sshll.u32 s5, $0x1;
	s2 =	sadd.s32 s19, s18  }
0x9c: {  	s6 =	simm.s32 $0x0;
	s20 =	sshll.u32 s4, $0x1;
	s4 =	sadd.s32 s21, s2  }
0x9d: {  	[timem:s6], [sflag:s22] =	dma.local [hbm:s4], s20  }
0x9e: {  	_ =	swait.ge [sflag:s22], s20  }
0x9f: {  	s3 =	ssub.s32 $0x0, s20;
	[sflag:s22] =	ssyncset.done $0x0  }
0xa0: {  	[sflag:s22] =	ssyncadd.s32 s3;
	_ =	sdelay $0x1  }
0xa1: {  	s23 =	simm.s32 $0x1B8B  }
0xa2: {  	_ =	swait.ge [sflag:s23], $0x1  }
0xa3: {  	[sflag:s23] =	ssyncset.done $0x0  }
0xa4: {  	s25 =	simm.s32 $0x1B8E;
	s24 =	sld [smem:$0x3FFE];
	[sflag:s23] =	ssyncadd.s32 $0xFFFFFFFF  }
0xa5: {  	s26 =	simm.s32 $execute0_lowered;
	[smem:$0x3FD2] =	sst s25  }
0xa6: {  	s4 =	sshll.u32 s26, $0x1;
	_ =	strace $0x80000049;
	[dreg:$0x1] =	wrdreg $0xFFFFFFFF  }
0xa7: {  	s28 =	simm.s32 $_size_execute0_lowered;
	s2 =	sadd.s32 s2, s4;
	[dreg:$0x0] =	wrdreg $0x0  }
0xa8: {  	s4 =	sshll.u32 s28, $0x1;
	[dreg:$0x2] =	wrdreg s2  }
0xa9: {  	[dreg:$0x3] =	wrdreg s4  }
0xaa: {  	[dreg:$0x4] =	wrdreg $0xC0  }
0xab: {  	_ =	task [dreg:s6], $0x5FFFF  }
0xac: {  	[dreg:$0x1] =	wrdreg $0xFFFFFFFF  }
0xad: {  	[dreg:$0x0] =	wrdreg $0x60  }
0xae: {  	[dreg:$0x2] =	wrdreg s24  }
0xaf: {  	[dreg:$0x3] =	wrdreg $0x9  }
0xb0: {  	_ =	task.clear_ibuf [dreg:s6], $0x4FFFF;
	_ =	strace $0x90000049  }
0xb1: {  	s29 =	simm.s32 $0x9;
	_ =	strace $0x8000004B  }
0xb2: {  	_ =	swait.ge [sflag:s29], $0x1  }
0xb3: {  	[sflag:s29] =	ssyncadd.s32 $0xFFFFFFFF  }
0xb4: {  	_ =	strace $0x9000004B  }
0xb5: {  	_ =	sfence  }
0xb6: {  	s30 =	sld [smem:$0x0];
	_ =	sdelay $0x2  }
0xb7: {  	s31 =	sshll.u32 s1, $0xD;
	s1 =	sshrl.u32 s1, $0x2  }
0xb8: {  	s3 =	sand.u32 $0x4000, s31;
	s1 =	sadd.s32 s1, s30  }
0xb9: {  	s0 =	sor.u32 s3, s0;
	s1 =	sshll.u32 s1, $0x11  }
0xba: {  	s0 =	sor.u32 s1, s0  }
0xbb: {  	s0 =	sadd.s32 $0x8F2B, s0  }
0xbc: {  	[sflag:s0] =	ssyncadd.remote.s32 $0x1  }
0xbd: {  	_ =	sfence.sel $0xFFFF  }
0xbe: {  	[dreg:$0x0] =	wrdreg $0xFFFFFFFF;
	(pc) =	sbr.abs _section_cstart, $3  }
0xbf: {  	[dreg:$0x1] =	wrdreg $0xFFFFFFFF  }
0xc0: {  	_ =	task.clear_ibuf [dreg:s6], $0x2FFFF;
	_ =	strace $0x9FFFFFFF  }
0xc1: {  	(tm) =	ssettm $0x7FFFFFFF  }
tec
execute0_lowered:
.L_overlay_start_1:
0x0: {  	(tag) =	ssettag $0x1  }
0x1: {  	s1 =	srdreg.scid;
	s0 =	stileid.u32  }
0x2: {  	s5 =	rddreg [dreg:$0x0];
	s2 =	simm.s32 $0x0;
	s9 =	simm.s32 $0x80  }
0x3: {  	s11 =	simm.s32 $0x2800;
	s10 =	simm.s32 $0x1;
	s12 =	simm.s32 $0x6800  }
0x4: {  	s13 =	simm.s32 $0xA800;
	s14 =	simm.s32 $0xE800;
	s15 =	simm.s32 $0x6  }
0x5: {  	s16 =	simm.s32 $0x7;
	s17 =	simm.s32 $0x8;
	s18 =	simm.s32 $0x9  }
0x6: {  	s19 =	simm.s32 $0xA;
	s4 =	sand.u32 $0x1, s1;
	s29 =	sshll.u32 s0, $0x1  }
0x7: {  	s20 =	simm.s32 $0x0;
	[smem:$0x7FF] =	sst s2;
	s3 =	sor.u32 s4, s29  }
0x8: {  	_ =	strace $0x8000004A;
	s7 =	ssub.s32 $0x2, s4;
	[dreg:$0x2] =	wrdreg s9  }
0x9: {  	s4 =	sadd.s32 $0x68200, s5;
	s9 =	simm.s32 $0x12800;
	[dreg:$0x3] =	wrdreg s11  }
0xa: {  	s11 =	simm.s32 $0x2;
	[dreg:$0x4] =	wrdreg s12;
	s3 =	smul.u32 $0x2800, s3  }
0xb: {  	s12 =	simm.s32 $0x3;
	[dreg:$0x5] =	wrdreg s13;
	s8 =	sshrl.u32 s7, $0x1  }
0xc: {  	s13 =	simm.s32 $0x4;
	s7 =	ssub.s32 s7, s8;
	s6 =	sshrl.u32 s3, $0x3  }
0xd: {  	[dreg:$0x6] =	wrdreg s14;
	s31 =	smax.u32 s7, $0x1;
	s6 =	sadd.s32 s6, s5  }
0xe: {  	s14 =	simm.s32 $0x5;
	[dreg:$0x8] =	wrdreg s31;
	s30 =	sadd.s32 $0x37000, s6  }
0xf: {  	s8 =	simm.s32 $0xB;
	s5 =	sadd.s32 $0x8F400, s5;
	[dreg:$0x7] =	wrdreg s30  }
.LBB2_1:
0x10: {  	s0 =	rddreg [dreg:$0x7]  }
0x11: {  	[tilespmem:s2], [sflag:$0xB] =	stream.linear.gather [hbm4b:s0+s2], $0x2800, $0x38;
	[tilespmem:$0x16800] =	vst v63  }
0x12: {  	_ =	swait.ge [sflag:s8], $0x2800  }
0x13: {  	p0 =	por $0x0, $0x0;
	[sflag:s8] =	ssyncset.done $0x0  }
0x14: {  	s21 =	simm.s32 @p0 $0x6;
	[sflag:s8] =	ssyncadd.s32 $0xFFFFD800  }
0x15: {  	_ =	swait.ge @p0 [sflag:s21], $0x4000  }
0x16: {  	s22 =	simm.s32 @p0 $0x80;
	[sflag:s21] =	ssyncset.done @p0 $0x0  }
0x17: {  	s23 =	simm.s32 @p0 $0x2800;
	[sflag:s21] =	ssyncadd.s32 @p0 $0xFFFFC000;
	s21 =	simm.s32 @p0 $0x7  }
0x18: {  	[tilespmem:s23], [sflag:$0x1] =	stream.indirect.gather @p0 [hbm4b:s4+s22], $0x80, s2, s22, $0xb8;
	[tilespmem:$0x16800] =	vst v63  }
0x19: {  	_ =	swait.ge @p0 [sflag:s21], $0x4000  }
0x1a: {  	s24 =	simm.s32 @p0 $0x6800;
	[sflag:s21] =	ssyncset.done @p0 $0x0  }
0x1b: {  	s23 =	simm.s32 @p0 $0x80;
	[sflag:s21] =	ssyncadd.s32 @p0 $0xFFFFC000;
	s21 =	simm.s32 @p0 $0x8  }
0x1c: {  	[tilespmem:s24], [sflag:$0x2] =	stream.indirect.gather @p0 [hbm4b:s4+s22], $0x80, s23, s22, $0xb8;
	[tilespmem:$0x16800] =	vst v63  }
0x1d: {  	_ =	swait.ge @p0 [sflag:s21], $0x4000  }
0x1e: {  	s23 =	simm.s32 @p0 $0x100;
	[sflag:s21] =	ssyncset.done @p0 $0x0  }
0x1f: {  	s24 =	simm.s32 @p0 $0xA800;
	[sflag:s21] =	ssyncadd.s32 @p0 $0xFFFFC000;
	s21 =	simm.s32 @p0 $0x9  }
0x20: {  	[tilespmem:s24], [sflag:$0x3] =	stream.indirect.gather @p0 [hbm4b:s4+s22], $0x80, s23, s22, $0xb8;
	[tilespmem:$0x16800] =	vst v63  }
0x21: {  	_ =	swait.ge @p0 [sflag:s21], $0x4000  }
0x22: {  	s23 =	simm.s32 @p0 $0x180;
	[sflag:s21] =	ssyncset.done @p0 $0x0  }
0x23: {  	s24 =	simm.s32 @p0 $0xE800;
	[sflag:s21] =	ssyncadd.s32 @p0 $0xFFFFC000;
	s21 =	simm.s32 @p0 $0xA  }
0x24: {  	[tilespmem:s24], [sflag:$0x4] =	stream.indirect.gather @p0 [hbm4b:s4+s22], $0x80, s23, s22, $0xb8;
	[tilespmem:$0x16800] =	vst v63  }
0x25: {  	_ =	swait.ge @p0 [sflag:s21], $0x4000  }
0x26: {  	s22 =	simm.s32 @!p0 $0x80;
	[sflag:s21] =	ssyncset.done @p0 $0x0  }
0x27: {  	s23 =	simm.s32 @!p0 $0x0;
	[sflag:s21] =	ssyncadd.s32 @p0 $0xFFFFC000;
	s21 =	simm.s32 @!p0 $0x2800  }
0x28: {  	[tilespmem:s21], [sflag:$0x1] =	stream.indirect.gather @!p0 [hbm4b:s4+s22], $0x80, s23, s22, $0xb8;
	[tilespmem:$0x16800] =	vst v63  }
0x29: {  	s23 =	simm.s32 @!p0 $0x6800  }
0x2a: {  	[tilespmem:s23], [sflag:$0x2] =	stream.indirect.gather @!p0 [hbm4b:s4+s22], $0x80, s22, s22, $0xb8;
	[tilespmem:$0x16800] =	vst v63  }
0x2b: {  	s24 =	simm.s32 @!p0 $0xA800;
	s21 =	simm.s32 @p0 $0x0;
	s23 =	simm.s32 @!p0 $0x100  }
0x2c: {  	[tilespmem:s24], [sflag:$0x3] =	stream.indirect.gather @!p0 [hbm4b:s4+s22], $0x80, s23, s22, $0xb8;
	[tilespmem:$0x16800] =	vst v63  }
0x2d: {  	s21 =	simm.s32 @!p0 $0x0;
	s23 =	simm.s32 @!p0 $0x180;
	s24 =	simm.s32 @!p0 $0xE800  }
0x2e: {  	[tilespmem:s24], [sflag:$0x4] =	stream.indirect.gather @!p0 [hbm4b:s4+s22], $0x80, s23, s22, $0xb8;
	[tilespmem:$0x16800] =	vst v63  }
0x2f: {  	s25 =	rddreg [dreg:$0x2];
	s6 =	sadd.s32 $0x200, s21;
	s21 =	sadd.s32 s3, s21  }
0x30: {  	[tilespmem:s9], [sflag:$0x5] =	stream.indirect.gather [hbm4b:s4+s25], $0x80, s6, s25, $0xb8;
	[tilespmem:$0x16800] =	vst v63  }
0x31: {  	s21 =	sshll.u32 s21, $0x4;
	s24 =	simm.s32 @p0 $0x80;
	_ =	swait.ge [sflag:s10], $0x4000  }
0x32: {  	s21 =	sadd.s32 s5, s21;
	s24 =	simm.s32 @!p0 $0x80;
	[sflag:s10] =	ssyncset.done $0x0  }
0x33: {  	s24 =	sadd.s32 s3, s24;
	s7 =	rddreg [dreg:$0x3];
	[sflag:s10] =	ssyncadd.s32 $0xFFFFC000  }
0x34: {  	[hbm4b:s21+s2] =	stream.linear.scatter [tilespmem:s7], [sflag:$0x6], $0x4000, $0x38;
	[tilespmem:$0x16800] =	vst v63  }
0x35: {  	s23 =	simm.s32 $0x680;
	s21 =	sshll.u32 s24, $0x4;
	_ =	swait.ge [sflag:s11], $0x4000  }
0x36: {  	s24 =	simm.s32 @p0 $0x100;
	s21 =	sadd.s32 s5, s21;
	[sflag:s11] =	ssyncset.done $0x0  }
0x37: {  	s24 =	simm.s32 @!p0 $0x100;
	s25 =	rddreg [dreg:$0x4];
	[sflag:s11] =	ssyncadd.s32 $0xFFFFC000  }
0x38: {  	[hbm4b:s21+s2] =	stream.linear.scatter [tilespmem:s25], [sflag:$0x7], $0x4000, $0x38;
	[tilespmem:$0x16800] =	vst v63  }
0x39: {  	s26 =	sadd.s32 s3, s24;
	s24 =	simm.s32 $0x180;
	_ =	swait.ge [sflag:s12], $0x4000  }
0x3a: {  	s24 =	simm.s32 @!p0 $0x180;
	s21 =	sshll.u32 s26, $0x4;
	[sflag:s12] =	ssyncset.done $0x0  }
0x3b: {  	s21 =	sadd.s32 s5, s21;
	s28 =	rddreg [dreg:$0x5];
	[sflag:s12] =	ssyncadd.s32 $0xFFFFC000  }
0x3c: {  	[hbm4b:s21+s2] =	stream.linear.scatter [tilespmem:s28], [sflag:$0x8], $0x4000, $0x38;
	[tilespmem:$0x16800] =	vst v63  }
0x3d: {  	s22 =	sadd.s32 s3, s6;
	s29 =	sadd.s32 s3, s24;
	_ =	swait.ge [sflag:s13], $0x4000  }
0x3e: {  	s31 =	sshll.u32 s22, $0x4;
	s21 =	sshll.u32 s29, $0x4;
	[sflag:s13] =	ssyncset.done $0x0  }
0x3f: {  	s21 =	sadd.s32 s5, s21;
	s30 =	rddreg [dreg:$0x6];
	[sflag:s13] =	ssyncadd.s32 $0xFFFFC000  }
0x40: {  	[hbm4b:s21+s2] =	stream.linear.scatter [tilespmem:s30], [sflag:$0x9], $0x4000, $0x38;
	[tilespmem:$0x16800] =	vst v63  }
0x41: {  	s22 =	simm.s32 $0x280;
	p0 =	por $0x1, $0x1;
	s21 =	simm.s32 $0x400  }
.LBB2_2:
0x42: {  	_ =	swait.ge [sflag:s14], $0x4000  }
0x43: {  	s26 =	simm.s32 @p0 $0x6;
	s24 =	sadd.s32 @p0 $0xFFFFFE80, s21;
	[sflag:s14] =	ssyncset.done $0x0  }
0x44: {  	s25 =	sadd.s32 s5, s31;
	s28 =	sadd.s32 @p0 $0xFFFFFF00, s21;
	[sflag:s14] =	ssyncadd.s32 $0xFFFFC000  }
0x45: {  	[hbm4b:s25+s2] =	stream.linear.scatter [tilespmem:s9], [sflag:$0xA], $0x4000, $0x38;
	[tilespmem:$0x16800] =	vst v63  }
0x46: {  	s31 =	simm.s32 @p0 $0x80;
	s24 =	simm.s32 @!p0 $0x0;
	_ =	swait.ge @p0 [sflag:s26], $0x4000  }
0x47: {  	s1 =	simm.s32 @p0 $0x2800;
	s29 =	sadd.s32 s3, s24;
	[sflag:s26] =	ssyncset.done @p0 $0x0  }
0x48: {  	s25 =	sshll.u32 s29, $0x4;
	s29 =	simm.s32 @p0 $0x7;
	[sflag:s26] =	ssyncadd.s32 @p0 $0xFFFFC000  }
0x49: {  	[tilespmem:s1], [sflag:$0x1] =	stream.indirect.gather @p0 [hbm4b:s4+s31], $0x80, s22, s31, $0xb8;
	[tilespmem:$0x16800] =	vst v63  }
0x4a: {  	s28 =	simm.s32 @!p0 $0x80;
	_ =	swait.ge @p0 [sflag:s29], $0x4000  }
0x4b: {  	s7 =	sadd.s32 s3, s28;
	s28 =	simm.s32 @p0 $0x6800;
	[sflag:s29] =	ssyncset.done @p0 $0x0  }
0x4c: {  	s1 =	sadd.s32 @p0 $0x80, s22;
	[sflag:s29] =	ssyncadd.s32 @p0 $0xFFFFC000;
	s29 =	simm.s32 @p0 $0x8  }
0x4d: {  	[tilespmem:s28], [sflag:$0x2] =	stream.indirect.gather @p0 [hbm4b:s4+s31], $0x80, s1, s31, $0xb8;
	[tilespmem:$0x16800] =	vst v63  }
0x4e: {  	s0 =	sadd.s32 @p0 $0xFFFFFF80, s21;
	_ =	swait.ge @p0 [sflag:s29], $0x4000  }
0x4f: {  	s6 =	simm.s32 @p0 $0xA800;
	s0 =	simm.s32 @!p0 $0x100;
	[sflag:s29] =	ssyncset.done @p0 $0x0  }
0x50: {  	s1 =	sadd.s32 @p0 $0x100, s22;
	[sflag:s29] =	ssyncadd.s32 @p0 $0xFFFFC000;
	s29 =	simm.s32 @p0 $0x9  }
0x51: {  	[tilespmem:s6], [sflag:$0x3] =	stream.indirect.gather @p0 [hbm4b:s4+s31], $0x80, s1, s31, $0xb8;
	[tilespmem:$0x16800] =	vst v63  }
0x52: {  	s0 =	sadd.s32 s3, s0;
	s26 =	sshll.u32 s7, $0x4;
	_ =	swait.ge @p0 [sflag:s29], $0x4000  }
0x53: {  	s7 =	simm.s32 @p0 $0xA;
	s28 =	sshll.u32 s0, $0x4;
	[sflag:s29] =	ssyncset.done @p0 $0x0  }
0x54: {  	s0 =	sadd.s32 @p0 $0x180, s22;
	s1 =	simm.s32 @p0 $0xE800;
	[sflag:s29] =	ssyncadd.s32 @p0 $0xFFFFC000  }
0x55: {  	[tilespmem:s1], [sflag:$0x4] =	stream.indirect.gather @p0 [hbm4b:s4+s31], $0x80, s0, s31, $0xb8;
	[tilespmem:$0x16800] =	vst v63  }
0x56: {  	_ =	swait.ge @p0 [sflag:s7], $0x4000  }
0x57: {  	s6 =	simm.s32 @!p0 $0x2800;
	[sflag:s7] =	ssyncset.done @p0 $0x0  }
0x58: {  	s0 =	simm.s32 @!p0 $0x80;
	s1 =	simm.s32 @!p0 $0x0;
	[sflag:s7] =	ssyncadd.s32 @p0 $0xFFFFC000  }
0x59: {  	[tilespmem:s6], [sflag:$0x1] =	stream.indirect.gather @!p0 [hbm4b:s4+s0], $0x80, s1, s0, $0xb8;
	[tilespmem:$0x16800] =	vst v63  }
0x5a: {  	s30 =	smov.u32 s23;
	s21 =	simm.s32 @!p0 $0x180;
	s1 =	simm.s32 @!p0 $0x6800  }
0x5b: {  	[tilespmem:s1], [sflag:$0x2] =	stream.indirect.gather @!p0 [hbm4b:s4+s0], $0x80, s0, s0, $0xb8;
	[tilespmem:$0x16800] =	vst v63  }
0x5c: {  	s21 =	sadd.s32 s3, s21;
	s6 =	simm.s32 @!p0 $0xA800;
	s1 =	simm.s32 @!p0 $0x100  }
0x5d: {  	[tilespmem:s6], [sflag:$0x3] =	stream.indirect.gather @!p0 [hbm4b:s4+s0], $0x80, s1, s0, $0xb8;
	[tilespmem:$0x16800] =	vst v63  }
0x5e: {  	s24 =	sadd.s32 $0x200, s24;
	s7 =	simm.s32 @!p0 $0x180;
	s1 =	simm.s32 @!p0 $0xE800  }
0x5f: {  	[tilespmem:s1], [sflag:$0x4] =	stream.indirect.gather @!p0 [hbm4b:s4+s0], $0x80, s7, s0, $0xb8;
	[tilespmem:$0x16800] =	vst v63  }
0x60: {  	s29 =	sshll.u32 s21, $0x4;
	s21 =	smov.u32 s30;
	s30 =	rddreg [dreg:$0x2]  }
0x61: {  	[tilespmem:s9], [sflag:$0x5] =	stream.indirect.gather [hbm4b:s4+s30], $0x80, s24, s30, $0xb8;
	[tilespmem:$0x16800] =	vst v63  }
0x62: {  	_ =	swait.ge [sflag:s10], $0x4000  }
0x63: {  	[sflag:s10] =	ssyncset.done $0x0  }
0x64: {  	s6 =	sadd.s32 s5, s25;
	s30 =	rddreg [dreg:$0x3];
	[sflag:s10] =	ssyncadd.s32 $0xFFFFC000  }
0x65: {  	[hbm4b:s6+s2] =	stream.linear.scatter [tilespmem:s30], [sflag:$0x6], $0x4000, $0x38;
	[tilespmem:$0x16800] =	vst v63  }
0x66: {  	_ =	swait.ge [sflag:s11], $0x4000  }
0x67: {  	s0 =	sadd.s32 s3, s24;
	[sflag:s11] =	ssyncset.done $0x0  }
0x68: {  	s24 =	sadd.s32 s5, s26;
	s7 =	rddreg [dreg:$0x4];
	[sflag:s11] =	ssyncadd.s32 $0xFFFFC000  }
0x69: {  	[hbm4b:s24+s2] =	stream.linear.scatter [tilespmem:s7], [sflag:$0x7], $0x4000, $0x38;
	[tilespmem:$0x16800] =	vst v63  }
0x6a: {  	s23 =	sadd.s32 $0x280, s23;
	_ =	swait.ge [sflag:s12], $0x4000  }
0x6b: {  	p1 =	sne.s32 s23, $0x2980;
	[sflag:s12] =	ssyncset.done $0x0  }
0x6c: {  	s26 =	sadd.s32 s5, s28;
	s25 =	rddreg [dreg:$0x5];
	[sflag:s12] =	ssyncadd.s32 $0xFFFFC000  }
0x6d: {  	[hbm4b:s26+s2] =	stream.linear.scatter [tilespmem:s25], [sflag:$0x8], $0x4000, $0x38;
	[tilespmem:$0x16800] =	vst v63  }
.Ltmp0:
0x6e: {  	_ = 	snop;
	(pc) =	sbr.rel @p1 .LBB2_2-.Ltmp0, $4  }
0x6f: {  	s22 =	sadd.s32 $0x280, s22;
	_ =	swait.ge [sflag:s13], $0x4000  }
0x70: {  	p0 =	sne.s32 s21, $0x180;
	s31 =	sshll.u32 s0, $0x4;
	[sflag:s13] =	ssyncset.done $0x0  }
0x71: {  	s30 =	sadd.s32 s5, s29;
	s28 =	rddreg [dreg:$0x6];
	[sflag:s13] =	ssyncadd.s32 $0xFFFFC000  }
0x72: {  	[hbm4b:s30+s2] =	stream.linear.scatter [tilespmem:s28], [sflag:$0x9], $0x4000, $0x38;
	[tilespmem:$0x16800] =	vst v63  }
0x73: {  	_ =	swait.ge [sflag:s14], $0x4000  }
0x74: {  	[sflag:s14] =	ssyncset.done $0x0  }
0x75: {  	s0 =	simm.s32 @p0 $0x6;
	s1 =	sadd.s32 s5, s31;
	[sflag:s14] =	ssyncadd.s32 $0xFFFFC000  }
0x76: {  	[hbm4b:s1+s2] =	stream.linear.scatter [tilespmem:s9], [sflag:$0xA], $0x4000, $0x38;
	[tilespmem:$0x16800] =	vst v63  }
0x77: {  	_ =	swait.ge @p0 [sflag:s0], $0x4000  }
0x78: {  	s6 =	simm.s32 @p0 $0x2800;
	[sflag:s0] =	ssyncset.done @p0 $0x0  }
0x79: {  	s1 =	simm.s32 @p0 $0x80;
	[sflag:s0] =	ssyncadd.s32 @p0 $0xFFFFC000;
	s0 =	simm.s32 @p0 $0x7  }
0x7a: {  	[tilespmem:s6], [sflag:$0x1] =	stream.indirect.gather @p0 [hbm4b:s4+s1], $0x80, s22, s1, $0xb8;
	[tilespmem:$0x16800] =	vst v63  }
0x7b: {  	_ =	swait.ge @p0 [sflag:s0], $0x4000  }
0x7c: {  	[sflag:s0] =	ssyncset.done @p0 $0x0  }
0x7d: {  	s6 =	sadd.s32 @p0 $0x80, s22;
	[sflag:s0] =	ssyncadd.s32 @p0 $0xFFFFC000;
	s0 =	simm.s32 @p0 $0x6800  }
0x7e: {  	[tilespmem:s0], [sflag:$0x2] =	stream.indirect.gather @p0 [hbm4b:s4+s1], $0x80, s6, s1, $0xb8;
	[tilespmem:$0x16800] =	vst v63  }
0x7f: {  	s0 =	simm.s32 @p0 $0x8  }
0x80: {  	_ =	swait.ge @p0 [sflag:s0], $0x4000  }
0x81: {  	[sflag:s0] =	ssyncset.done @p0 $0x0  }
0x82: {  	s6 =	sadd.s32 @p0 $0x100, s22;
	[sflag:s0] =	ssyncadd.s32 @p0 $0xFFFFC000;
	s0 =	simm.s32 @p0 $0xA800  }
0x83: {  	[tilespmem:s0], [sflag:$0x3] =	stream.indirect.gather @p0 [hbm4b:s4+s1], $0x80, s6, s1, $0xb8;
	[tilespmem:$0x16800] =	vst v63  }
0x84: {  	s0 =	simm.s32 @p0 $0x9  }
0x85: {  	_ =	swait.ge @p0 [sflag:s0], $0x4000  }
0x86: {  	[sflag:s0] =	ssyncset.done @p0 $0x0  }
0x87: {  	s6 =	sadd.s32 @p0 $0x180, s22;
	[sflag:s0] =	ssyncadd.s32 @p0 $0xFFFFC000;
	s0 =	simm.s32 @p0 $0xE800  }
0x88: {  	[tilespmem:s0], [sflag:$0x4] =	stream.indirect.gather @p0 [hbm4b:s4+s1], $0x80, s6, s1, $0xb8;
	[tilespmem:$0x16800] =	vst v63  }
0x89: {  	s0 =	simm.s32 @p0 $0xA  }
0x8a: {  	_ =	swait.ge @p0 [sflag:s0], $0x4000  }
0x8b: {  	s1 =	simm.s32 @!p0 $0x80;
	[sflag:s0] =	ssyncset.done @p0 $0x0  }
0x8c: {  	s6 =	simm.s32 @!p0 $0x0;
	[sflag:s0] =	ssyncadd.s32 @p0 $0xFFFFC000;
	s0 =	simm.s32 @!p0 $0x2800  }
0x8d: {  	[tilespmem:s0], [sflag:$0x1] =	stream.indirect.gather @!p0 [hbm4b:s4+s1], $0x80, s6, s1, $0xb8;
	[tilespmem:$0x16800] =	vst v63  }
0x8e: {  	s0 =	simm.s32 @!p0 $0x6800  }
0x8f: {  	[tilespmem:s0], [sflag:$0x2] =	stream.indirect.gather @!p0 [hbm4b:s4+s1], $0x80, s1, s1, $0xb8;
	[tilespmem:$0x16800] =	vst v63  }
0x90: {  	s6 =	simm.s32 @!p0 $0xA800;
	s0 =	simm.s32 @!p0 $0x100  }
0x91: {  	[tilespmem:s6], [sflag:$0x3] =	stream.indirect.gather @!p0 [hbm4b:s4+s1], $0x80, s0, s1, $0xb8;
	[tilespmem:$0x16800] =	vst v63  }
0x92: {  	s0 =	simm.s32 @!p0 $0x180;
	s6 =	simm.s32 @!p0 $0xE800  }
0x93: {  	[tilespmem:s6], [sflag:$0x4] =	stream.indirect.gather @!p0 [hbm4b:s4+s1], $0x80, s0, s1, $0xb8;
	[tilespmem:$0x16800] =	vst v63  }
0x94: {  	s0 =	sadd.s32 @p0 $0xFFFFFE80, s21  }
0x95: {  	s0 =	simm.s32 @!p0 $0x0  }
0x96: {  	s22 =	rddreg [dreg:$0x2];
	s23 =	sadd.s32 $0x200, s0  }
0x97: {  	[tilespmem:s9], [sflag:$0x5] =	stream.indirect.gather [hbm4b:s4+s22], $0x80, s23, s22, $0xb8;
	[tilespmem:$0x16800] =	vst v63  }
0x98: {  	s0 =	sadd.s32 s3, s0;
	_ =	swait.ge [sflag:s10], $0x4000  }
0x99: {  	s0 =	sshll.u32 s0, $0x4;
	[sflag:s10] =	ssyncset.done $0x0  }
0x9a: {  	s0 =	sadd.s32 s5, s0;
	s24 =	rddreg [dreg:$0x3];
	[sflag:s10] =	ssyncadd.s32 $0xFFFFC000  }
0x9b: {  	[hbm4b:s0+s2] =	stream.linear.scatter [tilespmem:s24], [sflag:$0x6], $0x4000, $0x38;
	[tilespmem:$0x16800] =	vst v63  }
0x9c: {  	s0 =	sadd.s32 @p0 $0xFFFFFF00, s21  }
0x9d: {  	s0 =	simm.s32 @!p0 $0x80  }
0x9e: {  	_ =	swait.ge [sflag:s11], $0x4000;
	s0 =	sadd.s32 s3, s0  }
0x9f: {  	[sflag:s11] =	ssyncset.done $0x0;
	s0 =	sshll.u32 s0, $0x4  }
0xa0: {  	s25 =	rddreg [dreg:$0x4];
	[sflag:s11] =	ssyncadd.s32 $0xFFFFC000;
	s0 =	sadd.s32 s5, s0  }
0xa1: {  	[hbm4b:s0+s2] =	stream.linear.scatter [tilespmem:s25], [sflag:$0x7], $0x4000, $0x38;
	[tilespmem:$0x16800] =	vst v63  }
0xa2: {  	s0 =	sadd.s32 @p0 $0xFFFFFF80, s21  }
0xa3: {  	s0 =	simm.s32 @!p0 $0x100  }
0xa4: {  	_ =	swait.ge [sflag:s12], $0x4000;
	s0 =	sadd.s32 s3, s0  }
0xa5: {  	s21 =	simm.s32 @!p0 $0x180;
	[sflag:s12] =	ssyncset.done $0x0;
	s0 =	sshll.u32 s0, $0x4  }
0xa6: {  	s26 =	rddreg [dreg:$0x5];
	[sflag:s12] =	ssyncadd.s32 $0xFFFFC000;
	s0 =	sadd.s32 s5, s0  }
0xa7: {  	[hbm4b:s0+s2] =	stream.linear.scatter [tilespmem:s26], [sflag:$0x8], $0x4000, $0x38;
	[tilespmem:$0x16800] =	vst v63  }
0xa8: {  	s28 =	sadd.s32 s3, s21;
	_ =	swait.ge [sflag:s13], $0x4000  }
0xa9: {  	s0 =	sshll.u32 s28, $0x4;
	[sflag:s13] =	ssyncset.done $0x0  }
0xaa: {  	s0 =	sadd.s32 s5, s0;
	s29 =	rddreg [dreg:$0x6];
	[sflag:s13] =	ssyncadd.s32 $0xFFFFC000  }
0xab: {  	[hbm4b:s0+s2] =	stream.linear.scatter [tilespmem:s29], [sflag:$0x9], $0x4000, $0x38;
	[tilespmem:$0x16800] =	vst v63  }
0xac: {  	s30 =	sadd.s32 s3, s23;
	_ =	swait.ge [sflag:s14], $0x4000  }
0xad: {  	s0 =	sshll.u32 s30, $0x4;
	[sflag:s14] =	ssyncset.done $0x0  }
0xae: {  	s0 =	sadd.s32 s5, s0;
	[sflag:s14] =	ssyncadd.s32 $0xFFFFC000  }
0xaf: {  	[hbm4b:s0+s2] =	stream.linear.scatter [tilespmem:s9], [sflag:$0xA], $0x4000, $0x38;
	[tilespmem:$0x16800] =	vst v63  }
0xb0: {  	_ =	swait.ge [sflag:s15], $0x4000  }
0xb1: {  	[sflag:s15] =	ssyncset.done $0x0  }
0xb2: {  	[sflag:s15] =	ssyncadd.s32 $0xFFFFC000  }
0xb3: {  	_ =	swait.ge [sflag:s16], $0x4000  }
0xb4: {  	[sflag:s16] =	ssyncset.done $0x0  }
0xb5: {  	[sflag:s16] =	ssyncadd.s32 $0xFFFFC000  }
0xb6: {  	_ =	swait.ge [sflag:s17], $0x4000  }
0xb7: {  	[sflag:s17] =	ssyncset.done $0x0  }
0xb8: {  	[sflag:s17] =	ssyncadd.s32 $0xFFFFC000  }
0xb9: {  	_ =	swait.ge [sflag:s18], $0x4000  }
0xba: {  	[sflag:s18] =	ssyncset.done $0x0  }
0xbb: {  	[sflag:s18] =	ssyncadd.s32 $0xFFFFC000  }
0xbc: {  	_ =	swait.ge [sflag:s19], $0x4000  }
0xbd: {  	s20 =	sadd.s32 $0x1, s20;
	s31 =	rddreg [dreg:$0x8]  }
0xbe: {  	p0 =	sne.s32 s20, s31  }
.Ltmp1:
0xbf: {  	_ = 	snop;
	(pc) =	sbr.rel @p0 .LBB2_1-.Ltmp1, $3  }
0xc0: {  	_ =	sdelay $0x1  }
0xc1: {  	[sflag:s19] =	ssyncset.done $0x0  }
0xc2: {  	[sflag:s19] =	ssyncadd.s32 $0xFFFFC000  }
0xc3: {  	_ =	sfence.sel $0x180000  }
0xc4: {  	[bflag:$0x0] =	sbarrier.arrive $0xFFFF  }
0xc5: {  	_ =	strace $0x9000004A  }
0xc6: {  	s0 =	stileid.u32;
	[bflag:$0x2] =	sbarrier.arrive $0xFFFF  }
0xc7: {  	p0 =	sne.s32 s0, $0x0;
	s0 =	rddreg [dreg:$0x1]  }
0xc8: {  	s0 =	sadd.s32 @!p0 $0x100000, s0  }
0xc9: {  	[sflag:s0] =	ssyncadd.tile.s32 @!p0 $0x1;
	_ =	shalt  }
.Lfunc_end2:
_tile_overlayer_lowered:
.L_overlay_start_2:
0xca: {  	(tag) =	ssettag $0x2  }
0xcb: {  	s0 =	rddreg [dreg:$0x0];
	s2 =	stileid.u32  }
0xcc: {  	s1 =	rddreg [dreg:$0x1];
	p0 =	sne.s32 s2, $0x0  }
0xcd: {  	s3 =	rddreg [dreg:$0x2];
	[bflag:$0x3] =	sbarrier.arrive $0xFFFF;
	s2 =	simm.s32 @!p0 $0x1C0B  }
0xce: {  	[timem:s3], [sflag:s2] =	dma.local @!p0 [hbm:s0], s1  }
0xcf: {  	s0 =	simm.s32 @!p0 $0xB  }
0xd0: {  	_ =	swait.ge @!p0 [sflag:s0], s1  }
0xd1: {  	s1 =	ssub.s32 @!p0 $0x0, s1;
	[sflag:s0] =	ssyncset.done @!p0 $0x0  }
0xd2: {  	[sflag:s0] =	ssyncadd.s32 @!p0 s1  }
0xd3: {  	[bflag:$0x3] =	sbarrier.arrive $0xFFFF  }
0xd4: {  	_ =	shalt  }

// kernel: kernel.22.cloned.1.call-start
scs
__scs_entry_jumppad:
0x0: {  	(pc) =	sbr.rel $0x88, $3  }
0x1: {  	(tag) =	ssettag $0x0;
	lr =	simm.s32 $0x1  }
0x2: {  	[smem:$0x3F71] =	sst lr;
	_ =	strace $0xD0000000  }
0x3: {  	_ = 	snop  }
0x4: {  	_ = 	snop  }
0x5: {  	_ = 	snop  }
0x6: {  	_ = 	snop  }
0x7: {  	_ = 	snop  }
__scs_overlays_trampoline_lowered:
0x8: {  	[smem:$0x3F80] =	sst s0  }
0x9: {  	[smem:$0x3F81] =	sst s1  }
0xa: {  	[smem:$0x3F82] =	sst s2  }
0xb: {  	[smem:$0x3F83] =	sst s3  }
0xc: {  	[smem:$0x3F84] =	sst s4  }
0xd: {  	[smem:$0x3F85] =	sst s5  }
0xe: {  	[smem:$0x3F86] =	sst s6  }
0xf: {  	[smem:$0x3F87] =	sst s7  }
0x10: {  	[smem:$0x3F88] =	sst s8  }
0x11: {  	[smem:$0x3F89] =	sst s9;
	s0 =	simm.s32 @!p0 $0x0  }
0x12: {  	s1 =	sld [smem:$0x3F6F];
	s0 =	simm.s32 @p0 $0x1  }
0x13: {  	[smem:$0x3F8A] =	sst s0;
	s0 =	simm.s32 @!p1 $0x0  }
0x14: {  	s2 =	sld [smem:$0x3F6E];
	s0 =	simm.s32 @p1 $0x1  }
0x15: {  	[smem:$0x3F8B] =	sst s0;
	s0 =	simm.s32 @!p2 $0x0  }
0x16: {  	s3 =	sld [smem:$0x3FDB];
	s0 =	simm.s32 @p2 $0x1  }
0x17: {  	s4 =	simm.s32 $0x1BF5;
	[smem:$0x3F8D] =	sst s0  }
0x18: {  	s0 =	sld [smem:$0x3F70];
	_ =	swait.ge [sflag:s4], $0x0  }
0x19: {  	s7 =	sld [smem:$0x3F71]  }
0x1a: {  	s8 =	sadd.s32 $0xFFFFE003, lr  }
0x1b: {  	s9 =	sadd.s32 $0xFFFFFEF7, lr;
	s5 =	simm.s32 $0xFFFFFFFF;
	p2 =	slt.u32 s8, $0xFFFFF086  }
0x1c: {  	p1 =	slt.u32 s9, $0xF7A;
	s5 =	simm.s32 @!p2 $0x0  }
0x1d: {  	s5 =	simm.s32 @p1 $0x1;
	p0 =	seq.s32 s7, s2  }
0x1e: {  	s7 =	smul.u32 @!p0 $0xF7A, s2;
	p2 =	seq.s32 @!p0 s5, $0x0  }
0x1f: {  	s9 =	smul.u32 $0xF7A, s1;
	s8 =	simm.s32 @!p0 $0x1BF5;
	p2 =	por !p2, p0  }
0x20: {  	[sflag:s8] =	ssyncset.s32 @!p0 $0xFFFFF086;
	s6 =	sadd.s32 @!p0 s3, s7;
	s7 =	simm.s32 @!p0 $0x108  }
0x21: {  	s3 =	sadd.s32 s3, s9;
	s6 =	sadd.s32 @!p0 $0x88, s6;
	s7 =	simm.s32 @p2 $0x1082  }
0x22: {  	[simem:s7], [sflag:s8] =	dma.local @!p0 [hbm:s6], $0xF7A  }
0x23: {  	s9 =	sor.u32 $0xD0000000, s2;
	s6 =	simm.s32 $0x108;
	_ =	swait.ge @!p0 [sflag:s8], $0x0  }
0x24: {  	s3 =	sadd.s32 $0x88, s3;
	s6 =	simm.s32 @!p1 $0x1082;
	[sflag:s4] =	ssyncset.s32 $0xFFFFF086  }
0x25: {  	[simem:s6], [sflag:s4] =	dma.local [hbm:s3], $0xF7A  }
0x26: {  	[smem:$0x3F71] =	sst s1;
	(tag) =	ssettag s2;
	_ =	strace s9  }
0x27: {  	s1 =	sld [smem:$0x3F81]  }
0x28: {  	s2 =	sld [smem:$0x3F82]  }
0x29: {  	s4 =	sld [smem:$0x3F84]  }
0x2a: {  	p0 =	seq.s32 s5, $0x0;
	s5 =	sld [smem:$0x3F85]  }
0x2b: {  	s6 =	sld [smem:$0x3F86]  }
0x2c: {  	s7 =	sld [smem:$0x3F87]  }
0x2d: {  	s3 =	simm.s32 $0x108;
	s8 =	sld [smem:$0x3F88]  }
0x2e: {  	s3 =	simm.s32 @!p0 $0x1082;
	s9 =	sld [smem:$0x3F89]  }
0x2f: {  	lr =	sadd.s32 s0, s3;
	s0 =	sld [smem:$0x3F80]  }
0x30: {  	s3 =	sld [smem:$0x3F83]  }
0x31: {  	[smem:$0x3F8C] =	sst s10  }
0x32: {  	s10 =	sld [smem:$0x3F8A];
	_ =	sdelay $0x3  }
0x33: {  	p0 =	seq.s32 s10, $0x1;
	s10 =	sld [smem:$0x3F8C];
	_ =	sdelay $0x3  }
0x34: {  	[smem:$0x3F8C] =	sst s10  }
0x35: {  	s10 =	sld [smem:$0x3F8B];
	_ =	sdelay $0x3  }
0x36: {  	p1 =	seq.s32 s10, $0x1;
	s10 =	sld [smem:$0x3F8C];
	_ =	sdelay $0x3  }
0x37: {  	[smem:$0x3F8C] =	sst s10  }
0x38: {  	s10 =	sld [smem:$0x3F8D]  }
0x39: {  	_ = 	snop;
	(pc) =	sbr.ind lr, $3  }
0x3a: {  	_ = 	snop  }
0x3b: {  	_ = 	snop  }
0x3c: {  	p2 =	seq.s32 s10, $0x1;
	s10 =	sld [smem:$0x3F8C]  }
0x3d: {  	_ =	shalt  }
0x3e: {  	_ =	shalt  }
0x3f: {  	_ =	shalt  }
0x40: {  	_ =	shalt  }
0x41: {  	_ =	shalt  }
0x42: {  	_ =	shalt  }
0x43: {  	_ =	shalt  }
0x44: {  	_ =	shalt  }
0x45: {  	_ =	shalt  }
0x46: {  	_ =	shalt  }
0x47: {  	_ =	shalt  }
0x48: {  	_ =	shalt  }
0x49: {  	_ =	shalt  }
0x4a: {  	_ =	shalt  }
0x4b: {  	_ =	shalt  }
0x4c: {  	_ =	shalt  }
0x4d: {  	_ =	shalt  }
0x4e: {  	_ =	shalt  }
0x4f: {  	_ =	shalt  }
0x50: {  	_ =	shalt  }
0x51: {  	_ =	shalt  }
0x52: {  	_ =	shalt  }
0x53: {  	_ =	shalt  }
0x54: {  	_ =	shalt  }
0x55: {  	_ =	shalt  }
0x56: {  	_ =	shalt  }
0x57: {  	_ =	shalt  }
0x58: {  	_ =	shalt  }
0x59: {  	_ =	shalt  }
0x5a: {  	_ =	shalt  }
0x5b: {  	_ =	shalt  }
0x5c: {  	_ =	shalt  }
0x5d: {  	_ =	shalt  }
0x5e: {  	_ =	shalt  }
0x5f: {  	_ =	shalt  }
0x60: {  	_ =	shalt  }
0x61: {  	_ =	shalt  }
0x62: {  	_ =	shalt  }
0x63: {  	_ =	shalt  }
0x64: {  	_ =	shalt  }
0x65: {  	_ =	shalt  }
0x66: {  	_ =	shalt  }
0x67: {  	_ =	shalt  }
0x68: {  	_ =	shalt  }
0x69: {  	_ =	shalt  }
0x6a: {  	_ =	shalt  }
0x6b: {  	_ =	shalt  }
0x6c: {  	_ =	shalt  }
0x6d: {  	_ =	shalt  }
0x6e: {  	_ =	shalt  }
0x6f: {  	_ =	shalt  }
0x70: {  	_ =	shalt  }
0x71: {  	_ =	shalt  }
0x72: {  	_ =	shalt  }
0x73: {  	_ =	shalt  }
0x74: {  	_ =	shalt  }
0x75: {  	_ =	shalt  }
0x76: {  	_ =	shalt  }
0x77: {  	_ =	shalt  }
0x78: {  	_ =	shalt  }
0x79: {  	_ =	shalt  }
0x7a: {  	_ =	shalt  }
0x7b: {  	_ =	shalt  }
0x7c: {  	_ =	shalt  }
0x7d: {  	_ =	shalt  }
0x7e: {  	_ =	shalt  }
0x7f: {  	_ =	shalt  }
0x80: {  	_ =	shalt  }
0x81: {  	_ =	shalt  }
0x82: {  	_ =	shalt  }
0x83: {  	_ =	shalt  }
0x84: {  	_ =	shalt  }
0x85: {  	_ =	shalt  }
0x86: {  	_ =	shalt  }
0x87: {  	_ =	shalt  }
.Lfunc_end0:
.L_simem_size_0:
called_computation.2_lowered:
.L_overlay_start_0:
0x88: {  	s2 =	sld [smem:$0x3FD9]  }
0x89: {  	s3 =	sld [smem:$0x3FFE];
	_ =	sdelay $0x1  }
0x8a: {  	s1 =	srdreg.scid  }
0x8b: {  	s0 =	sand.u32 $0x1, s1  }
0x8c: {  	s16 =	sshll.u32 s0, $0xA;
	s2 =	sadd.s32 s3, s2  }
0x8d: {  	s2 =	sadd.s32 s2, s16  }
0x8e: {  	[smem:$0x3F98] =	sst s2  }
0x8f: {  	_ = 	snop  }
0x90: {  	(tm) =	ssettm $0x1  }
0x91: {  	s17 =	sld [smem:$0x3FFB];
	_ =	sdelay $0x3  }
0x92: {  	_ =	strace s17  }
0x93: {  	s2 =	sld [smem:$0x3FFC];
	_ =	sdelay $0x3  }
0x94: {  	_ =	strace s2  }
0x95: {  	s2 =	sld [smem:$0x3FFD];
	_ =	sdelay $0x3  }
0x96: {  	_ =	strace s2  }
0x97: {  	_ =	strace $0x8FFFFFFF  }
0x98: {  	s18 =	sld [smem:$0x3FDB];
	_ =	sdelay $0x1  }
0x99: {  	s19 =	simm.s32 $_scs_section_size  }
0x9a: {  	s4 =	simm.s32 $_size__tile_overlayer_lowered;
	s5 =	simm.s32 $_tile_overlayer_lowered  }
0x9b: {  	s22 =	simm.s32 $0x1BFF;
	s21 =	sshll.u32 s5, $0x1;
	s2 =	sadd.s32 s19, s18  }
0x9c: {  	s6 =	simm.s32 $0x0;
	s20 =	sshll.u32 s4, $0x1;
	s4 =	sadd.s32 s21, s2  }
0x9d: {  	[timem:s6], [sflag:s22] =	dma.local [hbm:s4], s20  }
0x9e: {  	_ =	swait.ge [sflag:s22], s20  }
0x9f: {  	s3 =	ssub.s32 $0x0, s20;
	[sflag:s22] =	ssyncset.done $0x0  }
0xa0: {  	[sflag:s22] =	ssyncadd.s32 s3;
	_ =	sdelay $0x1  }
0xa1: {  	s23 =	simm.s32 $0x1B8B  }
0xa2: {  	_ =	swait.ge [sflag:s23], $0x1  }
0xa3: {  	[sflag:s23] =	ssyncset.done $0x0  }
0xa4: {  	s25 =	simm.s32 $0x1B8E;
	s24 =	sld [smem:$0x3FFE];
	[sflag:s23] =	ssyncadd.s32 $0xFFFFFFFF  }
0xa5: {  	s26 =	simm.s32 $execute0_lowered;
	[smem:$0x3FD2] =	sst s25  }
0xa6: {  	s4 =	sshll.u32 s26, $0x1;
	_ =	strace $0x8000004C;
	[dreg:$0x1] =	wrdreg $0xFFFFFFFF  }
0xa7: {  	s28 =	simm.s32 $_size_execute0_lowered;
	s2 =	sadd.s32 s2, s4;
	[dreg:$0x0] =	wrdreg $0x0  }
0xa8: {  	s4 =	sshll.u32 s28, $0x1;
	[dreg:$0x2] =	wrdreg s2  }
0xa9: {  	[dreg:$0x3] =	wrdreg s4  }
0xaa: {  	[dreg:$0x4] =	wrdreg $0xC0  }
0xab: {  	_ =	task [dreg:s6], $0x5FFFF  }
0xac: {  	[dreg:$0x1] =	wrdreg $0xFFFFFFFF  }
0xad: {  	[dreg:$0x0] =	wrdreg $0x60  }
0xae: {  	[dreg:$0x2] =	wrdreg s24  }
0xaf: {  	[dreg:$0x3] =	wrdreg $0x9  }
0xb0: {  	_ =	task.clear_ibuf [dreg:s6], $0x4FFFF;
	_ =	strace $0x9000004C  }
0xb1: {  	s29 =	simm.s32 $0x9;
	_ =	strace $0x8000004E  }
0xb2: {  	_ =	swait.ge [sflag:s29], $0x1  }
0xb3: {  	[sflag:s29] =	ssyncadd.s32 $0xFFFFFFFF  }
0xb4: {  	_ =	strace $0x9000004E  }
0xb5: {  	_ =	sfence  }
0xb6: {  	s30 =	sld [smem:$0x0];
	_ =	sdelay $0x2  }
0xb7: {  	s31 =	sshll.u32 s1, $0xD;
	s1 =	sshrl.u32 s1, $0x2  }
0xb8: {  	s3 =	sand.u32 $0x4000, s31;
	s1 =	sadd.s32 s1, s30  }
0xb9: {  	s0 =	sor.u32 s3, s0;
	s1 =	sshll.u32 s1, $0x11  }
0xba: {  	s0 =	sor.u32 s1, s0  }
0xbb: {  	s0 =	sadd.s32 $0x8F2B, s0  }
0xbc: {  	[sflag:s0] =	ssyncadd.remote.s32 $0x1  }
0xbd: {  	_ =	sfence.sel $0xFFFF  }
0xbe: {  	[dreg:$0x0] =	wrdreg $0xFFFFFFFF;
	(pc) =	sbr.abs _section_cstart, $3  }
0xbf: {  	[dreg:$0x1] =	wrdreg $0xFFFFFFFF  }
0xc0: {  	_ =	task.clear_ibuf [dreg:s6], $0x2FFFF;
	_ =	strace $0x9FFFFFFF  }
0xc1: {  	(tm) =	ssettm $0x7FFFFFFF  }
tec
execute0_lowered:
.L_overlay_start_1:
0x0: {  	(tag) =	ssettag $0x1  }
0x1: {  	s1 =	srdreg.scid;
	s0 =	stileid.u32  }
0x2: {  	s5 =	rddreg [dreg:$0x0];
	s2 =	simm.s32 $0x0;
	s9 =	simm.s32 $0x80  }
0x3: {  	s11 =	simm.s32 $0x2800;
	s10 =	simm.s32 $0x1;
	s12 =	simm.s32 $0x6800  }
0x4: {  	s13 =	simm.s32 $0xA800;
	s14 =	simm.s32 $0xE800;
	s15 =	simm.s32 $0x6  }
0x5: {  	s16 =	simm.s32 $0x7;
	s17 =	simm.s32 $0x8;
	s18 =	simm.s32 $0x9  }
0x6: {  	s19 =	simm.s32 $0xA;
	s4 =	sand.u32 $0x1, s1;
	s29 =	sshll.u32 s0, $0x1  }
0x7: {  	s20 =	simm.s32 $0x0;
	[smem:$0x7FF] =	sst s2;
	s3 =	sor.u32 s4, s29  }
0x8: {  	_ =	strace $0x8000004D;
	s7 =	ssub.s32 $0x2, s4;
	[dreg:$0x2] =	wrdreg s9  }
0x9: {  	s4 =	sadd.s32 $0x68200, s5;
	s9 =	simm.s32 $0x12800;
	[dreg:$0x3] =	wrdreg s11  }
0xa: {  	s11 =	simm.s32 $0x2;
	[dreg:$0x4] =	wrdreg s12;
	s3 =	smul.u32 $0x2800, s3  }
0xb: {  	s12 =	simm.s32 $0x3;
	[dreg:$0x5] =	wrdreg s13;
	s8 =	sshrl.u32 s7, $0x1  }
0xc: {  	s13 =	simm.s32 $0x4;
	s7 =	ssub.s32 s7, s8;
	s6 =	sshrl.u32 s3, $0x3  }
0xd: {  	[dreg:$0x6] =	wrdreg s14;
	s31 =	smax.u32 s7, $0x1;
	s6 =	sadd.s32 s6, s5  }
0xe: {  	s14 =	simm.s32 $0x5;
	[dreg:$0x8] =	wrdreg s31;
	s30 =	sadd.s32 $0x37000, s6  }
0xf: {  	s8 =	simm.s32 $0xB;
	s5 =	sadd.s32 $0x8F400, s5;
	[dreg:$0x7] =	wrdreg s30  }
.LBB2_1:
0x10: {  	s0 =	rddreg [dreg:$0x7]  }
0x11: {  	[tilespmem:s2], [sflag:$0xB] =	stream.linear.gather [hbm4b:s0+s2], $0x2800, $0x38;
	[tilespmem:$0x16800] =	vst v63  }
0x12: {  	_ =	swait.ge [sflag:s8], $0x2800  }
0x13: {  	p0 =	por $0x0, $0x0;
	[sflag:s8] =	ssyncset.done $0x0  }
0x14: {  	s21 =	simm.s32 @p0 $0x6;
	[sflag:s8] =	ssyncadd.s32 $0xFFFFD800  }
0x15: {  	_ =	swait.ge @p0 [sflag:s21], $0x4000  }
0x16: {  	s22 =	simm.s32 @p0 $0x80;
	[sflag:s21] =	ssyncset.done @p0 $0x0  }
0x17: {  	s23 =	simm.s32 @p0 $0x2800;
	[sflag:s21] =	ssyncadd.s32 @p0 $0xFFFFC000;
	s21 =	simm.s32 @p0 $0x7  }
0x18: {  	[tilespmem:s23], [sflag:$0x1] =	stream.indirect.gather @p0 [hbm4b:s4+s22], $0x80, s2, s22, $0xb8;
	[tilespmem:$0x16800] =	vst v63  }
0x19: {  	_ =	swait.ge @p0 [sflag:s21], $0x4000  }
0x1a: {  	s24 =	simm.s32 @p0 $0x6800;
	[sflag:s21] =	ssyncset.done @p0 $0x0  }
0x1b: {  	s23 =	simm.s32 @p0 $0x80;
	[sflag:s21] =	ssyncadd.s32 @p0 $0xFFFFC000;
	s21 =	simm.s32 @p0 $0x8  }
0x1c: {  	[tilespmem:s24], [sflag:$0x2] =	stream.indirect.gather @p0 [hbm4b:s4+s22], $0x80, s23, s22, $0xb8;
	[tilespmem:$0x16800] =	vst v63  }
0x1d: {  	_ =	swait.ge @p0 [sflag:s21], $0x4000  }
0x1e: {  	s23 =	simm.s32 @p0 $0x100;
	[sflag:s21] =	ssyncset.done @p0 $0x0  }
0x1f: {  	s24 =	simm.s32 @p0 $0xA800;
	[sflag:s21] =	ssyncadd.s32 @p0 $0xFFFFC000;
	s21 =	simm.s32 @p0 $0x9  }
0x20: {  	[tilespmem:s24], [sflag:$0x3] =	stream.indirect.gather @p0 [hbm4b:s4+s22], $0x80, s23, s22, $0xb8;
	[tilespmem:$0x16800] =	vst v63  }
0x21: {  	_ =	swait.ge @p0 [sflag:s21], $0x4000  }
0x22: {  	s23 =	simm.s32 @p0 $0x180;
	[sflag:s21] =	ssyncset.done @p0 $0x0  }
0x23: {  	s24 =	simm.s32 @p0 $0xE800;
	[sflag:s21] =	ssyncadd.s32 @p0 $0xFFFFC000;
	s21 =	simm.s32 @p0 $0xA  }
0x24: {  	[tilespmem:s24], [sflag:$0x4] =	stream.indirect.gather @p0 [hbm4b:s4+s22], $0x80, s23, s22, $0xb8;
	[tilespmem:$0x16800] =	vst v63  }
0x25: {  	_ =	swait.ge @p0 [sflag:s21], $0x4000  }
0x26: {  	s22 =	simm.s32 @!p0 $0x80;
	[sflag:s21] =	ssyncset.done @p0 $0x0  }
0x27: {  	s23 =	simm.s32 @!p0 $0x0;
	[sflag:s21] =	ssyncadd.s32 @p0 $0xFFFFC000;
	s21 =	simm.s32 @!p0 $0x2800  }
0x28: {  	[tilespmem:s21], [sflag:$0x1] =	stream.indirect.gather @!p0 [hbm4b:s4+s22], $0x80, s23, s22, $0xb8;
	[tilespmem:$0x16800] =	vst v63  }
0x29: {  	s23 =	simm.s32 @!p0 $0x6800  }
0x2a: {  	[tilespmem:s23], [sflag:$0x2] =	stream.indirect.gather @!p0 [hbm4b:s4+s22], $0x80, s22, s22, $0xb8;
	[tilespmem:$0x16800] =	vst v63  }
0x2b: {  	s24 =	simm.s32 @!p0 $0xA800;
	s21 =	simm.s32 @p0 $0x0;
	s23 =	simm.s32 @!p0 $0x100  }
0x2c: {  	[tilespmem:s24], [sflag:$0x3] =	stream.indirect.gather @!p0 [hbm4b:s4+s22], $0x80, s23, s22, $0xb8;
	[tilespmem:$0x16800] =	vst v63  }
0x2d: {  	s21 =	simm.s32 @!p0 $0x0;
	s23 =	simm.s32 @!p0 $0x180;
	s24 =	simm.s32 @!p0 $0xE800  }
0x2e: {  	[tilespmem:s24], [sflag:$0x4] =	stream.indirect.gather @!p0 [hbm4b:s4+s22], $0x80, s23, s22, $0xb8;
	[tilespmem:$0x16800] =	vst v63  }
0x2f: {  	s25 =	rddreg [dreg:$0x2];
	s6 =	sadd.s32 $0x200, s21;
	s21 =	sadd.s32 s3, s21  }
0x30: {  	[tilespmem:s9], [sflag:$0x5] =	stream.indirect.gather [hbm4b:s4+s25], $0x80, s6, s25, $0xb8;
	[tilespmem:$0x16800] =	vst v63  }
0x31: {  	s21 =	sshll.u32 s21, $0x4;
	s24 =	simm.s32 @p0 $0x80;
	_ =	swait.ge [sflag:s10], $0x4000  }
0x32: {  	s21 =	sadd.s32 s5, s21;
	s24 =	simm.s32 @!p0 $0x80;
	[sflag:s10] =	ssyncset.done $0x0  }
0x33: {  	s24 =	sadd.s32 s3, s24;
	s7 =	rddreg [dreg:$0x3];
	[sflag:s10] =	ssyncadd.s32 $0xFFFFC000  }
0x34: {  	[hbm4b:s21+s2] =	stream.linear.scatter [tilespmem:s7], [sflag:$0x6], $0x4000, $0x38;
	[tilespmem:$0x16800] =	vst v63  }
0x35: {  	s23 =	simm.s32 $0x680;
	s21 =	sshll.u32 s24, $0x4;
	_ =	swait.ge [sflag:s11], $0x4000  }
0x36: {  	s24 =	simm.s32 @p0 $0x100;
	s21 =	sadd.s32 s5, s21;
	[sflag:s11] =	ssyncset.done $0x0  }
0x37: {  	s24 =	simm.s32 @!p0 $0x100;
	s25 =	rddreg [dreg:$0x4];
	[sflag:s11] =	ssyncadd.s32 $0xFFFFC000  }
0x38: {  	[hbm4b:s21+s2] =	stream.linear.scatter [tilespmem:s25], [sflag:$0x7], $0x4000, $0x38;
	[tilespmem:$0x16800] =	vst v63  }
0x39: {  	s26 =	sadd.s32 s3, s24;
	s24 =	simm.s32 $0x180;
	_ =	swait.ge [sflag:s12], $0x4000  }
0x3a: {  	s24 =	simm.s32 @!p0 $0x180;
	s21 =	sshll.u32 s26, $0x4;
	[sflag:s12] =	ssyncset.done $0x0  }
0x3b: {  	s21 =	sadd.s32 s5, s21;
	s28 =	rddreg [dreg:$0x5];
	[sflag:s12] =	ssyncadd.s32 $0xFFFFC000  }
0x3c: {  	[hbm4b:s21+s2] =	stream.linear.scatter [tilespmem:s28], [sflag:$0x8], $0x4000, $0x38;
	[tilespmem:$0x16800] =	vst v63  }
0x3d: {  	s22 =	sadd.s32 s3, s6;
	s29 =	sadd.s32 s3, s24;
	_ =	swait.ge [sflag:s13], $0x4000  }
0x3e: {  	s31 =	sshll.u32 s22, $0x4;
	s21 =	sshll.u32 s29, $0x4;
	[sflag:s13] =	ssyncset.done $0x0  }
0x3f: {  	s21 =	sadd.s32 s5, s21;
	s30 =	rddreg [dreg:$0x6];
	[sflag:s13] =	ssyncadd.s32 $0xFFFFC000  }
0x40: {  	[hbm4b:s21+s2] =	stream.linear.scatter [tilespmem:s30], [sflag:$0x9], $0x4000, $0x38;
	[tilespmem:$0x16800] =	vst v63  }
0x41: {  	s22 =	simm.s32 $0x280;
	p0 =	por $0x1, $0x1;
	s21 =	simm.s32 $0x400  }
.LBB2_2:
0x42: {  	_ =	swait.ge [sflag:s14], $0x4000  }
0x43: {  	s26 =	simm.s32 @p0 $0x6;
	s24 =	sadd.s32 @p0 $0xFFFFFE80, s21;
	[sflag:s14] =	ssyncset.done $0x0  }
0x44: {  	s25 =	sadd.s32 s5, s31;
	s28 =	sadd.s32 @p0 $0xFFFFFF00, s21;
	[sflag:s14] =	ssyncadd.s32 $0xFFFFC000  }
0x45: {  	[hbm4b:s25+s2] =	stream.linear.scatter [tilespmem:s9], [sflag:$0xA], $0x4000, $0x38;
	[tilespmem:$0x16800] =	vst v63  }
0x46: {  	s31 =	simm.s32 @p0 $0x80;
	s24 =	simm.s32 @!p0 $0x0;
	_ =	swait.ge @p0 [sflag:s26], $0x4000  }
0x47: {  	s1 =	simm.s32 @p0 $0x2800;
	s29 =	sadd.s32 s3, s24;
	[sflag:s26] =	ssyncset.done @p0 $0x0  }
0x48: {  	s25 =	sshll.u32 s29, $0x4;
	s29 =	simm.s32 @p0 $0x7;
	[sflag:s26] =	ssyncadd.s32 @p0 $0xFFFFC000  }
0x49: {  	[tilespmem:s1], [sflag:$0x1] =	stream.indirect.gather @p0 [hbm4b:s4+s31], $0x80, s22, s31, $0xb8;
	[tilespmem:$0x16800] =	vst v63  }
0x4a: {  	s28 =	simm.s32 @!p0 $0x80;
	_ =	swait.ge @p0 [sflag:s29], $0x4000  }
0x4b: {  	s7 =	sadd.s32 s3, s28;
	s28 =	simm.s32 @p0 $0x6800;
	[sflag:s29] =	ssyncset.done @p0 $0x0  }
0x4c: {  	s1 =	sadd.s32 @p0 $0x80, s22;
	[sflag:s29] =	ssyncadd.s32 @p0 $0xFFFFC000;
	s29 =	simm.s32 @p0 $0x8  }
0x4d: {  	[tilespmem:s28], [sflag:$0x2] =	stream.indirect.gather @p0 [hbm4b:s4+s31], $0x80, s1, s31, $0xb8;
	[tilespmem:$0x16800] =	vst v63  }
0x4e: {  	s0 =	sadd.s32 @p0 $0xFFFFFF80, s21;
	_ =	swait.ge @p0 [sflag:s29], $0x4000  }
0x4f: {  	s6 =	simm.s32 @p0 $0xA800;
	s0 =	simm.s32 @!p0 $0x100;
	[sflag:s29] =	ssyncset.done @p0 $0x0  }
0x50: {  	s1 =	sadd.s32 @p0 $0x100, s22;
	[sflag:s29] =	ssyncadd.s32 @p0 $0xFFFFC000;
	s29 =	simm.s32 @p0 $0x9  }
0x51: {  	[tilespmem:s6], [sflag:$0x3] =	stream.indirect.gather @p0 [hbm4b:s4+s31], $0x80, s1, s31, $0xb8;
	[tilespmem:$0x16800] =	vst v63  }
0x52: {  	s0 =	sadd.s32 s3, s0;
	s26 =	sshll.u32 s7, $0x4;
	_ =	swait.ge @p0 [sflag:s29], $0x4000  }
0x53: {  	s7 =	simm.s32 @p0 $0xA;
	s28 =	sshll.u32 s0, $0x4;
	[sflag:s29] =	ssyncset.done @p0 $0x0  }
0x54: {  	s0 =	sadd.s32 @p0 $0x180, s22;
	s1 =	simm.s32 @p0 $0xE800;
	[sflag:s29] =	ssyncadd.s32 @p0 $0xFFFFC000  }
0x55: {  	[tilespmem:s1], [sflag:$0x4] =	stream.indirect.gather @p0 [hbm4b:s4+s31], $0x80, s0, s31, $0xb8;
	[tilespmem:$0x16800] =	vst v63  }
0x56: {  	_ =	swait.ge @p0 [sflag:s7], $0x4000  }
0x57: {  	s6 =	simm.s32 @!p0 $0x2800;
	[sflag:s7] =	ssyncset.done @p0 $0x0  }
0x58: {  	s0 =	simm.s32 @!p0 $0x80;
	s1 =	simm.s32 @!p0 $0x0;
	[sflag:s7] =	ssyncadd.s32 @p0 $0xFFFFC000  }
0x59: {  	[tilespmem:s6], [sflag:$0x1] =	stream.indirect.gather @!p0 [hbm4b:s4+s0], $0x80, s1, s0, $0xb8;
	[tilespmem:$0x16800] =	vst v63  }
0x5a: {  	s30 =	smov.u32 s23;
	s21 =	simm.s32 @!p0 $0x180;
	s1 =	simm.s32 @!p0 $0x6800  }
0x5b: {  	[tilespmem:s1], [sflag:$0x2] =	stream.indirect.gather @!p0 [hbm4b:s4+s0], $0x80, s0, s0, $0xb8;
	[tilespmem:$0x16800] =	vst v63  }
0x5c: {  	s21 =	sadd.s32 s3, s21;
	s6 =	simm.s32 @!p0 $0xA800;
	s1 =	simm.s32 @!p0 $0x100  }
0x5d: {  	[tilespmem:s6], [sflag:$0x3] =	stream.indirect.gather @!p0 [hbm4b:s4+s0], $0x80, s1, s0, $0xb8;
	[tilespmem:$0x16800] =	vst v63  }
0x5e: {  	s24 =	sadd.s32 $0x200, s24;
	s7 =	simm.s32 @!p0 $0x180;
	s1 =	simm.s32 @!p0 $0xE800  }
0x5f: {  	[tilespmem:s1], [sflag:$0x4] =	stream.indirect.gather @!p0 [hbm4b:s4+s0], $0x80, s7, s0, $0xb8;
	[tilespmem:$0x16800] =	vst v63  }
0x60: {  	s29 =	sshll.u32 s21, $0x4;
	s21 =	smov.u32 s30;
	s30 =	rddreg [dreg:$0x2]  }
0x61: {  	[tilespmem:s9], [sflag:$0x5] =	stream.indirect.gather [hbm4b:s4+s30], $0x80, s24, s30, $0xb8;
	[tilespmem:$0x16800] =	vst v63  }
0x62: {  	_ =	swait.ge [sflag:s10], $0x4000  }
0x63: {  	[sflag:s10] =	ssyncset.done $0x0  }
0x64: {  	s6 =	sadd.s32 s5, s25;
	s30 =	rddreg [dreg:$0x3];
	[sflag:s10] =	ssyncadd.s32 $0xFFFFC000  }
0x65: {  	[hbm4b:s6+s2] =	stream.linear.scatter [tilespmem:s30], [sflag:$0x6], $0x4000, $0x38;
	[tilespmem:$0x16800] =	vst v63  }
0x66: {  	_ =	swait.ge [sflag:s11], $0x4000  }
0x67: {  	s0 =	sadd.s32 s3, s24;
	[sflag:s11] =	ssyncset.done $0x0  }
0x68: {  	s24 =	sadd.s32 s5, s26;
	s7 =	rddreg [dreg:$0x4];
	[sflag:s11] =	ssyncadd.s32 $0xFFFFC000  }
0x69: {  	[hbm4b:s24+s2] =	stream.linear.scatter [tilespmem:s7], [sflag:$0x7], $0x4000, $0x38;
	[tilespmem:$0x16800] =	vst v63  }
0x6a: {  	s23 =	sadd.s32 $0x280, s23;
	_ =	swait.ge [sflag:s12], $0x4000  }
0x6b: {  	p1 =	sne.s32 s23, $0x2980;
	[sflag:s12] =	ssyncset.done $0x0  }
0x6c: {  	s26 =	sadd.s32 s5, s28;
	s25 =	rddreg [dreg:$0x5];
	[sflag:s12] =	ssyncadd.s32 $0xFFFFC000  }
0x6d: {  	[hbm4b:s26+s2] =	stream.linear.scatter [tilespmem:s25], [sflag:$0x8], $0x4000, $0x38;
	[tilespmem:$0x16800] =	vst v63  }
.Ltmp0:
0x6e: {  	_ = 	snop;
	(pc) =	sbr.rel @p1 .LBB2_2-.Ltmp0, $4  }
0x6f: {  	s22 =	sadd.s32 $0x280, s22;
	_ =	swait.ge [sflag:s13], $0x4000  }
0x70: {  	p0 =	sne.s32 s21, $0x180;
	s31 =	sshll.u32 s0, $0x4;
	[sflag:s13] =	ssyncset.done $0x0  }
0x71: {  	s30 =	sadd.s32 s5, s29;
	s28 =	rddreg [dreg:$0x6];
	[sflag:s13] =	ssyncadd.s32 $0xFFFFC000  }
0x72: {  	[hbm4b:s30+s2] =	stream.linear.scatter [tilespmem:s28], [sflag:$0x9], $0x4000, $0x38;
	[tilespmem:$0x16800] =	vst v63  }
0x73: {  	_ =	swait.ge [sflag:s14], $0x4000  }
0x74: {  	[sflag:s14] =	ssyncset.done $0x0  }
0x75: {  	s0 =	simm.s32 @p0 $0x6;
	s1 =	sadd.s32 s5, s31;
	[sflag:s14] =	ssyncadd.s32 $0xFFFFC000  }
0x76: {  	[hbm4b:s1+s2] =	stream.linear.scatter [tilespmem:s9], [sflag:$0xA], $0x4000, $0x38;
	[tilespmem:$0x16800] =	vst v63  }
0x77: {  	_ =	swait.ge @p0 [sflag:s0], $0x4000  }
0x78: {  	s6 =	simm.s32 @p0 $0x2800;
	[sflag:s0] =	ssyncset.done @p0 $0x0  }
0x79: {  	s1 =	simm.s32 @p0 $0x80;
	[sflag:s0] =	ssyncadd.s32 @p0 $0xFFFFC000;
	s0 =	simm.s32 @p0 $0x7  }
0x7a: {  	[tilespmem:s6], [sflag:$0x1] =	stream.indirect.gather @p0 [hbm4b:s4+s1], $0x80, s22, s1, $0xb8;
	[tilespmem:$0x16800] =	vst v63  }
0x7b: {  	_ =	swait.ge @p0 [sflag:s0], $0x4000  }
0x7c: {  	[sflag:s0] =	ssyncset.done @p0 $0x0  }
0x7d: {  	s6 =	sadd.s32 @p0 $0x80, s22;
	[sflag:s0] =	ssyncadd.s32 @p0 $0xFFFFC000;
	s0 =	simm.s32 @p0 $0x6800  }
0x7e: {  	[tilespmem:s0], [sflag:$0x2] =	stream.indirect.gather @p0 [hbm4b:s4+s1], $0x80, s6, s1, $0xb8;
	[tilespmem:$0x16800] =	vst v63  }
0x7f: {  	s0 =	simm.s32 @p0 $0x8  }
0x80: {  	_ =	swait.ge @p0 [sflag:s0], $0x4000  }
0x81: {  	[sflag:s0] =	ssyncset.done @p0 $0x0  }
0x82: {  	s6 =	sadd.s32 @p0 $0x100, s22;
	[sflag:s0] =	ssyncadd.s32 @p0 $0xFFFFC000;
	s0 =	simm.s32 @p0 $0xA800  }
0x83: {  	[tilespmem:s0], [sflag:$0x3] =	stream.indirect.gather @p0 [hbm4b:s4+s1], $0x80, s6, s1, $0xb8;
	[tilespmem:$0x16800] =	vst v63  }
0x84: {  	s0 =	simm.s32 @p0 $0x9  }
0x85: {  	_ =	swait.ge @p0 [sflag:s0], $0x4000  }
0x86: {  	[sflag:s0] =	ssyncset.done @p0 $0x0  }
0x87: {  	s6 =	sadd.s32 @p0 $0x180, s22;
	[sflag:s0] =	ssyncadd.s32 @p0 $0xFFFFC000;
	s0 =	simm.s32 @p0 $0xE800  }
0x88: {  	[tilespmem:s0], [sflag:$0x4] =	stream.indirect.gather @p0 [hbm4b:s4+s1], $0x80, s6, s1, $0xb8;
	[tilespmem:$0x16800] =	vst v63  }
0x89: {  	s0 =	simm.s32 @p0 $0xA  }
0x8a: {  	_ =	swait.ge @p0 [sflag:s0], $0x4000  }
0x8b: {  	s1 =	simm.s32 @!p0 $0x80;
	[sflag:s0] =	ssyncset.done @p0 $0x0  }
0x8c: {  	s6 =	simm.s32 @!p0 $0x0;
	[sflag:s0] =	ssyncadd.s32 @p0 $0xFFFFC000;
	s0 =	simm.s32 @!p0 $0x2800  }
0x8d: {  	[tilespmem:s0], [sflag:$0x1] =	stream.indirect.gather @!p0 [hbm4b:s4+s1], $0x80, s6, s1, $0xb8;
	[tilespmem:$0x16800] =	vst v63  }
0x8e: {  	s0 =	simm.s32 @!p0 $0x6800  }
0x8f: {  	[tilespmem:s0], [sflag:$0x2] =	stream.indirect.gather @!p0 [hbm4b:s4+s1], $0x80, s1, s1, $0xb8;
	[tilespmem:$0x16800] =	vst v63  }
0x90: {  	s6 =	simm.s32 @!p0 $0xA800;
	s0 =	simm.s32 @!p0 $0x100  }
0x91: {  	[tilespmem:s6], [sflag:$0x3] =	stream.indirect.gather @!p0 [hbm4b:s4+s1], $0x80, s0, s1, $0xb8;
	[tilespmem:$0x16800] =	vst v63  }
0x92: {  	s0 =	simm.s32 @!p0 $0x180;
	s6 =	simm.s32 @!p0 $0xE800  }
0x93: {  	[tilespmem:s6], [sflag:$0x4] =	stream.indirect.gather @!p0 [hbm4b:s4+s1], $0x80, s0, s1, $0xb8;
	[tilespmem:$0x16800] =	vst v63  }
0x94: {  	s0 =	sadd.s32 @p0 $0xFFFFFE80, s21  }
0x95: {  	s0 =	simm.s32 @!p0 $0x0  }
0x96: {  	s22 =	rddreg [dreg:$0x2];
	s23 =	sadd.s32 $0x200, s0  }
0x97: {  	[tilespmem:s9], [sflag:$0x5] =	stream.indirect.gather [hbm4b:s4+s22], $0x80, s23, s22, $0xb8;
	[tilespmem:$0x16800] =	vst v63  }
0x98: {  	s0 =	sadd.s32 s3, s0;
	_ =	swait.ge [sflag:s10], $0x4000  }
0x99: {  	s0 =	sshll.u32 s0, $0x4;
	[sflag:s10] =	ssyncset.done $0x0  }
0x9a: {  	s0 =	sadd.s32 s5, s0;
	s24 =	rddreg [dreg:$0x3];
	[sflag:s10] =	ssyncadd.s32 $0xFFFFC000  }
0x9b: {  	[hbm4b:s0+s2] =	stream.linear.scatter [tilespmem:s24], [sflag:$0x6], $0x4000, $0x38;
	[tilespmem:$0x16800] =	vst v63  }
0x9c: {  	s0 =	sadd.s32 @p0 $0xFFFFFF00, s21  }
0x9d: {  	s0 =	simm.s32 @!p0 $0x80  }
0x9e: {  	_ =	swait.ge [sflag:s11], $0x4000;
	s0 =	sadd.s32 s3, s0  }
0x9f: {  	[sflag:s11] =	ssyncset.done $0x0;
	s0 =	sshll.u32 s0, $0x4  }
0xa0: {  	s25 =	rddreg [dreg:$0x4];
	[sflag:s11] =	ssyncadd.s32 $0xFFFFC000;
	s0 =	sadd.s32 s5, s0  }
0xa1: {  	[hbm4b:s0+s2] =	stream.linear.scatter [tilespmem:s25], [sflag:$0x7], $0x4000, $0x38;
	[tilespmem:$0x16800] =	vst v63  }
0xa2: {  	s0 =	sadd.s32 @p0 $0xFFFFFF80, s21  }
0xa3: {  	s0 =	simm.s32 @!p0 $0x100  }
0xa4: {  	_ =	swait.ge [sflag:s12], $0x4000;
	s0 =	sadd.s32 s3, s0  }
0xa5: {  	s21 =	simm.s32 @!p0 $0x180;
	[sflag:s12] =	ssyncset.done $0x0;
	s0 =	sshll.u32 s0, $0x4  }
0xa6: {  	s26 =	rddreg [dreg:$0x5];
	[sflag:s12] =	ssyncadd.s32 $0xFFFFC000;
	s0 =	sadd.s32 s5, s0  }
0xa7: {  	[hbm4b:s0+s2] =	stream.linear.scatter [tilespmem:s26], [sflag:$0x8], $0x4000, $0x38;
	[tilespmem:$0x16800] =	vst v63  }
0xa8: {  	s28 =	sadd.s32 s3, s21;
	_ =	swait.ge [sflag:s13], $0x4000  }
0xa9: {  	s0 =	sshll.u32 s28, $0x4;
	[sflag:s13] =	ssyncset.done $0x0  }
0xaa: {  	s0 =	sadd.s32 s5, s0;
	s29 =	rddreg [dreg:$0x6];
	[sflag:s13] =	ssyncadd.s32 $0xFFFFC000  }
0xab: {  	[hbm4b:s0+s2] =	stream.linear.scatter [tilespmem:s29], [sflag:$0x9], $0x4000, $0x38;
	[tilespmem:$0x16800] =	vst v63  }
0xac: {  	s30 =	sadd.s32 s3, s23;
	_ =	swait.ge [sflag:s14], $0x4000  }
0xad: {  	s0 =	sshll.u32 s30, $0x4;
	[sflag:s14] =	ssyncset.done $0x0  }
0xae: {  	s0 =	sadd.s32 s5, s0;
	[sflag:s14] =	ssyncadd.s32 $0xFFFFC000  }
0xaf: {  	[hbm4b:s0+s2] =	stream.linear.scatter [tilespmem:s9], [sflag:$0xA], $0x4000, $0x38;
	[tilespmem:$0x16800] =	vst v63  }
0xb0: {  	_ =	swait.ge [sflag:s15], $0x4000  }
0xb1: {  	[sflag:s15] =	ssyncset.done $0x0  }
0xb2: {  	[sflag:s15] =	ssyncadd.s32 $0xFFFFC000  }
0xb3: {  	_ =	swait.ge [sflag:s16], $0x4000  }
0xb4: {  	[sflag:s16] =	ssyncset.done $0x0  }
0xb5: {  	[sflag:s16] =	ssyncadd.s32 $0xFFFFC000  }
0xb6: {  	_ =	swait.ge [sflag:s17], $0x4000  }
0xb7: {  	[sflag:s17] =	ssyncset.done $0x0  }
0xb8: {  	[sflag:s17] =	ssyncadd.s32 $0xFFFFC000  }
0xb9: {  	_ =	swait.ge [sflag:s18], $0x4000  }
0xba: {  	[sflag:s18] =	ssyncset.done $0x0  }
0xbb: {  	[sflag:s18] =	ssyncadd.s32 $0xFFFFC000  }
0xbc: {  	_ =	swait.ge [sflag:s19], $0x4000  }
0xbd: {  	s20 =	sadd.s32 $0x1, s20;
	s31 =	rddreg [dreg:$0x8]  }
0xbe: {  	p0 =	sne.s32 s20, s31  }
.Ltmp1:
0xbf: {  	_ = 	snop;
	(pc) =	sbr.rel @p0 .LBB2_1-.Ltmp1, $3  }
0xc0: {  	_ =	sdelay $0x1  }
0xc1: {  	[sflag:s19] =	ssyncset.done $0x0  }
0xc2: {  	[sflag:s19] =	ssyncadd.s32 $0xFFFFC000  }
0xc3: {  	_ =	sfence.sel $0x180000  }
0xc4: {  	[bflag:$0x0] =	sbarrier.arrive $0xFFFF  }
0xc5: {  	_ =	strace $0x9000004D  }
0xc6: {  	s0 =	stileid.u32;
	[bflag:$0x2] =	sbarrier.arrive $0xFFFF  }
0xc7: {  	p0 =	sne.s32 s0, $0x0;
	s0 =	rddreg [dreg:$0x1]  }
0xc8: {  	s0 =	sadd.s32 @!p0 $0x100000, s0  }
0xc9: {  	[sflag:s0] =	ssyncadd.tile.s32 @!p0 $0x1;
	_ =	shalt  }
.Lfunc_end2:
_tile_overlayer_lowered:
.L_overlay_start_2:
0xca: {  	(tag) =	ssettag $0x2  }
0xcb: {  	s0 =	rddreg [dreg:$0x0];
	s2 =	stileid.u32  }
0xcc: {  	s1 =	rddreg [dreg:$0x1];
	p0 =	sne.s32 s2, $0x0  }
0xcd: {  	s3 =	rddreg [dreg:$0x2];
	[bflag:$0x3] =	sbarrier.arrive $0xFFFF;
	s2 =	simm.s32 @!p0 $0x1C0B  }
0xce: {  	[timem:s3], [sflag:s2] =	dma.local @!p0 [hbm:s0], s1  }
0xcf: {  	s0 =	simm.s32 @!p0 $0xB  }
0xd0: {  	_ =	swait.ge @!p0 [sflag:s0], s1  }
0xd1: {  	s1 =	ssub.s32 @!p0 $0x0, s1;
	[sflag:s0] =	ssyncset.done @!p0 $0x0  }
0xd2: {  	[sflag:s0] =	ssyncadd.s32 @!p0 s1  }
0xd3: {  	[bflag:$0x3] =	sbarrier.arrive $0xFFFF  }
0xd4: {  	_ =	shalt  }

// kernel: kernel.25.cloned.1.call-start
scs
__scs_entry_jumppad:
0x0: {  	(pc) =	sbr.rel $0x88, $3  }
0x1: {  	(tag) =	ssettag $0x0;
	lr =	simm.s32 $0x1  }
0x2: {  	[smem:$0x3F71] =	sst lr;
	_ =	strace $0xD0000000  }
0x3: {  	_ = 	snop  }
0x4: {  	_ = 	snop  }
0x5: {  	_ = 	snop  }
0x6: {  	_ = 	snop  }
0x7: {  	_ = 	snop  }
__scs_overlays_trampoline_lowered:
0x8: {  	[smem:$0x3F80] =	sst s0  }
0x9: {  	[smem:$0x3F81] =	sst s1  }
0xa: {  	[smem:$0x3F82] =	sst s2  }
0xb: {  	[smem:$0x3F83] =	sst s3  }
0xc: {  	[smem:$0x3F84] =	sst s4  }
0xd: {  	[smem:$0x3F85] =	sst s5  }
0xe: {  	[smem:$0x3F86] =	sst s6  }
0xf: {  	[smem:$0x3F87] =	sst s7  }
0x10: {  	[smem:$0x3F88] =	sst s8  }
0x11: {  	[smem:$0x3F89] =	sst s9;
	s0 =	simm.s32 @!p0 $0x0  }
0x12: {  	s1 =	sld [smem:$0x3F6F];
	s0 =	simm.s32 @p0 $0x1  }
0x13: {  	[smem:$0x3F8A] =	sst s0;
	s0 =	simm.s32 @!p1 $0x0  }
0x14: {  	s2 =	sld [smem:$0x3F6E];
	s0 =	simm.s32 @p1 $0x1  }
0x15: {  	[smem:$0x3F8B] =	sst s0;
	s0 =	simm.s32 @!p2 $0x0  }
0x16: {  	s3 =	sld [smem:$0x3FDB];
	s0 =	simm.s32 @p2 $0x1  }
0x17: {  	s4 =	simm.s32 $0x1BF5;
	[smem:$0x3F8D] =	sst s0  }
0x18: {  	s0 =	sld [smem:$0x3F70];
	_ =	swait.ge [sflag:s4], $0x0  }
0x19: {  	s7 =	sld [smem:$0x3F71]  }
0x1a: {  	s8 =	sadd.s32 $0xFFFFE003, lr  }
0x1b: {  	s9 =	sadd.s32 $0xFFFFFEF7, lr;
	s5 =	simm.s32 $0xFFFFFFFF;
	p2 =	slt.u32 s8, $0xFFFFF086  }
0x1c: {  	p1 =	slt.u32 s9, $0xF7A;
	s5 =	simm.s32 @!p2 $0x0  }
0x1d: {  	s5 =	simm.s32 @p1 $0x1;
	p0 =	seq.s32 s7, s2  }
0x1e: {  	s7 =	smul.u32 @!p0 $0xF7A, s2;
	p2 =	seq.s32 @!p0 s5, $0x0  }
0x1f: {  	s9 =	smul.u32 $0xF7A, s1;
	s8 =	simm.s32 @!p0 $0x1BF5;
	p2 =	por !p2, p0  }
0x20: {  	[sflag:s8] =	ssyncset.s32 @!p0 $0xFFFFF086;
	s6 =	sadd.s32 @!p0 s3, s7;
	s7 =	simm.s32 @!p0 $0x108  }
0x21: {  	s3 =	sadd.s32 s3, s9;
	s6 =	sadd.s32 @!p0 $0x88, s6;
	s7 =	simm.s32 @p2 $0x1082  }
0x22: {  	[simem:s7], [sflag:s8] =	dma.local @!p0 [hbm:s6], $0xF7A  }
0x23: {  	s9 =	sor.u32 $0xD0000000, s2;
	s6 =	simm.s32 $0x108;
	_ =	swait.ge @!p0 [sflag:s8], $0x0  }
0x24: {  	s3 =	sadd.s32 $0x88, s3;
	s6 =	simm.s32 @!p1 $0x1082;
	[sflag:s4] =	ssyncset.s32 $0xFFFFF086  }
0x25: {  	[simem:s6], [sflag:s4] =	dma.local [hbm:s3], $0xF7A  }
0x26: {  	[smem:$0x3F71] =	sst s1;
	(tag) =	ssettag s2;
	_ =	strace s9  }
0x27: {  	s1 =	sld [smem:$0x3F81]  }
0x28: {  	s2 =	sld [smem:$0x3F82]  }
0x29: {  	s4 =	sld [smem:$0x3F84]  }
0x2a: {  	p0 =	seq.s32 s5, $0x0;
	s5 =	sld [smem:$0x3F85]  }
0x2b: {  	s6 =	sld [smem:$0x3F86]  }
0x2c: {  	s7 =	sld [smem:$0x3F87]  }
0x2d: {  	s3 =	simm.s32 $0x108;
	s8 =	sld [smem:$0x3F88]  }
0x2e: {  	s3 =	simm.s32 @!p0 $0x1082;
	s9 =	sld [smem:$0x3F89]  }
0x2f: {  	lr =	sadd.s32 s0, s3;
	s0 =	sld [smem:$0x3F80]  }
0x30: {  	s3 =	sld [smem:$0x3F83]  }
0x31: {  	[smem:$0x3F8C] =	sst s10  }
0x32: {  	s10 =	sld [smem:$0x3F8A];
	_ =	sdelay $0x3  }
0x33: {  	p0 =	seq.s32 s10, $0x1;
	s10 =	sld [smem:$0x3F8C];
	_ =	sdelay $0x3  }
0x34: {  	[smem:$0x3F8C] =	sst s10  }
0x35: {  	s10 =	sld [smem:$0x3F8B];
	_ =	sdelay $0x3  }
0x36: {  	p1 =	seq.s32 s10, $0x1;
	s10 =	sld [smem:$0x3F8C];
	_ =	sdelay $0x3  }
0x37: {  	[smem:$0x3F8C] =	sst s10  }
0x38: {  	s10 =	sld [smem:$0x3F8D]  }
0x39: {  	_ = 	snop;
	(pc) =	sbr.ind lr, $3  }
0x3a: {  	_ = 	snop  }
0x3b: {  	_ = 	snop  }
0x3c: {  	p2 =	seq.s32 s10, $0x1;
	s10 =	sld [smem:$0x3F8C]  }
0x3d: {  	_ =	shalt  }
0x3e: {  	_ =	shalt  }
0x3f: {  	_ =	shalt  }
0x40: {  	_ =	shalt  }
0x41: {  	_ =	shalt  }
0x42: {  	_ =	shalt  }
0x43: {  	_ =	shalt  }
0x44: {  	_ =	shalt  }
0x45: {  	_ =	shalt  }
0x46: {  	_ =	shalt  }
0x47: {  	_ =	shalt  }
0x48: {  	_ =	shalt  }
0x49: {  	_ =	shalt  }
0x4a: {  	_ =	shalt  }
0x4b: {  	_ =	shalt  }
0x4c: {  	_ =	shalt  }
0x4d: {  	_ =	shalt  }
0x4e: {  	_ =	shalt  }
0x4f: {  	_ =	shalt  }
0x50: {  	_ =	shalt  }
0x51: {  	_ =	shalt  }
0x52: {  	_ =	shalt  }
0x53: {  	_ =	shalt  }
0x54: {  	_ =	shalt  }
0x55: {  	_ =	shalt  }
0x56: {  	_ =	shalt  }
0x57: {  	_ =	shalt  }
0x58: {  	_ =	shalt  }
0x59: {  	_ =	shalt  }
0x5a: {  	_ =	shalt  }
0x5b: {  	_ =	shalt  }
0x5c: {  	_ =	shalt  }
0x5d: {  	_ =	shalt  }
0x5e: {  	_ =	shalt  }
0x5f: {  	_ =	shalt  }
0x60: {  	_ =	shalt  }
0x61: {  	_ =	shalt  }
0x62: {  	_ =	shalt  }
0x63: {  	_ =	shalt  }
0x64: {  	_ =	shalt  }
0x65: {  	_ =	shalt  }
0x66: {  	_ =	shalt  }
0x67: {  	_ =	shalt  }
0x68: {  	_ =	shalt  }
0x69: {  	_ =	shalt  }
0x6a: {  	_ =	shalt  }
0x6b: {  	_ =	shalt  }
0x6c: {  	_ =	shalt  }
0x6d: {  	_ =	shalt  }
0x6e: {  	_ =	shalt  }
0x6f: {  	_ =	shalt  }
0x70: {  	_ =	shalt  }
0x71: {  	_ =	shalt  }
0x72: {  	_ =	shalt  }
0x73: {  	_ =	shalt  }
0x74: {  	_ =	shalt  }
0x75: {  	_ =	shalt  }
0x76: {  	_ =	shalt  }
0x77: {  	_ =	shalt  }
0x78: {  	_ =	shalt  }
0x79: {  	_ =	shalt  }
0x7a: {  	_ =	shalt  }
0x7b: {  	_ =	shalt  }
0x7c: {  	_ =	shalt  }
0x7d: {  	_ =	shalt  }
0x7e: {  	_ =	shalt  }
0x7f: {  	_ =	shalt  }
0x80: {  	_ =	shalt  }
0x81: {  	_ =	shalt  }
0x82: {  	_ =	shalt  }
0x83: {  	_ =	shalt  }
0x84: {  	_ =	shalt  }
0x85: {  	_ =	shalt  }
0x86: {  	_ =	shalt  }
0x87: {  	_ =	shalt  }
.Lfunc_end0:
.L_simem_size_0:
called_computation.3_lowered:
.L_overlay_start_0:
0x88: {  	s2 =	sld [smem:$0x3FD9]  }
0x89: {  	s3 =	sld [smem:$0x3FFE];
	_ =	sdelay $0x1  }
0x8a: {  	s1 =	srdreg.scid  }
0x8b: {  	s0 =	sand.u32 $0x1, s1  }
0x8c: {  	s16 =	sshll.u32 s0, $0xA;
	s2 =	sadd.s32 s3, s2  }
0x8d: {  	s2 =	sadd.s32 s2, s16  }
0x8e: {  	[smem:$0x3F98] =	sst s2  }
0x8f: {  	_ = 	snop  }
0x90: {  	(tm) =	ssettm $0x1  }
0x91: {  	s17 =	sld [smem:$0x3FFB];
	_ =	sdelay $0x3  }
0x92: {  	_ =	strace s17  }
0x93: {  	s2 =	sld [smem:$0x3FFC];
	_ =	sdelay $0x3  }
0x94: {  	_ =	strace s2  }
0x95: {  	s2 =	sld [smem:$0x3FFD];
	_ =	sdelay $0x3  }
0x96: {  	_ =	strace s2  }
0x97: {  	_ =	strace $0x8FFFFFFF  }
0x98: {  	s18 =	sld [smem:$0x3FDB];
	_ =	sdelay $0x1  }
0x99: {  	s19 =	simm.s32 $_scs_section_size  }
0x9a: {  	s4 =	simm.s32 $_size__tile_overlayer_lowered;
	s5 =	simm.s32 $_tile_overlayer_lowered  }
0x9b: {  	s22 =	simm.s32 $0x1BFF;
	s21 =	sshll.u32 s5, $0x1;
	s2 =	sadd.s32 s19, s18  }
0x9c: {  	s6 =	simm.s32 $0x0;
	s20 =	sshll.u32 s4, $0x1;
	s4 =	sadd.s32 s21, s2  }
0x9d: {  	[timem:s6], [sflag:s22] =	dma.local [hbm:s4], s20  }
0x9e: {  	_ =	swait.ge [sflag:s22], s20  }
0x9f: {  	s3 =	ssub.s32 $0x0, s20;
	[sflag:s22] =	ssyncset.done $0x0  }
0xa0: {  	[sflag:s22] =	ssyncadd.s32 s3;
	_ =	sdelay $0x1  }
0xa1: {  	s23 =	simm.s32 $0x1B8B  }
0xa2: {  	_ =	swait.ge [sflag:s23], $0x1  }
0xa3: {  	[sflag:s23] =	ssyncset.done $0x0  }
0xa4: {  	s25 =	simm.s32 $0x1B8E;
	s24 =	sld [smem:$0x3FFE];
	[sflag:s23] =	ssyncadd.s32 $0xFFFFFFFF  }
0xa5: {  	s26 =	simm.s32 $execute0_lowered;
	[smem:$0x3FD2] =	sst s25  }
0xa6: {  	s4 =	sshll.u32 s26, $0x1;
	_ =	strace $0x8000004F;
	[dreg:$0x1] =	wrdreg $0xFFFFFFFF  }
0xa7: {  	s28 =	simm.s32 $_size_execute0_lowered;
	s2 =	sadd.s32 s2, s4;
	[dreg:$0x0] =	wrdreg $0x0  }
0xa8: {  	s4 =	sshll.u32 s28, $0x1;
	[dreg:$0x2] =	wrdreg s2  }
0xa9: {  	[dreg:$0x3] =	wrdreg s4  }
0xaa: {  	[dreg:$0x4] =	wrdreg $0xC0  }
0xab: {  	_ =	task [dreg:s6], $0x5FFFF  }
0xac: {  	[dreg:$0x1] =	wrdreg $0xFFFFFFFF  }
0xad: {  	[dreg:$0x0] =	wrdreg $0x60  }
0xae: {  	[dreg:$0x2] =	wrdreg s24  }
0xaf: {  	[dreg:$0x3] =	wrdreg $0x9  }
0xb0: {  	_ =	task.clear_ibuf [dreg:s6], $0x4FFFF;
	_ =	strace $0x9000004F  }
0xb1: {  	s29 =	simm.s32 $0x9;
	_ =	strace $0x80000051  }
0xb2: {  	_ =	swait.ge [sflag:s29], $0x1  }
0xb3: {  	[sflag:s29] =	ssyncadd.s32 $0xFFFFFFFF  }
0xb4: {  	_ =	strace $0x90000051  }
0xb5: {  	_ =	sfence  }
0xb6: {  	s30 =	sld [smem:$0x0];
	_ =	sdelay $0x2  }
0xb7: {  	s31 =	sshll.u32 s1, $0xD;
	s1 =	sshrl.u32 s1, $0x2  }
0xb8: {  	s3 =	sand.u32 $0x4000, s31;
	s1 =	sadd.s32 s1, s30  }
0xb9: {  	s0 =	sor.u32 s3, s0;
	s1 =	sshll.u32 s1, $0x11  }
0xba: {  	s0 =	sor.u32 s1, s0  }
0xbb: {  	s0 =	sadd.s32 $0x8F2B, s0  }
0xbc: {  	[sflag:s0] =	ssyncadd.remote.s32 $0x1  }
0xbd: {  	_ =	sfence.sel $0xFFFF  }
0xbe: {  	[dreg:$0x0] =	wrdreg $0xFFFFFFFF;
	(pc) =	sbr.abs _section_cstart, $3  }
0xbf: {  	[dreg:$0x1] =	wrdreg $0xFFFFFFFF  }
0xc0: {  	_ =	task.clear_ibuf [dreg:s6], $0x2FFFF;
	_ =	strace $0x9FFFFFFF  }
0xc1: {  	(tm) =	ssettm $0x7FFFFFFF  }
tec
execute0_lowered:
.L_overlay_start_1:
0x0: {  	(tag) =	ssettag $0x1  }
0x1: {  	s1 =	srdreg.scid;
	s0 =	stileid.u32  }
0x2: {  	s5 =	rddreg [dreg:$0x0];
	s2 =	simm.s32 $0x0;
	s9 =	simm.s32 $0x80  }
0x3: {  	s11 =	simm.s32 $0x2800;
	s10 =	simm.s32 $0x1;
	s12 =	simm.s32 $0x6800  }
0x4: {  	s13 =	simm.s32 $0xA800;
	s14 =	simm.s32 $0xE800;
	s15 =	simm.s32 $0x6  }
0x5: {  	s16 =	simm.s32 $0x7;
	s17 =	simm.s32 $0x8;
	s18 =	simm.s32 $0x9  }
0x6: {  	s19 =	simm.s32 $0xA;
	s4 =	sand.u32 $0x1, s1;
	s29 =	sshll.u32 s0, $0x1  }
0x7: {  	s20 =	simm.s32 $0x0;
	[smem:$0x7FF] =	sst s2;
	s3 =	sor.u32 s4, s29  }
0x8: {  	_ =	strace $0x80000050;
	s7 =	ssub.s32 $0x2, s4;
	[dreg:$0x2] =	wrdreg s9  }
0x9: {  	s4 =	sadd.s32 $0x68200, s5;
	s9 =	simm.s32 $0x12800;
	[dreg:$0x3] =	wrdreg s11  }
0xa: {  	s11 =	simm.s32 $0x2;
	[dreg:$0x4] =	wrdreg s12;
	s3 =	smul.u32 $0x2800, s3  }
0xb: {  	s12 =	simm.s32 $0x3;
	[dreg:$0x5] =	wrdreg s13;
	s8 =	sshrl.u32 s7, $0x1  }
0xc: {  	s13 =	simm.s32 $0x4;
	s7 =	ssub.s32 s7, s8;
	s6 =	sshrl.u32 s3, $0x3  }
0xd: {  	[dreg:$0x6] =	wrdreg s14;
	s31 =	smax.u32 s7, $0x1;
	s6 =	sadd.s32 s6, s5  }
0xe: {  	s14 =	simm.s32 $0x5;
	[dreg:$0x8] =	wrdreg s31;
	s30 =	sadd.s32 $0x37000, s6  }
0xf: {  	s8 =	simm.s32 $0xB;
	s5 =	sadd.s32 $0x8F400, s5;
	[dreg:$0x7] =	wrdreg s30  }
.LBB2_1:
0x10: {  	s0 =	rddreg [dreg:$0x7]  }
0x11: {  	[tilespmem:s2], [sflag:$0xB] =	stream.linear.gather [hbm4b:s0+s2], $0x2800, $0x38;
	[tilespmem:$0x16800] =	vst v63  }
0x12: {  	_ =	swait.ge [sflag:s8], $0x2800  }
0x13: {  	p0 =	por $0x0, $0x0;
	[sflag:s8] =	ssyncset.done $0x0  }
0x14: {  	s21 =	simm.s32 @p0 $0x6;
	[sflag:s8] =	ssyncadd.s32 $0xFFFFD800  }
0x15: {  	_ =	swait.ge @p0 [sflag:s21], $0x4000  }
0x16: {  	s22 =	simm.s32 @p0 $0x80;
	[sflag:s21] =	ssyncset.done @p0 $0x0  }
0x17: {  	s23 =	simm.s32 @p0 $0x2800;
	[sflag:s21] =	ssyncadd.s32 @p0 $0xFFFFC000;
	s21 =	simm.s32 @p0 $0x7  }
0x18: {  	[tilespmem:s23], [sflag:$0x1] =	stream.indirect.gather @p0 [hbm4b:s4+s22], $0x80, s2, s22, $0xb8;
	[tilespmem:$0x16800] =	vst v63  }
0x19: {  	_ =	swait.ge @p0 [sflag:s21], $0x4000  }
0x1a: {  	s24 =	simm.s32 @p0 $0x6800;
	[sflag:s21] =	ssyncset.done @p0 $0x0  }
0x1b: {  	s23 =	simm.s32 @p0 $0x80;
	[sflag:s21] =	ssyncadd.s32 @p0 $0xFFFFC000;
	s21 =	simm.s32 @p0 $0x8  }
0x1c: {  	[tilespmem:s24], [sflag:$0x2] =	stream.indirect.gather @p0 [hbm4b:s4+s22], $0x80, s23, s22, $0xb8;
	[tilespmem:$0x16800] =	vst v63  }
0x1d: {  	_ =	swait.ge @p0 [sflag:s21], $0x4000  }
0x1e: {  	s23 =	simm.s32 @p0 $0x100;
	[sflag:s21] =	ssyncset.done @p0 $0x0  }
0x1f: {  	s24 =	simm.s32 @p0 $0xA800;
	[sflag:s21] =	ssyncadd.s32 @p0 $0xFFFFC000;
	s21 =	simm.s32 @p0 $0x9  }
0x20: {  	[tilespmem:s24], [sflag:$0x3] =	stream.indirect.gather @p0 [hbm4b:s4+s22], $0x80, s23, s22, $0xb8;
	[tilespmem:$0x16800] =	vst v63  }
0x21: {  	_ =	swait.ge @p0 [sflag:s21], $0x4000  }
0x22: {  	s23 =	simm.s32 @p0 $0x180;
	[sflag:s21] =	ssyncset.done @p0 $0x0  }
0x23: {  	s24 =	simm.s32 @p0 $0xE800;
	[sflag:s21] =	ssyncadd.s32 @p0 $0xFFFFC000;
	s21 =	simm.s32 @p0 $0xA  }
0x24: {  	[tilespmem:s24], [sflag:$0x4] =	stream.indirect.gather @p0 [hbm4b:s4+s22], $0x80, s23, s22, $0xb8;
	[tilespmem:$0x16800] =	vst v63  }
0x25: {  	_ =	swait.ge @p0 [sflag:s21], $0x4000  }
0x26: {  	s22 =	simm.s32 @!p0 $0x80;
	[sflag:s21] =	ssyncset.done @p0 $0x0  }
0x27: {  	s23 =	simm.s32 @!p0 $0x0;
	[sflag:s21] =	ssyncadd.s32 @p0 $0xFFFFC000;
	s21 =	simm.s32 @!p0 $0x2800  }
0x28: {  	[tilespmem:s21], [sflag:$0x1] =	stream.indirect.gather @!p0 [hbm4b:s4+s22], $0x80, s23, s22, $0xb8;
	[tilespmem:$0x16800] =	vst v63  }
0x29: {  	s23 =	simm.s32 @!p0 $0x6800  }
0x2a: {  	[tilespmem:s23], [sflag:$0x2] =	stream.indirect.gather @!p0 [hbm4b:s4+s22], $0x80, s22, s22, $0xb8;
	[tilespmem:$0x16800] =	vst v63  }
0x2b: {  	s24 =	simm.s32 @!p0 $0xA800;
	s21 =	simm.s32 @p0 $0x0;
	s23 =	simm.s32 @!p0 $0x100  }
0x2c: {  	[tilespmem:s24], [sflag:$0x3] =	stream.indirect.gather @!p0 [hbm4b:s4+s22], $0x80, s23, s22, $0xb8;
	[tilespmem:$0x16800] =	vst v63  }
0x2d: {  	s21 =	simm.s32 @!p0 $0x0;
	s23 =	simm.s32 @!p0 $0x180;
	s24 =	simm.s32 @!p0 $0xE800  }
0x2e: {  	[tilespmem:s24], [sflag:$0x4] =	stream.indirect.gather @!p0 [hbm4b:s4+s22], $0x80, s23, s22, $0xb8;
	[tilespmem:$0x16800] =	vst v63  }
0x2f: {  	s25 =	rddreg [dreg:$0x2];
	s6 =	sadd.s32 $0x200, s21;
	s21 =	sadd.s32 s3, s21  }
0x30: {  	[tilespmem:s9], [sflag:$0x5] =	stream.indirect.gather [hbm4b:s4+s25], $0x80, s6, s25, $0xb8;
	[tilespmem:$0x16800] =	vst v63  }
0x31: {  	s21 =	sshll.u32 s21, $0x4;
	s24 =	simm.s32 @p0 $0x80;
	_ =	swait.ge [sflag:s10], $0x4000  }
0x32: {  	s21 =	sadd.s32 s5, s21;
	s24 =	simm.s32 @!p0 $0x80;
	[sflag:s10] =	ssyncset.done $0x0  }
0x33: {  	s24 =	sadd.s32 s3, s24;
	s7 =	rddreg [dreg:$0x3];
	[sflag:s10] =	ssyncadd.s32 $0xFFFFC000  }
0x34: {  	[hbm4b:s21+s2] =	stream.linear.scatter [tilespmem:s7], [sflag:$0x6], $0x4000, $0x38;
	[tilespmem:$0x16800] =	vst v63  }
0x35: {  	s23 =	simm.s32 $0x680;
	s21 =	sshll.u32 s24, $0x4;
	_ =	swait.ge [sflag:s11], $0x4000  }
0x36: {  	s24 =	simm.s32 @p0 $0x100;
	s21 =	sadd.s32 s5, s21;
	[sflag:s11] =	ssyncset.done $0x0  }
0x37: {  	s24 =	simm.s32 @!p0 $0x100;
	s25 =	rddreg [dreg:$0x4];
	[sflag:s11] =	ssyncadd.s32 $0xFFFFC000  }
0x38: {  	[hbm4b:s21+s2] =	stream.linear.scatter [tilespmem:s25], [sflag:$0x7], $0x4000, $0x38;
	[tilespmem:$0x16800] =	vst v63  }
0x39: {  	s26 =	sadd.s32 s3, s24;
	s24 =	simm.s32 $0x180;
	_ =	swait.ge [sflag:s12], $0x4000  }
0x3a: {  	s24 =	simm.s32 @!p0 $0x180;
	s21 =	sshll.u32 s26, $0x4;
	[sflag:s12] =	ssyncset.done $0x0  }
0x3b: {  	s21 =	sadd.s32 s5, s21;
	s28 =	rddreg [dreg:$0x5];
	[sflag:s12] =	ssyncadd.s32 $0xFFFFC000  }
0x3c: {  	[hbm4b:s21+s2] =	stream.linear.scatter [tilespmem:s28], [sflag:$0x8], $0x4000, $0x38;
	[tilespmem:$0x16800] =	vst v63  }
0x3d: {  	s22 =	sadd.s32 s3, s6;
	s29 =	sadd.s32 s3, s24;
	_ =	swait.ge [sflag:s13], $0x4000  }
0x3e: {  	s31 =	sshll.u32 s22, $0x4;
	s21 =	sshll.u32 s29, $0x4;
	[sflag:s13] =	ssyncset.done $0x0  }
0x3f: {  	s21 =	sadd.s32 s5, s21;
	s30 =	rddreg [dreg:$0x6];
	[sflag:s13] =	ssyncadd.s32 $0xFFFFC000  }
0x40: {  	[hbm4b:s21+s2] =	stream.linear.scatter [tilespmem:s30], [sflag:$0x9], $0x4000, $0x38;
	[tilespmem:$0x16800] =	vst v63  }
0x41: {  	s22 =	simm.s32 $0x280;
	p0 =	por $0x1, $0x1;
	s21 =	simm.s32 $0x400  }
.LBB2_2:
0x42: {  	_ =	swait.ge [sflag:s14], $0x4000  }
0x43: {  	s26 =	simm.s32 @p0 $0x6;
	s24 =	sadd.s32 @p0 $0xFFFFFE80, s21;
	[sflag:s14] =	ssyncset.done $0x0  }
0x44: {  	s25 =	sadd.s32 s5, s31;
	s28 =	sadd.s32 @p0 $0xFFFFFF00, s21;
	[sflag:s14] =	ssyncadd.s32 $0xFFFFC000  }
0x45: {  	[hbm4b:s25+s2] =	stream.linear.scatter [tilespmem:s9], [sflag:$0xA], $0x4000, $0x38;
	[tilespmem:$0x16800] =	vst v63  }
0x46: {  	s31 =	simm.s32 @p0 $0x80;
	s24 =	simm.s32 @!p0 $0x0;
	_ =	swait.ge @p0 [sflag:s26], $0x4000  }
0x47: {  	s1 =	simm.s32 @p0 $0x2800;
	s29 =	sadd.s32 s3, s24;
	[sflag:s26] =	ssyncset.done @p0 $0x0  }
0x48: {  	s25 =	sshll.u32 s29, $0x4;
	s29 =	simm.s32 @p0 $0x7;
	[sflag:s26] =	ssyncadd.s32 @p0 $0xFFFFC000  }
0x49: {  	[tilespmem:s1], [sflag:$0x1] =	stream.indirect.gather @p0 [hbm4b:s4+s31], $0x80, s22, s31, $0xb8;
	[tilespmem:$0x16800] =	vst v63  }
0x4a: {  	s28 =	simm.s32 @!p0 $0x80;
	_ =	swait.ge @p0 [sflag:s29], $0x4000  }
0x4b: {  	s7 =	sadd.s32 s3, s28;
	s28 =	simm.s32 @p0 $0x6800;
	[sflag:s29] =	ssyncset.done @p0 $0x0  }
0x4c: {  	s1 =	sadd.s32 @p0 $0x80, s22;
	[sflag:s29] =	ssyncadd.s32 @p0 $0xFFFFC000;
	s29 =	simm.s32 @p0 $0x8  }
0x4d: {  	[tilespmem:s28], [sflag:$0x2] =	stream.indirect.gather @p0 [hbm4b:s4+s31], $0x80, s1, s31, $0xb8;
	[tilespmem:$0x16800] =	vst v63  }
0x4e: {  	s0 =	sadd.s32 @p0 $0xFFFFFF80, s21;
	_ =	swait.ge @p0 [sflag:s29], $0x4000  }
0x4f: {  	s6 =	simm.s32 @p0 $0xA800;
	s0 =	simm.s32 @!p0 $0x100;
	[sflag:s29] =	ssyncset.done @p0 $0x0  }
0x50: {  	s1 =	sadd.s32 @p0 $0x100, s22;
	[sflag:s29] =	ssyncadd.s32 @p0 $0xFFFFC000;
	s29 =	simm.s32 @p0 $0x9  }
0x51: {  	[tilespmem:s6], [sflag:$0x3] =	stream.indirect.gather @p0 [hbm4b:s4+s31], $0x80, s1, s31, $0xb8;
	[tilespmem:$0x16800] =	vst v63  }
0x52: {  	s0 =	sadd.s32 s3, s0;
	s26 =	sshll.u32 s7, $0x4;
	_ =	swait.ge @p0 [sflag:s29], $0x4000  }
0x53: {  	s7 =	simm.s32 @p0 $0xA;
	s28 =	sshll.u32 s0, $0x4;
	[sflag:s29] =	ssyncset.done @p0 $0x0  }
0x54: {  	s0 =	sadd.s32 @p0 $0x180, s22;
	s1 =	simm.s32 @p0 $0xE800;
	[sflag:s29] =	ssyncadd.s32 @p0 $0xFFFFC000  }
0x55: {  	[tilespmem:s1], [sflag:$0x4] =	stream.indirect.gather @p0 [hbm4b:s4+s31], $0x80, s0, s31, $0xb8;
	[tilespmem:$0x16800] =	vst v63  }
0x56: {  	_ =	swait.ge @p0 [sflag:s7], $0x4000  }
0x57: {  	s6 =	simm.s32 @!p0 $0x2800;
	[sflag:s7] =	ssyncset.done @p0 $0x0  }
0x58: {  	s0 =	simm.s32 @!p0 $0x80;
	s1 =	simm.s32 @!p0 $0x0;
	[sflag:s7] =	ssyncadd.s32 @p0 $0xFFFFC000  }
0x59: {  	[tilespmem:s6], [sflag:$0x1] =	stream.indirect.gather @!p0 [hbm4b:s4+s0], $0x80, s1, s0, $0xb8;
	[tilespmem:$0x16800] =	vst v63  }
0x5a: {  	s30 =	smov.u32 s23;
	s21 =	simm.s32 @!p0 $0x180;
	s1 =	simm.s32 @!p0 $0x6800  }
0x5b: {  	[tilespmem:s1], [sflag:$0x2] =	stream.indirect.gather @!p0 [hbm4b:s4+s0], $0x80, s0, s0, $0xb8;
	[tilespmem:$0x16800] =	vst v63  }
0x5c: {  	s21 =	sadd.s32 s3, s21;
	s6 =	simm.s32 @!p0 $0xA800;
	s1 =	simm.s32 @!p0 $0x100  }
0x5d: {  	[tilespmem:s6], [sflag:$0x3] =	stream.indirect.gather @!p0 [hbm4b:s4+s0], $0x80, s1, s0, $0xb8;
	[tilespmem:$0x16800] =	vst v63  }
0x5e: {  	s24 =	sadd.s32 $0x200, s24;
	s7 =	simm.s32 @!p0 $0x180;
	s1 =	simm.s32 @!p0 $0xE800  }
0x5f: {  	[tilespmem:s1], [sflag:$0x4] =	stream.indirect.gather @!p0 [hbm4b:s4+s0], $0x80, s7, s0, $0xb8;
	[tilespmem:$0x16800] =	vst v63  }
0x60: {  	s29 =	sshll.u32 s21, $0x4;
	s21 =	smov.u32 s30;
	s30 =	rddreg [dreg:$0x2]  }
0x61: {  	[tilespmem:s9], [sflag:$0x5] =	stream.indirect.gather [hbm4b:s4+s30], $0x80, s24, s30, $0xb8;
	[tilespmem:$0x16800] =	vst v63  }
0x62: {  	_ =	swait.ge [sflag:s10], $0x4000  }
0x63: {  	[sflag:s10] =	ssyncset.done $0x0  }
0x64: {  	s6 =	sadd.s32 s5, s25;
	s30 =	rddreg [dreg:$0x3];
	[sflag:s10] =	ssyncadd.s32 $0xFFFFC000  }
0x65: {  	[hbm4b:s6+s2] =	stream.linear.scatter [tilespmem:s30], [sflag:$0x6], $0x4000, $0x38;
	[tilespmem:$0x16800] =	vst v63  }
0x66: {  	_ =	swait.ge [sflag:s11], $0x4000  }
0x67: {  	s0 =	sadd.s32 s3, s24;
	[sflag:s11] =	ssyncset.done $0x0  }
0x68: {  	s24 =	sadd.s32 s5, s26;
	s7 =	rddreg [dreg:$0x4];
	[sflag:s11] =	ssyncadd.s32 $0xFFFFC000  }
0x69: {  	[hbm4b:s24+s2] =	stream.linear.scatter [tilespmem:s7], [sflag:$0x7], $0x4000, $0x38;
	[tilespmem:$0x16800] =	vst v63  }
0x6a: {  	s23 =	sadd.s32 $0x280, s23;
	_ =	swait.ge [sflag:s12], $0x4000  }
0x6b: {  	p1 =	sne.s32 s23, $0x2980;
	[sflag:s12] =	ssyncset.done $0x0  }
0x6c: {  	s26 =	sadd.s32 s5, s28;
	s25 =	rddreg [dreg:$0x5];
	[sflag:s12] =	ssyncadd.s32 $0xFFFFC000  }
0x6d: {  	[hbm4b:s26+s2] =	stream.linear.scatter [tilespmem:s25], [sflag:$0x8], $0x4000, $0x38;
	[tilespmem:$0x16800] =	vst v63  }
.Ltmp0:
0x6e: {  	_ = 	snop;
	(pc) =	sbr.rel @p1 .LBB2_2-.Ltmp0, $4  }
0x6f: {  	s22 =	sadd.s32 $0x280, s22;
	_ =	swait.ge [sflag:s13], $0x4000  }
0x70: {  	p0 =	sne.s32 s21, $0x180;
	s31 =	sshll.u32 s0, $0x4;
	[sflag:s13] =	ssyncset.done $0x0  }
0x71: {  	s30 =	sadd.s32 s5, s29;
	s28 =	rddreg [dreg:$0x6];
	[sflag:s13] =	ssyncadd.s32 $0xFFFFC000  }
0x72: {  	[hbm4b:s30+s2] =	stream.linear.scatter [tilespmem:s28], [sflag:$0x9], $0x4000, $0x38;
	[tilespmem:$0x16800] =	vst v63  }
0x73: {  	_ =	swait.ge [sflag:s14], $0x4000  }
0x74: {  	[sflag:s14] =	ssyncset.done $0x0  }
0x75: {  	s0 =	simm.s32 @p0 $0x6;
	s1 =	sadd.s32 s5, s31;
	[sflag:s14] =	ssyncadd.s32 $0xFFFFC000  }
0x76: {  	[hbm4b:s1+s2] =	stream.linear.scatter [tilespmem:s9], [sflag:$0xA], $0x4000, $0x38;
	[tilespmem:$0x16800] =	vst v63  }
0x77: {  	_ =	swait.ge @p0 [sflag:s0], $0x4000  }
0x78: {  	s6 =	simm.s32 @p0 $0x2800;
	[sflag:s0] =	ssyncset.done @p0 $0x0  }
0x79: {  	s1 =	simm.s32 @p0 $0x80;
	[sflag:s0] =	ssyncadd.s32 @p0 $0xFFFFC000;
	s0 =	simm.s32 @p0 $0x7  }
0x7a: {  	[tilespmem:s6], [sflag:$0x1] =	stream.indirect.gather @p0 [hbm4b:s4+s1], $0x80, s22, s1, $0xb8;
	[tilespmem:$0x16800] =	vst v63  }
0x7b: {  	_ =	swait.ge @p0 [sflag:s0], $0x4000  }
0x7c: {  	[sflag:s0] =	ssyncset.done @p0 $0x0  }
0x7d: {  	s6 =	sadd.s32 @p0 $0x80, s22;
	[sflag:s0] =	ssyncadd.s32 @p0 $0xFFFFC000;
	s0 =	simm.s32 @p0 $0x6800  }
0x7e: {  	[tilespmem:s0], [sflag:$0x2] =	stream.indirect.gather @p0 [hbm4b:s4+s1], $0x80, s6, s1, $0xb8;
	[tilespmem:$0x16800] =	vst v63  }
0x7f: {  	s0 =	simm.s32 @p0 $0x8  }
0x80: {  	_ =	swait.ge @p0 [sflag:s0], $0x4000  }
0x81: {  	[sflag:s0] =	ssyncset.done @p0 $0x0  }
0x82: {  	s6 =	sadd.s32 @p0 $0x100, s22;
	[sflag:s0] =	ssyncadd.s32 @p0 $0xFFFFC000;
	s0 =	simm.s32 @p0 $0xA800  }
0x83: {  	[tilespmem:s0], [sflag:$0x3] =	stream.indirect.gather @p0 [hbm4b:s4+s1], $0x80, s6, s1, $0xb8;
	[tilespmem:$0x16800] =	vst v63  }
0x84: {  	s0 =	simm.s32 @p0 $0x9  }
0x85: {  	_ =	swait.ge @p0 [sflag:s0], $0x4000  }
0x86: {  	[sflag:s0] =	ssyncset.done @p0 $0x0  }
0x87: {  	s6 =	sadd.s32 @p0 $0x180, s22;
	[sflag:s0] =	ssyncadd.s32 @p0 $0xFFFFC000;
	s0 =	simm.s32 @p0 $0xE800  }
0x88: {  	[tilespmem:s0], [sflag:$0x4] =	stream.indirect.gather @p0 [hbm4b:s4+s1], $0x80, s6, s1, $0xb8;
	[tilespmem:$0x16800] =	vst v63  }
0x89: {  	s0 =	simm.s32 @p0 $0xA  }
0x8a: {  	_ =	swait.ge @p0 [sflag:s0], $0x4000  }
0x8b: {  	s1 =	simm.s32 @!p0 $0x80;
	[sflag:s0] =	ssyncset.done @p0 $0x0  }
0x8c: {  	s6 =	simm.s32 @!p0 $0x0;
	[sflag:s0] =	ssyncadd.s32 @p0 $0xFFFFC000;
	s0 =	simm.s32 @!p0 $0x2800  }
0x8d: {  	[tilespmem:s0], [sflag:$0x1] =	stream.indirect.gather @!p0 [hbm4b:s4+s1], $0x80, s6, s1, $0xb8;
	[tilespmem:$0x16800] =	vst v63  }
0x8e: {  	s0 =	simm.s32 @!p0 $0x6800  }
0x8f: {  	[tilespmem:s0], [sflag:$0x2] =	stream.indirect.gather @!p0 [hbm4b:s4+s1], $0x80, s1, s1, $0xb8;
	[tilespmem:$0x16800] =	vst v63  }
0x90: {  	s6 =	simm.s32 @!p0 $0xA800;
	s0 =	simm.s32 @!p0 $0x100  }
0x91: {  	[tilespmem:s6], [sflag:$0x3] =	stream.indirect.gather @!p0 [hbm4b:s4+s1], $0x80, s0, s1, $0xb8;
	[tilespmem:$0x16800] =	vst v63  }
0x92: {  	s0 =	simm.s32 @!p0 $0x180;
	s6 =	simm.s32 @!p0 $0xE800  }
0x93: {  	[tilespmem:s6], [sflag:$0x4] =	stream.indirect.gather @!p0 [hbm4b:s4+s1], $0x80, s0, s1, $0xb8;
	[tilespmem:$0x16800] =	vst v63  }
0x94: {  	s0 =	sadd.s32 @p0 $0xFFFFFE80, s21  }
0x95: {  	s0 =	simm.s32 @!p0 $0x0  }
0x96: {  	s22 =	rddreg [dreg:$0x2];
	s23 =	sadd.s32 $0x200, s0  }
0x97: {  	[tilespmem:s9], [sflag:$0x5] =	stream.indirect.gather [hbm4b:s4+s22], $0x80, s23, s22, $0xb8;
	[tilespmem:$0x16800] =	vst v63  }
0x98: {  	s0 =	sadd.s32 s3, s0;
	_ =	swait.ge [sflag:s10], $0x4000  }
0x99: {  	s0 =	sshll.u32 s0, $0x4;
	[sflag:s10] =	ssyncset.done $0x0  }
0x9a: {  	s0 =	sadd.s32 s5, s0;
	s24 =	rddreg [dreg:$0x3];
	[sflag:s10] =	ssyncadd.s32 $0xFFFFC000  }
0x9b: {  	[hbm4b:s0+s2] =	stream.linear.scatter [tilespmem:s24], [sflag:$0x6], $0x4000, $0x38;
	[tilespmem:$0x16800] =	vst v63  }
0x9c: {  	s0 =	sadd.s32 @p0 $0xFFFFFF00, s21  }
0x9d: {  	s0 =	simm.s32 @!p0 $0x80  }
0x9e: {  	_ =	swait.ge [sflag:s11], $0x4000;
	s0 =	sadd.s32 s3, s0  }
0x9f: {  	[sflag:s11] =	ssyncset.done $0x0;
	s0 =	sshll.u32 s0, $0x4  }
0xa0: {  	s25 =	rddreg [dreg:$0x4];
	[sflag:s11] =	ssyncadd.s32 $0xFFFFC000;
	s0 =	sadd.s32 s5, s0  }
0xa1: {  	[hbm4b:s0+s2] =	stream.linear.scatter [tilespmem:s25], [sflag:$0x7], $0x4000, $0x38;
	[tilespmem:$0x16800] =	vst v63  }
0xa2: {  	s0 =	sadd.s32 @p0 $0xFFFFFF80, s21  }
0xa3: {  	s0 =	simm.s32 @!p0 $0x100  }
0xa4: {  	_ =	swait.ge [sflag:s12], $0x4000;
	s0 =	sadd.s32 s3, s0  }
0xa5: {  	s21 =	simm.s32 @!p0 $0x180;
	[sflag:s12] =	ssyncset.done $0x0;
	s0 =	sshll.u32 s0, $0x4  }
0xa6: {  	s26 =	rddreg [dreg:$0x5];
	[sflag:s12] =	ssyncadd.s32 $0xFFFFC000;
	s0 =	sadd.s32 s5, s0  }
0xa7: {  	[hbm4b:s0+s2] =	stream.linear.scatter [tilespmem:s26], [sflag:$0x8], $0x4000, $0x38;
	[tilespmem:$0x16800] =	vst v63  }
0xa8: {  	s28 =	sadd.s32 s3, s21;
	_ =	swait.ge [sflag:s13], $0x4000  }
0xa9: {  	s0 =	sshll.u32 s28, $0x4;
	[sflag:s13] =	ssyncset.done $0x0  }
0xaa: {  	s0 =	sadd.s32 s5, s0;
	s29 =	rddreg [dreg:$0x6];
	[sflag:s13] =	ssyncadd.s32 $0xFFFFC000  }
0xab: {  	[hbm4b:s0+s2] =	stream.linear.scatter [tilespmem:s29], [sflag:$0x9], $0x4000, $0x38;
	[tilespmem:$0x16800] =	vst v63  }
0xac: {  	s30 =	sadd.s32 s3, s23;
	_ =	swait.ge [sflag:s14], $0x4000  }
0xad: {  	s0 =	sshll.u32 s30, $0x4;
	[sflag:s14] =	ssyncset.done $0x0  }
0xae: {  	s0 =	sadd.s32 s5, s0;
	[sflag:s14] =	ssyncadd.s32 $0xFFFFC000  }
0xaf: {  	[hbm4b:s0+s2] =	stream.linear.scatter [tilespmem:s9], [sflag:$0xA], $0x4000, $0x38;
	[tilespmem:$0x16800] =	vst v63  }
0xb0: {  	_ =	swait.ge [sflag:s15], $0x4000  }
0xb1: {  	[sflag:s15] =	ssyncset.done $0x0  }
0xb2: {  	[sflag:s15] =	ssyncadd.s32 $0xFFFFC000  }
0xb3: {  	_ =	swait.ge [sflag:s16], $0x4000  }
0xb4: {  	[sflag:s16] =	ssyncset.done $0x0  }
0xb5: {  	[sflag:s16] =	ssyncadd.s32 $0xFFFFC000  }
0xb6: {  	_ =	swait.ge [sflag:s17], $0x4000  }
0xb7: {  	[sflag:s17] =	ssyncset.done $0x0  }
0xb8: {  	[sflag:s17] =	ssyncadd.s32 $0xFFFFC000  }
0xb9: {  	_ =	swait.ge [sflag:s18], $0x4000  }
0xba: {  	[sflag:s18] =	ssyncset.done $0x0  }
0xbb: {  	[sflag:s18] =	ssyncadd.s32 $0xFFFFC000  }
0xbc: {  	_ =	swait.ge [sflag:s19], $0x4000  }
0xbd: {  	s20 =	sadd.s32 $0x1, s20;
	s31 =	rddreg [dreg:$0x8]  }
0xbe: {  	p0 =	sne.s32 s20, s31  }
.Ltmp1:
0xbf: {  	_ = 	snop;
	(pc) =	sbr.rel @p0 .LBB2_1-.Ltmp1, $3  }
0xc0: {  	_ =	sdelay $0x1  }
0xc1: {  	[sflag:s19] =	ssyncset.done $0x0  }
0xc2: {  	[sflag:s19] =	ssyncadd.s32 $0xFFFFC000  }
0xc3: {  	_ =	sfence.sel $0x180000  }
0xc4: {  	[bflag:$0x0] =	sbarrier.arrive $0xFFFF  }
0xc5: {  	_ =	strace $0x90000050  }
0xc6: {  	s0 =	stileid.u32;
	[bflag:$0x2] =	sbarrier.arrive $0xFFFF  }
0xc7: {  	p0 =	sne.s32 s0, $0x0;
	s0 =	rddreg [dreg:$0x1]  }
0xc8: {  	s0 =	sadd.s32 @!p0 $0x100000, s0  }
0xc9: {  	[sflag:s0] =	ssyncadd.tile.s32 @!p0 $0x1;
	_ =	shalt  }
.Lfunc_end2:
_tile_overlayer_lowered:
.L_overlay_start_2:
0xca: {  	(tag) =	ssettag $0x2  }
0xcb: {  	s0 =	rddreg [dreg:$0x0];
	s2 =	stileid.u32  }
0xcc: {  	s1 =	rddreg [dreg:$0x1];
	p0 =	sne.s32 s2, $0x0  }
0xcd: {  	s3 =	rddreg [dreg:$0x2];
	[bflag:$0x3] =	sbarrier.arrive $0xFFFF;
	s2 =	simm.s32 @!p0 $0x1C0B  }
0xce: {  	[timem:s3], [sflag:s2] =	dma.local @!p0 [hbm:s0], s1  }
0xcf: {  	s0 =	simm.s32 @!p0 $0xB  }
0xd0: {  	_ =	swait.ge @!p0 [sflag:s0], s1  }
0xd1: {  	s1 =	ssub.s32 @!p0 $0x0, s1;
	[sflag:s0] =	ssyncset.done @!p0 $0x0  }
0xd2: {  	[sflag:s0] =	ssyncadd.s32 @!p0 s1  }
0xd3: {  	[bflag:$0x3] =	sbarrier.arrive $0xFFFF  }
0xd4: {  	_ =	shalt  }

</sc_bundles>
